<compile_context>
chip_gen: v7x
topology: tpu7x:2x2x1
jax: 0.10.2.dev20260603
libtpu: 0.0.44.dev20260713+nightly
codegen_flags: <defaults>
</compile_context>

<pallas_src>
import functools

import jax
import jax.numpy as jnp
from jax import lax
from jax.experimental import pallas as pl
from jax.experimental.pallas import tpu as pltpu
from jax.experimental.pallas import tpu_sc as plsc

N = 10000
D = 128
OUT = 64
E = 160000

NC = 2
NS = 16
NW = NC * NS
EPW = E // NW
C = 125
K = EPW // C
NP = 10240
R = NP // NS
HR = NP // D
GC = 5120 // 16

_f32 = jnp.float32


def _load_and_prime(xsrc, s_h, d_h, sid, sidx, didx, rows_a, gsem):
    pltpu.sync_copy(s_h.at[sid], sidx)
    pltpu.sync_copy(d_h.at[sid], didx)
    pltpu.async_copy(xsrc.at[sidx.at[0]], rows_a, gsem)


def _chunk_loop(xsrc, sidx, didx, rows_a, rows_b, acc, gsem):
    def pair(j2, carry):
        for b, (cur, oth) in ((0, (rows_a, rows_b)),
                              (1, (rows_b, rows_a))):
            jj = 2 * j2 + b
            pltpu.make_async_copy(xsrc.at[sidx.at[jj]], cur, gsem).wait()

            @pl.when(jj + 1 < K)
            def _():
                pltpu.async_copy(xsrc.at[sidx.at[jj + 1]], oth, gsem)

            pltpu.sync_copy(cur, acc.at[didx.at[jj]], add=True)
        return carry

    lax.fori_loop(0, K // 2, pair, 0)


def _seg_body(dedicated_only, *refs):
    i = 0
    x0 = refs[i]; x3 = refs[i + 1]; i += 2
    s03, d03, s33, d33 = refs[i:i + 4]; i += 4
    if not dedicated_only:
        s30, d30 = refs[i:i + 2]; i += 2
    z128 = refs[i]; i += 1
    P03 = refs[i]; P33 = refs[i + 1]; i += 2
    if not dedicated_only:
        P30a, P30b = refs[i:i + 2]; i += 2
    sidx, didx, rows_a, rows_b, acc, gsem, zsem = refs[i:i + 7]; i += 7

    core = lax.axis_index("c")
    sub = lax.axis_index("s")
    wid = core * NS + sub
    stripe = pl.ds(sub * R, R)

    def start_pass(xsrc, s_h, d_h, sid):
        pltpu.async_copy(z128, acc.at[stripe], zsem)
        _load_and_prime(xsrc, s_h, d_h, sid, sidx, didx, rows_a, gsem)
        pltpu.make_async_copy(z128, acc.at[stripe], zsem).wait()
        plsc.subcore_barrier()

    def dedicated(xsrc, s_h, d_h, out):
        start_pass(xsrc, s_h, d_h, sub)
        _chunk_loop(xsrc, sidx, didx, rows_a, rows_b, acc, gsem)
        _load_and_prime(xsrc, s_h, d_h, sub + NS, sidx, didx, rows_a, gsem)
        _chunk_loop(xsrc, sidx, didx, rows_a, rows_b, acc, gsem)
        plsc.subcore_barrier()
        pltpu.sync_copy(acc.at[stripe], out.at[stripe])

    @pl.when(core == 0)
    def _():
        dedicated(x0, s03, d03, P03)

    @pl.when(core == 1)
    def _():
        dedicated(x3, s33, d33, P33)

    if dedicated_only:
        return

    start_pass(x3, s30, d30, wid)
    _chunk_loop(x3, sidx, didx, rows_a, rows_b, acc, gsem)
    plsc.subcore_barrier()

    @pl.when(core == 0)
    def _():
        pltpu.sync_copy(acc.at[stripe], P30a.at[stripe])

    @pl.when(core == 1)
    def _():
        pltpu.sync_copy(acc.at[stripe], P30b.at[stripe])


def _make_seg_kernel(dedicated_only):
    n_out = 2 if dedicated_only else 4
    out_type = [jax.ShapeDtypeStruct((NP, D), _f32) for _ in range(n_out)]
    scratch = [
        pltpu.VMEM((K, C), jnp.int32),
        pltpu.VMEM((K, C), jnp.int32),
        pltpu.VMEM((C, D), _f32),
        pltpu.VMEM((C, D), _f32),
        pltpu.VMEM_SHARED((NP, D), _f32),
        pltpu.SemaphoreType.DMA,
        pltpu.SemaphoreType.DMA,
    ]
    return pl.kernel(
        functools.partial(_seg_body, dedicated_only),
        out_type=out_type,
        mesh=plsc.VectorSubcoreMesh(core_axis_name="c", subcore_axis_name="s"),
        scratch_types=scratch,
    )


def _cnt_body(d03, d33, d30, z128, C03, C33, C30,
              didx2, hist, idv, acc80, sem):
    core = lax.axis_index("c")
    sub = lax.axis_index("s")
    wid = core * NS + sub
    del sem
    base_iota = lax.iota(jnp.int32, 16)
    for c in range(HR // 16):
        idv[pl.ds(c * 16, 16)] = base_iota + 16 * c

    for dst_h, C_out in ((d03, C03), (d33, C33), (d30, C30)):
        pltpu.sync_copy(dst_h.at[wid], didx2)
        pltpu.sync_copy(z128.at[pl.ds(0, HR)], hist)

        @pl.when(sub == 0)
        def _():
            pltpu.sync_copy(z128.at[pl.ds(0, HR)], acc80)

        plsc.subcore_barrier()

        ones = jnp.ones((16,), _f32)

        def group(g, carry):
            for b in range(8):
                v = didx2[g, pl.ds(b * 16, 16)]
                plsc.addupdate_scatter(
                    hist,
                    [lax.shift_right_logical(v, 7), lax.bitwise_and(v, 127)],
                    ones)
            return carry

        lax.fori_loop(0, GC // 8, group, 0)
        pltpu.sync_copy(hist, acc80.at[idv], add=True)
        plsc.subcore_barrier()

        @pl.when(sub == 0)
        def _():
            pltpu.sync_copy(acc80, C_out.at[pl.ds(core * HR, HR)])

        plsc.subcore_barrier()


def _make_cnt_kernel():
    return pl.kernel(
        _cnt_body,
        out_type=[jax.ShapeDtypeStruct((NC * HR, D), _f32)] * 3,
        mesh=plsc.VectorSubcoreMesh(core_axis_name="c", subcore_axis_name="s"),
        compiler_params=pltpu.CompilerParams(needs_layout_passes=False),
        scratch_types=[
            pltpu.VMEM((GC // 8, 128), jnp.int32),
            pltpu.VMEM((HR, D), _f32),
            pltpu.VMEM((HR,), jnp.int32),
            pltpu.VMEM_SHARED((HR, D), _f32),
            pltpu.SemaphoreType.DMA,
        ],
    )


def _leaky(h):
    return jnp.where(h >= 0, h, 0.01 * h)


def _agg(p, ca, cb):
    return p / jnp.maximum(ca + cb, 1.0)


def _tc0_body(x0r, x3r, p03, p33, p30a, p30b,
              c03a, c03b, c33a, c33b, c30a, c30b,
              wl03, wr03, bl03, wl33, wr33, bl33, wl30, wr30, bl30,
              o0r, o3r):
    dot = functools.partial(jnp.dot, preferred_element_type=_f32)
    a03 = _agg(p03[...], c03a[...], c03b[...])
    a33 = _agg(p33[...], c33a[...], c33b[...])
    a30 = _agg(p30a[...] + p30b[...], c30a[...], c30b[...])
    x3v = x3r[...]
    h3 = (dot(a03, wl03[...]) + bl03[...] + dot(x3v, wr03[...])
          + dot(a33, wl33[...]) + bl33[...] + dot(x3v, wr33[...]))
    h0 = dot(a30, wl30[...]) + bl30[...] + dot(x0r[...], wr30[...])
    o3r[...] = _leaky(h3)
    o0r[...] = _leaky(h0)


def _tc1_body(x3r, p03, p33,
              c03a, c03b, c33a, c33b,
              wl03, wr03, bl03, wl33, wr33, bl33, wlin, blin,
              outr):
    dot = functools.partial(jnp.dot, preferred_element_type=_f32)
    a03 = _agg(p03[...], c03a[...], c03b[...])
    a33 = _agg(p33[...], c33a[...], c33b[...])
    x3v = x3r[...]
    h3 = (dot(a03, wl03[...]) + bl03[...] + dot(x3v, wr03[...])
          + dot(a33, wl33[...]) + bl33[...] + dot(x3v, wr33[...]))
    outr[...] = dot(_leaky(h3), wlin[...]) + blin[...]


_BM = 2000


def _row_spec(w):
    return pl.BlockSpec((_BM, w), lambda i: (i, 0))


def _full_spec(shape):
    return pl.BlockSpec(shape, lambda i: (0,) * len(shape))


def _tc_layer0(x0, x3, p03, p33, p30a, p30b, cnts, W):
    (c03a, c03b), (c33a, c33b), (c30a, c30b) = cnts
    in_specs = ([_row_spec(D)] * 6 + [_row_spec(1)] * 6
                + [_full_spec((D, D)), _full_spec((D, D)), _full_spec((1, D))] * 3)
    out_specs = [_row_spec(D), _row_spec(D)]
    f = pl.pallas_call(
        _tc0_body,
        grid=(N // _BM,),
        in_specs=in_specs,
        out_specs=out_specs,
        out_shape=[jax.ShapeDtypeStruct((N, D), _f32)] * 2,
    )
    return f(x0, x3, p03, p33, p30a, p30b,
             c03a, c03b, c33a, c33b, c30a, c30b, *W)


def _tc_layer1(x3, p03, p33, cnts, W):
    (c03a, c03b), (c33a, c33b) = cnts
    in_specs = ([_row_spec(D)] * 3 + [_row_spec(1)] * 4
                + [_full_spec((D, D)), _full_spec((D, D)), _full_spec((1, D))] * 2
                + [_full_spec((D, OUT)), _full_spec((1, OUT))])
    f = pl.pallas_call(
        _tc1_body,
        grid=(N // _BM,),
        in_specs=in_specs,
        out_specs=_row_spec(OUT),
        out_shape=jax.ShapeDtypeStruct((N, OUT), _f32),
    )
    return f(x3, p03, p33, c03a, c03b, c33a, c33b, *W)


def kernel(x_0, x_3, edge_index_0_to_3, edge_index_3_to_0, edge_index_3_to_3,
           Wl_0_e03, bl_0_e03, Wr_0_e03,
           Wl_0_e30, bl_0_e30, Wr_0_e30,
           Wl_0_e33, bl_0_e33, Wr_0_e33,
           Wl_1_e03, bl_1_e03, Wr_1_e03,
           Wl_1_e30, bl_1_e30, Wr_1_e30,
           Wl_1_e33, bl_1_e33, Wr_1_e33,
           W_lin, b_lin):
    s03 = edge_index_0_to_3[0].reshape(NW, K, C)
    d03 = edge_index_0_to_3[1].reshape(NW, K, C)
    s33 = edge_index_3_to_3[0].reshape(NW, K, C)
    d33 = edge_index_3_to_3[1].reshape(NW, K, C)
    s30 = edge_index_3_to_0[0].reshape(NW, K, C)
    d30 = edge_index_3_to_0[1].reshape(NW, K, C)
    z128 = jnp.zeros((R, D), _f32)

    def padgrp(e):
        f = e.reshape(NW, EPW)
        pad = jnp.full((NW, GC * 16 - EPW), NP - 1, jnp.int32)
        return jnp.concatenate([f, pad], axis=1).reshape(NW, GC // 8, 128)

    P03, P33, P30a, P30b = _make_seg_kernel(False)(
        x_0, x_3, s03, d03, s33, d33, s30, d30, z128)

    C03, C33, C30 = _make_cnt_kernel()(
        padgrp(edge_index_0_to_3[1]), padgrp(edge_index_3_to_3[1]),
        padgrp(edge_index_3_to_0[1]), z128)

    def csplit(ct):
        return (ct[:HR].reshape(NP)[:N].reshape(N, 1),
                ct[HR:].reshape(NP)[:N].reshape(N, 1))

    cn03, cn33, cn30 = csplit(C03), csplit(C33), csplit(C30)
    x0b, x3b = _tc_layer0(
        x_0, x_3, P03, P33, P30a, P30b,
        (cn03, cn33, cn30),
        (Wl_0_e03, Wr_0_e03, bl_0_e03.reshape(1, D),
         Wl_0_e33, Wr_0_e33, bl_0_e33.reshape(1, D),
         Wl_0_e30, Wr_0_e30, bl_0_e30.reshape(1, D)))

    Q03, Q33 = _make_seg_kernel(True)(x0b, x3b, s03, d03, s33, d33, z128)

    return _tc_layer1(
        x3b, Q03, Q33, (cn03, cn33),
        (Wl_1_e03, Wr_1_e03, bl_1_e03.reshape(1, D),
         Wl_1_e33, Wr_1_e33, bl_1_e33.reshape(1, D),
         W_lin, b_lin.reshape(1, OUT)))

# --- scband reference (transcript-rebuilt; emitter-appended) ---
"""Pipeline reference for scband-hetero-gnnba-14551349198940 (READ-ONLY COPY).

The authoritative reference and input builder live on the scoring server;
editing this copy changes nothing except your own understanding.
"""

import jax, jax.numpy as jnp
import numpy as np

N = 10000
D = 128
H = 128
OUT = 64
E = 160000
EDGE_TYPES = ["e03", "e30", "e33"]


def _segment_mean(msg, seg, num):
    s = jax.ops.segment_sum(msg, seg, num_segments=num)
    c = jax.ops.segment_sum(jnp.ones((seg.shape[0], 1), msg.dtype), seg, num_segments=num)
    return s / jnp.clip(c, 1.0)


def _sage(x_src, x_dst, ei, Wl, bl, Wr):
    # PyG SAGEConv: lin_l(mean_agg(x_src over dst)) + bias + lin_r(x_dst)
    agg = _segment_mean(x_src[ei[0]], ei[1], x_dst.shape[0])
    return agg @ Wl + bl + x_dst @ Wr


def setup_inputs(seed: int = 0):
    key = jax.random.key(seed)
    ks = jax.random.split(key, 40)
    inp = {}
    inp["x_0"] = jax.random.normal(ks[0], (N, D), jnp.float32)
    inp["x_3"] = jax.random.normal(ks[1], (N, D), jnp.float32)
    inp["edge_index_0_to_3"] = jax.random.randint(ks[2], (2, E), 0, N, jnp.int32)
    inp["edge_index_3_to_0"] = jax.random.randint(ks[3], (2, E), 0, N, jnp.int32)
    inp["edge_index_3_to_3"] = jax.random.randint(ks[4], (2, E), 0, N, jnp.int32)
    i = 5
    for l in range(2):
        din = D if l == 0 else H
        for et in EDGE_TYPES:
            inp["Wl_%d_%s" % (l, et)] = jax.random.normal(ks[i], (din, H), jnp.float32) * 0.05
            i += 1
            inp["bl_%d_%s" % (l, et)] = jnp.zeros((H,), jnp.float32)
            inp["Wr_%d_%s" % (l, et)] = jax.random.normal(ks[i], (din, H), jnp.float32) * 0.05
            i += 1
    inp["W_lin"] = jax.random.normal(ks[i], (H, OUT), jnp.float32) * 0.05
    inp["b_lin"] = jnp.zeros((OUT,), jnp.float32)
    return inp


def reference(x_0, x_3, edge_index_0_to_3, edge_index_3_to_0, edge_index_3_to_3,
              Wl_0_e03, bl_0_e03, Wr_0_e03,
              Wl_0_e30, bl_0_e30, Wr_0_e30,
              Wl_0_e33, bl_0_e33, Wr_0_e33,
              Wl_1_e03, bl_1_e03, Wr_1_e03,
              Wl_1_e30, bl_1_e30, Wr_1_e30,
              Wl_1_e33, bl_1_e33, Wr_1_e33,
              W_lin, b_lin):
    inp = dict(locals())
    x0 = inp["x_0"]
    x3 = inp["x_3"]
    e03 = inp["edge_index_0_to_3"]
    e30 = inp["edge_index_3_to_0"]
    e33 = inp["edge_index_3_to_3"]
    for l in range(2):
        # HeteroConv aggr='sum': outputs of edge types sharing a dst node type are summed
        h3 = (_sage(x0, x3, e03, inp["Wl_%d_e03" % l], inp["bl_%d_e03" % l], inp["Wr_%d_e03" % l])
              + _sage(x3, x3, e33, inp["Wl_%d_e33" % l], inp["bl_%d_e33" % l], inp["Wr_%d_e33" % l]))
        h0 = _sage(x3, x0, e30, inp["Wl_%d_e30" % l], inp["bl_%d_e30" % l], inp["Wr_%d_e30" % l])
        x0 = jax.nn.leaky_relu(h0, 0.01)
        x3 = jax.nn.leaky_relu(h3, 0.01)
    return x3 @ inp["W_lin"] + inp["b_lin"]

if __name__ == "__main__":
    import jax
    _d = setup_inputs()
    print(jax.jit(kernel)(*tuple(_d.values())))

</pallas_src>

<mosaic_0001>
#map = affine_map<(d0, d1) -> (0, 0, 0)>
#map1 = affine_map<(d0, d1) -> (0, 0)>
module attributes {stable_mosaic.version = 14 : i64} {
  func.func @_cnt_body(%arg0: i32, %arg1: i32, %arg2: memref<32x40x128xi32, #tpu.memory_space<hbm>>, %arg3: memref<32x40x128xi32, #tpu.memory_space<hbm>>, %arg4: memref<32x40x128xi32, #tpu.memory_space<hbm>>, %arg5: memref<640x128xf32, #tpu.memory_space<hbm>>, %arg6: memref<160x128xf32, #tpu.memory_space<hbm>>, %arg7: memref<160x128xf32, #tpu.memory_space<hbm>>, %arg8: memref<160x128xf32, #tpu.memory_space<hbm>>, %arg9: memref<40x128xi32, #tpu.memory_space<vmem>>, %arg10: memref<80x128xf32, #tpu.memory_space<vmem>>, %arg11: memref<80xi32, #tpu.memory_space<vmem>>, %arg12: memref<80x128xf32, #tpu.memory_space<vmem_shared>>, %arg13: memref<!tpu.dma_semaphore, #tpu.memory_space<semaphore_mem>>) attributes {dimension_semantics = [#tpu.dimension_semantics<core_parallel>, #tpu.dimension_semantics<subcore_parallel>], iteration_bounds = array<i64: 2, 16>, scalar_prefetch = 0 : i64, scratch_operands = 5 : i64, tpu.core_type = #tpu.core_type<sc_vector_subcore>, window_params = [{transform_indices = #map}, {transform_indices = #map}, {transform_indices = #map}, {transform_indices = #map1}, {transform_indices = #map1}, {transform_indices = #map1}, {transform_indices = #map1}]} {
    %mul3A = arith.constant 16 : i32
    %mul3A_0 = arith.muli %arg0, %mul3A : i32
    %add3A = arith.addi %mul3A_0, %arg1 : i32
    %iota3A = tpu.iota {dimensions = array<i32: 0>} : vector<16xi32>
    %add3A_1 = arith.constant 0 : i32
    %add3A_2 = vector.broadcast %add3A_1 : i32 to vector<16xi32>
    %add3A_3 = arith.addi %iota3A, %add3A_2 : vector<16xi32>
    %swap3A = arith.constant 0 : index
    %swap3A_4 = tpu.vector_load %arg11[%swap3A] {strides = array<i32>} : memref<80xi32, #tpu.memory_space<vmem>>, vector<16xi32>,
    tpu.vector_store %arg11[%swap3A], %add3A_3 {strides = array<i32>} : memref<80xi32, #tpu.memory_space<vmem>>, vector<16xi32>,
    %add3A_5 = arith.constant 16 : i32
    %add3A_6 = vector.broadcast %add3A_5 : i32 to vector<16xi32>
    %add3A_7 = arith.addi %iota3A, %add3A_6 : vector<16xi32>
    %swap3A_8 = arith.constant 16 : index
    %swap3A_9 = tpu.vector_load %arg11[%swap3A_8] {strides = array<i32>} : memref<80xi32, #tpu.memory_space<vmem>>, vector<16xi32>,
    tpu.vector_store %arg11[%swap3A_8], %add3A_7 {strides = array<i32>} : memref<80xi32, #tpu.memory_space<vmem>>, vector<16xi32>,
    %add3A_10 = arith.constant 32 : i32
    %add3A_11 = vector.broadcast %add3A_10 : i32 to vector<16xi32>
    %add3A_12 = arith.addi %iota3A, %add3A_11 : vector<16xi32>
    %swap3A_13 = arith.constant 32 : index
    %swap3A_14 = tpu.vector_load %arg11[%swap3A_13] {strides = array<i32>} : memref<80xi32, #tpu.memory_space<vmem>>, vector<16xi32>,
    tpu.vector_store %arg11[%swap3A_13], %add3A_12 {strides = array<i32>} : memref<80xi32, #tpu.memory_space<vmem>>, vector<16xi32>,
    %add3A_15 = arith.constant 48 : i32
    %add3A_16 = vector.broadcast %add3A_15 : i32 to vector<16xi32>
    %add3A_17 = arith.addi %iota3A, %add3A_16 : vector<16xi32>
    %swap3A_18 = arith.constant 48 : index
    %swap3A_19 = tpu.vector_load %arg11[%swap3A_18] {strides = array<i32>} : memref<80xi32, #tpu.memory_space<vmem>>, vector<16xi32>,
    tpu.vector_store %arg11[%swap3A_18], %add3A_17 {strides = array<i32>} : memref<80xi32, #tpu.memory_space<vmem>>, vector<16xi32>,
    %add3A_20 = arith.constant 64 : i32
    %add3A_21 = vector.broadcast %add3A_20 : i32 to vector<16xi32>
    %add3A_22 = arith.addi %iota3A, %add3A_21 : vector<16xi32>
    %swap3A_23 = arith.constant 64 : index
    %swap3A_24 = tpu.vector_load %arg11[%swap3A_23] {strides = array<i32>} : memref<80xi32, #tpu.memory_space<vmem>>, vector<16xi32>,
    tpu.vector_store %arg11[%swap3A_23], %add3A_22 {strides = array<i32>} : memref<80xi32, #tpu.memory_space<vmem>>, vector<16xi32>,
    "tpu.region"() ({
      %run_scoped3A = tpu.sem_alloc : memref<!tpu.dma_semaphore, #tpu.memory_space<semaphore_mem>>
      %dma_start3A = arith.constant 0 : i32
      %dma_start3A_82 = arith.constant 0 : i32
      %dma_start3A_83 = tpu.memref_slice %arg2[%add3A, %dma_start3A, %dma_start3A_82] : memref<32x40x128xi32, #tpu.memory_space<hbm>> -> memref<1x40x128xi32, #tpu.memory_space<hbm>>
      %dma_start3A_84 = tpu.memref_squeeze %dma_start3A_83 : memref<1x40x128xi32, #tpu.memory_space<hbm>> -> memref<40x128xi32, #tpu.memory_space<hbm>>
      %dma_start3A_85 = arith.constant 0 : i32
      %dma_start3A_86 = arith.constant 0 : i32
      %dma_start3A_87 = tpu.memref_slice %arg2[%add3A, %dma_start3A_85, %dma_start3A_86] : memref<32x40x128xi32, #tpu.memory_space<hbm>> -> memref<1x40x128xi32, #tpu.memory_space<hbm>>
      %dma_start3A_88 = tpu.memref_squeeze %dma_start3A_87 : memref<1x40x128xi32, #tpu.memory_space<hbm>> -> memref<40x128xi32, #tpu.memory_space<hbm>>
      tpu.enqueue_dma source(%dma_start3A_88 : memref<40x128xi32, #tpu.memory_space<hbm>>) target(%arg9 : memref<40x128xi32, #tpu.memory_space<vmem>>) target_semaphore(%run_scoped3A : memref<!tpu.dma_semaphore, #tpu.memory_space<semaphore_mem>>)
      %dma_wait3A = arith.constant 0 : i32
      %dma_wait3A_89 = arith.constant 0 : i32
      %dma_wait3A_90 = tpu.memref_slice %arg2[%add3A, %dma_wait3A, %dma_wait3A_89] : memref<32x40x128xi32, #tpu.memory_space<hbm>> -> memref<1x40x128xi32, #tpu.memory_space<hbm>>
      %dma_wait3A_91 = tpu.memref_squeeze %dma_wait3A_90 : memref<1x40x128xi32, #tpu.memory_space<hbm>> -> memref<40x128xi32, #tpu.memory_space<hbm>>
      %dma_wait3A_92 = arith.constant 0 : i32
      %dma_wait3A_93 = arith.constant 0 : i32
      %dma_wait3A_94 = tpu.memref_slice %arg2[%add3A, %dma_wait3A_92, %dma_wait3A_93] : memref<32x40x128xi32, #tpu.memory_space<hbm>> -> memref<1x40x128xi32, #tpu.memory_space<hbm>>
      %dma_wait3A_95 = tpu.memref_squeeze %dma_wait3A_94 : memref<1x40x128xi32, #tpu.memory_space<hbm>> -> memref<40x128xi32, #tpu.memory_space<hbm>>
      tpu.wait_dma2 semaphore(%run_scoped3A : memref<!tpu.dma_semaphore, #tpu.memory_space<semaphore_mem>>) src(%dma_wait3A_95 : memref<40x128xi32, #tpu.memory_space<hbm>>) dst(%arg9 : memref<40x128xi32, #tpu.memory_space<vmem>>)
      tpu.yield
    }) : () -> ()
    "tpu.region"() ({
      %run_scoped3A = tpu.sem_alloc : memref<!tpu.dma_semaphore, #tpu.memory_space<semaphore_mem>>
      %dma_start3A = arith.constant 0 : i32
      %dma_start3A_82 = arith.constant 0 : i32
      %dma_start3A_83 = tpu.memref_slice %arg5[%dma_start3A, %dma_start3A_82] : memref<640x128xf32, #tpu.memory_space<hbm>> -> memref<80x128xf32, #tpu.memory_space<hbm>>
      %dma_start3A_84 = arith.constant 0 : i32
      %dma_start3A_85 = arith.constant 0 : i32
      %dma_start3A_86 = tpu.memref_slice %arg5[%dma_start3A_84, %dma_start3A_85] : memref<640x128xf32, #tpu.memory_space<hbm>> -> memref<80x128xf32, #tpu.memory_space<hbm>>
      tpu.enqueue_dma source(%dma_start3A_86 : memref<80x128xf32, #tpu.memory_space<hbm>>) target(%arg10 : memref<80x128xf32, #tpu.memory_space<vmem>>) target_semaphore(%run_scoped3A : memref<!tpu.dma_semaphore, #tpu.memory_space<semaphore_mem>>)
      %dma_wait3A = arith.constant 0 : i32
      %dma_wait3A_87 = arith.constant 0 : i32
      %dma_wait3A_88 = tpu.memref_slice %arg5[%dma_wait3A, %dma_wait3A_87] : memref<640x128xf32, #tpu.memory_space<hbm>> -> memref<80x128xf32, #tpu.memory_space<hbm>>
      %dma_wait3A_89 = arith.constant 0 : i32
      %dma_wait3A_90 = arith.constant 0 : i32
      %dma_wait3A_91 = tpu.memref_slice %arg5[%dma_wait3A_89, %dma_wait3A_90] : memref<640x128xf32, #tpu.memory_space<hbm>> -> memref<80x128xf32, #tpu.memory_space<hbm>>
      tpu.wait_dma2 semaphore(%run_scoped3A : memref<!tpu.dma_semaphore, #tpu.memory_space<semaphore_mem>>) src(%dma_wait3A_91 : memref<80x128xf32, #tpu.memory_space<hbm>>) dst(%arg10 : memref<80x128xf32, #tpu.memory_space<vmem>>)
      tpu.yield
    }) : () -> ()
    %eq3A = arith.constant 0 : i32
    %eq3A_25 = arith.cmpi eq, %arg1, %eq3A : i32
    %convert_element_type3A = arith.extui %eq3A_25 : i1 to i32
    %cond3A = arith.constant 0 : i32
    %cond3A_26 = arith.cmpi ne, %convert_element_type3A, %cond3A : i32
    scf.if %cond3A_26 {
      "tpu.region"() ({
        %run_scoped3A = tpu.sem_alloc : memref<!tpu.dma_semaphore, #tpu.memory_space<semaphore_mem>>
        %dma_start3A = arith.constant 0 : i32
        %dma_start3A_82 = arith.constant 0 : i32
        %dma_start3A_83 = tpu.memref_slice %arg5[%dma_start3A, %dma_start3A_82] : memref<640x128xf32, #tpu.memory_space<hbm>> -> memref<80x128xf32, #tpu.memory_space<hbm>>
        tpu.enqueue_dma source(%dma_start3A_83 : memref<80x128xf32, #tpu.memory_space<hbm>>) target(%arg12 : memref<80x128xf32, #tpu.memory_space<vmem_shared>>) target_semaphore(%run_scoped3A : memref<!tpu.dma_semaphore, #tpu.memory_space<semaphore_mem>>)
        %dma_wait3A = arith.constant 0 : i32
        %dma_wait3A_84 = arith.constant 0 : i32
        %dma_wait3A_85 = tpu.memref_slice %arg5[%dma_wait3A, %dma_wait3A_84] : memref<640x128xf32, #tpu.memory_space<hbm>> -> memref<80x128xf32, #tpu.memory_space<hbm>>
        tpu.wait_dma2 semaphore(%run_scoped3A : memref<!tpu.dma_semaphore, #tpu.memory_space<semaphore_mem>>) src(%dma_wait3A_85 : memref<80x128xf32, #tpu.memory_space<hbm>>) dst(%arg12 : memref<80x128xf32, #tpu.memory_space<vmem_shared>>)
        tpu.yield
      }) : () -> ()
    } else {
    }
    %barrier3A = arith.constant 0 : index
    tpu.barrier barrier_id(%barrier3A)
    %broadcast_in_dim3A = arith.constant 1.000000e+00 : f32
    %broadcast_in_dim3A_27 = vector.broadcast %broadcast_in_dim3A : f32 to vector<16xf32>
    %scan3A = arith.constant 0 : i32
    %scan3A_28 = arith.constant 0 : i32
    %scan3A_29 = arith.constant 40 : i32
    %scan3A_30 = arith.addi %scan3A_28, %scan3A_29 : i32
    %scan3A_31 = arith.constant 1 : i32
    scf.for %scan3A_82 = %scan3A_28 to %scan3A_30 step %scan3A_31  : i32 {
      %get3A = arith.index_cast %scan3A_82 : i32 to index
      %get3A_83 = arith.constant 0 : index
      %get3A_84 = tpu.vector_load %arg9[%get3A, %get3A_83] {strides = array<i32>} : memref<40x128xi32, #tpu.memory_space<vmem>>, vector<16xi32>,
      %shift_right_logical3A = arith.constant 7 : i32
      %shift_right_logical3A_85 = vector.broadcast %shift_right_logical3A : i32 to vector<16xi32>
      %shift_right_logical3A_86 = arith.shrui %get3A_84, %shift_right_logical3A_85 : vector<16xi32>
      %and3A = arith.constant 127 : i32
      %and3A_87 = vector.broadcast %and3A : i32 to vector<16xi32>
      %and3A_88 = arith.andi %get3A_84, %and3A_87 : vector<16xi32>
      tpu.vector_store_idx %arg10[%shift_right_logical3A_86, %and3A_88], %broadcast_in_dim3A_27 {add = true} : memref<80x128xf32, #tpu.memory_space<vmem>>[vector<16xi32>, vector<16xi32>], vector<16xf32>,
      %get3A_89 = arith.index_cast %scan3A_82 : i32 to index
      %get3A_90 = arith.constant 16 : index
      %get3A_91 = tpu.vector_load %arg9[%get3A_89, %get3A_90] {strides = array<i32>} : memref<40x128xi32, #tpu.memory_space<vmem>>, vector<16xi32>,
      %shift_right_logical3A_92 = arith.constant 7 : i32
      %shift_right_logical3A_93 = vector.broadcast %shift_right_logical3A_92 : i32 to vector<16xi32>
      %shift_right_logical3A_94 = arith.shrui %get3A_91, %shift_right_logical3A_93 : vector<16xi32>
      %and3A_95 = arith.constant 127 : i32
      %and3A_96 = vector.broadcast %and3A_95 : i32 to vector<16xi32>
      %and3A_97 = arith.andi %get3A_91, %and3A_96 : vector<16xi32>
      tpu.vector_store_idx %arg10[%shift_right_logical3A_94, %and3A_97], %broadcast_in_dim3A_27 {add = true} : memref<80x128xf32, #tpu.memory_space<vmem>>[vector<16xi32>, vector<16xi32>], vector<16xf32>,
      %get3A_98 = arith.index_cast %scan3A_82 : i32 to index
      %get3A_99 = arith.constant 32 : index
      %get3A_100 = tpu.vector_load %arg9[%get3A_98, %get3A_99] {strides = array<i32>} : memref<40x128xi32, #tpu.memory_space<vmem>>, vector<16xi32>,
      %shift_right_logical3A_101 = arith.constant 7 : i32
      %shift_right_logical3A_102 = vector.broadcast %shift_right_logical3A_101 : i32 to vector<16xi32>
      %shift_right_logical3A_103 = arith.shrui %get3A_100, %shift_right_logical3A_102 : vector<16xi32>
      %and3A_104 = arith.constant 127 : i32
      %and3A_105 = vector.broadcast %and3A_104 : i32 to vector<16xi32>
      %and3A_106 = arith.andi %get3A_100, %and3A_105 : vector<16xi32>
      tpu.vector_store_idx %arg10[%shift_right_logical3A_103, %and3A_106], %broadcast_in_dim3A_27 {add = true} : memref<80x128xf32, #tpu.memory_space<vmem>>[vector<16xi32>, vector<16xi32>], vector<16xf32>,
      %get3A_107 = arith.index_cast %scan3A_82 : i32 to index
      %get3A_108 = arith.constant 48 : index
      %get3A_109 = tpu.vector_load %arg9[%get3A_107, %get3A_108] {strides = array<i32>} : memref<40x128xi32, #tpu.memory_space<vmem>>, vector<16xi32>,
      %shift_right_logical3A_110 = arith.constant 7 : i32
      %shift_right_logical3A_111 = vector.broadcast %shift_right_logical3A_110 : i32 to vector<16xi32>
      %shift_right_logical3A_112 = arith.shrui %get3A_109, %shift_right_logical3A_111 : vector<16xi32>
      %and3A_113 = arith.constant 127 : i32
      %and3A_114 = vector.broadcast %and3A_113 : i32 to vector<16xi32>
      %and3A_115 = arith.andi %get3A_109, %and3A_114 : vector<16xi32>
      tpu.vector_store_idx %arg10[%shift_right_logical3A_112, %and3A_115], %broadcast_in_dim3A_27 {add = true} : memref<80x128xf32, #tpu.memory_space<vmem>>[vector<16xi32>, vector<16xi32>], vector<16xf32>,
      %get3A_116 = arith.index_cast %scan3A_82 : i32 to index
      %get3A_117 = arith.constant 64 : index
      %get3A_118 = tpu.vector_load %arg9[%get3A_116, %get3A_117] {strides = array<i32>} : memref<40x128xi32, #tpu.memory_space<vmem>>, vector<16xi32>,
      %shift_right_logical3A_119 = arith.constant 7 : i32
      %shift_right_logical3A_120 = vector.broadcast %shift_right_logical3A_119 : i32 to vector<16xi32>
      %shift_right_logical3A_121 = arith.shrui %get3A_118, %shift_right_logical3A_120 : vector<16xi32>
      %and3A_122 = arith.constant 127 : i32
      %and3A_123 = vector.broadcast %and3A_122 : i32 to vector<16xi32>
      %and3A_124 = arith.andi %get3A_118, %and3A_123 : vector<16xi32>
      tpu.vector_store_idx %arg10[%shift_right_logical3A_121, %and3A_124], %broadcast_in_dim3A_27 {add = true} : memref<80x128xf32, #tpu.memory_space<vmem>>[vector<16xi32>, vector<16xi32>], vector<16xf32>,
      %get3A_125 = arith.index_cast %scan3A_82 : i32 to index
      %get3A_126 = arith.constant 80 : index
      %get3A_127 = tpu.vector_load %arg9[%get3A_125, %get3A_126] {strides = array<i32>} : memref<40x128xi32, #tpu.memory_space<vmem>>, vector<16xi32>,
      %shift_right_logical3A_128 = arith.constant 7 : i32
      %shift_right_logical3A_129 = vector.broadcast %shift_right_logical3A_128 : i32 to vector<16xi32>
      %shift_right_logical3A_130 = arith.shrui %get3A_127, %shift_right_logical3A_129 : vector<16xi32>
      %and3A_131 = arith.constant 127 : i32
      %and3A_132 = vector.broadcast %and3A_131 : i32 to vector<16xi32>
      %and3A_133 = arith.andi %get3A_127, %and3A_132 : vector<16xi32>
      tpu.vector_store_idx %arg10[%shift_right_logical3A_130, %and3A_133], %broadcast_in_dim3A_27 {add = true} : memref<80x128xf32, #tpu.memory_space<vmem>>[vector<16xi32>, vector<16xi32>], vector<16xf32>,
      %get3A_134 = arith.index_cast %scan3A_82 : i32 to index
      %get3A_135 = arith.constant 96 : index
      %get3A_136 = tpu.vector_load %arg9[%get3A_134, %get3A_135] {strides = array<i32>} : memref<40x128xi32, #tpu.memory_space<vmem>>, vector<16xi32>,
      %shift_right_logical3A_137 = arith.constant 7 : i32
      %shift_right_logical3A_138 = vector.broadcast %shift_right_logical3A_137 : i32 to vector<16xi32>
      %shift_right_logical3A_139 = arith.shrui %get3A_136, %shift_right_logical3A_138 : vector<16xi32>
      %and3A_140 = arith.constant 127 : i32
      %and3A_141 = vector.broadcast %and3A_140 : i32 to vector<16xi32>
      %and3A_142 = arith.andi %get3A_136, %and3A_141 : vector<16xi32>
      tpu.vector_store_idx %arg10[%shift_right_logical3A_139, %and3A_142], %broadcast_in_dim3A_27 {add = true} : memref<80x128xf32, #tpu.memory_space<vmem>>[vector<16xi32>, vector<16xi32>], vector<16xf32>,
      %get3A_143 = arith.index_cast %scan3A_82 : i32 to index
      %get3A_144 = arith.constant 112 : index
      %get3A_145 = tpu.vector_load %arg9[%get3A_143, %get3A_144] {strides = array<i32>} : memref<40x128xi32, #tpu.memory_space<vmem>>, vector<16xi32>,
      %shift_right_logical3A_146 = arith.constant 7 : i32
      %shift_right_logical3A_147 = vector.broadcast %shift_right_logical3A_146 : i32 to vector<16xi32>
      %shift_right_logical3A_148 = arith.shrui %get3A_145, %shift_right_logical3A_147 : vector<16xi32>
      %and3A_149 = arith.constant 127 : i32
      %and3A_150 = vector.broadcast %and3A_149 : i32 to vector<16xi32>
      %and3A_151 = arith.andi %get3A_145, %and3A_150 : vector<16xi32>
      tpu.vector_store_idx %arg10[%shift_right_logical3A_148, %and3A_151], %broadcast_in_dim3A_27 {add = true} : memref<80x128xf32, #tpu.memory_space<vmem>>[vector<16xi32>, vector<16xi32>], vector<16xf32>,
    }
    %scan3A_32 = arith.constant 40 : i32
    "tpu.region"() ({
      %run_scoped3A = tpu.sem_alloc : memref<!tpu.dma_semaphore, #tpu.memory_space<semaphore_mem>>
      %dma_start3A = arith.constant 0 : i32
      %dma_start3A_82 = arith.constant 0 : i32
      %dma_start3A_83 = tpu.memref_slice %arg12[%dma_start3A, %dma_start3A_82] : memref<80x128xf32, #tpu.memory_space<vmem_shared>> -> memref<80x128xf32, #tpu.memory_space<vmem_shared>>
      tpu.enqueue_indirect_dma source(%arg10 : memref<80x128xf32, #tpu.memory_space<vmem>>) target(%dma_start3A_83 : memref<80x128xf32, #tpu.memory_space<vmem_shared>>) offsets(%arg11 : memref<80xi32, #tpu.memory_space<vmem>>) semaphore(%run_scoped3A : memref<!tpu.dma_semaphore, #tpu.memory_space<semaphore_mem>>) {add = true}
      %dma_wait3A = arith.constant 0 : i32
      %dma_wait3A_84 = arith.constant 0 : i32
      %dma_wait3A_85 = tpu.memref_slice %arg12[%dma_wait3A, %dma_wait3A_84] : memref<80x128xf32, #tpu.memory_space<vmem_shared>> -> memref<80x128xf32, #tpu.memory_space<vmem_shared>>
      tpu.wait_indirect_dma semaphore(%run_scoped3A : memref<!tpu.dma_semaphore, #tpu.memory_space<semaphore_mem>>) src(%arg10 : memref<80x128xf32, #tpu.memory_space<vmem>>) dst(%dma_wait3A_85 : memref<80x128xf32, #tpu.memory_space<vmem_shared>>)
      tpu.yield
    }) : () -> ()
    %barrier3A_33 = arith.constant 0 : index
    tpu.barrier barrier_id(%barrier3A_33)
    %eq3A_34 = arith.constant 0 : i32
    %eq3A_35 = arith.cmpi eq, %arg1, %eq3A_34 : i32
    %convert_element_type3A_36 = arith.extui %eq3A_35 : i1 to i32
    %cond3A_37 = arith.constant 0 : i32
    %cond3A_38 = arith.cmpi ne, %convert_element_type3A_36, %cond3A_37 : i32
    scf.if %cond3A_38 {
      %mul3A_82 = arith.constant 80 : i32
      %mul3A_83 = arith.muli %arg0, %mul3A_82 : i32
      "tpu.region"() ({
        %run_scoped3A = tpu.sem_alloc : memref<!tpu.dma_semaphore, #tpu.memory_space<semaphore_mem>>
        %dma_start3A = arith.constant 0 : i32
        %dma_start3A_84 = tpu.memref_slice %arg6[%mul3A_83, %dma_start3A] : memref<160x128xf32, #tpu.memory_space<hbm>> -> memref<80x128xf32, #tpu.memory_space<hbm>>
        tpu.enqueue_dma source(%arg12 : memref<80x128xf32, #tpu.memory_space<vmem_shared>>) target(%dma_start3A_84 : memref<80x128xf32, #tpu.memory_space<hbm>>) target_semaphore(%run_scoped3A : memref<!tpu.dma_semaphore, #tpu.memory_space<semaphore_mem>>)
        %dma_wait3A = arith.constant 0 : i32
        %dma_wait3A_85 = tpu.memref_slice %arg6[%mul3A_83, %dma_wait3A] : memref<160x128xf32, #tpu.memory_space<hbm>> -> memref<80x128xf32, #tpu.memory_space<hbm>>
        tpu.wait_dma2 semaphore(%run_scoped3A : memref<!tpu.dma_semaphore, #tpu.memory_space<semaphore_mem>>) src(%arg12 : memref<80x128xf32, #tpu.memory_space<vmem_shared>>) dst(%dma_wait3A_85 : memref<80x128xf32, #tpu.memory_space<hbm>>)
        tpu.yield
      }) : () -> ()
    } else {
    }
    %barrier3A_39 = arith.constant 0 : index
    tpu.barrier barrier_id(%barrier3A_39)
    "tpu.region"() ({
      %run_scoped3A = tpu.sem_alloc : memref<!tpu.dma_semaphore, #tpu.memory_space<semaphore_mem>>
      %dma_start3A = arith.constant 0 : i32
      %dma_start3A_82 = arith.constant 0 : i32
      %dma_start3A_83 = tpu.memref_slice %arg3[%add3A, %dma_start3A, %dma_start3A_82] : memref<32x40x128xi32, #tpu.memory_space<hbm>> -> memref<1x40x128xi32, #tpu.memory_space<hbm>>
      %dma_start3A_84 = tpu.memref_squeeze %dma_start3A_83 : memref<1x40x128xi32, #tpu.memory_space<hbm>> -> memref<40x128xi32, #tpu.memory_space<hbm>>
      %dma_start3A_85 = arith.constant 0 : i32
      %dma_start3A_86 = arith.constant 0 : i32
      %dma_start3A_87 = tpu.memref_slice %arg3[%add3A, %dma_start3A_85, %dma_start3A_86] : memref<32x40x128xi32, #tpu.memory_space<hbm>> -> memref<1x40x128xi32, #tpu.memory_space<hbm>>
      %dma_start3A_88 = tpu.memref_squeeze %dma_start3A_87 : memref<1x40x128xi32, #tpu.memory_space<hbm>> -> memref<40x128xi32, #tpu.memory_space<hbm>>
      tpu.enqueue_dma source(%dma_start3A_88 : memref<40x128xi32, #tpu.memory_space<hbm>>) target(%arg9 : memref<40x128xi32, #tpu.memory_space<vmem>>) target_semaphore(%run_scoped3A : memref<!tpu.dma_semaphore, #tpu.memory_space<semaphore_mem>>)
      %dma_wait3A = arith.constant 0 : i32
      %dma_wait3A_89 = arith.constant 0 : i32
      %dma_wait3A_90 = tpu.memref_slice %arg3[%add3A, %dma_wait3A, %dma_wait3A_89] : memref<32x40x128xi32, #tpu.memory_space<hbm>> -> memref<1x40x128xi32, #tpu.memory_space<hbm>>
      %dma_wait3A_91 = tpu.memref_squeeze %dma_wait3A_90 : memref<1x40x128xi32, #tpu.memory_space<hbm>> -> memref<40x128xi32, #tpu.memory_space<hbm>>
      %dma_wait3A_92 = arith.constant 0 : i32
      %dma_wait3A_93 = arith.constant 0 : i32
      %dma_wait3A_94 = tpu.memref_slice %arg3[%add3A, %dma_wait3A_92, %dma_wait3A_93] : memref<32x40x128xi32, #tpu.memory_space<hbm>> -> memref<1x40x128xi32, #tpu.memory_space<hbm>>
      %dma_wait3A_95 = tpu.memref_squeeze %dma_wait3A_94 : memref<1x40x128xi32, #tpu.memory_space<hbm>> -> memref<40x128xi32, #tpu.memory_space<hbm>>
      tpu.wait_dma2 semaphore(%run_scoped3A : memref<!tpu.dma_semaphore, #tpu.memory_space<semaphore_mem>>) src(%dma_wait3A_95 : memref<40x128xi32, #tpu.memory_space<hbm>>) dst(%arg9 : memref<40x128xi32, #tpu.memory_space<vmem>>)
      tpu.yield
    }) : () -> ()
    "tpu.region"() ({
      %run_scoped3A = tpu.sem_alloc : memref<!tpu.dma_semaphore, #tpu.memory_space<semaphore_mem>>
      %dma_start3A = arith.constant 0 : i32
      %dma_start3A_82 = arith.constant 0 : i32
      %dma_start3A_83 = tpu.memref_slice %arg5[%dma_start3A, %dma_start3A_82] : memref<640x128xf32, #tpu.memory_space<hbm>> -> memref<80x128xf32, #tpu.memory_space<hbm>>
      %dma_start3A_84 = arith.constant 0 : i32
      %dma_start3A_85 = arith.constant 0 : i32
      %dma_start3A_86 = tpu.memref_slice %arg5[%dma_start3A_84, %dma_start3A_85] : memref<640x128xf32, #tpu.memory_space<hbm>> -> memref<80x128xf32, #tpu.memory_space<hbm>>
      tpu.enqueue_dma source(%dma_start3A_86 : memref<80x128xf32, #tpu.memory_space<hbm>>) target(%arg10 : memref<80x128xf32, #tpu.memory_space<vmem>>) target_semaphore(%run_scoped3A : memref<!tpu.dma_semaphore, #tpu.memory_space<semaphore_mem>>)
      %dma_wait3A = arith.constant 0 : i32
      %dma_wait3A_87 = arith.constant 0 : i32
      %dma_wait3A_88 = tpu.memref_slice %arg5[%dma_wait3A, %dma_wait3A_87] : memref<640x128xf32, #tpu.memory_space<hbm>> -> memref<80x128xf32, #tpu.memory_space<hbm>>
      %dma_wait3A_89 = arith.constant 0 : i32
      %dma_wait3A_90 = arith.constant 0 : i32
      %dma_wait3A_91 = tpu.memref_slice %arg5[%dma_wait3A_89, %dma_wait3A_90] : memref<640x128xf32, #tpu.memory_space<hbm>> -> memref<80x128xf32, #tpu.memory_space<hbm>>
      tpu.wait_dma2 semaphore(%run_scoped3A : memref<!tpu.dma_semaphore, #tpu.memory_space<semaphore_mem>>) src(%dma_wait3A_91 : memref<80x128xf32, #tpu.memory_space<hbm>>) dst(%arg10 : memref<80x128xf32, #tpu.memory_space<vmem>>)
      tpu.yield
    }) : () -> ()
    %eq3A_40 = arith.constant 0 : i32
    %eq3A_41 = arith.cmpi eq, %arg1, %eq3A_40 : i32
    %convert_element_type3A_42 = arith.extui %eq3A_41 : i1 to i32
    %cond3A_43 = arith.constant 0 : i32
    %cond3A_44 = arith.cmpi ne, %convert_element_type3A_42, %cond3A_43 : i32
    scf.if %cond3A_44 {
      "tpu.region"() ({
        %run_scoped3A = tpu.sem_alloc : memref<!tpu.dma_semaphore, #tpu.memory_space<semaphore_mem>>
        %dma_start3A = arith.constant 0 : i32
        %dma_start3A_82 = arith.constant 0 : i32
        %dma_start3A_83 = tpu.memref_slice %arg5[%dma_start3A, %dma_start3A_82] : memref<640x128xf32, #tpu.memory_space<hbm>> -> memref<80x128xf32, #tpu.memory_space<hbm>>
        tpu.enqueue_dma source(%dma_start3A_83 : memref<80x128xf32, #tpu.memory_space<hbm>>) target(%arg12 : memref<80x128xf32, #tpu.memory_space<vmem_shared>>) target_semaphore(%run_scoped3A : memref<!tpu.dma_semaphore, #tpu.memory_space<semaphore_mem>>)
        %dma_wait3A = arith.constant 0 : i32
        %dma_wait3A_84 = arith.constant 0 : i32
        %dma_wait3A_85 = tpu.memref_slice %arg5[%dma_wait3A, %dma_wait3A_84] : memref<640x128xf32, #tpu.memory_space<hbm>> -> memref<80x128xf32, #tpu.memory_space<hbm>>
        tpu.wait_dma2 semaphore(%run_scoped3A : memref<!tpu.dma_semaphore, #tpu.memory_space<semaphore_mem>>) src(%dma_wait3A_85 : memref<80x128xf32, #tpu.memory_space<hbm>>) dst(%arg12 : memref<80x128xf32, #tpu.memory_space<vmem_shared>>)
        tpu.yield
      }) : () -> ()
    } else {
    }
    %barrier3A_45 = arith.constant 0 : index
    tpu.barrier barrier_id(%barrier3A_45)
    %broadcast_in_dim3A_46 = arith.constant 1.000000e+00 : f32
    %broadcast_in_dim3A_47 = vector.broadcast %broadcast_in_dim3A_46 : f32 to vector<16xf32>
    %scan3A_48 = arith.constant 0 : i32
    %scan3A_49 = arith.constant 0 : i32
    %scan3A_50 = arith.constant 40 : i32
    %scan3A_51 = arith.addi %scan3A_49, %scan3A_50 : i32
    %scan3A_52 = arith.constant 1 : i32
    scf.for %scan3A_82 = %scan3A_49 to %scan3A_51 step %scan3A_52  : i32 {
      %get3A = arith.index_cast %scan3A_82 : i32 to index
      %get3A_83 = arith.constant 0 : index
      %get3A_84 = tpu.vector_load %arg9[%get3A, %get3A_83] {strides = array<i32>} : memref<40x128xi32, #tpu.memory_space<vmem>>, vector<16xi32>,
      %shift_right_logical3A = arith.constant 7 : i32
      %shift_right_logical3A_85 = vector.broadcast %shift_right_logical3A : i32 to vector<16xi32>
      %shift_right_logical3A_86 = arith.shrui %get3A_84, %shift_right_logical3A_85 : vector<16xi32>
      %and3A = arith.constant 127 : i32
      %and3A_87 = vector.broadcast %and3A : i32 to vector<16xi32>
      %and3A_88 = arith.andi %get3A_84, %and3A_87 : vector<16xi32>
      tpu.vector_store_idx %arg10[%shift_right_logical3A_86, %and3A_88], %broadcast_in_dim3A_47 {add = true} : memref<80x128xf32, #tpu.memory_space<vmem>>[vector<16xi32>, vector<16xi32>], vector<16xf32>,
      %get3A_89 = arith.index_cast %scan3A_82 : i32 to index
      %get3A_90 = arith.constant 16 : index
      %get3A_91 = tpu.vector_load %arg9[%get3A_89, %get3A_90] {strides = array<i32>} : memref<40x128xi32, #tpu.memory_space<vmem>>, vector<16xi32>,
      %shift_right_logical3A_92 = arith.constant 7 : i32
      %shift_right_logical3A_93 = vector.broadcast %shift_right_logical3A_92 : i32 to vector<16xi32>
      %shift_right_logical3A_94 = arith.shrui %get3A_91, %shift_right_logical3A_93 : vector<16xi32>
      %and3A_95 = arith.constant 127 : i32
      %and3A_96 = vector.broadcast %and3A_95 : i32 to vector<16xi32>
      %and3A_97 = arith.andi %get3A_91, %and3A_96 : vector<16xi32>
      tpu.vector_store_idx %arg10[%shift_right_logical3A_94, %and3A_97], %broadcast_in_dim3A_47 {add = true} : memref<80x128xf32, #tpu.memory_space<vmem>>[vector<16xi32>, vector<16xi32>], vector<16xf32>,
      %get3A_98 = arith.index_cast %scan3A_82 : i32 to index
      %get3A_99 = arith.constant 32 : index
      %get3A_100 = tpu.vector_load %arg9[%get3A_98, %get3A_99] {strides = array<i32>} : memref<40x128xi32, #tpu.memory_space<vmem>>, vector<16xi32>,
      %shift_right_logical3A_101 = arith.constant 7 : i32
      %shift_right_logical3A_102 = vector.broadcast %shift_right_logical3A_101 : i32 to vector<16xi32>
      %shift_right_logical3A_103 = arith.shrui %get3A_100, %shift_right_logical3A_102 : vector<16xi32>
      %and3A_104 = arith.constant 127 : i32
      %and3A_105 = vector.broadcast %and3A_104 : i32 to vector<16xi32>
      %and3A_106 = arith.andi %get3A_100, %and3A_105 : vector<16xi32>
      tpu.vector_store_idx %arg10[%shift_right_logical3A_103, %and3A_106], %broadcast_in_dim3A_47 {add = true} : memref<80x128xf32, #tpu.memory_space<vmem>>[vector<16xi32>, vector<16xi32>], vector<16xf32>,
      %get3A_107 = arith.index_cast %scan3A_82 : i32 to index
      %get3A_108 = arith.constant 48 : index
      %get3A_109 = tpu.vector_load %arg9[%get3A_107, %get3A_108] {strides = array<i32>} : memref<40x128xi32, #tpu.memory_space<vmem>>, vector<16xi32>,
      %shift_right_logical3A_110 = arith.constant 7 : i32
      %shift_right_logical3A_111 = vector.broadcast %shift_right_logical3A_110 : i32 to vector<16xi32>
      %shift_right_logical3A_112 = arith.shrui %get3A_109, %shift_right_logical3A_111 : vector<16xi32>
      %and3A_113 = arith.constant 127 : i32
      %and3A_114 = vector.broadcast %and3A_113 : i32 to vector<16xi32>
      %and3A_115 = arith.andi %get3A_109, %and3A_114 : vector<16xi32>
      tpu.vector_store_idx %arg10[%shift_right_logical3A_112, %and3A_115], %broadcast_in_dim3A_47 {add = true} : memref<80x128xf32, #tpu.memory_space<vmem>>[vector<16xi32>, vector<16xi32>], vector<16xf32>,
      %get3A_116 = arith.index_cast %scan3A_82 : i32 to index
      %get3A_117 = arith.constant 64 : index
      %get3A_118 = tpu.vector_load %arg9[%get3A_116, %get3A_117] {strides = array<i32>} : memref<40x128xi32, #tpu.memory_space<vmem>>, vector<16xi32>,
      %shift_right_logical3A_119 = arith.constant 7 : i32
      %shift_right_logical3A_120 = vector.broadcast %shift_right_logical3A_119 : i32 to vector<16xi32>
      %shift_right_logical3A_121 = arith.shrui %get3A_118, %shift_right_logical3A_120 : vector<16xi32>
      %and3A_122 = arith.constant 127 : i32
      %and3A_123 = vector.broadcast %and3A_122 : i32 to vector<16xi32>
      %and3A_124 = arith.andi %get3A_118, %and3A_123 : vector<16xi32>
      tpu.vector_store_idx %arg10[%shift_right_logical3A_121, %and3A_124], %broadcast_in_dim3A_47 {add = true} : memref<80x128xf32, #tpu.memory_space<vmem>>[vector<16xi32>, vector<16xi32>], vector<16xf32>,
      %get3A_125 = arith.index_cast %scan3A_82 : i32 to index
      %get3A_126 = arith.constant 80 : index
      %get3A_127 = tpu.vector_load %arg9[%get3A_125, %get3A_126] {strides = array<i32>} : memref<40x128xi32, #tpu.memory_space<vmem>>, vector<16xi32>,
      %shift_right_logical3A_128 = arith.constant 7 : i32
      %shift_right_logical3A_129 = vector.broadcast %shift_right_logical3A_128 : i32 to vector<16xi32>
      %shift_right_logical3A_130 = arith.shrui %get3A_127, %shift_right_logical3A_129 : vector<16xi32>
      %and3A_131 = arith.constant 127 : i32
      %and3A_132 = vector.broadcast %and3A_131 : i32 to vector<16xi32>
      %and3A_133 = arith.andi %get3A_127, %and3A_132 : vector<16xi32>
      tpu.vector_store_idx %arg10[%shift_right_logical3A_130, %and3A_133], %broadcast_in_dim3A_47 {add = true} : memref<80x128xf32, #tpu.memory_space<vmem>>[vector<16xi32>, vector<16xi32>], vector<16xf32>,
      %get3A_134 = arith.index_cast %scan3A_82 : i32 to index
      %get3A_135 = arith.constant 96 : index
      %get3A_136 = tpu.vector_load %arg9[%get3A_134, %get3A_135] {strides = array<i32>} : memref<40x128xi32, #tpu.memory_space<vmem>>, vector<16xi32>,
      %shift_right_logical3A_137 = arith.constant 7 : i32
      %shift_right_logical3A_138 = vector.broadcast %shift_right_logical3A_137 : i32 to vector<16xi32>
      %shift_right_logical3A_139 = arith.shrui %get3A_136, %shift_right_logical3A_138 : vector<16xi32>
      %and3A_140 = arith.constant 127 : i32
      %and3A_141 = vector.broadcast %and3A_140 : i32 to vector<16xi32>
      %and3A_142 = arith.andi %get3A_136, %and3A_141 : vector<16xi32>
      tpu.vector_store_idx %arg10[%shift_right_logical3A_139, %and3A_142], %broadcast_in_dim3A_47 {add = true} : memref<80x128xf32, #tpu.memory_space<vmem>>[vector<16xi32>, vector<16xi32>], vector<16xf32>,
      %get3A_143 = arith.index_cast %scan3A_82 : i32 to index
      %get3A_144 = arith.constant 112 : index
      %get3A_145 = tpu.vector_load %arg9[%get3A_143, %get3A_144] {strides = array<i32>} : memref<40x128xi32, #tpu.memory_space<vmem>>, vector<16xi32>,
      %shift_right_logical3A_146 = arith.constant 7 : i32
      %shift_right_logical3A_147 = vector.broadcast %shift_right_logical3A_146 : i32 to vector<16xi32>
      %shift_right_logical3A_148 = arith.shrui %get3A_145, %shift_right_logical3A_147 : vector<16xi32>
      %and3A_149 = arith.constant 127 : i32
      %and3A_150 = vector.broadcast %and3A_149 : i32 to vector<16xi32>
      %and3A_151 = arith.andi %get3A_145, %and3A_150 : vector<16xi32>
      tpu.vector_store_idx %arg10[%shift_right_logical3A_148, %and3A_151], %broadcast_in_dim3A_47 {add = true} : memref<80x128xf32, #tpu.memory_space<vmem>>[vector<16xi32>, vector<16xi32>], vector<16xf32>,
    }
    %scan3A_53 = arith.constant 40 : i32
    "tpu.region"() ({
      %run_scoped3A = tpu.sem_alloc : memref<!tpu.dma_semaphore, #tpu.memory_space<semaphore_mem>>
      %dma_start3A = arith.constant 0 : i32
      %dma_start3A_82 = arith.constant 0 : i32
      %dma_start3A_83 = tpu.memref_slice %arg12[%dma_start3A, %dma_start3A_82] : memref<80x128xf32, #tpu.memory_space<vmem_shared>> -> memref<80x128xf32, #tpu.memory_space<vmem_shared>>
      tpu.enqueue_indirect_dma source(%arg10 : memref<80x128xf32, #tpu.memory_space<vmem>>) target(%dma_start3A_83 : memref<80x128xf32, #tpu.memory_space<vmem_shared>>) offsets(%arg11 : memref<80xi32, #tpu.memory_space<vmem>>) semaphore(%run_scoped3A : memref<!tpu.dma_semaphore, #tpu.memory_space<semaphore_mem>>) {add = true}
      %dma_wait3A = arith.constant 0 : i32
      %dma_wait3A_84 = arith.constant 0 : i32
      %dma_wait3A_85 = tpu.memref_slice %arg12[%dma_wait3A, %dma_wait3A_84] : memref<80x128xf32, #tpu.memory_space<vmem_shared>> -> memref<80x128xf32, #tpu.memory_space<vmem_shared>>
      tpu.wait_indirect_dma semaphore(%run_scoped3A : memref<!tpu.dma_semaphore, #tpu.memory_space<semaphore_mem>>) src(%arg10 : memref<80x128xf32, #tpu.memory_space<vmem>>) dst(%dma_wait3A_85 : memref<80x128xf32, #tpu.memory_space<vmem_shared>>)
      tpu.yield
    }) : () -> ()
    %barrier3A_54 = arith.constant 0 : index
    tpu.barrier barrier_id(%barrier3A_54)
    %eq3A_55 = arith.constant 0 : i32
    %eq3A_56 = arith.cmpi eq, %arg1, %eq3A_55 : i32
    %convert_element_type3A_57 = arith.extui %eq3A_56 : i1 to i32
    %cond3A_58 = arith.constant 0 : i32
    %cond3A_59 = arith.cmpi ne, %convert_element_type3A_57, %cond3A_58 : i32
    scf.if %cond3A_59 {
      %mul3A_82 = arith.constant 80 : i32
      %mul3A_83 = arith.muli %arg0, %mul3A_82 : i32
      "tpu.region"() ({
        %run_scoped3A = tpu.sem_alloc : memref<!tpu.dma_semaphore, #tpu.memory_space<semaphore_mem>>
        %dma_start3A = arith.constant 0 : i32
        %dma_start3A_84 = tpu.memref_slice %arg7[%mul3A_83, %dma_start3A] : memref<160x128xf32, #tpu.memory_space<hbm>> -> memref<80x128xf32, #tpu.memory_space<hbm>>
        tpu.enqueue_dma source(%arg12 : memref<80x128xf32, #tpu.memory_space<vmem_shared>>) target(%dma_start3A_84 : memref<80x128xf32, #tpu.memory_space<hbm>>) target_semaphore(%run_scoped3A : memref<!tpu.dma_semaphore, #tpu.memory_space<semaphore_mem>>)
        %dma_wait3A = arith.constant 0 : i32
        %dma_wait3A_85 = tpu.memref_slice %arg7[%mul3A_83, %dma_wait3A] : memref<160x128xf32, #tpu.memory_space<hbm>> -> memref<80x128xf32, #tpu.memory_space<hbm>>
        tpu.wait_dma2 semaphore(%run_scoped3A : memref<!tpu.dma_semaphore, #tpu.memory_space<semaphore_mem>>) src(%arg12 : memref<80x128xf32, #tpu.memory_space<vmem_shared>>) dst(%dma_wait3A_85 : memref<80x128xf32, #tpu.memory_space<hbm>>)
        tpu.yield
      }) : () -> ()
    } else {
    }
    %barrier3A_60 = arith.constant 0 : index
    tpu.barrier barrier_id(%barrier3A_60)
    "tpu.region"() ({
      %run_scoped3A = tpu.sem_alloc : memref<!tpu.dma_semaphore, #tpu.memory_space<semaphore_mem>>
      %dma_start3A = arith.constant 0 : i32
      %dma_start3A_82 = arith.constant 0 : i32
      %dma_start3A_83 = tpu.memref_slice %arg4[%add3A, %dma_start3A, %dma_start3A_82] : memref<32x40x128xi32, #tpu.memory_space<hbm>> -> memref<1x40x128xi32, #tpu.memory_space<hbm>>
      %dma_start3A_84 = tpu.memref_squeeze %dma_start3A_83 : memref<1x40x128xi32, #tpu.memory_space<hbm>> -> memref<40x128xi32, #tpu.memory_space<hbm>>
      %dma_start3A_85 = arith.constant 0 : i32
      %dma_start3A_86 = arith.constant 0 : i32
      %dma_start3A_87 = tpu.memref_slice %arg4[%add3A, %dma_start3A_85, %dma_start3A_86] : memref<32x40x128xi32, #tpu.memory_space<hbm>> -> memref<1x40x128xi32, #tpu.memory_space<hbm>>
      %dma_start3A_88 = tpu.memref_squeeze %dma_start3A_87 : memref<1x40x128xi32, #tpu.memory_space<hbm>> -> memref<40x128xi32, #tpu.memory_space<hbm>>
      tpu.enqueue_dma source(%dma_start3A_88 : memref<40x128xi32, #tpu.memory_space<hbm>>) target(%arg9 : memref<40x128xi32, #tpu.memory_space<vmem>>) target_semaphore(%run_scoped3A : memref<!tpu.dma_semaphore, #tpu.memory_space<semaphore_mem>>)
      %dma_wait3A = arith.constant 0 : i32
      %dma_wait3A_89 = arith.constant 0 : i32
      %dma_wait3A_90 = tpu.memref_slice %arg4[%add3A, %dma_wait3A, %dma_wait3A_89] : memref<32x40x128xi32, #tpu.memory_space<hbm>> -> memref<1x40x128xi32, #tpu.memory_space<hbm>>
      %dma_wait3A_91 = tpu.memref_squeeze %dma_wait3A_90 : memref<1x40x128xi32, #tpu.memory_space<hbm>> -> memref<40x128xi32, #tpu.memory_space<hbm>>
      %dma_wait3A_92 = arith.constant 0 : i32
      %dma_wait3A_93 = arith.constant 0 : i32
      %dma_wait3A_94 = tpu.memref_slice %arg4[%add3A, %dma_wait3A_92, %dma_wait3A_93] : memref<32x40x128xi32, #tpu.memory_space<hbm>> -> memref<1x40x128xi32, #tpu.memory_space<hbm>>
      %dma_wait3A_95 = tpu.memref_squeeze %dma_wait3A_94 : memref<1x40x128xi32, #tpu.memory_space<hbm>> -> memref<40x128xi32, #tpu.memory_space<hbm>>
      tpu.wait_dma2 semaphore(%run_scoped3A : memref<!tpu.dma_semaphore, #tpu.memory_space<semaphore_mem>>) src(%dma_wait3A_95 : memref<40x128xi32, #tpu.memory_space<hbm>>) dst(%arg9 : memref<40x128xi32, #tpu.memory_space<vmem>>)
      tpu.yield
    }) : () -> ()
    "tpu.region"() ({
      %run_scoped3A = tpu.sem_alloc : memref<!tpu.dma_semaphore, #tpu.memory_space<semaphore_mem>>
      %dma_start3A = arith.constant 0 : i32
      %dma_start3A_82 = arith.constant 0 : i32
      %dma_start3A_83 = tpu.memref_slice %arg5[%dma_start3A, %dma_start3A_82] : memref<640x128xf32, #tpu.memory_space<hbm>> -> memref<80x128xf32, #tpu.memory_space<hbm>>
      %dma_start3A_84 = arith.constant 0 : i32
      %dma_start3A_85 = arith.constant 0 : i32
      %dma_start3A_86 = tpu.memref_slice %arg5[%dma_start3A_84, %dma_start3A_85] : memref<640x128xf32, #tpu.memory_space<hbm>> -> memref<80x128xf32, #tpu.memory_space<hbm>>
      tpu.enqueue_dma source(%dma_start3A_86 : memref<80x128xf32, #tpu.memory_space<hbm>>) target(%arg10 : memref<80x128xf32, #tpu.memory_space<vmem>>) target_semaphore(%run_scoped3A : memref<!tpu.dma_semaphore, #tpu.memory_space<semaphore_mem>>)
      %dma_wait3A = arith.constant 0 : i32
      %dma_wait3A_87 = arith.constant 0 : i32
      %dma_wait3A_88 = tpu.memref_slice %arg5[%dma_wait3A, %dma_wait3A_87] : memref<640x128xf32, #tpu.memory_space<hbm>> -> memref<80x128xf32, #tpu.memory_space<hbm>>
      %dma_wait3A_89 = arith.constant 0 : i32
      %dma_wait3A_90 = arith.constant 0 : i32
      %dma_wait3A_91 = tpu.memref_slice %arg5[%dma_wait3A_89, %dma_wait3A_90] : memref<640x128xf32, #tpu.memory_space<hbm>> -> memref<80x128xf32, #tpu.memory_space<hbm>>
      tpu.wait_dma2 semaphore(%run_scoped3A : memref<!tpu.dma_semaphore, #tpu.memory_space<semaphore_mem>>) src(%dma_wait3A_91 : memref<80x128xf32, #tpu.memory_space<hbm>>) dst(%arg10 : memref<80x128xf32, #tpu.memory_space<vmem>>)
      tpu.yield
    }) : () -> ()
    %eq3A_61 = arith.constant 0 : i32
    %eq3A_62 = arith.cmpi eq, %arg1, %eq3A_61 : i32
    %convert_element_type3A_63 = arith.extui %eq3A_62 : i1 to i32
    %cond3A_64 = arith.constant 0 : i32
    %cond3A_65 = arith.cmpi ne, %convert_element_type3A_63, %cond3A_64 : i32
    scf.if %cond3A_65 {
      "tpu.region"() ({
        %run_scoped3A = tpu.sem_alloc : memref<!tpu.dma_semaphore, #tpu.memory_space<semaphore_mem>>
        %dma_start3A = arith.constant 0 : i32
        %dma_start3A_82 = arith.constant 0 : i32
        %dma_start3A_83 = tpu.memref_slice %arg5[%dma_start3A, %dma_start3A_82] : memref<640x128xf32, #tpu.memory_space<hbm>> -> memref<80x128xf32, #tpu.memory_space<hbm>>
        tpu.enqueue_dma source(%dma_start3A_83 : memref<80x128xf32, #tpu.memory_space<hbm>>) target(%arg12 : memref<80x128xf32, #tpu.memory_space<vmem_shared>>) target_semaphore(%run_scoped3A : memref<!tpu.dma_semaphore, #tpu.memory_space<semaphore_mem>>)
        %dma_wait3A = arith.constant 0 : i32
        %dma_wait3A_84 = arith.constant 0 : i32
        %dma_wait3A_85 = tpu.memref_slice %arg5[%dma_wait3A, %dma_wait3A_84] : memref<640x128xf32, #tpu.memory_space<hbm>> -> memref<80x128xf32, #tpu.memory_space<hbm>>
        tpu.wait_dma2 semaphore(%run_scoped3A : memref<!tpu.dma_semaphore, #tpu.memory_space<semaphore_mem>>) src(%dma_wait3A_85 : memref<80x128xf32, #tpu.memory_space<hbm>>) dst(%arg12 : memref<80x128xf32, #tpu.memory_space<vmem_shared>>)
        tpu.yield
      }) : () -> ()
    } else {
    }
    %barrier3A_66 = arith.constant 0 : index
    tpu.barrier barrier_id(%barrier3A_66)
    %broadcast_in_dim3A_67 = arith.constant 1.000000e+00 : f32
    %broadcast_in_dim3A_68 = vector.broadcast %broadcast_in_dim3A_67 : f32 to vector<16xf32>
    %scan3A_69 = arith.constant 0 : i32
    %scan3A_70 = arith.constant 0 : i32
    %scan3A_71 = arith.constant 40 : i32
    %scan3A_72 = arith.addi %scan3A_70, %scan3A_71 : i32
    %scan3A_73 = arith.constant 1 : i32
    scf.for %scan3A_82 = %scan3A_70 to %scan3A_72 step %scan3A_73  : i32 {
      %get3A = arith.index_cast %scan3A_82 : i32 to index
      %get3A_83 = arith.constant 0 : index
      %get3A_84 = tpu.vector_load %arg9[%get3A, %get3A_83] {strides = array<i32>} : memref<40x128xi32, #tpu.memory_space<vmem>>, vector<16xi32>,
      %shift_right_logical3A = arith.constant 7 : i32
      %shift_right_logical3A_85 = vector.broadcast %shift_right_logical3A : i32 to vector<16xi32>
      %shift_right_logical3A_86 = arith.shrui %get3A_84, %shift_right_logical3A_85 : vector<16xi32>
      %and3A = arith.constant 127 : i32
      %and3A_87 = vector.broadcast %and3A : i32 to vector<16xi32>
      %and3A_88 = arith.andi %get3A_84, %and3A_87 : vector<16xi32>
      tpu.vector_store_idx %arg10[%shift_right_logical3A_86, %and3A_88], %broadcast_in_dim3A_68 {add = true} : memref<80x128xf32, #tpu.memory_space<vmem>>[vector<16xi32>, vector<16xi32>], vector<16xf32>,
      %get3A_89 = arith.index_cast %scan3A_82 : i32 to index
      %get3A_90 = arith.constant 16 : index
      %get3A_91 = tpu.vector_load %arg9[%get3A_89, %get3A_90] {strides = array<i32>} : memref<40x128xi32, #tpu.memory_space<vmem>>, vector<16xi32>,
      %shift_right_logical3A_92 = arith.constant 7 : i32
      %shift_right_logical3A_93 = vector.broadcast %shift_right_logical3A_92 : i32 to vector<16xi32>
      %shift_right_logical3A_94 = arith.shrui %get3A_91, %shift_right_logical3A_93 : vector<16xi32>
      %and3A_95 = arith.constant 127 : i32
      %and3A_96 = vector.broadcast %and3A_95 : i32 to vector<16xi32>
      %and3A_97 = arith.andi %get3A_91, %and3A_96 : vector<16xi32>
      tpu.vector_store_idx %arg10[%shift_right_logical3A_94, %and3A_97], %broadcast_in_dim3A_68 {add = true} : memref<80x128xf32, #tpu.memory_space<vmem>>[vector<16xi32>, vector<16xi32>], vector<16xf32>,
      %get3A_98 = arith.index_cast %scan3A_82 : i32 to index
      %get3A_99 = arith.constant 32 : index
      %get3A_100 = tpu.vector_load %arg9[%get3A_98, %get3A_99] {strides = array<i32>} : memref<40x128xi32, #tpu.memory_space<vmem>>, vector<16xi32>,
      %shift_right_logical3A_101 = arith.constant 7 : i32
      %shift_right_logical3A_102 = vector.broadcast %shift_right_logical3A_101 : i32 to vector<16xi32>
      %shift_right_logical3A_103 = arith.shrui %get3A_100, %shift_right_logical3A_102 : vector<16xi32>
      %and3A_104 = arith.constant 127 : i32
      %and3A_105 = vector.broadcast %and3A_104 : i32 to vector<16xi32>
      %and3A_106 = arith.andi %get3A_100, %and3A_105 : vector<16xi32>
      tpu.vector_store_idx %arg10[%shift_right_logical3A_103, %and3A_106], %broadcast_in_dim3A_68 {add = true} : memref<80x128xf32, #tpu.memory_space<vmem>>[vector<16xi32>, vector<16xi32>], vector<16xf32>,
      %get3A_107 = arith.index_cast %scan3A_82 : i32 to index
      %get3A_108 = arith.constant 48 : index
      %get3A_109 = tpu.vector_load %arg9[%get3A_107, %get3A_108] {strides = array<i32>} : memref<40x128xi32, #tpu.memory_space<vmem>>, vector<16xi32>,
      %shift_right_logical3A_110 = arith.constant 7 : i32
      %shift_right_logical3A_111 = vector.broadcast %shift_right_logical3A_110 : i32 to vector<16xi32>
      %shift_right_logical3A_112 = arith.shrui %get3A_109, %shift_right_logical3A_111 : vector<16xi32>
      %and3A_113 = arith.constant 127 : i32
      %and3A_114 = vector.broadcast %and3A_113 : i32 to vector<16xi32>
      %and3A_115 = arith.andi %get3A_109, %and3A_114 : vector<16xi32>
      tpu.vector_store_idx %arg10[%shift_right_logical3A_112, %and3A_115], %broadcast_in_dim3A_68 {add = true} : memref<80x128xf32, #tpu.memory_space<vmem>>[vector<16xi32>, vector<16xi32>], vector<16xf32>,
      %get3A_116 = arith.index_cast %scan3A_82 : i32 to index
      %get3A_117 = arith.constant 64 : index
      %get3A_118 = tpu.vector_load %arg9[%get3A_116, %get3A_117] {strides = array<i32>} : memref<40x128xi32, #tpu.memory_space<vmem>>, vector<16xi32>,
      %shift_right_logical3A_119 = arith.constant 7 : i32
      %shift_right_logical3A_120 = vector.broadcast %shift_right_logical3A_119 : i32 to vector<16xi32>
      %shift_right_logical3A_121 = arith.shrui %get3A_118, %shift_right_logical3A_120 : vector<16xi32>
      %and3A_122 = arith.constant 127 : i32
      %and3A_123 = vector.broadcast %and3A_122 : i32 to vector<16xi32>
      %and3A_124 = arith.andi %get3A_118, %and3A_123 : vector<16xi32>
      tpu.vector_store_idx %arg10[%shift_right_logical3A_121, %and3A_124], %broadcast_in_dim3A_68 {add = true} : memref<80x128xf32, #tpu.memory_space<vmem>>[vector<16xi32>, vector<16xi32>], vector<16xf32>,
      %get3A_125 = arith.index_cast %scan3A_82 : i32 to index
      %get3A_126 = arith.constant 80 : index
      %get3A_127 = tpu.vector_load %arg9[%get3A_125, %get3A_126] {strides = array<i32>} : memref<40x128xi32, #tpu.memory_space<vmem>>, vector<16xi32>,
      %shift_right_logical3A_128 = arith.constant 7 : i32
      %shift_right_logical3A_129 = vector.broadcast %shift_right_logical3A_128 : i32 to vector<16xi32>
      %shift_right_logical3A_130 = arith.shrui %get3A_127, %shift_right_logical3A_129 : vector<16xi32>
      %and3A_131 = arith.constant 127 : i32
      %and3A_132 = vector.broadcast %and3A_131 : i32 to vector<16xi32>
      %and3A_133 = arith.andi %get3A_127, %and3A_132 : vector<16xi32>
      tpu.vector_store_idx %arg10[%shift_right_logical3A_130, %and3A_133], %broadcast_in_dim3A_68 {add = true} : memref<80x128xf32, #tpu.memory_space<vmem>>[vector<16xi32>, vector<16xi32>], vector<16xf32>,
      %get3A_134 = arith.index_cast %scan3A_82 : i32 to index
      %get3A_135 = arith.constant 96 : index
      %get3A_136 = tpu.vector_load %arg9[%get3A_134, %get3A_135] {strides = array<i32>} : memref<40x128xi32, #tpu.memory_space<vmem>>, vector<16xi32>,
      %shift_right_logical3A_137 = arith.constant 7 : i32
      %shift_right_logical3A_138 = vector.broadcast %shift_right_logical3A_137 : i32 to vector<16xi32>
      %shift_right_logical3A_139 = arith.shrui %get3A_136, %shift_right_logical3A_138 : vector<16xi32>
      %and3A_140 = arith.constant 127 : i32
      %and3A_141 = vector.broadcast %and3A_140 : i32 to vector<16xi32>
      %and3A_142 = arith.andi %get3A_136, %and3A_141 : vector<16xi32>
      tpu.vector_store_idx %arg10[%shift_right_logical3A_139, %and3A_142], %broadcast_in_dim3A_68 {add = true} : memref<80x128xf32, #tpu.memory_space<vmem>>[vector<16xi32>, vector<16xi32>], vector<16xf32>,
      %get3A_143 = arith.index_cast %scan3A_82 : i32 to index
      %get3A_144 = arith.constant 112 : index
      %get3A_145 = tpu.vector_load %arg9[%get3A_143, %get3A_144] {strides = array<i32>} : memref<40x128xi32, #tpu.memory_space<vmem>>, vector<16xi32>,
      %shift_right_logical3A_146 = arith.constant 7 : i32
      %shift_right_logical3A_147 = vector.broadcast %shift_right_logical3A_146 : i32 to vector<16xi32>
      %shift_right_logical3A_148 = arith.shrui %get3A_145, %shift_right_logical3A_147 : vector<16xi32>
      %and3A_149 = arith.constant 127 : i32
      %and3A_150 = vector.broadcast %and3A_149 : i32 to vector<16xi32>
      %and3A_151 = arith.andi %get3A_145, %and3A_150 : vector<16xi32>
      tpu.vector_store_idx %arg10[%shift_right_logical3A_148, %and3A_151], %broadcast_in_dim3A_68 {add = true} : memref<80x128xf32, #tpu.memory_space<vmem>>[vector<16xi32>, vector<16xi32>], vector<16xf32>,
    }
    %scan3A_74 = arith.constant 40 : i32
    "tpu.region"() ({
      %run_scoped3A = tpu.sem_alloc : memref<!tpu.dma_semaphore, #tpu.memory_space<semaphore_mem>>
      %dma_start3A = arith.constant 0 : i32
      %dma_start3A_82 = arith.constant 0 : i32
      %dma_start3A_83 = tpu.memref_slice %arg12[%dma_start3A, %dma_start3A_82] : memref<80x128xf32, #tpu.memory_space<vmem_shared>> -> memref<80x128xf32, #tpu.memory_space<vmem_shared>>
      tpu.enqueue_indirect_dma source(%arg10 : memref<80x128xf32, #tpu.memory_space<vmem>>) target(%dma_start3A_83 : memref<80x128xf32, #tpu.memory_space<vmem_shared>>) offsets(%arg11 : memref<80xi32, #tpu.memory_space<vmem>>) semaphore(%run_scoped3A : memref<!tpu.dma_semaphore, #tpu.memory_space<semaphore_mem>>) {add = true}
      %dma_wait3A = arith.constant 0 : i32
      %dma_wait3A_84 = arith.constant 0 : i32
      %dma_wait3A_85 = tpu.memref_slice %arg12[%dma_wait3A, %dma_wait3A_84] : memref<80x128xf32, #tpu.memory_space<vmem_shared>> -> memref<80x128xf32, #tpu.memory_space<vmem_shared>>
      tpu.wait_indirect_dma semaphore(%run_scoped3A : memref<!tpu.dma_semaphore, #tpu.memory_space<semaphore_mem>>) src(%arg10 : memref<80x128xf32, #tpu.memory_space<vmem>>) dst(%dma_wait3A_85 : memref<80x128xf32, #tpu.memory_space<vmem_shared>>)
      tpu.yield
    }) : () -> ()
    %barrier3A_75 = arith.constant 0 : index
    tpu.barrier barrier_id(%barrier3A_75)
    %eq3A_76 = arith.constant 0 : i32
    %eq3A_77 = arith.cmpi eq, %arg1, %eq3A_76 : i32
    %convert_element_type3A_78 = arith.extui %eq3A_77 : i1 to i32
    %cond3A_79 = arith.constant 0 : i32
    %cond3A_80 = arith.cmpi ne, %convert_element_type3A_78, %cond3A_79 : i32
    scf.if %cond3A_80 {
      %mul3A_82 = arith.constant 80 : i32
      %mul3A_83 = arith.muli %arg0, %mul3A_82 : i32
      "tpu.region"() ({
        %run_scoped3A = tpu.sem_alloc : memref<!tpu.dma_semaphore, #tpu.memory_space<semaphore_mem>>
        %dma_start3A = arith.constant 0 : i32
        %dma_start3A_84 = tpu.memref_slice %arg8[%mul3A_83, %dma_start3A] : memref<160x128xf32, #tpu.memory_space<hbm>> -> memref<80x128xf32, #tpu.memory_space<hbm>>
        tpu.enqueue_dma source(%arg12 : memref<80x128xf32, #tpu.memory_space<vmem_shared>>) target(%dma_start3A_84 : memref<80x128xf32, #tpu.memory_space<hbm>>) target_semaphore(%run_scoped3A : memref<!tpu.dma_semaphore, #tpu.memory_space<semaphore_mem>>)
        %dma_wait3A = arith.constant 0 : i32
        %dma_wait3A_85 = tpu.memref_slice %arg8[%mul3A_83, %dma_wait3A] : memref<160x128xf32, #tpu.memory_space<hbm>> -> memref<80x128xf32, #tpu.memory_space<hbm>>
        tpu.wait_dma2 semaphore(%run_scoped3A : memref<!tpu.dma_semaphore, #tpu.memory_space<semaphore_mem>>) src(%arg12 : memref<80x128xf32, #tpu.memory_space<vmem_shared>>) dst(%dma_wait3A_85 : memref<80x128xf32, #tpu.memory_space<hbm>>)
        tpu.yield
      }) : () -> ()
    } else {
    }
    %barrier3A_81 = arith.constant 0 : index
    tpu.barrier barrier_id(%barrier3A_81)
    return
  }
}

#map = affine_map<(d0, d1) -> (0, 0)>
#map1 = affine_map<(d0, d1) -> (0, 0, 0)>
module attributes {stable_mosaic.version = 14 : i64} {
  func.func @_seg_body(%arg0: i32, %arg1: i32, %arg2: memref<10000x128xf32, #tpu.memory_space<hbm>>, %arg3: memref<10000x128xf32, #tpu.memory_space<hbm>>, %arg4: memref<32x40x125xi32, #tpu.memory_space<hbm>>, %arg5: memref<32x40x125xi32, #tpu.memory_space<hbm>>, %arg6: memref<32x40x125xi32, #tpu.memory_space<hbm>>, %arg7: memref<32x40x125xi32, #tpu.memory_space<hbm>>, %arg8: memref<640x128xf32, #tpu.memory_space<hbm>>, %arg9: memref<10240x128xf32, #tpu.memory_space<hbm>>, %arg10: memref<10240x128xf32, #tpu.memory_space<hbm>>, %arg11: memref<40x125xi32, #tpu.memory_space<vmem>>, %arg12: memref<40x125xi32, #tpu.memory_space<vmem>>, %arg13: memref<125x128xf32, #tpu.memory_space<vmem>>, %arg14: memref<125x128xf32, #tpu.memory_space<vmem>>, %arg15: memref<10240x128xf32, #tpu.memory_space<vmem_shared>>, %arg16: memref<!tpu.dma_semaphore, #tpu.memory_space<semaphore_mem>>, %arg17: memref<!tpu.dma_semaphore, #tpu.memory_space<semaphore_mem>>) attributes {dimension_semantics = [#tpu.dimension_semantics<core_parallel>, #tpu.dimension_semantics<subcore_parallel>], iteration_bounds = array<i64: 2, 16>, scalar_prefetch = 0 : i64, scratch_operands = 7 : i64, tpu.core_type = #tpu.core_type<sc_vector_subcore>, window_params = [{transform_indices = #map}, {transform_indices = #map}, {transform_indices = #map1}, {transform_indices = #map1}, {transform_indices = #map1}, {transform_indices = #map1}, {transform_indices = #map}, {transform_indices = #map}, {transform_indices = #map}]} {
    %mul3A = arith.constant 16 : i32
    %mul3A_0 = arith.muli %arg0, %mul3A : i32
    %add3A = arith.addi %mul3A_0, %arg1 : i32
    %mul3A_1 = arith.constant 640 : i32
    %mul3A_2 = arith.muli %arg1, %mul3A_1 : i32
    %eq3A = arith.constant 0 : i32
    %eq3A_3 = arith.cmpi eq, %arg0, %eq3A : i32
    %convert_element_type3A = arith.extui %eq3A_3 : i1 to i32
    %cond3A = arith.constant 0 : i32
    %cond3A_4 = arith.cmpi ne, %convert_element_type3A, %cond3A : i32
    scf.if %cond3A_4 {
      %dma_start3A = arith.constant 0 : i32
      %dma_start3A_10 = tpu.memref_slice %arg15[%mul3A_2, %dma_start3A] : memref<10240x128xf32, #tpu.memory_space<vmem_shared>> -> memref<640x128xf32, #tpu.memory_space<vmem_shared>>
      tpu.enqueue_dma source(%arg8 : memref<640x128xf32, #tpu.memory_space<hbm>>) target(%dma_start3A_10 : memref<640x128xf32, #tpu.memory_space<vmem_shared>>) target_semaphore(%arg17 : memref<!tpu.dma_semaphore, #tpu.memory_space<semaphore_mem>>)
      "tpu.region"() ({
        %run_scoped3A = tpu.sem_alloc : memref<!tpu.dma_semaphore, #tpu.memory_space<semaphore_mem>>
        %dma_start3A_40 = arith.constant 0 : i32
        %dma_start3A_41 = arith.constant 0 : i32
        %dma_start3A_42 = tpu.memref_slice %arg4[%arg1, %dma_start3A_40, %dma_start3A_41] : memref<32x40x125xi32, #tpu.memory_space<hbm>> -> memref<1x40x125xi32, #tpu.memory_space<hbm>>
        %dma_start3A_43 = tpu.memref_squeeze %dma_start3A_42 : memref<1x40x125xi32, #tpu.memory_space<hbm>> -> memref<40x125xi32, #tpu.memory_space<hbm>>
        %dma_start3A_44 = arith.constant 0 : i32
        %dma_start3A_45 = arith.constant 0 : i32
        %dma_start3A_46 = tpu.memref_slice %arg4[%arg1, %dma_start3A_44, %dma_start3A_45] : memref<32x40x125xi32, #tpu.memory_space<hbm>> -> memref<1x40x125xi32, #tpu.memory_space<hbm>>
        %dma_start3A_47 = tpu.memref_squeeze %dma_start3A_46 : memref<1x40x125xi32, #tpu.memory_space<hbm>> -> memref<40x125xi32, #tpu.memory_space<hbm>>
        tpu.enqueue_dma source(%dma_start3A_47 : memref<40x125xi32, #tpu.memory_space<hbm>>) target(%arg11 : memref<40x125xi32, #tpu.memory_space<vmem>>) target_semaphore(%run_scoped3A : memref<!tpu.dma_semaphore, #tpu.memory_space<semaphore_mem>>)
        %dma_wait3A_48 = arith.constant 0 : i32
        %dma_wait3A_49 = arith.constant 0 : i32
        %dma_wait3A_50 = tpu.memref_slice %arg4[%arg1, %dma_wait3A_48, %dma_wait3A_49] : memref<32x40x125xi32, #tpu.memory_space<hbm>> -> memref<1x40x125xi32, #tpu.memory_space<hbm>>
        %dma_wait3A_51 = tpu.memref_squeeze %dma_wait3A_50 : memref<1x40x125xi32, #tpu.memory_space<hbm>> -> memref<40x125xi32, #tpu.memory_space<hbm>>
        %dma_wait3A_52 = arith.constant 0 : i32
        %dma_wait3A_53 = arith.constant 0 : i32
        %dma_wait3A_54 = tpu.memref_slice %arg4[%arg1, %dma_wait3A_52, %dma_wait3A_53] : memref<32x40x125xi32, #tpu.memory_space<hbm>> -> memref<1x40x125xi32, #tpu.memory_space<hbm>>
        %dma_wait3A_55 = tpu.memref_squeeze %dma_wait3A_54 : memref<1x40x125xi32, #tpu.memory_space<hbm>> -> memref<40x125xi32, #tpu.memory_space<hbm>>
        tpu.wait_dma2 semaphore(%run_scoped3A : memref<!tpu.dma_semaphore, #tpu.memory_space<semaphore_mem>>) src(%dma_wait3A_55 : memref<40x125xi32, #tpu.memory_space<hbm>>) dst(%arg11 : memref<40x125xi32, #tpu.memory_space<vmem>>)
        tpu.yield
      }) : () -> ()
      "tpu.region"() ({
        %run_scoped3A = tpu.sem_alloc : memref<!tpu.dma_semaphore, #tpu.memory_space<semaphore_mem>>
        %dma_start3A_40 = arith.constant 0 : i32
        %dma_start3A_41 = arith.constant 0 : i32
        %dma_start3A_42 = tpu.memref_slice %arg5[%arg1, %dma_start3A_40, %dma_start3A_41] : memref<32x40x125xi32, #tpu.memory_space<hbm>> -> memref<1x40x125xi32, #tpu.memory_space<hbm>>
        %dma_start3A_43 = tpu.memref_squeeze %dma_start3A_42 : memref<1x40x125xi32, #tpu.memory_space<hbm>> -> memref<40x125xi32, #tpu.memory_space<hbm>>
        %dma_start3A_44 = arith.constant 0 : i32
        %dma_start3A_45 = arith.constant 0 : i32
        %dma_start3A_46 = tpu.memref_slice %arg5[%arg1, %dma_start3A_44, %dma_start3A_45] : memref<32x40x125xi32, #tpu.memory_space<hbm>> -> memref<1x40x125xi32, #tpu.memory_space<hbm>>
        %dma_start3A_47 = tpu.memref_squeeze %dma_start3A_46 : memref<1x40x125xi32, #tpu.memory_space<hbm>> -> memref<40x125xi32, #tpu.memory_space<hbm>>
        tpu.enqueue_dma source(%dma_start3A_47 : memref<40x125xi32, #tpu.memory_space<hbm>>) target(%arg12 : memref<40x125xi32, #tpu.memory_space<vmem>>) target_semaphore(%run_scoped3A : memref<!tpu.dma_semaphore, #tpu.memory_space<semaphore_mem>>)
        %dma_wait3A_48 = arith.constant 0 : i32
        %dma_wait3A_49 = arith.constant 0 : i32
        %dma_wait3A_50 = tpu.memref_slice %arg5[%arg1, %dma_wait3A_48, %dma_wait3A_49] : memref<32x40x125xi32, #tpu.memory_space<hbm>> -> memref<1x40x125xi32, #tpu.memory_space<hbm>>
        %dma_wait3A_51 = tpu.memref_squeeze %dma_wait3A_50 : memref<1x40x125xi32, #tpu.memory_space<hbm>> -> memref<40x125xi32, #tpu.memory_space<hbm>>
        %dma_wait3A_52 = arith.constant 0 : i32
        %dma_wait3A_53 = arith.constant 0 : i32
        %dma_wait3A_54 = tpu.memref_slice %arg5[%arg1, %dma_wait3A_52, %dma_wait3A_53] : memref<32x40x125xi32, #tpu.memory_space<hbm>> -> memref<1x40x125xi32, #tpu.memory_space<hbm>>
        %dma_wait3A_55 = tpu.memref_squeeze %dma_wait3A_54 : memref<1x40x125xi32, #tpu.memory_space<hbm>> -> memref<40x125xi32, #tpu.memory_space<hbm>>
        tpu.wait_dma2 semaphore(%run_scoped3A : memref<!tpu.dma_semaphore, #tpu.memory_space<semaphore_mem>>) src(%dma_wait3A_55 : memref<40x125xi32, #tpu.memory_space<hbm>>) dst(%arg12 : memref<40x125xi32, #tpu.memory_space<vmem>>)
        tpu.yield
      }) : () -> ()
      %dma_start3A_11 = arith.constant 0 : i32
      %dma_start3A_12 = arith.constant 0 : i32
      %dma_start3A_13 = tpu.memref_slice %arg11[%dma_start3A_11, %dma_start3A_12] : memref<40x125xi32, #tpu.memory_space<vmem>> -> memref<1x125xi32, #tpu.memory_space<vmem>>
      %dma_start3A_14 = tpu.memref_squeeze %dma_start3A_13 : memref<1x125xi32, #tpu.memory_space<vmem>> -> memref<125xi32, #tpu.memory_space<vmem>>
      %dma_start3A_15 = arith.constant 0 : i32
      %dma_start3A_16 = arith.constant 0 : i32
      %dma_start3A_17 = tpu.memref_slice %arg2[%dma_start3A_15, %dma_start3A_16] : memref<10000x128xf32, #tpu.memory_space<hbm>> -> memref<10000x128xf32, #tpu.memory_space<hbm>>
      tpu.enqueue_indirect_dma source(%dma_start3A_17 : memref<10000x128xf32, #tpu.memory_space<hbm>>) target(%arg13 : memref<125x128xf32, #tpu.memory_space<vmem>>) offsets(%dma_start3A_14 : memref<125xi32, #tpu.memory_space<vmem>>) semaphore(%arg16 : memref<!tpu.dma_semaphore, #tpu.memory_space<semaphore_mem>>)
      %dma_wait3A = arith.constant 0 : i32
      %dma_wait3A_18 = tpu.memref_slice %arg15[%mul3A_2, %dma_wait3A] : memref<10240x128xf32, #tpu.memory_space<vmem_shared>> -> memref<640x128xf32, #tpu.memory_space<vmem_shared>>
      tpu.wait_dma2 semaphore(%arg17 : memref<!tpu.dma_semaphore, #tpu.memory_space<semaphore_mem>>) src(%arg8 : memref<640x128xf32, #tpu.memory_space<hbm>>) dst(%dma_wait3A_18 : memref<640x128xf32, #tpu.memory_space<vmem_shared>>)
      %barrier3A = arith.constant 0 : index
      tpu.barrier barrier_id(%barrier3A)
      %scan3A = arith.constant 0 : i32
      %scan3A_19 = arith.constant 0 : i32
      %scan3A_20 = arith.constant 20 : i32
      %scan3A_21 = arith.addi %scan3A_19, %scan3A_20 : i32
      %scan3A_22 = arith.constant 1 : i32
      scf.for %scan3A_40 = %scan3A_19 to %scan3A_21 step %scan3A_22  : i32 {
        %mul3A_41 = arith.constant 2 : i32
        %mul3A_42 = arith.muli %mul3A_41, %scan3A_40 : i32
        %add3A_43 = arith.constant 0 : i32
        %add3A_44 = arith.addi %mul3A_42, %add3A_43 : i32
        %dma_wait3A_45 = arith.constant 0 : i32
        %dma_wait3A_46 = tpu.memref_slice %arg11[%add3A_44, %dma_wait3A_45] : memref<40x125xi32, #tpu.memory_space<vmem>> -> memref<1x125xi32, #tpu.memory_space<vmem>>
        %dma_wait3A_47 = tpu.memref_squeeze %dma_wait3A_46 : memref<1x125xi32, #tpu.memory_space<vmem>> -> memref<125xi32, #tpu.memory_space<vmem>>
        %dma_wait3A_48 = arith.constant 0 : i32
        %dma_wait3A_49 = arith.constant 0 : i32
        %dma_wait3A_50 = tpu.memref_slice %arg2[%dma_wait3A_48, %dma_wait3A_49] : memref<10000x128xf32, #tpu.memory_space<hbm>> -> memref<10000x128xf32, #tpu.memory_space<hbm>>
        tpu.wait_indirect_dma semaphore(%arg16 : memref<!tpu.dma_semaphore, #tpu.memory_space<semaphore_mem>>) src(%dma_wait3A_50 : memref<10000x128xf32, #tpu.memory_space<hbm>>) dst(%arg13 : memref<125x128xf32, #tpu.memory_space<vmem>>)
        %add3A_51 = arith.constant 1 : i32
        %add3A_52 = arith.addi %add3A_44, %add3A_51 : i32
        %lt3A = arith.constant 40 : i32
        %lt3A_53 = arith.cmpi slt, %add3A_52, %lt3A : i32
        %convert_element_type3A_54 = arith.extui %lt3A_53 : i1 to i32
        %cond3A_55 = arith.constant 0 : i32
        %cond3A_56 = arith.cmpi ne, %convert_element_type3A_54, %cond3A_55 : i32
        scf.if %cond3A_56 {
          %add3A_74 = arith.constant 1 : i32
          %add3A_75 = arith.addi %add3A_44, %add3A_74 : i32
          %dma_start3A_76 = arith.constant 0 : i32
          %dma_start3A_77 = tpu.memref_slice %arg11[%add3A_75, %dma_start3A_76] : memref<40x125xi32, #tpu.memory_space<vmem>> -> memref<1x125xi32, #tpu.memory_space<vmem>>
          %dma_start3A_78 = tpu.memref_squeeze %dma_start3A_77 : memref<1x125xi32, #tpu.memory_space<vmem>> -> memref<125xi32, #tpu.memory_space<vmem>>
          %dma_start3A_79 = arith.constant 0 : i32
          %dma_start3A_80 = arith.constant 0 : i32
          %dma_start3A_81 = tpu.memref_slice %arg2[%dma_start3A_79, %dma_start3A_80] : memref<10000x128xf32, #tpu.memory_space<hbm>> -> memref<10000x128xf32, #tpu.memory_space<hbm>>
          tpu.enqueue_indirect_dma source(%dma_start3A_81 : memref<10000x128xf32, #tpu.memory_space<hbm>>) target(%arg14 : memref<125x128xf32, #tpu.memory_space<vmem>>) offsets(%dma_start3A_78 : memref<125xi32, #tpu.memory_space<vmem>>) semaphore(%arg16 : memref<!tpu.dma_semaphore, #tpu.memory_space<semaphore_mem>>)
        } else {
        }
        "tpu.region"() ({
          %run_scoped3A = tpu.sem_alloc : memref<!tpu.dma_semaphore, #tpu.memory_space<semaphore_mem>>
          %dma_start3A_74 = arith.constant 0 : i32
          %dma_start3A_75 = tpu.memref_slice %arg12[%add3A_44, %dma_start3A_74] : memref<40x125xi32, #tpu.memory_space<vmem>> -> memref<1x125xi32, #tpu.memory_space<vmem>>
          %dma_start3A_76 = tpu.memref_squeeze %dma_start3A_75 : memref<1x125xi32, #tpu.memory_space<vmem>> -> memref<125xi32, #tpu.memory_space<vmem>>
          %dma_start3A_77 = arith.constant 0 : i32
          %dma_start3A_78 = arith.constant 0 : i32
          %dma_start3A_79 = tpu.memref_slice %arg15[%dma_start3A_77, %dma_start3A_78] : memref<10240x128xf32, #tpu.memory_space<vmem_shared>> -> memref<10240x128xf32, #tpu.memory_space<vmem_shared>>
          tpu.enqueue_indirect_dma source(%arg13 : memref<125x128xf32, #tpu.memory_space<vmem>>) target(%dma_start3A_79 : memref<10240x128xf32, #tpu.memory_space<vmem_shared>>) offsets(%dma_start3A_76 : memref<125xi32, #tpu.memory_space<vmem>>) semaphore(%run_scoped3A : memref<!tpu.dma_semaphore, #tpu.memory_space<semaphore_mem>>) {add = true}
          %dma_wait3A_80 = arith.constant 0 : i32
          %dma_wait3A_81 = tpu.memref_slice %arg12[%add3A_44, %dma_wait3A_80] : memref<40x125xi32, #tpu.memory_space<vmem>> -> memref<1x125xi32, #tpu.memory_space<vmem>>
          %dma_wait3A_82 = tpu.memref_squeeze %dma_wait3A_81 : memref<1x125xi32, #tpu.memory_space<vmem>> -> memref<125xi32, #tpu.memory_space<vmem>>
          %dma_wait3A_83 = arith.constant 0 : i32
          %dma_wait3A_84 = arith.constant 0 : i32
          %dma_wait3A_85 = tpu.memref_slice %arg15[%dma_wait3A_83, %dma_wait3A_84] : memref<10240x128xf32, #tpu.memory_space<vmem_shared>> -> memref<10240x128xf32, #tpu.memory_space<vmem_shared>>
          tpu.wait_indirect_dma semaphore(%run_scoped3A : memref<!tpu.dma_semaphore, #tpu.memory_space<semaphore_mem>>) src(%arg13 : memref<125x128xf32, #tpu.memory_space<vmem>>) dst(%dma_wait3A_85 : memref<10240x128xf32, #tpu.memory_space<vmem_shared>>)
          tpu.yield
        }) : () -> ()
        %mul3A_57 = arith.constant 2 : i32
        %mul3A_58 = arith.muli %mul3A_57, %scan3A_40 : i32
        %add3A_59 = arith.constant 1 : i32
        %add3A_60 = arith.addi %mul3A_58, %add3A_59 : i32
        %dma_wait3A_61 = arith.constant 0 : i32
        %dma_wait3A_62 = tpu.memref_slice %arg11[%add3A_60, %dma_wait3A_61] : memref<40x125xi32, #tpu.memory_space<vmem>> -> memref<1x125xi32, #tpu.memory_space<vmem>>
        %dma_wait3A_63 = tpu.memref_squeeze %dma_wait3A_62 : memref<1x125xi32, #tpu.memory_space<vmem>> -> memref<125xi32, #tpu.memory_space<vmem>>
        %dma_wait3A_64 = arith.constant 0 : i32
        %dma_wait3A_65 = arith.constant 0 : i32
        %dma_wait3A_66 = tpu.memref_slice %arg2[%dma_wait3A_64, %dma_wait3A_65] : memref<10000x128xf32, #tpu.memory_space<hbm>> -> memref<10000x128xf32, #tpu.memory_space<hbm>>
        tpu.wait_indirect_dma semaphore(%arg16 : memref<!tpu.dma_semaphore, #tpu.memory_space<semaphore_mem>>) src(%dma_wait3A_66 : memref<10000x128xf32, #tpu.memory_space<hbm>>) dst(%arg14 : memref<125x128xf32, #tpu.memory_space<vmem>>)
        %add3A_67 = arith.constant 1 : i32
        %add3A_68 = arith.addi %add3A_60, %add3A_67 : i32
        %lt3A_69 = arith.constant 40 : i32
        %lt3A_70 = arith.cmpi slt, %add3A_68, %lt3A_69 : i32
        %convert_element_type3A_71 = arith.extui %lt3A_70 : i1 to i32
        %cond3A_72 = arith.constant 0 : i32
        %cond3A_73 = arith.cmpi ne, %convert_element_type3A_71, %cond3A_72 : i32
        scf.if %cond3A_73 {
          %add3A_74 = arith.constant 1 : i32
          %add3A_75 = arith.addi %add3A_60, %add3A_74 : i32
          %dma_start3A_76 = arith.constant 0 : i32
          %dma_start3A_77 = tpu.memref_slice %arg11[%add3A_75, %dma_start3A_76] : memref<40x125xi32, #tpu.memory_space<vmem>> -> memref<1x125xi32, #tpu.memory_space<vmem>>
          %dma_start3A_78 = tpu.memref_squeeze %dma_start3A_77 : memref<1x125xi32, #tpu.memory_space<vmem>> -> memref<125xi32, #tpu.memory_space<vmem>>
          %dma_start3A_79 = arith.constant 0 : i32
          %dma_start3A_80 = arith.constant 0 : i32
          %dma_start3A_81 = tpu.memref_slice %arg2[%dma_start3A_79, %dma_start3A_80] : memref<10000x128xf32, #tpu.memory_space<hbm>> -> memref<10000x128xf32, #tpu.memory_space<hbm>>
          tpu.enqueue_indirect_dma source(%dma_start3A_81 : memref<10000x128xf32, #tpu.memory_space<hbm>>) target(%arg13 : memref<125x128xf32, #tpu.memory_space<vmem>>) offsets(%dma_start3A_78 : memref<125xi32, #tpu.memory_space<vmem>>) semaphore(%arg16 : memref<!tpu.dma_semaphore, #tpu.memory_space<semaphore_mem>>)
        } else {
        }
        "tpu.region"() ({
          %run_scoped3A = tpu.sem_alloc : memref<!tpu.dma_semaphore, #tpu.memory_space<semaphore_mem>>
          %dma_start3A_74 = arith.constant 0 : i32
          %dma_start3A_75 = tpu.memref_slice %arg12[%add3A_60, %dma_start3A_74] : memref<40x125xi32, #tpu.memory_space<vmem>> -> memref<1x125xi32, #tpu.memory_space<vmem>>
          %dma_start3A_76 = tpu.memref_squeeze %dma_start3A_75 : memref<1x125xi32, #tpu.memory_space<vmem>> -> memref<125xi32, #tpu.memory_space<vmem>>
          %dma_start3A_77 = arith.constant 0 : i32
          %dma_start3A_78 = arith.constant 0 : i32
          %dma_start3A_79 = tpu.memref_slice %arg15[%dma_start3A_77, %dma_start3A_78] : memref<10240x128xf32, #tpu.memory_space<vmem_shared>> -> memref<10240x128xf32, #tpu.memory_space<vmem_shared>>
          tpu.enqueue_indirect_dma source(%arg14 : memref<125x128xf32, #tpu.memory_space<vmem>>) target(%dma_start3A_79 : memref<10240x128xf32, #tpu.memory_space<vmem_shared>>) offsets(%dma_start3A_76 : memref<125xi32, #tpu.memory_space<vmem>>) semaphore(%run_scoped3A : memref<!tpu.dma_semaphore, #tpu.memory_space<semaphore_mem>>) {add = true}
          %dma_wait3A_80 = arith.constant 0 : i32
          %dma_wait3A_81 = tpu.memref_slice %arg12[%add3A_60, %dma_wait3A_80] : memref<40x125xi32, #tpu.memory_space<vmem>> -> memref<1x125xi32, #tpu.memory_space<vmem>>
          %dma_wait3A_82 = tpu.memref_squeeze %dma_wait3A_81 : memref<1x125xi32, #tpu.memory_space<vmem>> -> memref<125xi32, #tpu.memory_space<vmem>>
          %dma_wait3A_83 = arith.constant 0 : i32
          %dma_wait3A_84 = arith.constant 0 : i32
          %dma_wait3A_85 = tpu.memref_slice %arg15[%dma_wait3A_83, %dma_wait3A_84] : memref<10240x128xf32, #tpu.memory_space<vmem_shared>> -> memref<10240x128xf32, #tpu.memory_space<vmem_shared>>
          tpu.wait_indirect_dma semaphore(%run_scoped3A : memref<!tpu.dma_semaphore, #tpu.memory_space<semaphore_mem>>) src(%arg14 : memref<125x128xf32, #tpu.memory_space<vmem>>) dst(%dma_wait3A_85 : memref<10240x128xf32, #tpu.memory_space<vmem_shared>>)
          tpu.yield
        }) : () -> ()
      }
      %scan3A_23 = arith.constant 20 : i32
      %add3A_24 = arith.constant 16 : i32
      %add3A_25 = arith.addi %arg1, %add3A_24 : i32
      "tpu.region"() ({
        %run_scoped3A = tpu.sem_alloc : memref<!tpu.dma_semaphore, #tpu.memory_space<semaphore_mem>>
        %dma_start3A_40 = arith.constant 0 : i32
        %dma_start3A_41 = arith.constant 0 : i32
        %dma_start3A_42 = tpu.memref_slice %arg4[%add3A_25, %dma_start3A_40, %dma_start3A_41] : memref<32x40x125xi32, #tpu.memory_space<hbm>> -> memref<1x40x125xi32, #tpu.memory_space<hbm>>
        %dma_start3A_43 = tpu.memref_squeeze %dma_start3A_42 : memref<1x40x125xi32, #tpu.memory_space<hbm>> -> memref<40x125xi32, #tpu.memory_space<hbm>>
        %dma_start3A_44 = arith.constant 0 : i32
        %dma_start3A_45 = arith.constant 0 : i32
        %dma_start3A_46 = tpu.memref_slice %arg4[%add3A_25, %dma_start3A_44, %dma_start3A_45] : memref<32x40x125xi32, #tpu.memory_space<hbm>> -> memref<1x40x125xi32, #tpu.memory_space<hbm>>
        %dma_start3A_47 = tpu.memref_squeeze %dma_start3A_46 : memref<1x40x125xi32, #tpu.memory_space<hbm>> -> memref<40x125xi32, #tpu.memory_space<hbm>>
        tpu.enqueue_dma source(%dma_start3A_47 : memref<40x125xi32, #tpu.memory_space<hbm>>) target(%arg11 : memref<40x125xi32, #tpu.memory_space<vmem>>) target_semaphore(%run_scoped3A : memref<!tpu.dma_semaphore, #tpu.memory_space<semaphore_mem>>)
        %dma_wait3A_48 = arith.constant 0 : i32
        %dma_wait3A_49 = arith.constant 0 : i32
        %dma_wait3A_50 = tpu.memref_slice %arg4[%add3A_25, %dma_wait3A_48, %dma_wait3A_49] : memref<32x40x125xi32, #tpu.memory_space<hbm>> -> memref<1x40x125xi32, #tpu.memory_space<hbm>>
        %dma_wait3A_51 = tpu.memref_squeeze %dma_wait3A_50 : memref<1x40x125xi32, #tpu.memory_space<hbm>> -> memref<40x125xi32, #tpu.memory_space<hbm>>
        %dma_wait3A_52 = arith.constant 0 : i32
        %dma_wait3A_53 = arith.constant 0 : i32
        %dma_wait3A_54 = tpu.memref_slice %arg4[%add3A_25, %dma_wait3A_52, %dma_wait3A_53] : memref<32x40x125xi32, #tpu.memory_space<hbm>> -> memref<1x40x125xi32, #tpu.memory_space<hbm>>
        %dma_wait3A_55 = tpu.memref_squeeze %dma_wait3A_54 : memref<1x40x125xi32, #tpu.memory_space<hbm>> -> memref<40x125xi32, #tpu.memory_space<hbm>>
        tpu.wait_dma2 semaphore(%run_scoped3A : memref<!tpu.dma_semaphore, #tpu.memory_space<semaphore_mem>>) src(%dma_wait3A_55 : memref<40x125xi32, #tpu.memory_space<hbm>>) dst(%arg11 : memref<40x125xi32, #tpu.memory_space<vmem>>)
        tpu.yield
      }) : () -> ()
      "tpu.region"() ({
        %run_scoped3A = tpu.sem_alloc : memref<!tpu.dma_semaphore, #tpu.memory_space<semaphore_mem>>
        %dma_start3A_40 = arith.constant 0 : i32
        %dma_start3A_41 = arith.constant 0 : i32
        %dma_start3A_42 = tpu.memref_slice %arg5[%add3A_25, %dma_start3A_40, %dma_start3A_41] : memref<32x40x125xi32, #tpu.memory_space<hbm>> -> memref<1x40x125xi32, #tpu.memory_space<hbm>>
        %dma_start3A_43 = tpu.memref_squeeze %dma_start3A_42 : memref<1x40x125xi32, #tpu.memory_space<hbm>> -> memref<40x125xi32, #tpu.memory_space<hbm>>
        %dma_start3A_44 = arith.constant 0 : i32
        %dma_start3A_45 = arith.constant 0 : i32
        %dma_start3A_46 = tpu.memref_slice %arg5[%add3A_25, %dma_start3A_44, %dma_start3A_45] : memref<32x40x125xi32, #tpu.memory_space<hbm>> -> memref<1x40x125xi32, #tpu.memory_space<hbm>>
        %dma_start3A_47 = tpu.memref_squeeze %dma_start3A_46 : memref<1x40x125xi32, #tpu.memory_space<hbm>> -> memref<40x125xi32, #tpu.memory_space<hbm>>
        tpu.enqueue_dma source(%dma_start3A_47 : memref<40x125xi32, #tpu.memory_space<hbm>>) target(%arg12 : memref<40x125xi32, #tpu.memory_space<vmem>>) target_semaphore(%run_scoped3A : memref<!tpu.dma_semaphore, #tpu.memory_space<semaphore_mem>>)
        %dma_wait3A_48 = arith.constant 0 : i32
        %dma_wait3A_49 = arith.constant 0 : i32
        %dma_wait3A_50 = tpu.memref_slice %arg5[%add3A_25, %dma_wait3A_48, %dma_wait3A_49] : memref<32x40x125xi32, #tpu.memory_space<hbm>> -> memref<1x40x125xi32, #tpu.memory_space<hbm>>
        %dma_wait3A_51 = tpu.memref_squeeze %dma_wait3A_50 : memref<1x40x125xi32, #tpu.memory_space<hbm>> -> memref<40x125xi32, #tpu.memory_space<hbm>>
        %dma_wait3A_52 = arith.constant 0 : i32
        %dma_wait3A_53 = arith.constant 0 : i32
        %dma_wait3A_54 = tpu.memref_slice %arg5[%add3A_25, %dma_wait3A_52, %dma_wait3A_53] : memref<32x40x125xi32, #tpu.memory_space<hbm>> -> memref<1x40x125xi32, #tpu.memory_space<hbm>>
        %dma_wait3A_55 = tpu.memref_squeeze %dma_wait3A_54 : memref<1x40x125xi32, #tpu.memory_space<hbm>> -> memref<40x125xi32, #tpu.memory_space<hbm>>
        tpu.wait_dma2 semaphore(%run_scoped3A : memref<!tpu.dma_semaphore, #tpu.memory_space<semaphore_mem>>) src(%dma_wait3A_55 : memref<40x125xi32, #tpu.memory_space<hbm>>) dst(%arg12 : memref<40x125xi32, #tpu.memory_space<vmem>>)
        tpu.yield
      }) : () -> ()
      %dma_start3A_26 = arith.constant 0 : i32
      %dma_start3A_27 = arith.constant 0 : i32
      %dma_start3A_28 = tpu.memref_slice %arg11[%dma_start3A_26, %dma_start3A_27] : memref<40x125xi32, #tpu.memory_space<vmem>> -> memref<1x125xi32, #tpu.memory_space<vmem>>
      %dma_start3A_29 = tpu.memref_squeeze %dma_start3A_28 : memref<1x125xi32, #tpu.memory_space<vmem>> -> memref<125xi32, #tpu.memory_space<vmem>>
      %dma_start3A_30 = arith.constant 0 : i32
      %dma_start3A_31 = arith.constant 0 : i32
      %dma_start3A_32 = tpu.memref_slice %arg2[%dma_start3A_30, %dma_start3A_31] : memref<10000x128xf32, #tpu.memory_space<hbm>> -> memref<10000x128xf32, #tpu.memory_space<hbm>>
      tpu.enqueue_indirect_dma source(%dma_start3A_32 : memref<10000x128xf32, #tpu.memory_space<hbm>>) target(%arg13 : memref<125x128xf32, #tpu.memory_space<vmem>>) offsets(%dma_start3A_29 : memref<125xi32, #tpu.memory_space<vmem>>) semaphore(%arg16 : memref<!tpu.dma_semaphore, #tpu.memory_space<semaphore_mem>>)
      %scan3A_33 = arith.constant 0 : i32
      %scan3A_34 = arith.constant 0 : i32
      %scan3A_35 = arith.constant 20 : i32
      %scan3A_36 = arith.addi %scan3A_34, %scan3A_35 : i32
      %scan3A_37 = arith.constant 1 : i32
      scf.for %scan3A_40 = %scan3A_34 to %scan3A_36 step %scan3A_37  : i32 {
        %mul3A_41 = arith.constant 2 : i32
        %mul3A_42 = arith.muli %mul3A_41, %scan3A_40 : i32
        %add3A_43 = arith.constant 0 : i32
        %add3A_44 = arith.addi %mul3A_42, %add3A_43 : i32
        %dma_wait3A_45 = arith.constant 0 : i32
        %dma_wait3A_46 = tpu.memref_slice %arg11[%add3A_44, %dma_wait3A_45] : memref<40x125xi32, #tpu.memory_space<vmem>> -> memref<1x125xi32, #tpu.memory_space<vmem>>
        %dma_wait3A_47 = tpu.memref_squeeze %dma_wait3A_46 : memref<1x125xi32, #tpu.memory_space<vmem>> -> memref<125xi32, #tpu.memory_space<vmem>>
        %dma_wait3A_48 = arith.constant 0 : i32
        %dma_wait3A_49 = arith.constant 0 : i32
        %dma_wait3A_50 = tpu.memref_slice %arg2[%dma_wait3A_48, %dma_wait3A_49] : memref<10000x128xf32, #tpu.memory_space<hbm>> -> memref<10000x128xf32, #tpu.memory_space<hbm>>
        tpu.wait_indirect_dma semaphore(%arg16 : memref<!tpu.dma_semaphore, #tpu.memory_space<semaphore_mem>>) src(%dma_wait3A_50 : memref<10000x128xf32, #tpu.memory_space<hbm>>) dst(%arg13 : memref<125x128xf32, #tpu.memory_space<vmem>>)
        %add3A_51 = arith.constant 1 : i32
        %add3A_52 = arith.addi %add3A_44, %add3A_51 : i32
        %lt3A = arith.constant 40 : i32
        %lt3A_53 = arith.cmpi slt, %add3A_52, %lt3A : i32
        %convert_element_type3A_54 = arith.extui %lt3A_53 : i1 to i32
        %cond3A_55 = arith.constant 0 : i32
        %cond3A_56 = arith.cmpi ne, %convert_element_type3A_54, %cond3A_55 : i32
        scf.if %cond3A_56 {
          %add3A_74 = arith.constant 1 : i32
          %add3A_75 = arith.addi %add3A_44, %add3A_74 : i32
          %dma_start3A_76 = arith.constant 0 : i32
          %dma_start3A_77 = tpu.memref_slice %arg11[%add3A_75, %dma_start3A_76] : memref<40x125xi32, #tpu.memory_space<vmem>> -> memref<1x125xi32, #tpu.memory_space<vmem>>
          %dma_start3A_78 = tpu.memref_squeeze %dma_start3A_77 : memref<1x125xi32, #tpu.memory_space<vmem>> -> memref<125xi32, #tpu.memory_space<vmem>>
          %dma_start3A_79 = arith.constant 0 : i32
          %dma_start3A_80 = arith.constant 0 : i32
          %dma_start3A_81 = tpu.memref_slice %arg2[%dma_start3A_79, %dma_start3A_80] : memref<10000x128xf32, #tpu.memory_space<hbm>> -> memref<10000x128xf32, #tpu.memory_space<hbm>>
          tpu.enqueue_indirect_dma source(%dma_start3A_81 : memref<10000x128xf32, #tpu.memory_space<hbm>>) target(%arg14 : memref<125x128xf32, #tpu.memory_space<vmem>>) offsets(%dma_start3A_78 : memref<125xi32, #tpu.memory_space<vmem>>) semaphore(%arg16 : memref<!tpu.dma_semaphore, #tpu.memory_space<semaphore_mem>>)
        } else {
        }
        "tpu.region"() ({
          %run_scoped3A = tpu.sem_alloc : memref<!tpu.dma_semaphore, #tpu.memory_space<semaphore_mem>>
          %dma_start3A_74 = arith.constant 0 : i32
          %dma_start3A_75 = tpu.memref_slice %arg12[%add3A_44, %dma_start3A_74] : memref<40x125xi32, #tpu.memory_space<vmem>> -> memref<1x125xi32, #tpu.memory_space<vmem>>
          %dma_start3A_76 = tpu.memref_squeeze %dma_start3A_75 : memref<1x125xi32, #tpu.memory_space<vmem>> -> memref<125xi32, #tpu.memory_space<vmem>>
          %dma_start3A_77 = arith.constant 0 : i32
          %dma_start3A_78 = arith.constant 0 : i32
          %dma_start3A_79 = tpu.memref_slice %arg15[%dma_start3A_77, %dma_start3A_78] : memref<10240x128xf32, #tpu.memory_space<vmem_shared>> -> memref<10240x128xf32, #tpu.memory_space<vmem_shared>>
          tpu.enqueue_indirect_dma source(%arg13 : memref<125x128xf32, #tpu.memory_space<vmem>>) target(%dma_start3A_79 : memref<10240x128xf32, #tpu.memory_space<vmem_shared>>) offsets(%dma_start3A_76 : memref<125xi32, #tpu.memory_space<vmem>>) semaphore(%run_scoped3A : memref<!tpu.dma_semaphore, #tpu.memory_space<semaphore_mem>>) {add = true}
          %dma_wait3A_80 = arith.constant 0 : i32
          %dma_wait3A_81 = tpu.memref_slice %arg12[%add3A_44, %dma_wait3A_80] : memref<40x125xi32, #tpu.memory_space<vmem>> -> memref<1x125xi32, #tpu.memory_space<vmem>>
          %dma_wait3A_82 = tpu.memref_squeeze %dma_wait3A_81 : memref<1x125xi32, #tpu.memory_space<vmem>> -> memref<125xi32, #tpu.memory_space<vmem>>
          %dma_wait3A_83 = arith.constant 0 : i32
          %dma_wait3A_84 = arith.constant 0 : i32
          %dma_wait3A_85 = tpu.memref_slice %arg15[%dma_wait3A_83, %dma_wait3A_84] : memref<10240x128xf32, #tpu.memory_space<vmem_shared>> -> memref<10240x128xf32, #tpu.memory_space<vmem_shared>>
          tpu.wait_indirect_dma semaphore(%run_scoped3A : memref<!tpu.dma_semaphore, #tpu.memory_space<semaphore_mem>>) src(%arg13 : memref<125x128xf32, #tpu.memory_space<vmem>>) dst(%dma_wait3A_85 : memref<10240x128xf32, #tpu.memory_space<vmem_shared>>)
          tpu.yield
        }) : () -> ()
        %mul3A_57 = arith.constant 2 : i32
        %mul3A_58 = arith.muli %mul3A_57, %scan3A_40 : i32
        %add3A_59 = arith.constant 1 : i32
        %add3A_60 = arith.addi %mul3A_58, %add3A_59 : i32
        %dma_wait3A_61 = arith.constant 0 : i32
        %dma_wait3A_62 = tpu.memref_slice %arg11[%add3A_60, %dma_wait3A_61] : memref<40x125xi32, #tpu.memory_space<vmem>> -> memref<1x125xi32, #tpu.memory_space<vmem>>
        %dma_wait3A_63 = tpu.memref_squeeze %dma_wait3A_62 : memref<1x125xi32, #tpu.memory_space<vmem>> -> memref<125xi32, #tpu.memory_space<vmem>>
        %dma_wait3A_64 = arith.constant 0 : i32
        %dma_wait3A_65 = arith.constant 0 : i32
        %dma_wait3A_66 = tpu.memref_slice %arg2[%dma_wait3A_64, %dma_wait3A_65] : memref<10000x128xf32, #tpu.memory_space<hbm>> -> memref<10000x128xf32, #tpu.memory_space<hbm>>
        tpu.wait_indirect_dma semaphore(%arg16 : memref<!tpu.dma_semaphore, #tpu.memory_space<semaphore_mem>>) src(%dma_wait3A_66 : memref<10000x128xf32, #tpu.memory_space<hbm>>) dst(%arg14 : memref<125x128xf32, #tpu.memory_space<vmem>>)
        %add3A_67 = arith.constant 1 : i32
        %add3A_68 = arith.addi %add3A_60, %add3A_67 : i32
        %lt3A_69 = arith.constant 40 : i32
        %lt3A_70 = arith.cmpi slt, %add3A_68, %lt3A_69 : i32
        %convert_element_type3A_71 = arith.extui %lt3A_70 : i1 to i32
        %cond3A_72 = arith.constant 0 : i32
        %cond3A_73 = arith.cmpi ne, %convert_element_type3A_71, %cond3A_72 : i32
        scf.if %cond3A_73 {
          %add3A_74 = arith.constant 1 : i32
          %add3A_75 = arith.addi %add3A_60, %add3A_74 : i32
          %dma_start3A_76 = arith.constant 0 : i32
          %dma_start3A_77 = tpu.memref_slice %arg11[%add3A_75, %dma_start3A_76] : memref<40x125xi32, #tpu.memory_space<vmem>> -> memref<1x125xi32, #tpu.memory_space<vmem>>
          %dma_start3A_78 = tpu.memref_squeeze %dma_start3A_77 : memref<1x125xi32, #tpu.memory_space<vmem>> -> memref<125xi32, #tpu.memory_space<vmem>>
          %dma_start3A_79 = arith.constant 0 : i32
          %dma_start3A_80 = arith.constant 0 : i32
          %dma_start3A_81 = tpu.memref_slice %arg2[%dma_start3A_79, %dma_start3A_80] : memref<10000x128xf32, #tpu.memory_space<hbm>> -> memref<10000x128xf32, #tpu.memory_space<hbm>>
          tpu.enqueue_indirect_dma source(%dma_start3A_81 : memref<10000x128xf32, #tpu.memory_space<hbm>>) target(%arg13 : memref<125x128xf32, #tpu.memory_space<vmem>>) offsets(%dma_start3A_78 : memref<125xi32, #tpu.memory_space<vmem>>) semaphore(%arg16 : memref<!tpu.dma_semaphore, #tpu.memory_space<semaphore_mem>>)
        } else {
        }
        "tpu.region"() ({
          %run_scoped3A = tpu.sem_alloc : memref<!tpu.dma_semaphore, #tpu.memory_space<semaphore_mem>>
          %dma_start3A_74 = arith.constant 0 : i32
          %dma_start3A_75 = tpu.memref_slice %arg12[%add3A_60, %dma_start3A_74] : memref<40x125xi32, #tpu.memory_space<vmem>> -> memref<1x125xi32, #tpu.memory_space<vmem>>
          %dma_start3A_76 = tpu.memref_squeeze %dma_start3A_75 : memref<1x125xi32, #tpu.memory_space<vmem>> -> memref<125xi32, #tpu.memory_space<vmem>>
          %dma_start3A_77 = arith.constant 0 : i32
          %dma_start3A_78 = arith.constant 0 : i32
          %dma_start3A_79 = tpu.memref_slice %arg15[%dma_start3A_77, %dma_start3A_78] : memref<10240x128xf32, #tpu.memory_space<vmem_shared>> -> memref<10240x128xf32, #tpu.memory_space<vmem_shared>>
          tpu.enqueue_indirect_dma source(%arg14 : memref<125x128xf32, #tpu.memory_space<vmem>>) target(%dma_start3A_79 : memref<10240x128xf32, #tpu.memory_space<vmem_shared>>) offsets(%dma_start3A_76 : memref<125xi32, #tpu.memory_space<vmem>>) semaphore(%run_scoped3A : memref<!tpu.dma_semaphore, #tpu.memory_space<semaphore_mem>>) {add = true}
          %dma_wait3A_80 = arith.constant 0 : i32
          %dma_wait3A_81 = tpu.memref_slice %arg12[%add3A_60, %dma_wait3A_80] : memref<40x125xi32, #tpu.memory_space<vmem>> -> memref<1x125xi32, #tpu.memory_space<vmem>>
          %dma_wait3A_82 = tpu.memref_squeeze %dma_wait3A_81 : memref<1x125xi32, #tpu.memory_space<vmem>> -> memref<125xi32, #tpu.memory_space<vmem>>
          %dma_wait3A_83 = arith.constant 0 : i32
          %dma_wait3A_84 = arith.constant 0 : i32
          %dma_wait3A_85 = tpu.memref_slice %arg15[%dma_wait3A_83, %dma_wait3A_84] : memref<10240x128xf32, #tpu.memory_space<vmem_shared>> -> memref<10240x128xf32, #tpu.memory_space<vmem_shared>>
          tpu.wait_indirect_dma semaphore(%run_scoped3A : memref<!tpu.dma_semaphore, #tpu.memory_space<semaphore_mem>>) src(%arg14 : memref<125x128xf32, #tpu.memory_space<vmem>>) dst(%dma_wait3A_85 : memref<10240x128xf32, #tpu.memory_space<vmem_shared>>)
          tpu.yield
        }) : () -> ()
      }
      %scan3A_38 = arith.constant 20 : i32
      %barrier3A_39 = arith.constant 0 : index
      tpu.barrier barrier_id(%barrier3A_39)
      "tpu.region"() ({
        %run_scoped3A = tpu.sem_alloc : memref<!tpu.dma_semaphore, #tpu.memory_space<semaphore_mem>>
        %dma_start3A_40 = arith.constant 0 : i32
        %dma_start3A_41 = tpu.memref_slice %arg9[%mul3A_2, %dma_start3A_40] : memref<10240x128xf32, #tpu.memory_space<hbm>> -> memref<640x128xf32, #tpu.memory_space<hbm>>
        %dma_start3A_42 = arith.constant 0 : i32
        %dma_start3A_43 = tpu.memref_slice %arg15[%mul3A_2, %dma_start3A_42] : memref<10240x128xf32, #tpu.memory_space<vmem_shared>> -> memref<640x128xf32, #tpu.memory_space<vmem_shared>>
        tpu.enqueue_dma source(%dma_start3A_43 : memref<640x128xf32, #tpu.memory_space<vmem_shared>>) target(%dma_start3A_41 : memref<640x128xf32, #tpu.memory_space<hbm>>) target_semaphore(%run_scoped3A : memref<!tpu.dma_semaphore, #tpu.memory_space<semaphore_mem>>)
        %dma_wait3A_44 = arith.constant 0 : i32
        %dma_wait3A_45 = tpu.memref_slice %arg9[%mul3A_2, %dma_wait3A_44] : memref<10240x128xf32, #tpu.memory_space<hbm>> -> memref<640x128xf32, #tpu.memory_space<hbm>>
        %dma_wait3A_46 = arith.constant 0 : i32
        %dma_wait3A_47 = tpu.memref_slice %arg15[%mul3A_2, %dma_wait3A_46] : memref<10240x128xf32, #tpu.memory_space<vmem_shared>> -> memref<640x128xf32, #tpu.memory_space<vmem_shared>>
        tpu.wait_dma2 semaphore(%run_scoped3A : memref<!tpu.dma_semaphore, #tpu.memory_space<semaphore_mem>>) src(%dma_wait3A_47 : memref<640x128xf32, #tpu.memory_space<vmem_shared>>) dst(%dma_wait3A_45 : memref<640x128xf32, #tpu.memory_space<hbm>>)
        tpu.yield
      }) : () -> ()
    } else {
    }
    %eq3A_5 = arith.constant 1 : i32
    %eq3A_6 = arith.cmpi eq, %arg0, %eq3A_5 : i32
    %convert_element_type3A_7 = arith.extui %eq3A_6 : i1 to i32
    %cond3A_8 = arith.constant 0 : i32
    %cond3A_9 = arith.cmpi ne, %convert_element_type3A_7, %cond3A_8 : i32
    scf.if %cond3A_9 {
      %dma_start3A = arith.constant 0 : i32
      %dma_start3A_10 = tpu.memref_slice %arg15[%mul3A_2, %dma_start3A] : memref<10240x128xf32, #tpu.memory_space<vmem_shared>> -> memref<640x128xf32, #tpu.memory_space<vmem_shared>>
      tpu.enqueue_dma source(%arg8 : memref<640x128xf32, #tpu.memory_space<hbm>>) target(%dma_start3A_10 : memref<640x128xf32, #tpu.memory_space<vmem_shared>>) target_semaphore(%arg17 : memref<!tpu.dma_semaphore, #tpu.memory_space<semaphore_mem>>)
      "tpu.region"() ({
        %run_scoped3A = tpu.sem_alloc : memref<!tpu.dma_semaphore, #tpu.memory_space<semaphore_mem>>
        %dma_start3A_40 = arith.constant 0 : i32
        %dma_start3A_41 = arith.constant 0 : i32
        %dma_start3A_42 = tpu.memref_slice %arg6[%arg1, %dma_start3A_40, %dma_start3A_41] : memref<32x40x125xi32, #tpu.memory_space<hbm>> -> memref<1x40x125xi32, #tpu.memory_space<hbm>>
        %dma_start3A_43 = tpu.memref_squeeze %dma_start3A_42 : memref<1x40x125xi32, #tpu.memory_space<hbm>> -> memref<40x125xi32, #tpu.memory_space<hbm>>
        %dma_start3A_44 = arith.constant 0 : i32
        %dma_start3A_45 = arith.constant 0 : i32
        %dma_start3A_46 = tpu.memref_slice %arg6[%arg1, %dma_start3A_44, %dma_start3A_45] : memref<32x40x125xi32, #tpu.memory_space<hbm>> -> memref<1x40x125xi32, #tpu.memory_space<hbm>>
        %dma_start3A_47 = tpu.memref_squeeze %dma_start3A_46 : memref<1x40x125xi32, #tpu.memory_space<hbm>> -> memref<40x125xi32, #tpu.memory_space<hbm>>
        tpu.enqueue_dma source(%dma_start3A_47 : memref<40x125xi32, #tpu.memory_space<hbm>>) target(%arg11 : memref<40x125xi32, #tpu.memory_space<vmem>>) target_semaphore(%run_scoped3A : memref<!tpu.dma_semaphore, #tpu.memory_space<semaphore_mem>>)
        %dma_wait3A_48 = arith.constant 0 : i32
        %dma_wait3A_49 = arith.constant 0 : i32
        %dma_wait3A_50 = tpu.memref_slice %arg6[%arg1, %dma_wait3A_48, %dma_wait3A_49] : memref<32x40x125xi32, #tpu.memory_space<hbm>> -> memref<1x40x125xi32, #tpu.memory_space<hbm>>
        %dma_wait3A_51 = tpu.memref_squeeze %dma_wait3A_50 : memref<1x40x125xi32, #tpu.memory_space<hbm>> -> memref<40x125xi32, #tpu.memory_space<hbm>>
        %dma_wait3A_52 = arith.constant 0 : i32
        %dma_wait3A_53 = arith.constant 0 : i32
        %dma_wait3A_54 = tpu.memref_slice %arg6[%arg1, %dma_wait3A_52, %dma_wait3A_53] : memref<32x40x125xi32, #tpu.memory_space<hbm>> -> memref<1x40x125xi32, #tpu.memory_space<hbm>>
        %dma_wait3A_55 = tpu.memref_squeeze %dma_wait3A_54 : memref<1x40x125xi32, #tpu.memory_space<hbm>> -> memref<40x125xi32, #tpu.memory_space<hbm>>
        tpu.wait_dma2 semaphore(%run_scoped3A : memref<!tpu.dma_semaphore, #tpu.memory_space<semaphore_mem>>) src(%dma_wait3A_55 : memref<40x125xi32, #tpu.memory_space<hbm>>) dst(%arg11 : memref<40x125xi32, #tpu.memory_space<vmem>>)
        tpu.yield
      }) : () -> ()
      "tpu.region"() ({
        %run_scoped3A = tpu.sem_alloc : memref<!tpu.dma_semaphore, #tpu.memory_space<semaphore_mem>>
        %dma_start3A_40 = arith.constant 0 : i32
        %dma_start3A_41 = arith.constant 0 : i32
        %dma_start3A_42 = tpu.memref_slice %arg7[%arg1, %dma_start3A_40, %dma_start3A_41] : memref<32x40x125xi32, #tpu.memory_space<hbm>> -> memref<1x40x125xi32, #tpu.memory_space<hbm>>
        %dma_start3A_43 = tpu.memref_squeeze %dma_start3A_42 : memref<1x40x125xi32, #tpu.memory_space<hbm>> -> memref<40x125xi32, #tpu.memory_space<hbm>>
        %dma_start3A_44 = arith.constant 0 : i32
        %dma_start3A_45 = arith.constant 0 : i32
        %dma_start3A_46 = tpu.memref_slice %arg7[%arg1, %dma_start3A_44, %dma_start3A_45] : memref<32x40x125xi32, #tpu.memory_space<hbm>> -> memref<1x40x125xi32, #tpu.memory_space<hbm>>
        %dma_start3A_47 = tpu.memref_squeeze %dma_start3A_46 : memref<1x40x125xi32, #tpu.memory_space<hbm>> -> memref<40x125xi32, #tpu.memory_space<hbm>>
        tpu.enqueue_dma source(%dma_start3A_47 : memref<40x125xi32, #tpu.memory_space<hbm>>) target(%arg12 : memref<40x125xi32, #tpu.memory_space<vmem>>) target_semaphore(%run_scoped3A : memref<!tpu.dma_semaphore, #tpu.memory_space<semaphore_mem>>)
        %dma_wait3A_48 = arith.constant 0 : i32
        %dma_wait3A_49 = arith.constant 0 : i32
        %dma_wait3A_50 = tpu.memref_slice %arg7[%arg1, %dma_wait3A_48, %dma_wait3A_49] : memref<32x40x125xi32, #tpu.memory_space<hbm>> -> memref<1x40x125xi32, #tpu.memory_space<hbm>>
        %dma_wait3A_51 = tpu.memref_squeeze %dma_wait3A_50 : memref<1x40x125xi32, #tpu.memory_space<hbm>> -> memref<40x125xi32, #tpu.memory_space<hbm>>
        %dma_wait3A_52 = arith.constant 0 : i32
        %dma_wait3A_53 = arith.constant 0 : i32
        %dma_wait3A_54 = tpu.memref_slice %arg7[%arg1, %dma_wait3A_52, %dma_wait3A_53] : memref<32x40x125xi32, #tpu.memory_space<hbm>> -> memref<1x40x125xi32, #tpu.memory_space<hbm>>
        %dma_wait3A_55 = tpu.memref_squeeze %dma_wait3A_54 : memref<1x40x125xi32, #tpu.memory_space<hbm>> -> memref<40x125xi32, #tpu.memory_space<hbm>>
        tpu.wait_dma2 semaphore(%run_scoped3A : memref<!tpu.dma_semaphore, #tpu.memory_space<semaphore_mem>>) src(%dma_wait3A_55 : memref<40x125xi32, #tpu.memory_space<hbm>>) dst(%arg12 : memref<40x125xi32, #tpu.memory_space<vmem>>)
        tpu.yield
      }) : () -> ()
      %dma_start3A_11 = arith.constant 0 : i32
      %dma_start3A_12 = arith.constant 0 : i32
      %dma_start3A_13 = tpu.memref_slice %arg11[%dma_start3A_11, %dma_start3A_12] : memref<40x125xi32, #tpu.memory_space<vmem>> -> memref<1x125xi32, #tpu.memory_space<vmem>>
      %dma_start3A_14 = tpu.memref_squeeze %dma_start3A_13 : memref<1x125xi32, #tpu.memory_space<vmem>> -> memref<125xi32, #tpu.memory_space<vmem>>
      %dma_start3A_15 = arith.constant 0 : i32
      %dma_start3A_16 = arith.constant 0 : i32
      %dma_start3A_17 = tpu.memref_slice %arg3[%dma_start3A_15, %dma_start3A_16] : memref<10000x128xf32, #tpu.memory_space<hbm>> -> memref<10000x128xf32, #tpu.memory_space<hbm>>
      tpu.enqueue_indirect_dma source(%dma_start3A_17 : memref<10000x128xf32, #tpu.memory_space<hbm>>) target(%arg13 : memref<125x128xf32, #tpu.memory_space<vmem>>) offsets(%dma_start3A_14 : memref<125xi32, #tpu.memory_space<vmem>>) semaphore(%arg16 : memref<!tpu.dma_semaphore, #tpu.memory_space<semaphore_mem>>)
      %dma_wait3A = arith.constant 0 : i32
      %dma_wait3A_18 = tpu.memref_slice %arg15[%mul3A_2, %dma_wait3A] : memref<10240x128xf32, #tpu.memory_space<vmem_shared>> -> memref<640x128xf32, #tpu.memory_space<vmem_shared>>
      tpu.wait_dma2 semaphore(%arg17 : memref<!tpu.dma_semaphore, #tpu.memory_space<semaphore_mem>>) src(%arg8 : memref<640x128xf32, #tpu.memory_space<hbm>>) dst(%dma_wait3A_18 : memref<640x128xf32, #tpu.memory_space<vmem_shared>>)
      %barrier3A = arith.constant 0 : index
      tpu.barrier barrier_id(%barrier3A)
      %scan3A = arith.constant 0 : i32
      %scan3A_19 = arith.constant 0 : i32
      %scan3A_20 = arith.constant 20 : i32
      %scan3A_21 = arith.addi %scan3A_19, %scan3A_20 : i32
      %scan3A_22 = arith.constant 1 : i32
      scf.for %scan3A_40 = %scan3A_19 to %scan3A_21 step %scan3A_22  : i32 {
        %mul3A_41 = arith.constant 2 : i32
        %mul3A_42 = arith.muli %mul3A_41, %scan3A_40 : i32
        %add3A_43 = arith.constant 0 : i32
        %add3A_44 = arith.addi %mul3A_42, %add3A_43 : i32
        %dma_wait3A_45 = arith.constant 0 : i32
        %dma_wait3A_46 = tpu.memref_slice %arg11[%add3A_44, %dma_wait3A_45] : memref<40x125xi32, #tpu.memory_space<vmem>> -> memref<1x125xi32, #tpu.memory_space<vmem>>
        %dma_wait3A_47 = tpu.memref_squeeze %dma_wait3A_46 : memref<1x125xi32, #tpu.memory_space<vmem>> -> memref<125xi32, #tpu.memory_space<vmem>>
        %dma_wait3A_48 = arith.constant 0 : i32
        %dma_wait3A_49 = arith.constant 0 : i32
        %dma_wait3A_50 = tpu.memref_slice %arg3[%dma_wait3A_48, %dma_wait3A_49] : memref<10000x128xf32, #tpu.memory_space<hbm>> -> memref<10000x128xf32, #tpu.memory_space<hbm>>
        tpu.wait_indirect_dma semaphore(%arg16 : memref<!tpu.dma_semaphore, #tpu.memory_space<semaphore_mem>>) src(%dma_wait3A_50 : memref<10000x128xf32, #tpu.memory_space<hbm>>) dst(%arg13 : memref<125x128xf32, #tpu.memory_space<vmem>>)
        %add3A_51 = arith.constant 1 : i32
        %add3A_52 = arith.addi %add3A_44, %add3A_51 : i32
        %lt3A = arith.constant 40 : i32
        %lt3A_53 = arith.cmpi slt, %add3A_52, %lt3A : i32
        %convert_element_type3A_54 = arith.extui %lt3A_53 : i1 to i32
        %cond3A_55 = arith.constant 0 : i32
        %cond3A_56 = arith.cmpi ne, %convert_element_type3A_54, %cond3A_55 : i32
        scf.if %cond3A_56 {
          %add3A_74 = arith.constant 1 : i32
          %add3A_75 = arith.addi %add3A_44, %add3A_74 : i32
          %dma_start3A_76 = arith.constant 0 : i32
          %dma_start3A_77 = tpu.memref_slice %arg11[%add3A_75, %dma_start3A_76] : memref<40x125xi32, #tpu.memory_space<vmem>> -> memref<1x125xi32, #tpu.memory_space<vmem>>
          %dma_start3A_78 = tpu.memref_squeeze %dma_start3A_77 : memref<1x125xi32, #tpu.memory_space<vmem>> -> memref<125xi32, #tpu.memory_space<vmem>>
          %dma_start3A_79 = arith.constant 0 : i32
          %dma_start3A_80 = arith.constant 0 : i32
          %dma_start3A_81 = tpu.memref_slice %arg3[%dma_start3A_79, %dma_start3A_80] : memref<10000x128xf32, #tpu.memory_space<hbm>> -> memref<10000x128xf32, #tpu.memory_space<hbm>>
          tpu.enqueue_indirect_dma source(%dma_start3A_81 : memref<10000x128xf32, #tpu.memory_space<hbm>>) target(%arg14 : memref<125x128xf32, #tpu.memory_space<vmem>>) offsets(%dma_start3A_78 : memref<125xi32, #tpu.memory_space<vmem>>) semaphore(%arg16 : memref<!tpu.dma_semaphore, #tpu.memory_space<semaphore_mem>>)
        } else {
        }
        "tpu.region"() ({
          %run_scoped3A = tpu.sem_alloc : memref<!tpu.dma_semaphore, #tpu.memory_space<semaphore_mem>>
          %dma_start3A_74 = arith.constant 0 : i32
          %dma_start3A_75 = tpu.memref_slice %arg12[%add3A_44, %dma_start3A_74] : memref<40x125xi32, #tpu.memory_space<vmem>> -> memref<1x125xi32, #tpu.memory_space<vmem>>
          %dma_start3A_76 = tpu.memref_squeeze %dma_start3A_75 : memref<1x125xi32, #tpu.memory_space<vmem>> -> memref<125xi32, #tpu.memory_space<vmem>>
          %dma_start3A_77 = arith.constant 0 : i32
          %dma_start3A_78 = arith.constant 0 : i32
          %dma_start3A_79 = tpu.memref_slice %arg15[%dma_start3A_77, %dma_start3A_78] : memref<10240x128xf32, #tpu.memory_space<vmem_shared>> -> memref<10240x128xf32, #tpu.memory_space<vmem_shared>>
          tpu.enqueue_indirect_dma source(%arg13 : memref<125x128xf32, #tpu.memory_space<vmem>>) target(%dma_start3A_79 : memref<10240x128xf32, #tpu.memory_space<vmem_shared>>) offsets(%dma_start3A_76 : memref<125xi32, #tpu.memory_space<vmem>>) semaphore(%run_scoped3A : memref<!tpu.dma_semaphore, #tpu.memory_space<semaphore_mem>>) {add = true}
          %dma_wait3A_80 = arith.constant 0 : i32
          %dma_wait3A_81 = tpu.memref_slice %arg12[%add3A_44, %dma_wait3A_80] : memref<40x125xi32, #tpu.memory_space<vmem>> -> memref<1x125xi32, #tpu.memory_space<vmem>>
          %dma_wait3A_82 = tpu.memref_squeeze %dma_wait3A_81 : memref<1x125xi32, #tpu.memory_space<vmem>> -> memref<125xi32, #tpu.memory_space<vmem>>
          %dma_wait3A_83 = arith.constant 0 : i32
          %dma_wait3A_84 = arith.constant 0 : i32
          %dma_wait3A_85 = tpu.memref_slice %arg15[%dma_wait3A_83, %dma_wait3A_84] : memref<10240x128xf32, #tpu.memory_space<vmem_shared>> -> memref<10240x128xf32, #tpu.memory_space<vmem_shared>>
          tpu.wait_indirect_dma semaphore(%run_scoped3A : memref<!tpu.dma_semaphore, #tpu.memory_space<semaphore_mem>>) src(%arg13 : memref<125x128xf32, #tpu.memory_space<vmem>>) dst(%dma_wait3A_85 : memref<10240x128xf32, #tpu.memory_space<vmem_shared>>)
          tpu.yield
        }) : () -> ()
        %mul3A_57 = arith.constant 2 : i32
        %mul3A_58 = arith.muli %mul3A_57, %scan3A_40 : i32
        %add3A_59 = arith.constant 1 : i32
        %add3A_60 = arith.addi %mul3A_58, %add3A_59 : i32
        %dma_wait3A_61 = arith.constant 0 : i32
        %dma_wait3A_62 = tpu.memref_slice %arg11[%add3A_60, %dma_wait3A_61] : memref<40x125xi32, #tpu.memory_space<vmem>> -> memref<1x125xi32, #tpu.memory_space<vmem>>
        %dma_wait3A_63 = tpu.memref_squeeze %dma_wait3A_62 : memref<1x125xi32, #tpu.memory_space<vmem>> -> memref<125xi32, #tpu.memory_space<vmem>>
        %dma_wait3A_64 = arith.constant 0 : i32
        %dma_wait3A_65 = arith.constant 0 : i32
        %dma_wait3A_66 = tpu.memref_slice %arg3[%dma_wait3A_64, %dma_wait3A_65] : memref<10000x128xf32, #tpu.memory_space<hbm>> -> memref<10000x128xf32, #tpu.memory_space<hbm>>
        tpu.wait_indirect_dma semaphore(%arg16 : memref<!tpu.dma_semaphore, #tpu.memory_space<semaphore_mem>>) src(%dma_wait3A_66 : memref<10000x128xf32, #tpu.memory_space<hbm>>) dst(%arg14 : memref<125x128xf32, #tpu.memory_space<vmem>>)
        %add3A_67 = arith.constant 1 : i32
        %add3A_68 = arith.addi %add3A_60, %add3A_67 : i32
        %lt3A_69 = arith.constant 40 : i32
        %lt3A_70 = arith.cmpi slt, %add3A_68, %lt3A_69 : i32
        %convert_element_type3A_71 = arith.extui %lt3A_70 : i1 to i32
        %cond3A_72 = arith.constant 0 : i32
        %cond3A_73 = arith.cmpi ne, %convert_element_type3A_71, %cond3A_72 : i32
        scf.if %cond3A_73 {
          %add3A_74 = arith.constant 1 : i32
          %add3A_75 = arith.addi %add3A_60, %add3A_74 : i32
          %dma_start3A_76 = arith.constant 0 : i32
          %dma_start3A_77 = tpu.memref_slice %arg11[%add3A_75, %dma_start3A_76] : memref<40x125xi32, #tpu.memory_space<vmem>> -> memref<1x125xi32, #tpu.memory_space<vmem>>
          %dma_start3A_78 = tpu.memref_squeeze %dma_start3A_77 : memref<1x125xi32, #tpu.memory_space<vmem>> -> memref<125xi32, #tpu.memory_space<vmem>>
          %dma_start3A_79 = arith.constant 0 : i32
          %dma_start3A_80 = arith.constant 0 : i32
          %dma_start3A_81 = tpu.memref_slice %arg3[%dma_start3A_79, %dma_start3A_80] : memref<10000x128xf32, #tpu.memory_space<hbm>> -> memref<10000x128xf32, #tpu.memory_space<hbm>>
          tpu.enqueue_indirect_dma source(%dma_start3A_81 : memref<10000x128xf32, #tpu.memory_space<hbm>>) target(%arg13 : memref<125x128xf32, #tpu.memory_space<vmem>>) offsets(%dma_start3A_78 : memref<125xi32, #tpu.memory_space<vmem>>) semaphore(%arg16 : memref<!tpu.dma_semaphore, #tpu.memory_space<semaphore_mem>>)
        } else {
        }
        "tpu.region"() ({
          %run_scoped3A = tpu.sem_alloc : memref<!tpu.dma_semaphore, #tpu.memory_space<semaphore_mem>>
          %dma_start3A_74 = arith.constant 0 : i32
          %dma_start3A_75 = tpu.memref_slice %arg12[%add3A_60, %dma_start3A_74] : memref<40x125xi32, #tpu.memory_space<vmem>> -> memref<1x125xi32, #tpu.memory_space<vmem>>
          %dma_start3A_76 = tpu.memref_squeeze %dma_start3A_75 : memref<1x125xi32, #tpu.memory_space<vmem>> -> memref<125xi32, #tpu.memory_space<vmem>>
          %dma_start3A_77 = arith.constant 0 : i32
          %dma_start3A_78 = arith.constant 0 : i32
          %dma_start3A_79 = tpu.memref_slice %arg15[%dma_start3A_77, %dma_start3A_78] : memref<10240x128xf32, #tpu.memory_space<vmem_shared>> -> memref<10240x128xf32, #tpu.memory_space<vmem_shared>>
          tpu.enqueue_indirect_dma source(%arg14 : memref<125x128xf32, #tpu.memory_space<vmem>>) target(%dma_start3A_79 : memref<10240x128xf32, #tpu.memory_space<vmem_shared>>) offsets(%dma_start3A_76 : memref<125xi32, #tpu.memory_space<vmem>>) semaphore(%run_scoped3A : memref<!tpu.dma_semaphore, #tpu.memory_space<semaphore_mem>>) {add = true}
          %dma_wait3A_80 = arith.constant 0 : i32
          %dma_wait3A_81 = tpu.memref_slice %arg12[%add3A_60, %dma_wait3A_80] : memref<40x125xi32, #tpu.memory_space<vmem>> -> memref<1x125xi32, #tpu.memory_space<vmem>>
          %dma_wait3A_82 = tpu.memref_squeeze %dma_wait3A_81 : memref<1x125xi32, #tpu.memory_space<vmem>> -> memref<125xi32, #tpu.memory_space<vmem>>
          %dma_wait3A_83 = arith.constant 0 : i32
          %dma_wait3A_84 = arith.constant 0 : i32
          %dma_wait3A_85 = tpu.memref_slice %arg15[%dma_wait3A_83, %dma_wait3A_84] : memref<10240x128xf32, #tpu.memory_space<vmem_shared>> -> memref<10240x128xf32, #tpu.memory_space<vmem_shared>>
          tpu.wait_indirect_dma semaphore(%run_scoped3A : memref<!tpu.dma_semaphore, #tpu.memory_space<semaphore_mem>>) src(%arg14 : memref<125x128xf32, #tpu.memory_space<vmem>>) dst(%dma_wait3A_85 : memref<10240x128xf32, #tpu.memory_space<vmem_shared>>)
          tpu.yield
        }) : () -> ()
      }
      %scan3A_23 = arith.constant 20 : i32
      %add3A_24 = arith.constant 16 : i32
      %add3A_25 = arith.addi %arg1, %add3A_24 : i32
      "tpu.region"() ({
        %run_scoped3A = tpu.sem_alloc : memref<!tpu.dma_semaphore, #tpu.memory_space<semaphore_mem>>
        %dma_start3A_40 = arith.constant 0 : i32
        %dma_start3A_41 = arith.constant 0 : i32
        %dma_start3A_42 = tpu.memref_slice %arg6[%add3A_25, %dma_start3A_40, %dma_start3A_41] : memref<32x40x125xi32, #tpu.memory_space<hbm>> -> memref<1x40x125xi32, #tpu.memory_space<hbm>>
        %dma_start3A_43 = tpu.memref_squeeze %dma_start3A_42 : memref<1x40x125xi32, #tpu.memory_space<hbm>> -> memref<40x125xi32, #tpu.memory_space<hbm>>
        %dma_start3A_44 = arith.constant 0 : i32
        %dma_start3A_45 = arith.constant 0 : i32
        %dma_start3A_46 = tpu.memref_slice %arg6[%add3A_25, %dma_start3A_44, %dma_start3A_45] : memref<32x40x125xi32, #tpu.memory_space<hbm>> -> memref<1x40x125xi32, #tpu.memory_space<hbm>>
        %dma_start3A_47 = tpu.memref_squeeze %dma_start3A_46 : memref<1x40x125xi32, #tpu.memory_space<hbm>> -> memref<40x125xi32, #tpu.memory_space<hbm>>
        tpu.enqueue_dma source(%dma_start3A_47 : memref<40x125xi32, #tpu.memory_space<hbm>>) target(%arg11 : memref<40x125xi32, #tpu.memory_space<vmem>>) target_semaphore(%run_scoped3A : memref<!tpu.dma_semaphore, #tpu.memory_space<semaphore_mem>>)
        %dma_wait3A_48 = arith.constant 0 : i32
        %dma_wait3A_49 = arith.constant 0 : i32
        %dma_wait3A_50 = tpu.memref_slice %arg6[%add3A_25, %dma_wait3A_48, %dma_wait3A_49] : memref<32x40x125xi32, #tpu.memory_space<hbm>> -> memref<1x40x125xi32, #tpu.memory_space<hbm>>
        %dma_wait3A_51 = tpu.memref_squeeze %dma_wait3A_50 : memref<1x40x125xi32, #tpu.memory_space<hbm>> -> memref<40x125xi32, #tpu.memory_space<hbm>>
        %dma_wait3A_52 = arith.constant 0 : i32
        %dma_wait3A_53 = arith.constant 0 : i32
        %dma_wait3A_54 = tpu.memref_slice %arg6[%add3A_25, %dma_wait3A_52, %dma_wait3A_53] : memref<32x40x125xi32, #tpu.memory_space<hbm>> -> memref<1x40x125xi32, #tpu.memory_space<hbm>>
        %dma_wait3A_55 = tpu.memref_squeeze %dma_wait3A_54 : memref<1x40x125xi32, #tpu.memory_space<hbm>> -> memref<40x125xi32, #tpu.memory_space<hbm>>
        tpu.wait_dma2 semaphore(%run_scoped3A : memref<!tpu.dma_semaphore, #tpu.memory_space<semaphore_mem>>) src(%dma_wait3A_55 : memref<40x125xi32, #tpu.memory_space<hbm>>) dst(%arg11 : memref<40x125xi32, #tpu.memory_space<vmem>>)
        tpu.yield
      }) : () -> ()
      "tpu.region"() ({
        %run_scoped3A = tpu.sem_alloc : memref<!tpu.dma_semaphore, #tpu.memory_space<semaphore_mem>>
        %dma_start3A_40 = arith.constant 0 : i32
        %dma_start3A_41 = arith.constant 0 : i32
        %dma_start3A_42 = tpu.memref_slice %arg7[%add3A_25, %dma_start3A_40, %dma_start3A_41] : memref<32x40x125xi32, #tpu.memory_space<hbm>> -> memref<1x40x125xi32, #tpu.memory_space<hbm>>
        %dma_start3A_43 = tpu.memref_squeeze %dma_start3A_42 : memref<1x40x125xi32, #tpu.memory_space<hbm>> -> memref<40x125xi32, #tpu.memory_space<hbm>>
        %dma_start3A_44 = arith.constant 0 : i32
        %dma_start3A_45 = arith.constant 0 : i32
        %dma_start3A_46 = tpu.memref_slice %arg7[%add3A_25, %dma_start3A_44, %dma_start3A_45] : memref<32x40x125xi32, #tpu.memory_space<hbm>> -> memref<1x40x125xi32, #tpu.memory_space<hbm>>
        %dma_start3A_47 = tpu.memref_squeeze %dma_start3A_46 : memref<1x40x125xi32, #tpu.memory_space<hbm>> -> memref<40x125xi32, #tpu.memory_space<hbm>>
        tpu.enqueue_dma source(%dma_start3A_47 : memref<40x125xi32, #tpu.memory_space<hbm>>) target(%arg12 : memref<40x125xi32, #tpu.memory_space<vmem>>) target_semaphore(%run_scoped3A : memref<!tpu.dma_semaphore, #tpu.memory_space<semaphore_mem>>)
        %dma_wait3A_48 = arith.constant 0 : i32
        %dma_wait3A_49 = arith.constant 0 : i32
        %dma_wait3A_50 = tpu.memref_slice %arg7[%add3A_25, %dma_wait3A_48, %dma_wait3A_49] : memref<32x40x125xi32, #tpu.memory_space<hbm>> -> memref<1x40x125xi32, #tpu.memory_space<hbm>>
        %dma_wait3A_51 = tpu.memref_squeeze %dma_wait3A_50 : memref<1x40x125xi32, #tpu.memory_space<hbm>> -> memref<40x125xi32, #tpu.memory_space<hbm>>
        %dma_wait3A_52 = arith.constant 0 : i32
        %dma_wait3A_53 = arith.constant 0 : i32
        %dma_wait3A_54 = tpu.memref_slice %arg7[%add3A_25, %dma_wait3A_52, %dma_wait3A_53] : memref<32x40x125xi32, #tpu.memory_space<hbm>> -> memref<1x40x125xi32, #tpu.memory_space<hbm>>
        %dma_wait3A_55 = tpu.memref_squeeze %dma_wait3A_54 : memref<1x40x125xi32, #tpu.memory_space<hbm>> -> memref<40x125xi32, #tpu.memory_space<hbm>>
        tpu.wait_dma2 semaphore(%run_scoped3A : memref<!tpu.dma_semaphore, #tpu.memory_space<semaphore_mem>>) src(%dma_wait3A_55 : memref<40x125xi32, #tpu.memory_space<hbm>>) dst(%arg12 : memref<40x125xi32, #tpu.memory_space<vmem>>)
        tpu.yield
      }) : () -> ()
      %dma_start3A_26 = arith.constant 0 : i32
      %dma_start3A_27 = arith.constant 0 : i32
      %dma_start3A_28 = tpu.memref_slice %arg11[%dma_start3A_26, %dma_start3A_27] : memref<40x125xi32, #tpu.memory_space<vmem>> -> memref<1x125xi32, #tpu.memory_space<vmem>>
      %dma_start3A_29 = tpu.memref_squeeze %dma_start3A_28 : memref<1x125xi32, #tpu.memory_space<vmem>> -> memref<125xi32, #tpu.memory_space<vmem>>
      %dma_start3A_30 = arith.constant 0 : i32
      %dma_start3A_31 = arith.constant 0 : i32
      %dma_start3A_32 = tpu.memref_slice %arg3[%dma_start3A_30, %dma_start3A_31] : memref<10000x128xf32, #tpu.memory_space<hbm>> -> memref<10000x128xf32, #tpu.memory_space<hbm>>
      tpu.enqueue_indirect_dma source(%dma_start3A_32 : memref<10000x128xf32, #tpu.memory_space<hbm>>) target(%arg13 : memref<125x128xf32, #tpu.memory_space<vmem>>) offsets(%dma_start3A_29 : memref<125xi32, #tpu.memory_space<vmem>>) semaphore(%arg16 : memref<!tpu.dma_semaphore, #tpu.memory_space<semaphore_mem>>)
      %scan3A_33 = arith.constant 0 : i32
      %scan3A_34 = arith.constant 0 : i32
      %scan3A_35 = arith.constant 20 : i32
      %scan3A_36 = arith.addi %scan3A_34, %scan3A_35 : i32
      %scan3A_37 = arith.constant 1 : i32
      scf.for %scan3A_40 = %scan3A_34 to %scan3A_36 step %scan3A_37  : i32 {
        %mul3A_41 = arith.constant 2 : i32
        %mul3A_42 = arith.muli %mul3A_41, %scan3A_40 : i32
        %add3A_43 = arith.constant 0 : i32
        %add3A_44 = arith.addi %mul3A_42, %add3A_43 : i32
        %dma_wait3A_45 = arith.constant 0 : i32
        %dma_wait3A_46 = tpu.memref_slice %arg11[%add3A_44, %dma_wait3A_45] : memref<40x125xi32, #tpu.memory_space<vmem>> -> memref<1x125xi32, #tpu.memory_space<vmem>>
        %dma_wait3A_47 = tpu.memref_squeeze %dma_wait3A_46 : memref<1x125xi32, #tpu.memory_space<vmem>> -> memref<125xi32, #tpu.memory_space<vmem>>
        %dma_wait3A_48 = arith.constant 0 : i32
        %dma_wait3A_49 = arith.constant 0 : i32
        %dma_wait3A_50 = tpu.memref_slice %arg3[%dma_wait3A_48, %dma_wait3A_49] : memref<10000x128xf32, #tpu.memory_space<hbm>> -> memref<10000x128xf32, #tpu.memory_space<hbm>>
        tpu.wait_indirect_dma semaphore(%arg16 : memref<!tpu.dma_semaphore, #tpu.memory_space<semaphore_mem>>) src(%dma_wait3A_50 : memref<10000x128xf32, #tpu.memory_space<hbm>>) dst(%arg13 : memref<125x128xf32, #tpu.memory_space<vmem>>)
        %add3A_51 = arith.constant 1 : i32
        %add3A_52 = arith.addi %add3A_44, %add3A_51 : i32
        %lt3A = arith.constant 40 : i32
        %lt3A_53 = arith.cmpi slt, %add3A_52, %lt3A : i32
        %convert_element_type3A_54 = arith.extui %lt3A_53 : i1 to i32
        %cond3A_55 = arith.constant 0 : i32
        %cond3A_56 = arith.cmpi ne, %convert_element_type3A_54, %cond3A_55 : i32
        scf.if %cond3A_56 {
          %add3A_74 = arith.constant 1 : i32
          %add3A_75 = arith.addi %add3A_44, %add3A_74 : i32
          %dma_start3A_76 = arith.constant 0 : i32
          %dma_start3A_77 = tpu.memref_slice %arg11[%add3A_75, %dma_start3A_76] : memref<40x125xi32, #tpu.memory_space<vmem>> -> memref<1x125xi32, #tpu.memory_space<vmem>>
          %dma_start3A_78 = tpu.memref_squeeze %dma_start3A_77 : memref<1x125xi32, #tpu.memory_space<vmem>> -> memref<125xi32, #tpu.memory_space<vmem>>
          %dma_start3A_79 = arith.constant 0 : i32
          %dma_start3A_80 = arith.constant 0 : i32
          %dma_start3A_81 = tpu.memref_slice %arg3[%dma_start3A_79, %dma_start3A_80] : memref<10000x128xf32, #tpu.memory_space<hbm>> -> memref<10000x128xf32, #tpu.memory_space<hbm>>
          tpu.enqueue_indirect_dma source(%dma_start3A_81 : memref<10000x128xf32, #tpu.memory_space<hbm>>) target(%arg14 : memref<125x128xf32, #tpu.memory_space<vmem>>) offsets(%dma_start3A_78 : memref<125xi32, #tpu.memory_space<vmem>>) semaphore(%arg16 : memref<!tpu.dma_semaphore, #tpu.memory_space<semaphore_mem>>)
        } else {
        }
        "tpu.region"() ({
          %run_scoped3A = tpu.sem_alloc : memref<!tpu.dma_semaphore, #tpu.memory_space<semaphore_mem>>
          %dma_start3A_74 = arith.constant 0 : i32
          %dma_start3A_75 = tpu.memref_slice %arg12[%add3A_44, %dma_start3A_74] : memref<40x125xi32, #tpu.memory_space<vmem>> -> memref<1x125xi32, #tpu.memory_space<vmem>>
          %dma_start3A_76 = tpu.memref_squeeze %dma_start3A_75 : memref<1x125xi32, #tpu.memory_space<vmem>> -> memref<125xi32, #tpu.memory_space<vmem>>
          %dma_start3A_77 = arith.constant 0 : i32
          %dma_start3A_78 = arith.constant 0 : i32
          %dma_start3A_79 = tpu.memref_slice %arg15[%dma_start3A_77, %dma_start3A_78] : memref<10240x128xf32, #tpu.memory_space<vmem_shared>> -> memref<10240x128xf32, #tpu.memory_space<vmem_shared>>
          tpu.enqueue_indirect_dma source(%arg13 : memref<125x128xf32, #tpu.memory_space<vmem>>) target(%dma_start3A_79 : memref<10240x128xf32, #tpu.memory_space<vmem_shared>>) offsets(%dma_start3A_76 : memref<125xi32, #tpu.memory_space<vmem>>) semaphore(%run_scoped3A : memref<!tpu.dma_semaphore, #tpu.memory_space<semaphore_mem>>) {add = true}
          %dma_wait3A_80 = arith.constant 0 : i32
          %dma_wait3A_81 = tpu.memref_slice %arg12[%add3A_44, %dma_wait3A_80] : memref<40x125xi32, #tpu.memory_space<vmem>> -> memref<1x125xi32, #tpu.memory_space<vmem>>
          %dma_wait3A_82 = tpu.memref_squeeze %dma_wait3A_81 : memref<1x125xi32, #tpu.memory_space<vmem>> -> memref<125xi32, #tpu.memory_space<vmem>>
          %dma_wait3A_83 = arith.constant 0 : i32
          %dma_wait3A_84 = arith.constant 0 : i32
          %dma_wait3A_85 = tpu.memref_slice %arg15[%dma_wait3A_83, %dma_wait3A_84] : memref<10240x128xf32, #tpu.memory_space<vmem_shared>> -> memref<10240x128xf32, #tpu.memory_space<vmem_shared>>
          tpu.wait_indirect_dma semaphore(%run_scoped3A : memref<!tpu.dma_semaphore, #tpu.memory_space<semaphore_mem>>) src(%arg13 : memref<125x128xf32, #tpu.memory_space<vmem>>) dst(%dma_wait3A_85 : memref<10240x128xf32, #tpu.memory_space<vmem_shared>>)
          tpu.yield
        }) : () -> ()
        %mul3A_57 = arith.constant 2 : i32
        %mul3A_58 = arith.muli %mul3A_57, %scan3A_40 : i32
        %add3A_59 = arith.constant 1 : i32
        %add3A_60 = arith.addi %mul3A_58, %add3A_59 : i32
        %dma_wait3A_61 = arith.constant 0 : i32
        %dma_wait3A_62 = tpu.memref_slice %arg11[%add3A_60, %dma_wait3A_61] : memref<40x125xi32, #tpu.memory_space<vmem>> -> memref<1x125xi32, #tpu.memory_space<vmem>>
        %dma_wait3A_63 = tpu.memref_squeeze %dma_wait3A_62 : memref<1x125xi32, #tpu.memory_space<vmem>> -> memref<125xi32, #tpu.memory_space<vmem>>
        %dma_wait3A_64 = arith.constant 0 : i32
        %dma_wait3A_65 = arith.constant 0 : i32
        %dma_wait3A_66 = tpu.memref_slice %arg3[%dma_wait3A_64, %dma_wait3A_65] : memref<10000x128xf32, #tpu.memory_space<hbm>> -> memref<10000x128xf32, #tpu.memory_space<hbm>>
        tpu.wait_indirect_dma semaphore(%arg16 : memref<!tpu.dma_semaphore, #tpu.memory_space<semaphore_mem>>) src(%dma_wait3A_66 : memref<10000x128xf32, #tpu.memory_space<hbm>>) dst(%arg14 : memref<125x128xf32, #tpu.memory_space<vmem>>)
        %add3A_67 = arith.constant 1 : i32
        %add3A_68 = arith.addi %add3A_60, %add3A_67 : i32
        %lt3A_69 = arith.constant 40 : i32
        %lt3A_70 = arith.cmpi slt, %add3A_68, %lt3A_69 : i32
        %convert_element_type3A_71 = arith.extui %lt3A_70 : i1 to i32
        %cond3A_72 = arith.constant 0 : i32
        %cond3A_73 = arith.cmpi ne, %convert_element_type3A_71, %cond3A_72 : i32
        scf.if %cond3A_73 {
          %add3A_74 = arith.constant 1 : i32
          %add3A_75 = arith.addi %add3A_60, %add3A_74 : i32
          %dma_start3A_76 = arith.constant 0 : i32
          %dma_start3A_77 = tpu.memref_slice %arg11[%add3A_75, %dma_start3A_76] : memref<40x125xi32, #tpu.memory_space<vmem>> -> memref<1x125xi32, #tpu.memory_space<vmem>>
          %dma_start3A_78 = tpu.memref_squeeze %dma_start3A_77 : memref<1x125xi32, #tpu.memory_space<vmem>> -> memref<125xi32, #tpu.memory_space<vmem>>
          %dma_start3A_79 = arith.constant 0 : i32
          %dma_start3A_80 = arith.constant 0 : i32
          %dma_start3A_81 = tpu.memref_slice %arg3[%dma_start3A_79, %dma_start3A_80] : memref<10000x128xf32, #tpu.memory_space<hbm>> -> memref<10000x128xf32, #tpu.memory_space<hbm>>
          tpu.enqueue_indirect_dma source(%dma_start3A_81 : memref<10000x128xf32, #tpu.memory_space<hbm>>) target(%arg13 : memref<125x128xf32, #tpu.memory_space<vmem>>) offsets(%dma_start3A_78 : memref<125xi32, #tpu.memory_space<vmem>>) semaphore(%arg16 : memref<!tpu.dma_semaphore, #tpu.memory_space<semaphore_mem>>)
        } else {
        }
        "tpu.region"() ({
          %run_scoped3A = tpu.sem_alloc : memref<!tpu.dma_semaphore, #tpu.memory_space<semaphore_mem>>
          %dma_start3A_74 = arith.constant 0 : i32
          %dma_start3A_75 = tpu.memref_slice %arg12[%add3A_60, %dma_start3A_74] : memref<40x125xi32, #tpu.memory_space<vmem>> -> memref<1x125xi32, #tpu.memory_space<vmem>>
          %dma_start3A_76 = tpu.memref_squeeze %dma_start3A_75 : memref<1x125xi32, #tpu.memory_space<vmem>> -> memref<125xi32, #tpu.memory_space<vmem>>
          %dma_start3A_77 = arith.constant 0 : i32
          %dma_start3A_78 = arith.constant 0 : i32
          %dma_start3A_79 = tpu.memref_slice %arg15[%dma_start3A_77, %dma_start3A_78] : memref<10240x128xf32, #tpu.memory_space<vmem_shared>> -> memref<10240x128xf32, #tpu.memory_space<vmem_shared>>
          tpu.enqueue_indirect_dma source(%arg14 : memref<125x128xf32, #tpu.memory_space<vmem>>) target(%dma_start3A_79 : memref<10240x128xf32, #tpu.memory_space<vmem_shared>>) offsets(%dma_start3A_76 : memref<125xi32, #tpu.memory_space<vmem>>) semaphore(%run_scoped3A : memref<!tpu.dma_semaphore, #tpu.memory_space<semaphore_mem>>) {add = true}
          %dma_wait3A_80 = arith.constant 0 : i32
          %dma_wait3A_81 = tpu.memref_slice %arg12[%add3A_60, %dma_wait3A_80] : memref<40x125xi32, #tpu.memory_space<vmem>> -> memref<1x125xi32, #tpu.memory_space<vmem>>
          %dma_wait3A_82 = tpu.memref_squeeze %dma_wait3A_81 : memref<1x125xi32, #tpu.memory_space<vmem>> -> memref<125xi32, #tpu.memory_space<vmem>>
          %dma_wait3A_83 = arith.constant 0 : i32
          %dma_wait3A_84 = arith.constant 0 : i32
          %dma_wait3A_85 = tpu.memref_slice %arg15[%dma_wait3A_83, %dma_wait3A_84] : memref<10240x128xf32, #tpu.memory_space<vmem_shared>> -> memref<10240x128xf32, #tpu.memory_space<vmem_shared>>
          tpu.wait_indirect_dma semaphore(%run_scoped3A : memref<!tpu.dma_semaphore, #tpu.memory_space<semaphore_mem>>) src(%arg14 : memref<125x128xf32, #tpu.memory_space<vmem>>) dst(%dma_wait3A_85 : memref<10240x128xf32, #tpu.memory_space<vmem_shared>>)
          tpu.yield
        }) : () -> ()
      }
      %scan3A_38 = arith.constant 20 : i32
      %barrier3A_39 = arith.constant 0 : index
      tpu.barrier barrier_id(%barrier3A_39)
      "tpu.region"() ({
        %run_scoped3A = tpu.sem_alloc : memref<!tpu.dma_semaphore, #tpu.memory_space<semaphore_mem>>
        %dma_start3A_40 = arith.constant 0 : i32
        %dma_start3A_41 = tpu.memref_slice %arg10[%mul3A_2, %dma_start3A_40] : memref<10240x128xf32, #tpu.memory_space<hbm>> -> memref<640x128xf32, #tpu.memory_space<hbm>>
        %dma_start3A_42 = arith.constant 0 : i32
        %dma_start3A_43 = tpu.memref_slice %arg15[%mul3A_2, %dma_start3A_42] : memref<10240x128xf32, #tpu.memory_space<vmem_shared>> -> memref<640x128xf32, #tpu.memory_space<vmem_shared>>
        tpu.enqueue_dma source(%dma_start3A_43 : memref<640x128xf32, #tpu.memory_space<vmem_shared>>) target(%dma_start3A_41 : memref<640x128xf32, #tpu.memory_space<hbm>>) target_semaphore(%run_scoped3A : memref<!tpu.dma_semaphore, #tpu.memory_space<semaphore_mem>>)
        %dma_wait3A_44 = arith.constant 0 : i32
        %dma_wait3A_45 = tpu.memref_slice %arg10[%mul3A_2, %dma_wait3A_44] : memref<10240x128xf32, #tpu.memory_space<hbm>> -> memref<640x128xf32, #tpu.memory_space<hbm>>
        %dma_wait3A_46 = arith.constant 0 : i32
        %dma_wait3A_47 = tpu.memref_slice %arg15[%mul3A_2, %dma_wait3A_46] : memref<10240x128xf32, #tpu.memory_space<vmem_shared>> -> memref<640x128xf32, #tpu.memory_space<vmem_shared>>
        tpu.wait_dma2 semaphore(%run_scoped3A : memref<!tpu.dma_semaphore, #tpu.memory_space<semaphore_mem>>) src(%dma_wait3A_47 : memref<640x128xf32, #tpu.memory_space<vmem_shared>>) dst(%dma_wait3A_45 : memref<640x128xf32, #tpu.memory_space<hbm>>)
        tpu.yield
      }) : () -> ()
    } else {
    }
    return
  }
}

#map = affine_map<(d0, d1) -> (0, 0)>
#map1 = affine_map<(d0, d1) -> (0, 0, 0)>
module attributes {stable_mosaic.version = 14 : i64} {
  func.func @_seg_body(%arg0: i32, %arg1: i32, %arg2: memref<10000x128xf32, #tpu.memory_space<hbm>>, %arg3: memref<10000x128xf32, #tpu.memory_space<hbm>>, %arg4: memref<32x40x125xi32, #tpu.memory_space<hbm>>, %arg5: memref<32x40x125xi32, #tpu.memory_space<hbm>>, %arg6: memref<32x40x125xi32, #tpu.memory_space<hbm>>, %arg7: memref<32x40x125xi32, #tpu.memory_space<hbm>>, %arg8: memref<32x40x125xi32, #tpu.memory_space<hbm>>, %arg9: memref<32x40x125xi32, #tpu.memory_space<hbm>>, %arg10: memref<640x128xf32, #tpu.memory_space<hbm>>, %arg11: memref<10240x128xf32, #tpu.memory_space<hbm>>, %arg12: memref<10240x128xf32, #tpu.memory_space<hbm>>, %arg13: memref<10240x128xf32, #tpu.memory_space<hbm>>, %arg14: memref<10240x128xf32, #tpu.memory_space<hbm>>, %arg15: memref<40x125xi32, #tpu.memory_space<vmem>>, %arg16: memref<40x125xi32, #tpu.memory_space<vmem>>, %arg17: memref<125x128xf32, #tpu.memory_space<vmem>>, %arg18: memref<125x128xf32, #tpu.memory_space<vmem>>, %arg19: memref<10240x128xf32, #tpu.memory_space<vmem_shared>>, %arg20: memref<!tpu.dma_semaphore, #tpu.memory_space<semaphore_mem>>, %arg21: memref<!tpu.dma_semaphore, #tpu.memory_space<semaphore_mem>>) attributes {dimension_semantics = [#tpu.dimension_semantics<core_parallel>, #tpu.dimension_semantics<subcore_parallel>], iteration_bounds = array<i64: 2, 16>, scalar_prefetch = 0 : i64, scratch_operands = 7 : i64, tpu.core_type = #tpu.core_type<sc_vector_subcore>, window_params = [{transform_indices = #map}, {transform_indices = #map}, {transform_indices = #map1}, {transform_indices = #map1}, {transform_indices = #map1}, {transform_indices = #map1}, {transform_indices = #map1}, {transform_indices = #map1}, {transform_indices = #map}, {transform_indices = #map}, {transform_indices = #map}, {transform_indices = #map}, {transform_indices = #map}]} {
    %mul3A = arith.constant 16 : i32
    %mul3A_0 = arith.muli %arg0, %mul3A : i32
    %add3A = arith.addi %mul3A_0, %arg1 : i32
    %mul3A_1 = arith.constant 640 : i32
    %mul3A_2 = arith.muli %arg1, %mul3A_1 : i32
    %eq3A = arith.constant 0 : i32
    %eq3A_3 = arith.cmpi eq, %arg0, %eq3A : i32
    %convert_element_type3A = arith.extui %eq3A_3 : i1 to i32
    %cond3A = arith.constant 0 : i32
    %cond3A_4 = arith.cmpi ne, %convert_element_type3A, %cond3A : i32
    scf.if %cond3A_4 {
      %dma_start3A_35 = arith.constant 0 : i32
      %dma_start3A_36 = tpu.memref_slice %arg19[%mul3A_2, %dma_start3A_35] : memref<10240x128xf32, #tpu.memory_space<vmem_shared>> -> memref<640x128xf32, #tpu.memory_space<vmem_shared>>
      tpu.enqueue_dma source(%arg10 : memref<640x128xf32, #tpu.memory_space<hbm>>) target(%dma_start3A_36 : memref<640x128xf32, #tpu.memory_space<vmem_shared>>) target_semaphore(%arg21 : memref<!tpu.dma_semaphore, #tpu.memory_space<semaphore_mem>>)
      "tpu.region"() ({
        %run_scoped3A = tpu.sem_alloc : memref<!tpu.dma_semaphore, #tpu.memory_space<semaphore_mem>>
        %dma_start3A_69 = arith.constant 0 : i32
        %dma_start3A_70 = arith.constant 0 : i32
        %dma_start3A_71 = tpu.memref_slice %arg4[%arg1, %dma_start3A_69, %dma_start3A_70] : memref<32x40x125xi32, #tpu.memory_space<hbm>> -> memref<1x40x125xi32, #tpu.memory_space<hbm>>
        %dma_start3A_72 = tpu.memref_squeeze %dma_start3A_71 : memref<1x40x125xi32, #tpu.memory_space<hbm>> -> memref<40x125xi32, #tpu.memory_space<hbm>>
        %dma_start3A_73 = arith.constant 0 : i32
        %dma_start3A_74 = arith.constant 0 : i32
        %dma_start3A_75 = tpu.memref_slice %arg4[%arg1, %dma_start3A_73, %dma_start3A_74] : memref<32x40x125xi32, #tpu.memory_space<hbm>> -> memref<1x40x125xi32, #tpu.memory_space<hbm>>
        %dma_start3A_76 = tpu.memref_squeeze %dma_start3A_75 : memref<1x40x125xi32, #tpu.memory_space<hbm>> -> memref<40x125xi32, #tpu.memory_space<hbm>>
        tpu.enqueue_dma source(%dma_start3A_76 : memref<40x125xi32, #tpu.memory_space<hbm>>) target(%arg15 : memref<40x125xi32, #tpu.memory_space<vmem>>) target_semaphore(%run_scoped3A : memref<!tpu.dma_semaphore, #tpu.memory_space<semaphore_mem>>)
        %dma_wait3A_77 = arith.constant 0 : i32
        %dma_wait3A_78 = arith.constant 0 : i32
        %dma_wait3A_79 = tpu.memref_slice %arg4[%arg1, %dma_wait3A_77, %dma_wait3A_78] : memref<32x40x125xi32, #tpu.memory_space<hbm>> -> memref<1x40x125xi32, #tpu.memory_space<hbm>>
        %dma_wait3A_80 = tpu.memref_squeeze %dma_wait3A_79 : memref<1x40x125xi32, #tpu.memory_space<hbm>> -> memref<40x125xi32, #tpu.memory_space<hbm>>
        %dma_wait3A_81 = arith.constant 0 : i32
        %dma_wait3A_82 = arith.constant 0 : i32
        %dma_wait3A_83 = tpu.memref_slice %arg4[%arg1, %dma_wait3A_81, %dma_wait3A_82] : memref<32x40x125xi32, #tpu.memory_space<hbm>> -> memref<1x40x125xi32, #tpu.memory_space<hbm>>
        %dma_wait3A_84 = tpu.memref_squeeze %dma_wait3A_83 : memref<1x40x125xi32, #tpu.memory_space<hbm>> -> memref<40x125xi32, #tpu.memory_space<hbm>>
        tpu.wait_dma2 semaphore(%run_scoped3A : memref<!tpu.dma_semaphore, #tpu.memory_space<semaphore_mem>>) src(%dma_wait3A_84 : memref<40x125xi32, #tpu.memory_space<hbm>>) dst(%arg15 : memref<40x125xi32, #tpu.memory_space<vmem>>)
        tpu.yield
      }) : () -> ()
      "tpu.region"() ({
        %run_scoped3A = tpu.sem_alloc : memref<!tpu.dma_semaphore, #tpu.memory_space<semaphore_mem>>
        %dma_start3A_69 = arith.constant 0 : i32
        %dma_start3A_70 = arith.constant 0 : i32
        %dma_start3A_71 = tpu.memref_slice %arg5[%arg1, %dma_start3A_69, %dma_start3A_70] : memref<32x40x125xi32, #tpu.memory_space<hbm>> -> memref<1x40x125xi32, #tpu.memory_space<hbm>>
        %dma_start3A_72 = tpu.memref_squeeze %dma_start3A_71 : memref<1x40x125xi32, #tpu.memory_space<hbm>> -> memref<40x125xi32, #tpu.memory_space<hbm>>
        %dma_start3A_73 = arith.constant 0 : i32
        %dma_start3A_74 = arith.constant 0 : i32
        %dma_start3A_75 = tpu.memref_slice %arg5[%arg1, %dma_start3A_73, %dma_start3A_74] : memref<32x40x125xi32, #tpu.memory_space<hbm>> -> memref<1x40x125xi32, #tpu.memory_space<hbm>>
        %dma_start3A_76 = tpu.memref_squeeze %dma_start3A_75 : memref<1x40x125xi32, #tpu.memory_space<hbm>> -> memref<40x125xi32, #tpu.memory_space<hbm>>
        tpu.enqueue_dma source(%dma_start3A_76 : memref<40x125xi32, #tpu.memory_space<hbm>>) target(%arg16 : memref<40x125xi32, #tpu.memory_space<vmem>>) target_semaphore(%run_scoped3A : memref<!tpu.dma_semaphore, #tpu.memory_space<semaphore_mem>>)
        %dma_wait3A_77 = arith.constant 0 : i32
        %dma_wait3A_78 = arith.constant 0 : i32
        %dma_wait3A_79 = tpu.memref_slice %arg5[%arg1, %dma_wait3A_77, %dma_wait3A_78] : memref<32x40x125xi32, #tpu.memory_space<hbm>> -> memref<1x40x125xi32, #tpu.memory_space<hbm>>
        %dma_wait3A_80 = tpu.memref_squeeze %dma_wait3A_79 : memref<1x40x125xi32, #tpu.memory_space<hbm>> -> memref<40x125xi32, #tpu.memory_space<hbm>>
        %dma_wait3A_81 = arith.constant 0 : i32
        %dma_wait3A_82 = arith.constant 0 : i32
        %dma_wait3A_83 = tpu.memref_slice %arg5[%arg1, %dma_wait3A_81, %dma_wait3A_82] : memref<32x40x125xi32, #tpu.memory_space<hbm>> -> memref<1x40x125xi32, #tpu.memory_space<hbm>>
        %dma_wait3A_84 = tpu.memref_squeeze %dma_wait3A_83 : memref<1x40x125xi32, #tpu.memory_space<hbm>> -> memref<40x125xi32, #tpu.memory_space<hbm>>
        tpu.wait_dma2 semaphore(%run_scoped3A : memref<!tpu.dma_semaphore, #tpu.memory_space<semaphore_mem>>) src(%dma_wait3A_84 : memref<40x125xi32, #tpu.memory_space<hbm>>) dst(%arg16 : memref<40x125xi32, #tpu.memory_space<vmem>>)
        tpu.yield
      }) : () -> ()
      %dma_start3A_37 = arith.constant 0 : i32
      %dma_start3A_38 = arith.constant 0 : i32
      %dma_start3A_39 = tpu.memref_slice %arg15[%dma_start3A_37, %dma_start3A_38] : memref<40x125xi32, #tpu.memory_space<vmem>> -> memref<1x125xi32, #tpu.memory_space<vmem>>
      %dma_start3A_40 = tpu.memref_squeeze %dma_start3A_39 : memref<1x125xi32, #tpu.memory_space<vmem>> -> memref<125xi32, #tpu.memory_space<vmem>>
      %dma_start3A_41 = arith.constant 0 : i32
      %dma_start3A_42 = arith.constant 0 : i32
      %dma_start3A_43 = tpu.memref_slice %arg2[%dma_start3A_41, %dma_start3A_42] : memref<10000x128xf32, #tpu.memory_space<hbm>> -> memref<10000x128xf32, #tpu.memory_space<hbm>>
      tpu.enqueue_indirect_dma source(%dma_start3A_43 : memref<10000x128xf32, #tpu.memory_space<hbm>>) target(%arg17 : memref<125x128xf32, #tpu.memory_space<vmem>>) offsets(%dma_start3A_40 : memref<125xi32, #tpu.memory_space<vmem>>) semaphore(%arg20 : memref<!tpu.dma_semaphore, #tpu.memory_space<semaphore_mem>>)
      %dma_wait3A_44 = arith.constant 0 : i32
      %dma_wait3A_45 = tpu.memref_slice %arg19[%mul3A_2, %dma_wait3A_44] : memref<10240x128xf32, #tpu.memory_space<vmem_shared>> -> memref<640x128xf32, #tpu.memory_space<vmem_shared>>
      tpu.wait_dma2 semaphore(%arg21 : memref<!tpu.dma_semaphore, #tpu.memory_space<semaphore_mem>>) src(%arg10 : memref<640x128xf32, #tpu.memory_space<hbm>>) dst(%dma_wait3A_45 : memref<640x128xf32, #tpu.memory_space<vmem_shared>>)
      %barrier3A_46 = arith.constant 0 : index
      tpu.barrier barrier_id(%barrier3A_46)
      %scan3A_47 = arith.constant 0 : i32
      %scan3A_48 = arith.constant 0 : i32
      %scan3A_49 = arith.constant 20 : i32
      %scan3A_50 = arith.addi %scan3A_48, %scan3A_49 : i32
      %scan3A_51 = arith.constant 1 : i32
      scf.for %scan3A_69 = %scan3A_48 to %scan3A_50 step %scan3A_51  : i32 {
        %mul3A_70 = arith.constant 2 : i32
        %mul3A_71 = arith.muli %mul3A_70, %scan3A_69 : i32
        %add3A_72 = arith.constant 0 : i32
        %add3A_73 = arith.addi %mul3A_71, %add3A_72 : i32
        %dma_wait3A_74 = arith.constant 0 : i32
        %dma_wait3A_75 = tpu.memref_slice %arg15[%add3A_73, %dma_wait3A_74] : memref<40x125xi32, #tpu.memory_space<vmem>> -> memref<1x125xi32, #tpu.memory_space<vmem>>
        %dma_wait3A_76 = tpu.memref_squeeze %dma_wait3A_75 : memref<1x125xi32, #tpu.memory_space<vmem>> -> memref<125xi32, #tpu.memory_space<vmem>>
        %dma_wait3A_77 = arith.constant 0 : i32
        %dma_wait3A_78 = arith.constant 0 : i32
        %dma_wait3A_79 = tpu.memref_slice %arg2[%dma_wait3A_77, %dma_wait3A_78] : memref<10000x128xf32, #tpu.memory_space<hbm>> -> memref<10000x128xf32, #tpu.memory_space<hbm>>
        tpu.wait_indirect_dma semaphore(%arg20 : memref<!tpu.dma_semaphore, #tpu.memory_space<semaphore_mem>>) src(%dma_wait3A_79 : memref<10000x128xf32, #tpu.memory_space<hbm>>) dst(%arg17 : memref<125x128xf32, #tpu.memory_space<vmem>>)
        %add3A_80 = arith.constant 1 : i32
        %add3A_81 = arith.addi %add3A_73, %add3A_80 : i32
        %lt3A = arith.constant 40 : i32
        %lt3A_82 = arith.cmpi slt, %add3A_81, %lt3A : i32
        %convert_element_type3A_83 = arith.extui %lt3A_82 : i1 to i32
        %cond3A_84 = arith.constant 0 : i32
        %cond3A_85 = arith.cmpi ne, %convert_element_type3A_83, %cond3A_84 : i32
        scf.if %cond3A_85 {
          %add3A_103 = arith.constant 1 : i32
          %add3A_104 = arith.addi %add3A_73, %add3A_103 : i32
          %dma_start3A_105 = arith.constant 0 : i32
          %dma_start3A_106 = tpu.memref_slice %arg15[%add3A_104, %dma_start3A_105] : memref<40x125xi32, #tpu.memory_space<vmem>> -> memref<1x125xi32, #tpu.memory_space<vmem>>
          %dma_start3A_107 = tpu.memref_squeeze %dma_start3A_106 : memref<1x125xi32, #tpu.memory_space<vmem>> -> memref<125xi32, #tpu.memory_space<vmem>>
          %dma_start3A_108 = arith.constant 0 : i32
          %dma_start3A_109 = arith.constant 0 : i32
          %dma_start3A_110 = tpu.memref_slice %arg2[%dma_start3A_108, %dma_start3A_109] : memref<10000x128xf32, #tpu.memory_space<hbm>> -> memref<10000x128xf32, #tpu.memory_space<hbm>>
          tpu.enqueue_indirect_dma source(%dma_start3A_110 : memref<10000x128xf32, #tpu.memory_space<hbm>>) target(%arg18 : memref<125x128xf32, #tpu.memory_space<vmem>>) offsets(%dma_start3A_107 : memref<125xi32, #tpu.memory_space<vmem>>) semaphore(%arg20 : memref<!tpu.dma_semaphore, #tpu.memory_space<semaphore_mem>>)
        } else {
        }
        "tpu.region"() ({
          %run_scoped3A = tpu.sem_alloc : memref<!tpu.dma_semaphore, #tpu.memory_space<semaphore_mem>>
          %dma_start3A_103 = arith.constant 0 : i32
          %dma_start3A_104 = tpu.memref_slice %arg16[%add3A_73, %dma_start3A_103] : memref<40x125xi32, #tpu.memory_space<vmem>> -> memref<1x125xi32, #tpu.memory_space<vmem>>
          %dma_start3A_105 = tpu.memref_squeeze %dma_start3A_104 : memref<1x125xi32, #tpu.memory_space<vmem>> -> memref<125xi32, #tpu.memory_space<vmem>>
          %dma_start3A_106 = arith.constant 0 : i32
          %dma_start3A_107 = arith.constant 0 : i32
          %dma_start3A_108 = tpu.memref_slice %arg19[%dma_start3A_106, %dma_start3A_107] : memref<10240x128xf32, #tpu.memory_space<vmem_shared>> -> memref<10240x128xf32, #tpu.memory_space<vmem_shared>>
          tpu.enqueue_indirect_dma source(%arg17 : memref<125x128xf32, #tpu.memory_space<vmem>>) target(%dma_start3A_108 : memref<10240x128xf32, #tpu.memory_space<vmem_shared>>) offsets(%dma_start3A_105 : memref<125xi32, #tpu.memory_space<vmem>>) semaphore(%run_scoped3A : memref<!tpu.dma_semaphore, #tpu.memory_space<semaphore_mem>>) {add = true}
          %dma_wait3A_109 = arith.constant 0 : i32
          %dma_wait3A_110 = tpu.memref_slice %arg16[%add3A_73, %dma_wait3A_109] : memref<40x125xi32, #tpu.memory_space<vmem>> -> memref<1x125xi32, #tpu.memory_space<vmem>>
          %dma_wait3A_111 = tpu.memref_squeeze %dma_wait3A_110 : memref<1x125xi32, #tpu.memory_space<vmem>> -> memref<125xi32, #tpu.memory_space<vmem>>
          %dma_wait3A_112 = arith.constant 0 : i32
          %dma_wait3A_113 = arith.constant 0 : i32
          %dma_wait3A_114 = tpu.memref_slice %arg19[%dma_wait3A_112, %dma_wait3A_113] : memref<10240x128xf32, #tpu.memory_space<vmem_shared>> -> memref<10240x128xf32, #tpu.memory_space<vmem_shared>>
          tpu.wait_indirect_dma semaphore(%run_scoped3A : memref<!tpu.dma_semaphore, #tpu.memory_space<semaphore_mem>>) src(%arg17 : memref<125x128xf32, #tpu.memory_space<vmem>>) dst(%dma_wait3A_114 : memref<10240x128xf32, #tpu.memory_space<vmem_shared>>)
          tpu.yield
        }) : () -> ()
        %mul3A_86 = arith.constant 2 : i32
        %mul3A_87 = arith.muli %mul3A_86, %scan3A_69 : i32
        %add3A_88 = arith.constant 1 : i32
        %add3A_89 = arith.addi %mul3A_87, %add3A_88 : i32
        %dma_wait3A_90 = arith.constant 0 : i32
        %dma_wait3A_91 = tpu.memref_slice %arg15[%add3A_89, %dma_wait3A_90] : memref<40x125xi32, #tpu.memory_space<vmem>> -> memref<1x125xi32, #tpu.memory_space<vmem>>
        %dma_wait3A_92 = tpu.memref_squeeze %dma_wait3A_91 : memref<1x125xi32, #tpu.memory_space<vmem>> -> memref<125xi32, #tpu.memory_space<vmem>>
        %dma_wait3A_93 = arith.constant 0 : i32
        %dma_wait3A_94 = arith.constant 0 : i32
        %dma_wait3A_95 = tpu.memref_slice %arg2[%dma_wait3A_93, %dma_wait3A_94] : memref<10000x128xf32, #tpu.memory_space<hbm>> -> memref<10000x128xf32, #tpu.memory_space<hbm>>
        tpu.wait_indirect_dma semaphore(%arg20 : memref<!tpu.dma_semaphore, #tpu.memory_space<semaphore_mem>>) src(%dma_wait3A_95 : memref<10000x128xf32, #tpu.memory_space<hbm>>) dst(%arg18 : memref<125x128xf32, #tpu.memory_space<vmem>>)
        %add3A_96 = arith.constant 1 : i32
        %add3A_97 = arith.addi %add3A_89, %add3A_96 : i32
        %lt3A_98 = arith.constant 40 : i32
        %lt3A_99 = arith.cmpi slt, %add3A_97, %lt3A_98 : i32
        %convert_element_type3A_100 = arith.extui %lt3A_99 : i1 to i32
        %cond3A_101 = arith.constant 0 : i32
        %cond3A_102 = arith.cmpi ne, %convert_element_type3A_100, %cond3A_101 : i32
        scf.if %cond3A_102 {
          %add3A_103 = arith.constant 1 : i32
          %add3A_104 = arith.addi %add3A_89, %add3A_103 : i32
          %dma_start3A_105 = arith.constant 0 : i32
          %dma_start3A_106 = tpu.memref_slice %arg15[%add3A_104, %dma_start3A_105] : memref<40x125xi32, #tpu.memory_space<vmem>> -> memref<1x125xi32, #tpu.memory_space<vmem>>
          %dma_start3A_107 = tpu.memref_squeeze %dma_start3A_106 : memref<1x125xi32, #tpu.memory_space<vmem>> -> memref<125xi32, #tpu.memory_space<vmem>>
          %dma_start3A_108 = arith.constant 0 : i32
          %dma_start3A_109 = arith.constant 0 : i32
          %dma_start3A_110 = tpu.memref_slice %arg2[%dma_start3A_108, %dma_start3A_109] : memref<10000x128xf32, #tpu.memory_space<hbm>> -> memref<10000x128xf32, #tpu.memory_space<hbm>>
          tpu.enqueue_indirect_dma source(%dma_start3A_110 : memref<10000x128xf32, #tpu.memory_space<hbm>>) target(%arg17 : memref<125x128xf32, #tpu.memory_space<vmem>>) offsets(%dma_start3A_107 : memref<125xi32, #tpu.memory_space<vmem>>) semaphore(%arg20 : memref<!tpu.dma_semaphore, #tpu.memory_space<semaphore_mem>>)
        } else {
        }
        "tpu.region"() ({
          %run_scoped3A = tpu.sem_alloc : memref<!tpu.dma_semaphore, #tpu.memory_space<semaphore_mem>>
          %dma_start3A_103 = arith.constant 0 : i32
          %dma_start3A_104 = tpu.memref_slice %arg16[%add3A_89, %dma_start3A_103] : memref<40x125xi32, #tpu.memory_space<vmem>> -> memref<1x125xi32, #tpu.memory_space<vmem>>
          %dma_start3A_105 = tpu.memref_squeeze %dma_start3A_104 : memref<1x125xi32, #tpu.memory_space<vmem>> -> memref<125xi32, #tpu.memory_space<vmem>>
          %dma_start3A_106 = arith.constant 0 : i32
          %dma_start3A_107 = arith.constant 0 : i32
          %dma_start3A_108 = tpu.memref_slice %arg19[%dma_start3A_106, %dma_start3A_107] : memref<10240x128xf32, #tpu.memory_space<vmem_shared>> -> memref<10240x128xf32, #tpu.memory_space<vmem_shared>>
          tpu.enqueue_indirect_dma source(%arg18 : memref<125x128xf32, #tpu.memory_space<vmem>>) target(%dma_start3A_108 : memref<10240x128xf32, #tpu.memory_space<vmem_shared>>) offsets(%dma_start3A_105 : memref<125xi32, #tpu.memory_space<vmem>>) semaphore(%run_scoped3A : memref<!tpu.dma_semaphore, #tpu.memory_space<semaphore_mem>>) {add = true}
          %dma_wait3A_109 = arith.constant 0 : i32
          %dma_wait3A_110 = tpu.memref_slice %arg16[%add3A_89, %dma_wait3A_109] : memref<40x125xi32, #tpu.memory_space<vmem>> -> memref<1x125xi32, #tpu.memory_space<vmem>>
          %dma_wait3A_111 = tpu.memref_squeeze %dma_wait3A_110 : memref<1x125xi32, #tpu.memory_space<vmem>> -> memref<125xi32, #tpu.memory_space<vmem>>
          %dma_wait3A_112 = arith.constant 0 : i32
          %dma_wait3A_113 = arith.constant 0 : i32
          %dma_wait3A_114 = tpu.memref_slice %arg19[%dma_wait3A_112, %dma_wait3A_113] : memref<10240x128xf32, #tpu.memory_space<vmem_shared>> -> memref<10240x128xf32, #tpu.memory_space<vmem_shared>>
          tpu.wait_indirect_dma semaphore(%run_scoped3A : memref<!tpu.dma_semaphore, #tpu.memory_space<semaphore_mem>>) src(%arg18 : memref<125x128xf32, #tpu.memory_space<vmem>>) dst(%dma_wait3A_114 : memref<10240x128xf32, #tpu.memory_space<vmem_shared>>)
          tpu.yield
        }) : () -> ()
      }
      %scan3A_52 = arith.constant 20 : i32
      %add3A_53 = arith.constant 16 : i32
      %add3A_54 = arith.addi %arg1, %add3A_53 : i32
      "tpu.region"() ({
        %run_scoped3A = tpu.sem_alloc : memref<!tpu.dma_semaphore, #tpu.memory_space<semaphore_mem>>
        %dma_start3A_69 = arith.constant 0 : i32
        %dma_start3A_70 = arith.constant 0 : i32
        %dma_start3A_71 = tpu.memref_slice %arg4[%add3A_54, %dma_start3A_69, %dma_start3A_70] : memref<32x40x125xi32, #tpu.memory_space<hbm>> -> memref<1x40x125xi32, #tpu.memory_space<hbm>>
        %dma_start3A_72 = tpu.memref_squeeze %dma_start3A_71 : memref<1x40x125xi32, #tpu.memory_space<hbm>> -> memref<40x125xi32, #tpu.memory_space<hbm>>
        %dma_start3A_73 = arith.constant 0 : i32
        %dma_start3A_74 = arith.constant 0 : i32
        %dma_start3A_75 = tpu.memref_slice %arg4[%add3A_54, %dma_start3A_73, %dma_start3A_74] : memref<32x40x125xi32, #tpu.memory_space<hbm>> -> memref<1x40x125xi32, #tpu.memory_space<hbm>>
        %dma_start3A_76 = tpu.memref_squeeze %dma_start3A_75 : memref<1x40x125xi32, #tpu.memory_space<hbm>> -> memref<40x125xi32, #tpu.memory_space<hbm>>
        tpu.enqueue_dma source(%dma_start3A_76 : memref<40x125xi32, #tpu.memory_space<hbm>>) target(%arg15 : memref<40x125xi32, #tpu.memory_space<vmem>>) target_semaphore(%run_scoped3A : memref<!tpu.dma_semaphore, #tpu.memory_space<semaphore_mem>>)
        %dma_wait3A_77 = arith.constant 0 : i32
        %dma_wait3A_78 = arith.constant 0 : i32
        %dma_wait3A_79 = tpu.memref_slice %arg4[%add3A_54, %dma_wait3A_77, %dma_wait3A_78] : memref<32x40x125xi32, #tpu.memory_space<hbm>> -> memref<1x40x125xi32, #tpu.memory_space<hbm>>
        %dma_wait3A_80 = tpu.memref_squeeze %dma_wait3A_79 : memref<1x40x125xi32, #tpu.memory_space<hbm>> -> memref<40x125xi32, #tpu.memory_space<hbm>>
        %dma_wait3A_81 = arith.constant 0 : i32
        %dma_wait3A_82 = arith.constant 0 : i32
        %dma_wait3A_83 = tpu.memref_slice %arg4[%add3A_54, %dma_wait3A_81, %dma_wait3A_82] : memref<32x40x125xi32, #tpu.memory_space<hbm>> -> memref<1x40x125xi32, #tpu.memory_space<hbm>>
        %dma_wait3A_84 = tpu.memref_squeeze %dma_wait3A_83 : memref<1x40x125xi32, #tpu.memory_space<hbm>> -> memref<40x125xi32, #tpu.memory_space<hbm>>
        tpu.wait_dma2 semaphore(%run_scoped3A : memref<!tpu.dma_semaphore, #tpu.memory_space<semaphore_mem>>) src(%dma_wait3A_84 : memref<40x125xi32, #tpu.memory_space<hbm>>) dst(%arg15 : memref<40x125xi32, #tpu.memory_space<vmem>>)
        tpu.yield
      }) : () -> ()
      "tpu.region"() ({
        %run_scoped3A = tpu.sem_alloc : memref<!tpu.dma_semaphore, #tpu.memory_space<semaphore_mem>>
        %dma_start3A_69 = arith.constant 0 : i32
        %dma_start3A_70 = arith.constant 0 : i32
        %dma_start3A_71 = tpu.memref_slice %arg5[%add3A_54, %dma_start3A_69, %dma_start3A_70] : memref<32x40x125xi32, #tpu.memory_space<hbm>> -> memref<1x40x125xi32, #tpu.memory_space<hbm>>
        %dma_start3A_72 = tpu.memref_squeeze %dma_start3A_71 : memref<1x40x125xi32, #tpu.memory_space<hbm>> -> memref<40x125xi32, #tpu.memory_space<hbm>>
        %dma_start3A_73 = arith.constant 0 : i32
        %dma_start3A_74 = arith.constant 0 : i32
        %dma_start3A_75 = tpu.memref_slice %arg5[%add3A_54, %dma_start3A_73, %dma_start3A_74] : memref<32x40x125xi32, #tpu.memory_space<hbm>> -> memref<1x40x125xi32, #tpu.memory_space<hbm>>
        %dma_start3A_76 = tpu.memref_squeeze %dma_start3A_75 : memref<1x40x125xi32, #tpu.memory_space<hbm>> -> memref<40x125xi32, #tpu.memory_space<hbm>>
        tpu.enqueue_dma source(%dma_start3A_76 : memref<40x125xi32, #tpu.memory_space<hbm>>) target(%arg16 : memref<40x125xi32, #tpu.memory_space<vmem>>) target_semaphore(%run_scoped3A : memref<!tpu.dma_semaphore, #tpu.memory_space<semaphore_mem>>)
        %dma_wait3A_77 = arith.constant 0 : i32
        %dma_wait3A_78 = arith.constant 0 : i32
        %dma_wait3A_79 = tpu.memref_slice %arg5[%add3A_54, %dma_wait3A_77, %dma_wait3A_78] : memref<32x40x125xi32, #tpu.memory_space<hbm>> -> memref<1x40x125xi32, #tpu.memory_space<hbm>>
        %dma_wait3A_80 = tpu.memref_squeeze %dma_wait3A_79 : memref<1x40x125xi32, #tpu.memory_space<hbm>> -> memref<40x125xi32, #tpu.memory_space<hbm>>
        %dma_wait3A_81 = arith.constant 0 : i32
        %dma_wait3A_82 = arith.constant 0 : i32
        %dma_wait3A_83 = tpu.memref_slice %arg5[%add3A_54, %dma_wait3A_81, %dma_wait3A_82] : memref<32x40x125xi32, #tpu.memory_space<hbm>> -> memref<1x40x125xi32, #tpu.memory_space<hbm>>
        %dma_wait3A_84 = tpu.memref_squeeze %dma_wait3A_83 : memref<1x40x125xi32, #tpu.memory_space<hbm>> -> memref<40x125xi32, #tpu.memory_space<hbm>>
        tpu.wait_dma2 semaphore(%run_scoped3A : memref<!tpu.dma_semaphore, #tpu.memory_space<semaphore_mem>>) src(%dma_wait3A_84 : memref<40x125xi32, #tpu.memory_space<hbm>>) dst(%arg16 : memref<40x125xi32, #tpu.memory_space<vmem>>)
        tpu.yield
      }) : () -> ()
      %dma_start3A_55 = arith.constant 0 : i32
      %dma_start3A_56 = arith.constant 0 : i32
      %dma_start3A_57 = tpu.memref_slice %arg15[%dma_start3A_55, %dma_start3A_56] : memref<40x125xi32, #tpu.memory_space<vmem>> -> memref<1x125xi32, #tpu.memory_space<vmem>>
      %dma_start3A_58 = tpu.memref_squeeze %dma_start3A_57 : memref<1x125xi32, #tpu.memory_space<vmem>> -> memref<125xi32, #tpu.memory_space<vmem>>
      %dma_start3A_59 = arith.constant 0 : i32
      %dma_start3A_60 = arith.constant 0 : i32
      %dma_start3A_61 = tpu.memref_slice %arg2[%dma_start3A_59, %dma_start3A_60] : memref<10000x128xf32, #tpu.memory_space<hbm>> -> memref<10000x128xf32, #tpu.memory_space<hbm>>
      tpu.enqueue_indirect_dma source(%dma_start3A_61 : memref<10000x128xf32, #tpu.memory_space<hbm>>) target(%arg17 : memref<125x128xf32, #tpu.memory_space<vmem>>) offsets(%dma_start3A_58 : memref<125xi32, #tpu.memory_space<vmem>>) semaphore(%arg20 : memref<!tpu.dma_semaphore, #tpu.memory_space<semaphore_mem>>)
      %scan3A_62 = arith.constant 0 : i32
      %scan3A_63 = arith.constant 0 : i32
      %scan3A_64 = arith.constant 20 : i32
      %scan3A_65 = arith.addi %scan3A_63, %scan3A_64 : i32
      %scan3A_66 = arith.constant 1 : i32
      scf.for %scan3A_69 = %scan3A_63 to %scan3A_65 step %scan3A_66  : i32 {
        %mul3A_70 = arith.constant 2 : i32
        %mul3A_71 = arith.muli %mul3A_70, %scan3A_69 : i32
        %add3A_72 = arith.constant 0 : i32
        %add3A_73 = arith.addi %mul3A_71, %add3A_72 : i32
        %dma_wait3A_74 = arith.constant 0 : i32
        %dma_wait3A_75 = tpu.memref_slice %arg15[%add3A_73, %dma_wait3A_74] : memref<40x125xi32, #tpu.memory_space<vmem>> -> memref<1x125xi32, #tpu.memory_space<vmem>>
        %dma_wait3A_76 = tpu.memref_squeeze %dma_wait3A_75 : memref<1x125xi32, #tpu.memory_space<vmem>> -> memref<125xi32, #tpu.memory_space<vmem>>
        %dma_wait3A_77 = arith.constant 0 : i32
        %dma_wait3A_78 = arith.constant 0 : i32
        %dma_wait3A_79 = tpu.memref_slice %arg2[%dma_wait3A_77, %dma_wait3A_78] : memref<10000x128xf32, #tpu.memory_space<hbm>> -> memref<10000x128xf32, #tpu.memory_space<hbm>>
        tpu.wait_indirect_dma semaphore(%arg20 : memref<!tpu.dma_semaphore, #tpu.memory_space<semaphore_mem>>) src(%dma_wait3A_79 : memref<10000x128xf32, #tpu.memory_space<hbm>>) dst(%arg17 : memref<125x128xf32, #tpu.memory_space<vmem>>)
        %add3A_80 = arith.constant 1 : i32
        %add3A_81 = arith.addi %add3A_73, %add3A_80 : i32
        %lt3A = arith.constant 40 : i32
        %lt3A_82 = arith.cmpi slt, %add3A_81, %lt3A : i32
        %convert_element_type3A_83 = arith.extui %lt3A_82 : i1 to i32
        %cond3A_84 = arith.constant 0 : i32
        %cond3A_85 = arith.cmpi ne, %convert_element_type3A_83, %cond3A_84 : i32
        scf.if %cond3A_85 {
          %add3A_103 = arith.constant 1 : i32
          %add3A_104 = arith.addi %add3A_73, %add3A_103 : i32
          %dma_start3A_105 = arith.constant 0 : i32
          %dma_start3A_106 = tpu.memref_slice %arg15[%add3A_104, %dma_start3A_105] : memref<40x125xi32, #tpu.memory_space<vmem>> -> memref<1x125xi32, #tpu.memory_space<vmem>>
          %dma_start3A_107 = tpu.memref_squeeze %dma_start3A_106 : memref<1x125xi32, #tpu.memory_space<vmem>> -> memref<125xi32, #tpu.memory_space<vmem>>
          %dma_start3A_108 = arith.constant 0 : i32
          %dma_start3A_109 = arith.constant 0 : i32
          %dma_start3A_110 = tpu.memref_slice %arg2[%dma_start3A_108, %dma_start3A_109] : memref<10000x128xf32, #tpu.memory_space<hbm>> -> memref<10000x128xf32, #tpu.memory_space<hbm>>
          tpu.enqueue_indirect_dma source(%dma_start3A_110 : memref<10000x128xf32, #tpu.memory_space<hbm>>) target(%arg18 : memref<125x128xf32, #tpu.memory_space<vmem>>) offsets(%dma_start3A_107 : memref<125xi32, #tpu.memory_space<vmem>>) semaphore(%arg20 : memref<!tpu.dma_semaphore, #tpu.memory_space<semaphore_mem>>)
        } else {
        }
        "tpu.region"() ({
          %run_scoped3A = tpu.sem_alloc : memref<!tpu.dma_semaphore, #tpu.memory_space<semaphore_mem>>
          %dma_start3A_103 = arith.constant 0 : i32
          %dma_start3A_104 = tpu.memref_slice %arg16[%add3A_73, %dma_start3A_103] : memref<40x125xi32, #tpu.memory_space<vmem>> -> memref<1x125xi32, #tpu.memory_space<vmem>>
          %dma_start3A_105 = tpu.memref_squeeze %dma_start3A_104 : memref<1x125xi32, #tpu.memory_space<vmem>> -> memref<125xi32, #tpu.memory_space<vmem>>
          %dma_start3A_106 = arith.constant 0 : i32
          %dma_start3A_107 = arith.constant 0 : i32
          %dma_start3A_108 = tpu.memref_slice %arg19[%dma_start3A_106, %dma_start3A_107] : memref<10240x128xf32, #tpu.memory_space<vmem_shared>> -> memref<10240x128xf32, #tpu.memory_space<vmem_shared>>
          tpu.enqueue_indirect_dma source(%arg17 : memref<125x128xf32, #tpu.memory_space<vmem>>) target(%dma_start3A_108 : memref<10240x128xf32, #tpu.memory_space<vmem_shared>>) offsets(%dma_start3A_105 : memref<125xi32, #tpu.memory_space<vmem>>) semaphore(%run_scoped3A : memref<!tpu.dma_semaphore, #tpu.memory_space<semaphore_mem>>) {add = true}
          %dma_wait3A_109 = arith.constant 0 : i32
          %dma_wait3A_110 = tpu.memref_slice %arg16[%add3A_73, %dma_wait3A_109] : memref<40x125xi32, #tpu.memory_space<vmem>> -> memref<1x125xi32, #tpu.memory_space<vmem>>
          %dma_wait3A_111 = tpu.memref_squeeze %dma_wait3A_110 : memref<1x125xi32, #tpu.memory_space<vmem>> -> memref<125xi32, #tpu.memory_space<vmem>>
          %dma_wait3A_112 = arith.constant 0 : i32
          %dma_wait3A_113 = arith.constant 0 : i32
          %dma_wait3A_114 = tpu.memref_slice %arg19[%dma_wait3A_112, %dma_wait3A_113] : memref<10240x128xf32, #tpu.memory_space<vmem_shared>> -> memref<10240x128xf32, #tpu.memory_space<vmem_shared>>
          tpu.wait_indirect_dma semaphore(%run_scoped3A : memref<!tpu.dma_semaphore, #tpu.memory_space<semaphore_mem>>) src(%arg17 : memref<125x128xf32, #tpu.memory_space<vmem>>) dst(%dma_wait3A_114 : memref<10240x128xf32, #tpu.memory_space<vmem_shared>>)
          tpu.yield
        }) : () -> ()
        %mul3A_86 = arith.constant 2 : i32
        %mul3A_87 = arith.muli %mul3A_86, %scan3A_69 : i32
        %add3A_88 = arith.constant 1 : i32
        %add3A_89 = arith.addi %mul3A_87, %add3A_88 : i32
        %dma_wait3A_90 = arith.constant 0 : i32
        %dma_wait3A_91 = tpu.memref_slice %arg15[%add3A_89, %dma_wait3A_90] : memref<40x125xi32, #tpu.memory_space<vmem>> -> memref<1x125xi32, #tpu.memory_space<vmem>>
        %dma_wait3A_92 = tpu.memref_squeeze %dma_wait3A_91 : memref<1x125xi32, #tpu.memory_space<vmem>> -> memref<125xi32, #tpu.memory_space<vmem>>
        %dma_wait3A_93 = arith.constant 0 : i32
        %dma_wait3A_94 = arith.constant 0 : i32
        %dma_wait3A_95 = tpu.memref_slice %arg2[%dma_wait3A_93, %dma_wait3A_94] : memref<10000x128xf32, #tpu.memory_space<hbm>> -> memref<10000x128xf32, #tpu.memory_space<hbm>>
        tpu.wait_indirect_dma semaphore(%arg20 : memref<!tpu.dma_semaphore, #tpu.memory_space<semaphore_mem>>) src(%dma_wait3A_95 : memref<10000x128xf32, #tpu.memory_space<hbm>>) dst(%arg18 : memref<125x128xf32, #tpu.memory_space<vmem>>)
        %add3A_96 = arith.constant 1 : i32
        %add3A_97 = arith.addi %add3A_89, %add3A_96 : i32
        %lt3A_98 = arith.constant 40 : i32
        %lt3A_99 = arith.cmpi slt, %add3A_97, %lt3A_98 : i32
        %convert_element_type3A_100 = arith.extui %lt3A_99 : i1 to i32
        %cond3A_101 = arith.constant 0 : i32
        %cond3A_102 = arith.cmpi ne, %convert_element_type3A_100, %cond3A_101 : i32
        scf.if %cond3A_102 {
          %add3A_103 = arith.constant 1 : i32
          %add3A_104 = arith.addi %add3A_89, %add3A_103 : i32
          %dma_start3A_105 = arith.constant 0 : i32
          %dma_start3A_106 = tpu.memref_slice %arg15[%add3A_104, %dma_start3A_105] : memref<40x125xi32, #tpu.memory_space<vmem>> -> memref<1x125xi32, #tpu.memory_space<vmem>>
          %dma_start3A_107 = tpu.memref_squeeze %dma_start3A_106 : memref<1x125xi32, #tpu.memory_space<vmem>> -> memref<125xi32, #tpu.memory_space<vmem>>
          %dma_start3A_108 = arith.constant 0 : i32
          %dma_start3A_109 = arith.constant 0 : i32
          %dma_start3A_110 = tpu.memref_slice %arg2[%dma_start3A_108, %dma_start3A_109] : memref<10000x128xf32, #tpu.memory_space<hbm>> -> memref<10000x128xf32, #tpu.memory_space<hbm>>
          tpu.enqueue_indirect_dma source(%dma_start3A_110 : memref<10000x128xf32, #tpu.memory_space<hbm>>) target(%arg17 : memref<125x128xf32, #tpu.memory_space<vmem>>) offsets(%dma_start3A_107 : memref<125xi32, #tpu.memory_space<vmem>>) semaphore(%arg20 : memref<!tpu.dma_semaphore, #tpu.memory_space<semaphore_mem>>)
        } else {
        }
        "tpu.region"() ({
          %run_scoped3A = tpu.sem_alloc : memref<!tpu.dma_semaphore, #tpu.memory_space<semaphore_mem>>
          %dma_start3A_103 = arith.constant 0 : i32
          %dma_start3A_104 = tpu.memref_slice %arg16[%add3A_89, %dma_start3A_103] : memref<40x125xi32, #tpu.memory_space<vmem>> -> memref<1x125xi32, #tpu.memory_space<vmem>>
          %dma_start3A_105 = tpu.memref_squeeze %dma_start3A_104 : memref<1x125xi32, #tpu.memory_space<vmem>> -> memref<125xi32, #tpu.memory_space<vmem>>
          %dma_start3A_106 = arith.constant 0 : i32
          %dma_start3A_107 = arith.constant 0 : i32
          %dma_start3A_108 = tpu.memref_slice %arg19[%dma_start3A_106, %dma_start3A_107] : memref<10240x128xf32, #tpu.memory_space<vmem_shared>> -> memref<10240x128xf32, #tpu.memory_space<vmem_shared>>
          tpu.enqueue_indirect_dma source(%arg18 : memref<125x128xf32, #tpu.memory_space<vmem>>) target(%dma_start3A_108 : memref<10240x128xf32, #tpu.memory_space<vmem_shared>>) offsets(%dma_start3A_105 : memref<125xi32, #tpu.memory_space<vmem>>) semaphore(%run_scoped3A : memref<!tpu.dma_semaphore, #tpu.memory_space<semaphore_mem>>) {add = true}
          %dma_wait3A_109 = arith.constant 0 : i32
          %dma_wait3A_110 = tpu.memref_slice %arg16[%add3A_89, %dma_wait3A_109] : memref<40x125xi32, #tpu.memory_space<vmem>> -> memref<1x125xi32, #tpu.memory_space<vmem>>
          %dma_wait3A_111 = tpu.memref_squeeze %dma_wait3A_110 : memref<1x125xi32, #tpu.memory_space<vmem>> -> memref<125xi32, #tpu.memory_space<vmem>>
          %dma_wait3A_112 = arith.constant 0 : i32
          %dma_wait3A_113 = arith.constant 0 : i32
          %dma_wait3A_114 = tpu.memref_slice %arg19[%dma_wait3A_112, %dma_wait3A_113] : memref<10240x128xf32, #tpu.memory_space<vmem_shared>> -> memref<10240x128xf32, #tpu.memory_space<vmem_shared>>
          tpu.wait_indirect_dma semaphore(%run_scoped3A : memref<!tpu.dma_semaphore, #tpu.memory_space<semaphore_mem>>) src(%arg18 : memref<125x128xf32, #tpu.memory_space<vmem>>) dst(%dma_wait3A_114 : memref<10240x128xf32, #tpu.memory_space<vmem_shared>>)
          tpu.yield
        }) : () -> ()
      }
      %scan3A_67 = arith.constant 20 : i32
      %barrier3A_68 = arith.constant 0 : index
      tpu.barrier barrier_id(%barrier3A_68)
      "tpu.region"() ({
        %run_scoped3A = tpu.sem_alloc : memref<!tpu.dma_semaphore, #tpu.memory_space<semaphore_mem>>
        %dma_start3A_69 = arith.constant 0 : i32
        %dma_start3A_70 = tpu.memref_slice %arg11[%mul3A_2, %dma_start3A_69] : memref<10240x128xf32, #tpu.memory_space<hbm>> -> memref<640x128xf32, #tpu.memory_space<hbm>>
        %dma_start3A_71 = arith.constant 0 : i32
        %dma_start3A_72 = tpu.memref_slice %arg19[%mul3A_2, %dma_start3A_71] : memref<10240x128xf32, #tpu.memory_space<vmem_shared>> -> memref<640x128xf32, #tpu.memory_space<vmem_shared>>
        tpu.enqueue_dma source(%dma_start3A_72 : memref<640x128xf32, #tpu.memory_space<vmem_shared>>) target(%dma_start3A_70 : memref<640x128xf32, #tpu.memory_space<hbm>>) target_semaphore(%run_scoped3A : memref<!tpu.dma_semaphore, #tpu.memory_space<semaphore_mem>>)
        %dma_wait3A_73 = arith.constant 0 : i32
        %dma_wait3A_74 = tpu.memref_slice %arg11[%mul3A_2, %dma_wait3A_73] : memref<10240x128xf32, #tpu.memory_space<hbm>> -> memref<640x128xf32, #tpu.memory_space<hbm>>
        %dma_wait3A_75 = arith.constant 0 : i32
        %dma_wait3A_76 = tpu.memref_slice %arg19[%mul3A_2, %dma_wait3A_75] : memref<10240x128xf32, #tpu.memory_space<vmem_shared>> -> memref<640x128xf32, #tpu.memory_space<vmem_shared>>
        tpu.wait_dma2 semaphore(%run_scoped3A : memref<!tpu.dma_semaphore, #tpu.memory_space<semaphore_mem>>) src(%dma_wait3A_76 : memref<640x128xf32, #tpu.memory_space<vmem_shared>>) dst(%dma_wait3A_74 : memref<640x128xf32, #tpu.memory_space<hbm>>)
        tpu.yield
      }) : () -> ()
    } else {
    }
    %eq3A_5 = arith.constant 1 : i32
    %eq3A_6 = arith.cmpi eq, %arg0, %eq3A_5 : i32
    %convert_element_type3A_7 = arith.extui %eq3A_6 : i1 to i32
    %cond3A_8 = arith.constant 0 : i32
    %cond3A_9 = arith.cmpi ne, %convert_element_type3A_7, %cond3A_8 : i32
    scf.if %cond3A_9 {
      %dma_start3A_35 = arith.constant 0 : i32
      %dma_start3A_36 = tpu.memref_slice %arg19[%mul3A_2, %dma_start3A_35] : memref<10240x128xf32, #tpu.memory_space<vmem_shared>> -> memref<640x128xf32, #tpu.memory_space<vmem_shared>>
      tpu.enqueue_dma source(%arg10 : memref<640x128xf32, #tpu.memory_space<hbm>>) target(%dma_start3A_36 : memref<640x128xf32, #tpu.memory_space<vmem_shared>>) target_semaphore(%arg21 : memref<!tpu.dma_semaphore, #tpu.memory_space<semaphore_mem>>)
      "tpu.region"() ({
        %run_scoped3A = tpu.sem_alloc : memref<!tpu.dma_semaphore, #tpu.memory_space<semaphore_mem>>
        %dma_start3A_69 = arith.constant 0 : i32
        %dma_start3A_70 = arith.constant 0 : i32
        %dma_start3A_71 = tpu.memref_slice %arg6[%arg1, %dma_start3A_69, %dma_start3A_70] : memref<32x40x125xi32, #tpu.memory_space<hbm>> -> memref<1x40x125xi32, #tpu.memory_space<hbm>>
        %dma_start3A_72 = tpu.memref_squeeze %dma_start3A_71 : memref<1x40x125xi32, #tpu.memory_space<hbm>> -> memref<40x125xi32, #tpu.memory_space<hbm>>
        %dma_start3A_73 = arith.constant 0 : i32
        %dma_start3A_74 = arith.constant 0 : i32
        %dma_start3A_75 = tpu.memref_slice %arg6[%arg1, %dma_start3A_73, %dma_start3A_74] : memref<32x40x125xi32, #tpu.memory_space<hbm>> -> memref<1x40x125xi32, #tpu.memory_space<hbm>>
        %dma_start3A_76 = tpu.memref_squeeze %dma_start3A_75 : memref<1x40x125xi32, #tpu.memory_space<hbm>> -> memref<40x125xi32, #tpu.memory_space<hbm>>
        tpu.enqueue_dma source(%dma_start3A_76 : memref<40x125xi32, #tpu.memory_space<hbm>>) target(%arg15 : memref<40x125xi32, #tpu.memory_space<vmem>>) target_semaphore(%run_scoped3A : memref<!tpu.dma_semaphore, #tpu.memory_space<semaphore_mem>>)
        %dma_wait3A_77 = arith.constant 0 : i32
        %dma_wait3A_78 = arith.constant 0 : i32
        %dma_wait3A_79 = tpu.memref_slice %arg6[%arg1, %dma_wait3A_77, %dma_wait3A_78] : memref<32x40x125xi32, #tpu.memory_space<hbm>> -> memref<1x40x125xi32, #tpu.memory_space<hbm>>
        %dma_wait3A_80 = tpu.memref_squeeze %dma_wait3A_79 : memref<1x40x125xi32, #tpu.memory_space<hbm>> -> memref<40x125xi32, #tpu.memory_space<hbm>>
        %dma_wait3A_81 = arith.constant 0 : i32
        %dma_wait3A_82 = arith.constant 0 : i32
        %dma_wait3A_83 = tpu.memref_slice %arg6[%arg1, %dma_wait3A_81, %dma_wait3A_82] : memref<32x40x125xi32, #tpu.memory_space<hbm>> -> memref<1x40x125xi32, #tpu.memory_space<hbm>>
        %dma_wait3A_84 = tpu.memref_squeeze %dma_wait3A_83 : memref<1x40x125xi32, #tpu.memory_space<hbm>> -> memref<40x125xi32, #tpu.memory_space<hbm>>
        tpu.wait_dma2 semaphore(%run_scoped3A : memref<!tpu.dma_semaphore, #tpu.memory_space<semaphore_mem>>) src(%dma_wait3A_84 : memref<40x125xi32, #tpu.memory_space<hbm>>) dst(%arg15 : memref<40x125xi32, #tpu.memory_space<vmem>>)
        tpu.yield
      }) : () -> ()
      "tpu.region"() ({
        %run_scoped3A = tpu.sem_alloc : memref<!tpu.dma_semaphore, #tpu.memory_space<semaphore_mem>>
        %dma_start3A_69 = arith.constant 0 : i32
        %dma_start3A_70 = arith.constant 0 : i32
        %dma_start3A_71 = tpu.memref_slice %arg7[%arg1, %dma_start3A_69, %dma_start3A_70] : memref<32x40x125xi32, #tpu.memory_space<hbm>> -> memref<1x40x125xi32, #tpu.memory_space<hbm>>
        %dma_start3A_72 = tpu.memref_squeeze %dma_start3A_71 : memref<1x40x125xi32, #tpu.memory_space<hbm>> -> memref<40x125xi32, #tpu.memory_space<hbm>>
        %dma_start3A_73 = arith.constant 0 : i32
        %dma_start3A_74 = arith.constant 0 : i32
        %dma_start3A_75 = tpu.memref_slice %arg7[%arg1, %dma_start3A_73, %dma_start3A_74] : memref<32x40x125xi32, #tpu.memory_space<hbm>> -> memref<1x40x125xi32, #tpu.memory_space<hbm>>
        %dma_start3A_76 = tpu.memref_squeeze %dma_start3A_75 : memref<1x40x125xi32, #tpu.memory_space<hbm>> -> memref<40x125xi32, #tpu.memory_space<hbm>>
        tpu.enqueue_dma source(%dma_start3A_76 : memref<40x125xi32, #tpu.memory_space<hbm>>) target(%arg16 : memref<40x125xi32, #tpu.memory_space<vmem>>) target_semaphore(%run_scoped3A : memref<!tpu.dma_semaphore, #tpu.memory_space<semaphore_mem>>)
        %dma_wait3A_77 = arith.constant 0 : i32
        %dma_wait3A_78 = arith.constant 0 : i32
        %dma_wait3A_79 = tpu.memref_slice %arg7[%arg1, %dma_wait3A_77, %dma_wait3A_78] : memref<32x40x125xi32, #tpu.memory_space<hbm>> -> memref<1x40x125xi32, #tpu.memory_space<hbm>>
        %dma_wait3A_80 = tpu.memref_squeeze %dma_wait3A_79 : memref<1x40x125xi32, #tpu.memory_space<hbm>> -> memref<40x125xi32, #tpu.memory_space<hbm>>
        %dma_wait3A_81 = arith.constant 0 : i32
        %dma_wait3A_82 = arith.constant 0 : i32
        %dma_wait3A_83 = tpu.memref_slice %arg7[%arg1, %dma_wait3A_81, %dma_wait3A_82] : memref<32x40x125xi32, #tpu.memory_space<hbm>> -> memref<1x40x125xi32, #tpu.memory_space<hbm>>
        %dma_wait3A_84 = tpu.memref_squeeze %dma_wait3A_83 : memref<1x40x125xi32, #tpu.memory_space<hbm>> -> memref<40x125xi32, #tpu.memory_space<hbm>>
        tpu.wait_dma2 semaphore(%run_scoped3A : memref<!tpu.dma_semaphore, #tpu.memory_space<semaphore_mem>>) src(%dma_wait3A_84 : memref<40x125xi32, #tpu.memory_space<hbm>>) dst(%arg16 : memref<40x125xi32, #tpu.memory_space<vmem>>)
        tpu.yield
      }) : () -> ()
      %dma_start3A_37 = arith.constant 0 : i32
      %dma_start3A_38 = arith.constant 0 : i32
      %dma_start3A_39 = tpu.memref_slice %arg15[%dma_start3A_37, %dma_start3A_38] : memref<40x125xi32, #tpu.memory_space<vmem>> -> memref<1x125xi32, #tpu.memory_space<vmem>>
      %dma_start3A_40 = tpu.memref_squeeze %dma_start3A_39 : memref<1x125xi32, #tpu.memory_space<vmem>> -> memref<125xi32, #tpu.memory_space<vmem>>
      %dma_start3A_41 = arith.constant 0 : i32
      %dma_start3A_42 = arith.constant 0 : i32
      %dma_start3A_43 = tpu.memref_slice %arg3[%dma_start3A_41, %dma_start3A_42] : memref<10000x128xf32, #tpu.memory_space<hbm>> -> memref<10000x128xf32, #tpu.memory_space<hbm>>
      tpu.enqueue_indirect_dma source(%dma_start3A_43 : memref<10000x128xf32, #tpu.memory_space<hbm>>) target(%arg17 : memref<125x128xf32, #tpu.memory_space<vmem>>) offsets(%dma_start3A_40 : memref<125xi32, #tpu.memory_space<vmem>>) semaphore(%arg20 : memref<!tpu.dma_semaphore, #tpu.memory_space<semaphore_mem>>)
      %dma_wait3A_44 = arith.constant 0 : i32
      %dma_wait3A_45 = tpu.memref_slice %arg19[%mul3A_2, %dma_wait3A_44] : memref<10240x128xf32, #tpu.memory_space<vmem_shared>> -> memref<640x128xf32, #tpu.memory_space<vmem_shared>>
      tpu.wait_dma2 semaphore(%arg21 : memref<!tpu.dma_semaphore, #tpu.memory_space<semaphore_mem>>) src(%arg10 : memref<640x128xf32, #tpu.memory_space<hbm>>) dst(%dma_wait3A_45 : memref<640x128xf32, #tpu.memory_space<vmem_shared>>)
      %barrier3A_46 = arith.constant 0 : index
      tpu.barrier barrier_id(%barrier3A_46)
      %scan3A_47 = arith.constant 0 : i32
      %scan3A_48 = arith.constant 0 : i32
      %scan3A_49 = arith.constant 20 : i32
      %scan3A_50 = arith.addi %scan3A_48, %scan3A_49 : i32
      %scan3A_51 = arith.constant 1 : i32
      scf.for %scan3A_69 = %scan3A_48 to %scan3A_50 step %scan3A_51  : i32 {
        %mul3A_70 = arith.constant 2 : i32
        %mul3A_71 = arith.muli %mul3A_70, %scan3A_69 : i32
        %add3A_72 = arith.constant 0 : i32
        %add3A_73 = arith.addi %mul3A_71, %add3A_72 : i32
        %dma_wait3A_74 = arith.constant 0 : i32
        %dma_wait3A_75 = tpu.memref_slice %arg15[%add3A_73, %dma_wait3A_74] : memref<40x125xi32, #tpu.memory_space<vmem>> -> memref<1x125xi32, #tpu.memory_space<vmem>>
        %dma_wait3A_76 = tpu.memref_squeeze %dma_wait3A_75 : memref<1x125xi32, #tpu.memory_space<vmem>> -> memref<125xi32, #tpu.memory_space<vmem>>
        %dma_wait3A_77 = arith.constant 0 : i32
        %dma_wait3A_78 = arith.constant 0 : i32
        %dma_wait3A_79 = tpu.memref_slice %arg3[%dma_wait3A_77, %dma_wait3A_78] : memref<10000x128xf32, #tpu.memory_space<hbm>> -> memref<10000x128xf32, #tpu.memory_space<hbm>>
        tpu.wait_indirect_dma semaphore(%arg20 : memref<!tpu.dma_semaphore, #tpu.memory_space<semaphore_mem>>) src(%dma_wait3A_79 : memref<10000x128xf32, #tpu.memory_space<hbm>>) dst(%arg17 : memref<125x128xf32, #tpu.memory_space<vmem>>)
        %add3A_80 = arith.constant 1 : i32
        %add3A_81 = arith.addi %add3A_73, %add3A_80 : i32
        %lt3A = arith.constant 40 : i32
        %lt3A_82 = arith.cmpi slt, %add3A_81, %lt3A : i32
        %convert_element_type3A_83 = arith.extui %lt3A_82 : i1 to i32
        %cond3A_84 = arith.constant 0 : i32
        %cond3A_85 = arith.cmpi ne, %convert_element_type3A_83, %cond3A_84 : i32
        scf.if %cond3A_85 {
          %add3A_103 = arith.constant 1 : i32
          %add3A_104 = arith.addi %add3A_73, %add3A_103 : i32
          %dma_start3A_105 = arith.constant 0 : i32
          %dma_start3A_106 = tpu.memref_slice %arg15[%add3A_104, %dma_start3A_105] : memref<40x125xi32, #tpu.memory_space<vmem>> -> memref<1x125xi32, #tpu.memory_space<vmem>>
          %dma_start3A_107 = tpu.memref_squeeze %dma_start3A_106 : memref<1x125xi32, #tpu.memory_space<vmem>> -> memref<125xi32, #tpu.memory_space<vmem>>
          %dma_start3A_108 = arith.constant 0 : i32
          %dma_start3A_109 = arith.constant 0 : i32
          %dma_start3A_110 = tpu.memref_slice %arg3[%dma_start3A_108, %dma_start3A_109] : memref<10000x128xf32, #tpu.memory_space<hbm>> -> memref<10000x128xf32, #tpu.memory_space<hbm>>
          tpu.enqueue_indirect_dma source(%dma_start3A_110 : memref<10000x128xf32, #tpu.memory_space<hbm>>) target(%arg18 : memref<125x128xf32, #tpu.memory_space<vmem>>) offsets(%dma_start3A_107 : memref<125xi32, #tpu.memory_space<vmem>>) semaphore(%arg20 : memref<!tpu.dma_semaphore, #tpu.memory_space<semaphore_mem>>)
        } else {
        }
        "tpu.region"() ({
          %run_scoped3A = tpu.sem_alloc : memref<!tpu.dma_semaphore, #tpu.memory_space<semaphore_mem>>
          %dma_start3A_103 = arith.constant 0 : i32
          %dma_start3A_104 = tpu.memref_slice %arg16[%add3A_73, %dma_start3A_103] : memref<40x125xi32, #tpu.memory_space<vmem>> -> memref<1x125xi32, #tpu.memory_space<vmem>>
          %dma_start3A_105 = tpu.memref_squeeze %dma_start3A_104 : memref<1x125xi32, #tpu.memory_space<vmem>> -> memref<125xi32, #tpu.memory_space<vmem>>
          %dma_start3A_106 = arith.constant 0 : i32
          %dma_start3A_107 = arith.constant 0 : i32
          %dma_start3A_108 = tpu.memref_slice %arg19[%dma_start3A_106, %dma_start3A_107] : memref<10240x128xf32, #tpu.memory_space<vmem_shared>> -> memref<10240x128xf32, #tpu.memory_space<vmem_shared>>
          tpu.enqueue_indirect_dma source(%arg17 : memref<125x128xf32, #tpu.memory_space<vmem>>) target(%dma_start3A_108 : memref<10240x128xf32, #tpu.memory_space<vmem_shared>>) offsets(%dma_start3A_105 : memref<125xi32, #tpu.memory_space<vmem>>) semaphore(%run_scoped3A : memref<!tpu.dma_semaphore, #tpu.memory_space<semaphore_mem>>) {add = true}
          %dma_wait3A_109 = arith.constant 0 : i32
          %dma_wait3A_110 = tpu.memref_slice %arg16[%add3A_73, %dma_wait3A_109] : memref<40x125xi32, #tpu.memory_space<vmem>> -> memref<1x125xi32, #tpu.memory_space<vmem>>
          %dma_wait3A_111 = tpu.memref_squeeze %dma_wait3A_110 : memref<1x125xi32, #tpu.memory_space<vmem>> -> memref<125xi32, #tpu.memory_space<vmem>>
          %dma_wait3A_112 = arith.constant 0 : i32
          %dma_wait3A_113 = arith.constant 0 : i32
          %dma_wait3A_114 = tpu.memref_slice %arg19[%dma_wait3A_112, %dma_wait3A_113] : memref<10240x128xf32, #tpu.memory_space<vmem_shared>> -> memref<10240x128xf32, #tpu.memory_space<vmem_shared>>
          tpu.wait_indirect_dma semaphore(%run_scoped3A : memref<!tpu.dma_semaphore, #tpu.memory_space<semaphore_mem>>) src(%arg17 : memref<125x128xf32, #tpu.memory_space<vmem>>) dst(%dma_wait3A_114 : memref<10240x128xf32, #tpu.memory_space<vmem_shared>>)
          tpu.yield
        }) : () -> ()
        %mul3A_86 = arith.constant 2 : i32
        %mul3A_87 = arith.muli %mul3A_86, %scan3A_69 : i32
        %add3A_88 = arith.constant 1 : i32
        %add3A_89 = arith.addi %mul3A_87, %add3A_88 : i32
        %dma_wait3A_90 = arith.constant 0 : i32
        %dma_wait3A_91 = tpu.memref_slice %arg15[%add3A_89, %dma_wait3A_90] : memref<40x125xi32, #tpu.memory_space<vmem>> -> memref<1x125xi32, #tpu.memory_space<vmem>>
        %dma_wait3A_92 = tpu.memref_squeeze %dma_wait3A_91 : memref<1x125xi32, #tpu.memory_space<vmem>> -> memref<125xi32, #tpu.memory_space<vmem>>
        %dma_wait3A_93 = arith.constant 0 : i32
        %dma_wait3A_94 = arith.constant 0 : i32
        %dma_wait3A_95 = tpu.memref_slice %arg3[%dma_wait3A_93, %dma_wait3A_94] : memref<10000x128xf32, #tpu.memory_space<hbm>> -> memref<10000x128xf32, #tpu.memory_space<hbm>>
        tpu.wait_indirect_dma semaphore(%arg20 : memref<!tpu.dma_semaphore, #tpu.memory_space<semaphore_mem>>) src(%dma_wait3A_95 : memref<10000x128xf32, #tpu.memory_space<hbm>>) dst(%arg18 : memref<125x128xf32, #tpu.memory_space<vmem>>)
        %add3A_96 = arith.constant 1 : i32
        %add3A_97 = arith.addi %add3A_89, %add3A_96 : i32
        %lt3A_98 = arith.constant 40 : i32
        %lt3A_99 = arith.cmpi slt, %add3A_97, %lt3A_98 : i32
        %convert_element_type3A_100 = arith.extui %lt3A_99 : i1 to i32
        %cond3A_101 = arith.constant 0 : i32
        %cond3A_102 = arith.cmpi ne, %convert_element_type3A_100, %cond3A_101 : i32
        scf.if %cond3A_102 {
          %add3A_103 = arith.constant 1 : i32
          %add3A_104 = arith.addi %add3A_89, %add3A_103 : i32
          %dma_start3A_105 = arith.constant 0 : i32
          %dma_start3A_106 = tpu.memref_slice %arg15[%add3A_104, %dma_start3A_105] : memref<40x125xi32, #tpu.memory_space<vmem>> -> memref<1x125xi32, #tpu.memory_space<vmem>>
          %dma_start3A_107 = tpu.memref_squeeze %dma_start3A_106 : memref<1x125xi32, #tpu.memory_space<vmem>> -> memref<125xi32, #tpu.memory_space<vmem>>
          %dma_start3A_108 = arith.constant 0 : i32
          %dma_start3A_109 = arith.constant 0 : i32
          %dma_start3A_110 = tpu.memref_slice %arg3[%dma_start3A_108, %dma_start3A_109] : memref<10000x128xf32, #tpu.memory_space<hbm>> -> memref<10000x128xf32, #tpu.memory_space<hbm>>
          tpu.enqueue_indirect_dma source(%dma_start3A_110 : memref<10000x128xf32, #tpu.memory_space<hbm>>) target(%arg17 : memref<125x128xf32, #tpu.memory_space<vmem>>) offsets(%dma_start3A_107 : memref<125xi32, #tpu.memory_space<vmem>>) semaphore(%arg20 : memref<!tpu.dma_semaphore, #tpu.memory_space<semaphore_mem>>)
        } else {
        }
        "tpu.region"() ({
          %run_scoped3A = tpu.sem_alloc : memref<!tpu.dma_semaphore, #tpu.memory_space<semaphore_mem>>
          %dma_start3A_103 = arith.constant 0 : i32
          %dma_start3A_104 = tpu.memref_slice %arg16[%add3A_89, %dma_start3A_103] : memref<40x125xi32, #tpu.memory_space<vmem>> -> memref<1x125xi32, #tpu.memory_space<vmem>>
          %dma_start3A_105 = tpu.memref_squeeze %dma_start3A_104 : memref<1x125xi32, #tpu.memory_space<vmem>> -> memref<125xi32, #tpu.memory_space<vmem>>
          %dma_start3A_106 = arith.constant 0 : i32
          %dma_start3A_107 = arith.constant 0 : i32
          %dma_start3A_108 = tpu.memref_slice %arg19[%dma_start3A_106, %dma_start3A_107] : memref<10240x128xf32, #tpu.memory_space<vmem_shared>> -> memref<10240x128xf32, #tpu.memory_space<vmem_shared>>
          tpu.enqueue_indirect_dma source(%arg18 : memref<125x128xf32, #tpu.memory_space<vmem>>) target(%dma_start3A_108 : memref<10240x128xf32, #tpu.memory_space<vmem_shared>>) offsets(%dma_start3A_105 : memref<125xi32, #tpu.memory_space<vmem>>) semaphore(%run_scoped3A : memref<!tpu.dma_semaphore, #tpu.memory_space<semaphore_mem>>) {add = true}
          %dma_wait3A_109 = arith.constant 0 : i32
          %dma_wait3A_110 = tpu.memref_slice %arg16[%add3A_89, %dma_wait3A_109] : memref<40x125xi32, #tpu.memory_space<vmem>> -> memref<1x125xi32, #tpu.memory_space<vmem>>
          %dma_wait3A_111 = tpu.memref_squeeze %dma_wait3A_110 : memref<1x125xi32, #tpu.memory_space<vmem>> -> memref<125xi32, #tpu.memory_space<vmem>>
          %dma_wait3A_112 = arith.constant 0 : i32
          %dma_wait3A_113 = arith.constant 0 : i32
          %dma_wait3A_114 = tpu.memref_slice %arg19[%dma_wait3A_112, %dma_wait3A_113] : memref<10240x128xf32, #tpu.memory_space<vmem_shared>> -> memref<10240x128xf32, #tpu.memory_space<vmem_shared>>
          tpu.wait_indirect_dma semaphore(%run_scoped3A : memref<!tpu.dma_semaphore, #tpu.memory_space<semaphore_mem>>) src(%arg18 : memref<125x128xf32, #tpu.memory_space<vmem>>) dst(%dma_wait3A_114 : memref<10240x128xf32, #tpu.memory_space<vmem_shared>>)
          tpu.yield
        }) : () -> ()
      }
      %scan3A_52 = arith.constant 20 : i32
      %add3A_53 = arith.constant 16 : i32
      %add3A_54 = arith.addi %arg1, %add3A_53 : i32
      "tpu.region"() ({
        %run_scoped3A = tpu.sem_alloc : memref<!tpu.dma_semaphore, #tpu.memory_space<semaphore_mem>>
        %dma_start3A_69 = arith.constant 0 : i32
        %dma_start3A_70 = arith.constant 0 : i32
        %dma_start3A_71 = tpu.memref_slice %arg6[%add3A_54, %dma_start3A_69, %dma_start3A_70] : memref<32x40x125xi32, #tpu.memory_space<hbm>> -> memref<1x40x125xi32, #tpu.memory_space<hbm>>
        %dma_start3A_72 = tpu.memref_squeeze %dma_start3A_71 : memref<1x40x125xi32, #tpu.memory_space<hbm>> -> memref<40x125xi32, #tpu.memory_space<hbm>>
        %dma_start3A_73 = arith.constant 0 : i32
        %dma_start3A_74 = arith.constant 0 : i32
        %dma_start3A_75 = tpu.memref_slice %arg6[%add3A_54, %dma_start3A_73, %dma_start3A_74] : memref<32x40x125xi32, #tpu.memory_space<hbm>> -> memref<1x40x125xi32, #tpu.memory_space<hbm>>
        %dma_start3A_76 = tpu.memref_squeeze %dma_start3A_75 : memref<1x40x125xi32, #tpu.memory_space<hbm>> -> memref<40x125xi32, #tpu.memory_space<hbm>>
        tpu.enqueue_dma source(%dma_start3A_76 : memref<40x125xi32, #tpu.memory_space<hbm>>) target(%arg15 : memref<40x125xi32, #tpu.memory_space<vmem>>) target_semaphore(%run_scoped3A : memref<!tpu.dma_semaphore, #tpu.memory_space<semaphore_mem>>)
        %dma_wait3A_77 = arith.constant 0 : i32
        %dma_wait3A_78 = arith.constant 0 : i32
        %dma_wait3A_79 = tpu.memref_slice %arg6[%add3A_54, %dma_wait3A_77, %dma_wait3A_78] : memref<32x40x125xi32, #tpu.memory_space<hbm>> -> memref<1x40x125xi32, #tpu.memory_space<hbm>>
        %dma_wait3A_80 = tpu.memref_squeeze %dma_wait3A_79 : memref<1x40x125xi32, #tpu.memory_space<hbm>> -> memref<40x125xi32, #tpu.memory_space<hbm>>
        %dma_wait3A_81 = arith.constant 0 : i32
        %dma_wait3A_82 = arith.constant 0 : i32
        %dma_wait3A_83 = tpu.memref_slice %arg6[%add3A_54, %dma_wait3A_81, %dma_wait3A_82] : memref<32x40x125xi32, #tpu.memory_space<hbm>> -> memref<1x40x125xi32, #tpu.memory_space<hbm>>
        %dma_wait3A_84 = tpu.memref_squeeze %dma_wait3A_83 : memref<1x40x125xi32, #tpu.memory_space<hbm>> -> memref<40x125xi32, #tpu.memory_space<hbm>>
        tpu.wait_dma2 semaphore(%run_scoped3A : memref<!tpu.dma_semaphore, #tpu.memory_space<semaphore_mem>>) src(%dma_wait3A_84 : memref<40x125xi32, #tpu.memory_space<hbm>>) dst(%arg15 : memref<40x125xi32, #tpu.memory_space<vmem>>)
        tpu.yield
      }) : () -> ()
      "tpu.region"() ({
        %run_scoped3A = tpu.sem_alloc : memref<!tpu.dma_semaphore, #tpu.memory_space<semaphore_mem>>
        %dma_start3A_69 = arith.constant 0 : i32
        %dma_start3A_70 = arith.constant 0 : i32
        %dma_start3A_71 = tpu.memref_slice %arg7[%add3A_54, %dma_start3A_69, %dma_start3A_70] : memref<32x40x125xi32, #tpu.memory_space<hbm>> -> memref<1x40x125xi32, #tpu.memory_space<hbm>>
        %dma_start3A_72 = tpu.memref_squeeze %dma_start3A_71 : memref<1x40x125xi32, #tpu.memory_space<hbm>> -> memref<40x125xi32, #tpu.memory_space<hbm>>
        %dma_start3A_73 = arith.constant 0 : i32
        %dma_start3A_74 = arith.constant 0 : i32
        %dma_start3A_75 = tpu.memref_slice %arg7[%add3A_54, %dma_start3A_73, %dma_start3A_74] : memref<32x40x125xi32, #tpu.memory_space<hbm>> -> memref<1x40x125xi32, #tpu.memory_space<hbm>>
        %dma_start3A_76 = tpu.memref_squeeze %dma_start3A_75 : memref<1x40x125xi32, #tpu.memory_space<hbm>> -> memref<40x125xi32, #tpu.memory_space<hbm>>
        tpu.enqueue_dma source(%dma_start3A_76 : memref<40x125xi32, #tpu.memory_space<hbm>>) target(%arg16 : memref<40x125xi32, #tpu.memory_space<vmem>>) target_semaphore(%run_scoped3A : memref<!tpu.dma_semaphore, #tpu.memory_space<semaphore_mem>>)
        %dma_wait3A_77 = arith.constant 0 : i32
        %dma_wait3A_78 = arith.constant 0 : i32
        %dma_wait3A_79 = tpu.memref_slice %arg7[%add3A_54, %dma_wait3A_77, %dma_wait3A_78] : memref<32x40x125xi32, #tpu.memory_space<hbm>> -> memref<1x40x125xi32, #tpu.memory_space<hbm>>
        %dma_wait3A_80 = tpu.memref_squeeze %dma_wait3A_79 : memref<1x40x125xi32, #tpu.memory_space<hbm>> -> memref<40x125xi32, #tpu.memory_space<hbm>>
        %dma_wait3A_81 = arith.constant 0 : i32
        %dma_wait3A_82 = arith.constant 0 : i32
        %dma_wait3A_83 = tpu.memref_slice %arg7[%add3A_54, %dma_wait3A_81, %dma_wait3A_82] : memref<32x40x125xi32, #tpu.memory_space<hbm>> -> memref<1x40x125xi32, #tpu.memory_space<hbm>>
        %dma_wait3A_84 = tpu.memref_squeeze %dma_wait3A_83 : memref<1x40x125xi32, #tpu.memory_space<hbm>> -> memref<40x125xi32, #tpu.memory_space<hbm>>
        tpu.wait_dma2 semaphore(%run_scoped3A : memref<!tpu.dma_semaphore, #tpu.memory_space<semaphore_mem>>) src(%dma_wait3A_84 : memref<40x125xi32, #tpu.memory_space<hbm>>) dst(%arg16 : memref<40x125xi32, #tpu.memory_space<vmem>>)
        tpu.yield
      }) : () -> ()
      %dma_start3A_55 = arith.constant 0 : i32
      %dma_start3A_56 = arith.constant 0 : i32
      %dma_start3A_57 = tpu.memref_slice %arg15[%dma_start3A_55, %dma_start3A_56] : memref<40x125xi32, #tpu.memory_space<vmem>> -> memref<1x125xi32, #tpu.memory_space<vmem>>
      %dma_start3A_58 = tpu.memref_squeeze %dma_start3A_57 : memref<1x125xi32, #tpu.memory_space<vmem>> -> memref<125xi32, #tpu.memory_space<vmem>>
      %dma_start3A_59 = arith.constant 0 : i32
      %dma_start3A_60 = arith.constant 0 : i32
      %dma_start3A_61 = tpu.memref_slice %arg3[%dma_start3A_59, %dma_start3A_60] : memref<10000x128xf32, #tpu.memory_space<hbm>> -> memref<10000x128xf32, #tpu.memory_space<hbm>>
      tpu.enqueue_indirect_dma source(%dma_start3A_61 : memref<10000x128xf32, #tpu.memory_space<hbm>>) target(%arg17 : memref<125x128xf32, #tpu.memory_space<vmem>>) offsets(%dma_start3A_58 : memref<125xi32, #tpu.memory_space<vmem>>) semaphore(%arg20 : memref<!tpu.dma_semaphore, #tpu.memory_space<semaphore_mem>>)
      %scan3A_62 = arith.constant 0 : i32
      %scan3A_63 = arith.constant 0 : i32
      %scan3A_64 = arith.constant 20 : i32
      %scan3A_65 = arith.addi %scan3A_63, %scan3A_64 : i32
      %scan3A_66 = arith.constant 1 : i32
      scf.for %scan3A_69 = %scan3A_63 to %scan3A_65 step %scan3A_66  : i32 {
        %mul3A_70 = arith.constant 2 : i32
        %mul3A_71 = arith.muli %mul3A_70, %scan3A_69 : i32
        %add3A_72 = arith.constant 0 : i32
        %add3A_73 = arith.addi %mul3A_71, %add3A_72 : i32
        %dma_wait3A_74 = arith.constant 0 : i32
        %dma_wait3A_75 = tpu.memref_slice %arg15[%add3A_73, %dma_wait3A_74] : memref<40x125xi32, #tpu.memory_space<vmem>> -> memref<1x125xi32, #tpu.memory_space<vmem>>
        %dma_wait3A_76 = tpu.memref_squeeze %dma_wait3A_75 : memref<1x125xi32, #tpu.memory_space<vmem>> -> memref<125xi32, #tpu.memory_space<vmem>>
        %dma_wait3A_77 = arith.constant 0 : i32
        %dma_wait3A_78 = arith.constant 0 : i32
        %dma_wait3A_79 = tpu.memref_slice %arg3[%dma_wait3A_77, %dma_wait3A_78] : memref<10000x128xf32, #tpu.memory_space<hbm>> -> memref<10000x128xf32, #tpu.memory_space<hbm>>
        tpu.wait_indirect_dma semaphore(%arg20 : memref<!tpu.dma_semaphore, #tpu.memory_space<semaphore_mem>>) src(%dma_wait3A_79 : memref<10000x128xf32, #tpu.memory_space<hbm>>) dst(%arg17 : memref<125x128xf32, #tpu.memory_space<vmem>>)
        %add3A_80 = arith.constant 1 : i32
        %add3A_81 = arith.addi %add3A_73, %add3A_80 : i32
        %lt3A = arith.constant 40 : i32
        %lt3A_82 = arith.cmpi slt, %add3A_81, %lt3A : i32
        %convert_element_type3A_83 = arith.extui %lt3A_82 : i1 to i32
        %cond3A_84 = arith.constant 0 : i32
        %cond3A_85 = arith.cmpi ne, %convert_element_type3A_83, %cond3A_84 : i32
        scf.if %cond3A_85 {
          %add3A_103 = arith.constant 1 : i32
          %add3A_104 = arith.addi %add3A_73, %add3A_103 : i32
          %dma_start3A_105 = arith.constant 0 : i32
          %dma_start3A_106 = tpu.memref_slice %arg15[%add3A_104, %dma_start3A_105] : memref<40x125xi32, #tpu.memory_space<vmem>> -> memref<1x125xi32, #tpu.memory_space<vmem>>
          %dma_start3A_107 = tpu.memref_squeeze %dma_start3A_106 : memref<1x125xi32, #tpu.memory_space<vmem>> -> memref<125xi32, #tpu.memory_space<vmem>>
          %dma_start3A_108 = arith.constant 0 : i32
          %dma_start3A_109 = arith.constant 0 : i32
          %dma_start3A_110 = tpu.memref_slice %arg3[%dma_start3A_108, %dma_start3A_109] : memref<10000x128xf32, #tpu.memory_space<hbm>> -> memref<10000x128xf32, #tpu.memory_space<hbm>>
          tpu.enqueue_indirect_dma source(%dma_start3A_110 : memref<10000x128xf32, #tpu.memory_space<hbm>>) target(%arg18 : memref<125x128xf32, #tpu.memory_space<vmem>>) offsets(%dma_start3A_107 : memref<125xi32, #tpu.memory_space<vmem>>) semaphore(%arg20 : memref<!tpu.dma_semaphore, #tpu.memory_space<semaphore_mem>>)
        } else {
        }
        "tpu.region"() ({
          %run_scoped3A = tpu.sem_alloc : memref<!tpu.dma_semaphore, #tpu.memory_space<semaphore_mem>>
          %dma_start3A_103 = arith.constant 0 : i32
          %dma_start3A_104 = tpu.memref_slice %arg16[%add3A_73, %dma_start3A_103] : memref<40x125xi32, #tpu.memory_space<vmem>> -> memref<1x125xi32, #tpu.memory_space<vmem>>
          %dma_start3A_105 = tpu.memref_squeeze %dma_start3A_104 : memref<1x125xi32, #tpu.memory_space<vmem>> -> memref<125xi32, #tpu.memory_space<vmem>>
          %dma_start3A_106 = arith.constant 0 : i32
          %dma_start3A_107 = arith.constant 0 : i32
          %dma_start3A_108 = tpu.memref_slice %arg19[%dma_start3A_106, %dma_start3A_107] : memref<10240x128xf32, #tpu.memory_space<vmem_shared>> -> memref<10240x128xf32, #tpu.memory_space<vmem_shared>>
          tpu.enqueue_indirect_dma source(%arg17 : memref<125x128xf32, #tpu.memory_space<vmem>>) target(%dma_start3A_108 : memref<10240x128xf32, #tpu.memory_space<vmem_shared>>) offsets(%dma_start3A_105 : memref<125xi32, #tpu.memory_space<vmem>>) semaphore(%run_scoped3A : memref<!tpu.dma_semaphore, #tpu.memory_space<semaphore_mem>>) {add = true}
          %dma_wait3A_109 = arith.constant 0 : i32
          %dma_wait3A_110 = tpu.memref_slice %arg16[%add3A_73, %dma_wait3A_109] : memref<40x125xi32, #tpu.memory_space<vmem>> -> memref<1x125xi32, #tpu.memory_space<vmem>>
          %dma_wait3A_111 = tpu.memref_squeeze %dma_wait3A_110 : memref<1x125xi32, #tpu.memory_space<vmem>> -> memref<125xi32, #tpu.memory_space<vmem>>
          %dma_wait3A_112 = arith.constant 0 : i32
          %dma_wait3A_113 = arith.constant 0 : i32
          %dma_wait3A_114 = tpu.memref_slice %arg19[%dma_wait3A_112, %dma_wait3A_113] : memref<10240x128xf32, #tpu.memory_space<vmem_shared>> -> memref<10240x128xf32, #tpu.memory_space<vmem_shared>>
          tpu.wait_indirect_dma semaphore(%run_scoped3A : memref<!tpu.dma_semaphore, #tpu.memory_space<semaphore_mem>>) src(%arg17 : memref<125x128xf32, #tpu.memory_space<vmem>>) dst(%dma_wait3A_114 : memref<10240x128xf32, #tpu.memory_space<vmem_shared>>)
          tpu.yield
        }) : () -> ()
        %mul3A_86 = arith.constant 2 : i32
        %mul3A_87 = arith.muli %mul3A_86, %scan3A_69 : i32
        %add3A_88 = arith.constant 1 : i32
        %add3A_89 = arith.addi %mul3A_87, %add3A_88 : i32
        %dma_wait3A_90 = arith.constant 0 : i32
        %dma_wait3A_91 = tpu.memref_slice %arg15[%add3A_89, %dma_wait3A_90] : memref<40x125xi32, #tpu.memory_space<vmem>> -> memref<1x125xi32, #tpu.memory_space<vmem>>
        %dma_wait3A_92 = tpu.memref_squeeze %dma_wait3A_91 : memref<1x125xi32, #tpu.memory_space<vmem>> -> memref<125xi32, #tpu.memory_space<vmem>>
        %dma_wait3A_93 = arith.constant 0 : i32
        %dma_wait3A_94 = arith.constant 0 : i32
        %dma_wait3A_95 = tpu.memref_slice %arg3[%dma_wait3A_93, %dma_wait3A_94] : memref<10000x128xf32, #tpu.memory_space<hbm>> -> memref<10000x128xf32, #tpu.memory_space<hbm>>
        tpu.wait_indirect_dma semaphore(%arg20 : memref<!tpu.dma_semaphore, #tpu.memory_space<semaphore_mem>>) src(%dma_wait3A_95 : memref<10000x128xf32, #tpu.memory_space<hbm>>) dst(%arg18 : memref<125x128xf32, #tpu.memory_space<vmem>>)
        %add3A_96 = arith.constant 1 : i32
        %add3A_97 = arith.addi %add3A_89, %add3A_96 : i32
        %lt3A_98 = arith.constant 40 : i32
        %lt3A_99 = arith.cmpi slt, %add3A_97, %lt3A_98 : i32
        %convert_element_type3A_100 = arith.extui %lt3A_99 : i1 to i32
        %cond3A_101 = arith.constant 0 : i32
        %cond3A_102 = arith.cmpi ne, %convert_element_type3A_100, %cond3A_101 : i32
        scf.if %cond3A_102 {
          %add3A_103 = arith.constant 1 : i32
          %add3A_104 = arith.addi %add3A_89, %add3A_103 : i32
          %dma_start3A_105 = arith.constant 0 : i32
          %dma_start3A_106 = tpu.memref_slice %arg15[%add3A_104, %dma_start3A_105] : memref<40x125xi32, #tpu.memory_space<vmem>> -> memref<1x125xi32, #tpu.memory_space<vmem>>
          %dma_start3A_107 = tpu.memref_squeeze %dma_start3A_106 : memref<1x125xi32, #tpu.memory_space<vmem>> -> memref<125xi32, #tpu.memory_space<vmem>>
          %dma_start3A_108 = arith.constant 0 : i32
          %dma_start3A_109 = arith.constant 0 : i32
          %dma_start3A_110 = tpu.memref_slice %arg3[%dma_start3A_108, %dma_start3A_109] : memref<10000x128xf32, #tpu.memory_space<hbm>> -> memref<10000x128xf32, #tpu.memory_space<hbm>>
          tpu.enqueue_indirect_dma source(%dma_start3A_110 : memref<10000x128xf32, #tpu.memory_space<hbm>>) target(%arg17 : memref<125x128xf32, #tpu.memory_space<vmem>>) offsets(%dma_start3A_107 : memref<125xi32, #tpu.memory_space<vmem>>) semaphore(%arg20 : memref<!tpu.dma_semaphore, #tpu.memory_space<semaphore_mem>>)
        } else {
        }
        "tpu.region"() ({
          %run_scoped3A = tpu.sem_alloc : memref<!tpu.dma_semaphore, #tpu.memory_space<semaphore_mem>>
          %dma_start3A_103 = arith.constant 0 : i32
          %dma_start3A_104 = tpu.memref_slice %arg16[%add3A_89, %dma_start3A_103] : memref<40x125xi32, #tpu.memory_space<vmem>> -> memref<1x125xi32, #tpu.memory_space<vmem>>
          %dma_start3A_105 = tpu.memref_squeeze %dma_start3A_104 : memref<1x125xi32, #tpu.memory_space<vmem>> -> memref<125xi32, #tpu.memory_space<vmem>>
          %dma_start3A_106 = arith.constant 0 : i32
          %dma_start3A_107 = arith.constant 0 : i32
          %dma_start3A_108 = tpu.memref_slice %arg19[%dma_start3A_106, %dma_start3A_107] : memref<10240x128xf32, #tpu.memory_space<vmem_shared>> -> memref<10240x128xf32, #tpu.memory_space<vmem_shared>>
          tpu.enqueue_indirect_dma source(%arg18 : memref<125x128xf32, #tpu.memory_space<vmem>>) target(%dma_start3A_108 : memref<10240x128xf32, #tpu.memory_space<vmem_shared>>) offsets(%dma_start3A_105 : memref<125xi32, #tpu.memory_space<vmem>>) semaphore(%run_scoped3A : memref<!tpu.dma_semaphore, #tpu.memory_space<semaphore_mem>>) {add = true}
          %dma_wait3A_109 = arith.constant 0 : i32
          %dma_wait3A_110 = tpu.memref_slice %arg16[%add3A_89, %dma_wait3A_109] : memref<40x125xi32, #tpu.memory_space<vmem>> -> memref<1x125xi32, #tpu.memory_space<vmem>>
          %dma_wait3A_111 = tpu.memref_squeeze %dma_wait3A_110 : memref<1x125xi32, #tpu.memory_space<vmem>> -> memref<125xi32, #tpu.memory_space<vmem>>
          %dma_wait3A_112 = arith.constant 0 : i32
          %dma_wait3A_113 = arith.constant 0 : i32
          %dma_wait3A_114 = tpu.memref_slice %arg19[%dma_wait3A_112, %dma_wait3A_113] : memref<10240x128xf32, #tpu.memory_space<vmem_shared>> -> memref<10240x128xf32, #tpu.memory_space<vmem_shared>>
          tpu.wait_indirect_dma semaphore(%run_scoped3A : memref<!tpu.dma_semaphore, #tpu.memory_space<semaphore_mem>>) src(%arg18 : memref<125x128xf32, #tpu.memory_space<vmem>>) dst(%dma_wait3A_114 : memref<10240x128xf32, #tpu.memory_space<vmem_shared>>)
          tpu.yield
        }) : () -> ()
      }
      %scan3A_67 = arith.constant 20 : i32
      %barrier3A_68 = arith.constant 0 : index
      tpu.barrier barrier_id(%barrier3A_68)
      "tpu.region"() ({
        %run_scoped3A = tpu.sem_alloc : memref<!tpu.dma_semaphore, #tpu.memory_space<semaphore_mem>>
        %dma_start3A_69 = arith.constant 0 : i32
        %dma_start3A_70 = tpu.memref_slice %arg12[%mul3A_2, %dma_start3A_69] : memref<10240x128xf32, #tpu.memory_space<hbm>> -> memref<640x128xf32, #tpu.memory_space<hbm>>
        %dma_start3A_71 = arith.constant 0 : i32
        %dma_start3A_72 = tpu.memref_slice %arg19[%mul3A_2, %dma_start3A_71] : memref<10240x128xf32, #tpu.memory_space<vmem_shared>> -> memref<640x128xf32, #tpu.memory_space<vmem_shared>>
        tpu.enqueue_dma source(%dma_start3A_72 : memref<640x128xf32, #tpu.memory_space<vmem_shared>>) target(%dma_start3A_70 : memref<640x128xf32, #tpu.memory_space<hbm>>) target_semaphore(%run_scoped3A : memref<!tpu.dma_semaphore, #tpu.memory_space<semaphore_mem>>)
        %dma_wait3A_73 = arith.constant 0 : i32
        %dma_wait3A_74 = tpu.memref_slice %arg12[%mul3A_2, %dma_wait3A_73] : memref<10240x128xf32, #tpu.memory_space<hbm>> -> memref<640x128xf32, #tpu.memory_space<hbm>>
        %dma_wait3A_75 = arith.constant 0 : i32
        %dma_wait3A_76 = tpu.memref_slice %arg19[%mul3A_2, %dma_wait3A_75] : memref<10240x128xf32, #tpu.memory_space<vmem_shared>> -> memref<640x128xf32, #tpu.memory_space<vmem_shared>>
        tpu.wait_dma2 semaphore(%run_scoped3A : memref<!tpu.dma_semaphore, #tpu.memory_space<semaphore_mem>>) src(%dma_wait3A_76 : memref<640x128xf32, #tpu.memory_space<vmem_shared>>) dst(%dma_wait3A_74 : memref<640x128xf32, #tpu.memory_space<hbm>>)
        tpu.yield
      }) : () -> ()
    } else {
    }
    %dma_start3A = arith.constant 0 : i32
    %dma_start3A_10 = tpu.memref_slice %arg19[%mul3A_2, %dma_start3A] : memref<10240x128xf32, #tpu.memory_space<vmem_shared>> -> memref<640x128xf32, #tpu.memory_space<vmem_shared>>
    tpu.enqueue_dma source(%arg10 : memref<640x128xf32, #tpu.memory_space<hbm>>) target(%dma_start3A_10 : memref<640x128xf32, #tpu.memory_space<vmem_shared>>) target_semaphore(%arg21 : memref<!tpu.dma_semaphore, #tpu.memory_space<semaphore_mem>>)
    "tpu.region"() ({
      %run_scoped3A = tpu.sem_alloc : memref<!tpu.dma_semaphore, #tpu.memory_space<semaphore_mem>>
      %dma_start3A_35 = arith.constant 0 : i32
      %dma_start3A_36 = arith.constant 0 : i32
      %dma_start3A_37 = tpu.memref_slice %arg8[%add3A, %dma_start3A_35, %dma_start3A_36] : memref<32x40x125xi32, #tpu.memory_space<hbm>> -> memref<1x40x125xi32, #tpu.memory_space<hbm>>
      %dma_start3A_38 = tpu.memref_squeeze %dma_start3A_37 : memref<1x40x125xi32, #tpu.memory_space<hbm>> -> memref<40x125xi32, #tpu.memory_space<hbm>>
      %dma_start3A_39 = arith.constant 0 : i32
      %dma_start3A_40 = arith.constant 0 : i32
      %dma_start3A_41 = tpu.memref_slice %arg8[%add3A, %dma_start3A_39, %dma_start3A_40] : memref<32x40x125xi32, #tpu.memory_space<hbm>> -> memref<1x40x125xi32, #tpu.memory_space<hbm>>
      %dma_start3A_42 = tpu.memref_squeeze %dma_start3A_41 : memref<1x40x125xi32, #tpu.memory_space<hbm>> -> memref<40x125xi32, #tpu.memory_space<hbm>>
      tpu.enqueue_dma source(%dma_start3A_42 : memref<40x125xi32, #tpu.memory_space<hbm>>) target(%arg15 : memref<40x125xi32, #tpu.memory_space<vmem>>) target_semaphore(%run_scoped3A : memref<!tpu.dma_semaphore, #tpu.memory_space<semaphore_mem>>)
      %dma_wait3A_43 = arith.constant 0 : i32
      %dma_wait3A_44 = arith.constant 0 : i32
      %dma_wait3A_45 = tpu.memref_slice %arg8[%add3A, %dma_wait3A_43, %dma_wait3A_44] : memref<32x40x125xi32, #tpu.memory_space<hbm>> -> memref<1x40x125xi32, #tpu.memory_space<hbm>>
      %dma_wait3A_46 = tpu.memref_squeeze %dma_wait3A_45 : memref<1x40x125xi32, #tpu.memory_space<hbm>> -> memref<40x125xi32, #tpu.memory_space<hbm>>
      %dma_wait3A_47 = arith.constant 0 : i32
      %dma_wait3A_48 = arith.constant 0 : i32
      %dma_wait3A_49 = tpu.memref_slice %arg8[%add3A, %dma_wait3A_47, %dma_wait3A_48] : memref<32x40x125xi32, #tpu.memory_space<hbm>> -> memref<1x40x125xi32, #tpu.memory_space<hbm>>
      %dma_wait3A_50 = tpu.memref_squeeze %dma_wait3A_49 : memref<1x40x125xi32, #tpu.memory_space<hbm>> -> memref<40x125xi32, #tpu.memory_space<hbm>>
      tpu.wait_dma2 semaphore(%run_scoped3A : memref<!tpu.dma_semaphore, #tpu.memory_space<semaphore_mem>>) src(%dma_wait3A_50 : memref<40x125xi32, #tpu.memory_space<hbm>>) dst(%arg15 : memref<40x125xi32, #tpu.memory_space<vmem>>)
      tpu.yield
    }) : () -> ()
    "tpu.region"() ({
      %run_scoped3A = tpu.sem_alloc : memref<!tpu.dma_semaphore, #tpu.memory_space<semaphore_mem>>
      %dma_start3A_35 = arith.constant 0 : i32
      %dma_start3A_36 = arith.constant 0 : i32
      %dma_start3A_37 = tpu.memref_slice %arg9[%add3A, %dma_start3A_35, %dma_start3A_36] : memref<32x40x125xi32, #tpu.memory_space<hbm>> -> memref<1x40x125xi32, #tpu.memory_space<hbm>>
      %dma_start3A_38 = tpu.memref_squeeze %dma_start3A_37 : memref<1x40x125xi32, #tpu.memory_space<hbm>> -> memref<40x125xi32, #tpu.memory_space<hbm>>
      %dma_start3A_39 = arith.constant 0 : i32
      %dma_start3A_40 = arith.constant 0 : i32
      %dma_start3A_41 = tpu.memref_slice %arg9[%add3A, %dma_start3A_39, %dma_start3A_40] : memref<32x40x125xi32, #tpu.memory_space<hbm>> -> memref<1x40x125xi32, #tpu.memory_space<hbm>>
      %dma_start3A_42 = tpu.memref_squeeze %dma_start3A_41 : memref<1x40x125xi32, #tpu.memory_space<hbm>> -> memref<40x125xi32, #tpu.memory_space<hbm>>
      tpu.enqueue_dma source(%dma_start3A_42 : memref<40x125xi32, #tpu.memory_space<hbm>>) target(%arg16 : memref<40x125xi32, #tpu.memory_space<vmem>>) target_semaphore(%run_scoped3A : memref<!tpu.dma_semaphore, #tpu.memory_space<semaphore_mem>>)
      %dma_wait3A_43 = arith.constant 0 : i32
      %dma_wait3A_44 = arith.constant 0 : i32
      %dma_wait3A_45 = tpu.memref_slice %arg9[%add3A, %dma_wait3A_43, %dma_wait3A_44] : memref<32x40x125xi32, #tpu.memory_space<hbm>> -> memref<1x40x125xi32, #tpu.memory_space<hbm>>
      %dma_wait3A_46 = tpu.memref_squeeze %dma_wait3A_45 : memref<1x40x125xi32, #tpu.memory_space<hbm>> -> memref<40x125xi32, #tpu.memory_space<hbm>>
      %dma_wait3A_47 = arith.constant 0 : i32
      %dma_wait3A_48 = arith.constant 0 : i32
      %dma_wait3A_49 = tpu.memref_slice %arg9[%add3A, %dma_wait3A_47, %dma_wait3A_48] : memref<32x40x125xi32, #tpu.memory_space<hbm>> -> memref<1x40x125xi32, #tpu.memory_space<hbm>>
      %dma_wait3A_50 = tpu.memref_squeeze %dma_wait3A_49 : memref<1x40x125xi32, #tpu.memory_space<hbm>> -> memref<40x125xi32, #tpu.memory_space<hbm>>
      tpu.wait_dma2 semaphore(%run_scoped3A : memref<!tpu.dma_semaphore, #tpu.memory_space<semaphore_mem>>) src(%dma_wait3A_50 : memref<40x125xi32, #tpu.memory_space<hbm>>) dst(%arg16 : memref<40x125xi32, #tpu.memory_space<vmem>>)
      tpu.yield
    }) : () -> ()
    %dma_start3A_11 = arith.constant 0 : i32
    %dma_start3A_12 = arith.constant 0 : i32
    %dma_start3A_13 = tpu.memref_slice %arg15[%dma_start3A_11, %dma_start3A_12] : memref<40x125xi32, #tpu.memory_space<vmem>> -> memref<1x125xi32, #tpu.memory_space<vmem>>
    %dma_start3A_14 = tpu.memref_squeeze %dma_start3A_13 : memref<1x125xi32, #tpu.memory_space<vmem>> -> memref<125xi32, #tpu.memory_space<vmem>>
    %dma_start3A_15 = arith.constant 0 : i32
    %dma_start3A_16 = arith.constant 0 : i32
    %dma_start3A_17 = tpu.memref_slice %arg3[%dma_start3A_15, %dma_start3A_16] : memref<10000x128xf32, #tpu.memory_space<hbm>> -> memref<10000x128xf32, #tpu.memory_space<hbm>>
    tpu.enqueue_indirect_dma source(%dma_start3A_17 : memref<10000x128xf32, #tpu.memory_space<hbm>>) target(%arg17 : memref<125x128xf32, #tpu.memory_space<vmem>>) offsets(%dma_start3A_14 : memref<125xi32, #tpu.memory_space<vmem>>) semaphore(%arg20 : memref<!tpu.dma_semaphore, #tpu.memory_space<semaphore_mem>>)
    %dma_wait3A = arith.constant 0 : i32
    %dma_wait3A_18 = tpu.memref_slice %arg19[%mul3A_2, %dma_wait3A] : memref<10240x128xf32, #tpu.memory_space<vmem_shared>> -> memref<640x128xf32, #tpu.memory_space<vmem_shared>>
    tpu.wait_dma2 semaphore(%arg21 : memref<!tpu.dma_semaphore, #tpu.memory_space<semaphore_mem>>) src(%arg10 : memref<640x128xf32, #tpu.memory_space<hbm>>) dst(%dma_wait3A_18 : memref<640x128xf32, #tpu.memory_space<vmem_shared>>)
    %barrier3A = arith.constant 0 : index
    tpu.barrier barrier_id(%barrier3A)
    %scan3A = arith.constant 0 : i32
    %scan3A_19 = arith.constant 0 : i32
    %scan3A_20 = arith.constant 20 : i32
    %scan3A_21 = arith.addi %scan3A_19, %scan3A_20 : i32
    %scan3A_22 = arith.constant 1 : i32
    scf.for %scan3A_35 = %scan3A_19 to %scan3A_21 step %scan3A_22  : i32 {
      %mul3A_36 = arith.constant 2 : i32
      %mul3A_37 = arith.muli %mul3A_36, %scan3A_35 : i32
      %add3A_38 = arith.constant 0 : i32
      %add3A_39 = arith.addi %mul3A_37, %add3A_38 : i32
      %dma_wait3A_40 = arith.constant 0 : i32
      %dma_wait3A_41 = tpu.memref_slice %arg15[%add3A_39, %dma_wait3A_40] : memref<40x125xi32, #tpu.memory_space<vmem>> -> memref<1x125xi32, #tpu.memory_space<vmem>>
      %dma_wait3A_42 = tpu.memref_squeeze %dma_wait3A_41 : memref<1x125xi32, #tpu.memory_space<vmem>> -> memref<125xi32, #tpu.memory_space<vmem>>
      %dma_wait3A_43 = arith.constant 0 : i32
      %dma_wait3A_44 = arith.constant 0 : i32
      %dma_wait3A_45 = tpu.memref_slice %arg3[%dma_wait3A_43, %dma_wait3A_44] : memref<10000x128xf32, #tpu.memory_space<hbm>> -> memref<10000x128xf32, #tpu.memory_space<hbm>>
      tpu.wait_indirect_dma semaphore(%arg20 : memref<!tpu.dma_semaphore, #tpu.memory_space<semaphore_mem>>) src(%dma_wait3A_45 : memref<10000x128xf32, #tpu.memory_space<hbm>>) dst(%arg17 : memref<125x128xf32, #tpu.memory_space<vmem>>)
      %add3A_46 = arith.constant 1 : i32
      %add3A_47 = arith.addi %add3A_39, %add3A_46 : i32
      %lt3A = arith.constant 40 : i32
      %lt3A_48 = arith.cmpi slt, %add3A_47, %lt3A : i32
      %convert_element_type3A_49 = arith.extui %lt3A_48 : i1 to i32
      %cond3A_50 = arith.constant 0 : i32
      %cond3A_51 = arith.cmpi ne, %convert_element_type3A_49, %cond3A_50 : i32
      scf.if %cond3A_51 {
        %add3A_69 = arith.constant 1 : i32
        %add3A_70 = arith.addi %add3A_39, %add3A_69 : i32
        %dma_start3A_71 = arith.constant 0 : i32
        %dma_start3A_72 = tpu.memref_slice %arg15[%add3A_70, %dma_start3A_71] : memref<40x125xi32, #tpu.memory_space<vmem>> -> memref<1x125xi32, #tpu.memory_space<vmem>>
        %dma_start3A_73 = tpu.memref_squeeze %dma_start3A_72 : memref<1x125xi32, #tpu.memory_space<vmem>> -> memref<125xi32, #tpu.memory_space<vmem>>
        %dma_start3A_74 = arith.constant 0 : i32
        %dma_start3A_75 = arith.constant 0 : i32
        %dma_start3A_76 = tpu.memref_slice %arg3[%dma_start3A_74, %dma_start3A_75] : memref<10000x128xf32, #tpu.memory_space<hbm>> -> memref<10000x128xf32, #tpu.memory_space<hbm>>
        tpu.enqueue_indirect_dma source(%dma_start3A_76 : memref<10000x128xf32, #tpu.memory_space<hbm>>) target(%arg18 : memref<125x128xf32, #tpu.memory_space<vmem>>) offsets(%dma_start3A_73 : memref<125xi32, #tpu.memory_space<vmem>>) semaphore(%arg20 : memref<!tpu.dma_semaphore, #tpu.memory_space<semaphore_mem>>)
      } else {
      }
      "tpu.region"() ({
        %run_scoped3A = tpu.sem_alloc : memref<!tpu.dma_semaphore, #tpu.memory_space<semaphore_mem>>
        %dma_start3A_69 = arith.constant 0 : i32
        %dma_start3A_70 = tpu.memref_slice %arg16[%add3A_39, %dma_start3A_69] : memref<40x125xi32, #tpu.memory_space<vmem>> -> memref<1x125xi32, #tpu.memory_space<vmem>>
        %dma_start3A_71 = tpu.memref_squeeze %dma_start3A_70 : memref<1x125xi32, #tpu.memory_space<vmem>> -> memref<125xi32, #tpu.memory_space<vmem>>
        %dma_start3A_72 = arith.constant 0 : i32
        %dma_start3A_73 = arith.constant 0 : i32
        %dma_start3A_74 = tpu.memref_slice %arg19[%dma_start3A_72, %dma_start3A_73] : memref<10240x128xf32, #tpu.memory_space<vmem_shared>> -> memref<10240x128xf32, #tpu.memory_space<vmem_shared>>
        tpu.enqueue_indirect_dma source(%arg17 : memref<125x128xf32, #tpu.memory_space<vmem>>) target(%dma_start3A_74 : memref<10240x128xf32, #tpu.memory_space<vmem_shared>>) offsets(%dma_start3A_71 : memref<125xi32, #tpu.memory_space<vmem>>) semaphore(%run_scoped3A : memref<!tpu.dma_semaphore, #tpu.memory_space<semaphore_mem>>) {add = true}
        %dma_wait3A_75 = arith.constant 0 : i32
        %dma_wait3A_76 = tpu.memref_slice %arg16[%add3A_39, %dma_wait3A_75] : memref<40x125xi32, #tpu.memory_space<vmem>> -> memref<1x125xi32, #tpu.memory_space<vmem>>
        %dma_wait3A_77 = tpu.memref_squeeze %dma_wait3A_76 : memref<1x125xi32, #tpu.memory_space<vmem>> -> memref<125xi32, #tpu.memory_space<vmem>>
        %dma_wait3A_78 = arith.constant 0 : i32
        %dma_wait3A_79 = arith.constant 0 : i32
        %dma_wait3A_80 = tpu.memref_slice %arg19[%dma_wait3A_78, %dma_wait3A_79] : memref<10240x128xf32, #tpu.memory_space<vmem_shared>> -> memref<10240x128xf32, #tpu.memory_space<vmem_shared>>
        tpu.wait_indirect_dma semaphore(%run_scoped3A : memref<!tpu.dma_semaphore, #tpu.memory_space<semaphore_mem>>) src(%arg17 : memref<125x128xf32, #tpu.memory_space<vmem>>) dst(%dma_wait3A_80 : memref<10240x128xf32, #tpu.memory_space<vmem_shared>>)
        tpu.yield
      }) : () -> ()
      %mul3A_52 = arith.constant 2 : i32
      %mul3A_53 = arith.muli %mul3A_52, %scan3A_35 : i32
      %add3A_54 = arith.constant 1 : i32
      %add3A_55 = arith.addi %mul3A_53, %add3A_54 : i32
      %dma_wait3A_56 = arith.constant 0 : i32
      %dma_wait3A_57 = tpu.memref_slice %arg15[%add3A_55, %dma_wait3A_56] : memref<40x125xi32, #tpu.memory_space<vmem>> -> memref<1x125xi32, #tpu.memory_space<vmem>>
      %dma_wait3A_58 = tpu.memref_squeeze %dma_wait3A_57 : memref<1x125xi32, #tpu.memory_space<vmem>> -> memref<125xi32, #tpu.memory_space<vmem>>
      %dma_wait3A_59 = arith.constant 0 : i32
      %dma_wait3A_60 = arith.constant 0 : i32
      %dma_wait3A_61 = tpu.memref_slice %arg3[%dma_wait3A_59, %dma_wait3A_60] : memref<10000x128xf32, #tpu.memory_space<hbm>> -> memref<10000x128xf32, #tpu.memory_space<hbm>>
      tpu.wait_indirect_dma semaphore(%arg20 : memref<!tpu.dma_semaphore, #tpu.memory_space<semaphore_mem>>) src(%dma_wait3A_61 : memref<10000x128xf32, #tpu.memory_space<hbm>>) dst(%arg18 : memref<125x128xf32, #tpu.memory_space<vmem>>)
      %add3A_62 = arith.constant 1 : i32
      %add3A_63 = arith.addi %add3A_55, %add3A_62 : i32
      %lt3A_64 = arith.constant 40 : i32
      %lt3A_65 = arith.cmpi slt, %add3A_63, %lt3A_64 : i32
      %convert_element_type3A_66 = arith.extui %lt3A_65 : i1 to i32
      %cond3A_67 = arith.constant 0 : i32
      %cond3A_68 = arith.cmpi ne, %convert_element_type3A_66, %cond3A_67 : i32
      scf.if %cond3A_68 {
        %add3A_69 = arith.constant 1 : i32
        %add3A_70 = arith.addi %add3A_55, %add3A_69 : i32
        %dma_start3A_71 = arith.constant 0 : i32
        %dma_start3A_72 = tpu.memref_slice %arg15[%add3A_70, %dma_start3A_71] : memref<40x125xi32, #tpu.memory_space<vmem>> -> memref<1x125xi32, #tpu.memory_space<vmem>>
        %dma_start3A_73 = tpu.memref_squeeze %dma_start3A_72 : memref<1x125xi32, #tpu.memory_space<vmem>> -> memref<125xi32, #tpu.memory_space<vmem>>
        %dma_start3A_74 = arith.constant 0 : i32
        %dma_start3A_75 = arith.constant 0 : i32
        %dma_start3A_76 = tpu.memref_slice %arg3[%dma_start3A_74, %dma_start3A_75] : memref<10000x128xf32, #tpu.memory_space<hbm>> -> memref<10000x128xf32, #tpu.memory_space<hbm>>
        tpu.enqueue_indirect_dma source(%dma_start3A_76 : memref<10000x128xf32, #tpu.memory_space<hbm>>) target(%arg17 : memref<125x128xf32, #tpu.memory_space<vmem>>) offsets(%dma_start3A_73 : memref<125xi32, #tpu.memory_space<vmem>>) semaphore(%arg20 : memref<!tpu.dma_semaphore, #tpu.memory_space<semaphore_mem>>)
      } else {
      }
      "tpu.region"() ({
        %run_scoped3A = tpu.sem_alloc : memref<!tpu.dma_semaphore, #tpu.memory_space<semaphore_mem>>
        %dma_start3A_69 = arith.constant 0 : i32
        %dma_start3A_70 = tpu.memref_slice %arg16[%add3A_55, %dma_start3A_69] : memref<40x125xi32, #tpu.memory_space<vmem>> -> memref<1x125xi32, #tpu.memory_space<vmem>>
        %dma_start3A_71 = tpu.memref_squeeze %dma_start3A_70 : memref<1x125xi32, #tpu.memory_space<vmem>> -> memref<125xi32, #tpu.memory_space<vmem>>
        %dma_start3A_72 = arith.constant 0 : i32
        %dma_start3A_73 = arith.constant 0 : i32
        %dma_start3A_74 = tpu.memref_slice %arg19[%dma_start3A_72, %dma_start3A_73] : memref<10240x128xf32, #tpu.memory_space<vmem_shared>> -> memref<10240x128xf32, #tpu.memory_space<vmem_shared>>
        tpu.enqueue_indirect_dma source(%arg18 : memref<125x128xf32, #tpu.memory_space<vmem>>) target(%dma_start3A_74 : memref<10240x128xf32, #tpu.memory_space<vmem_shared>>) offsets(%dma_start3A_71 : memref<125xi32, #tpu.memory_space<vmem>>) semaphore(%run_scoped3A : memref<!tpu.dma_semaphore, #tpu.memory_space<semaphore_mem>>) {add = true}
        %dma_wait3A_75 = arith.constant 0 : i32
        %dma_wait3A_76 = tpu.memref_slice %arg16[%add3A_55, %dma_wait3A_75] : memref<40x125xi32, #tpu.memory_space<vmem>> -> memref<1x125xi32, #tpu.memory_space<vmem>>
        %dma_wait3A_77 = tpu.memref_squeeze %dma_wait3A_76 : memref<1x125xi32, #tpu.memory_space<vmem>> -> memref<125xi32, #tpu.memory_space<vmem>>
        %dma_wait3A_78 = arith.constant 0 : i32
        %dma_wait3A_79 = arith.constant 0 : i32
        %dma_wait3A_80 = tpu.memref_slice %arg19[%dma_wait3A_78, %dma_wait3A_79] : memref<10240x128xf32, #tpu.memory_space<vmem_shared>> -> memref<10240x128xf32, #tpu.memory_space<vmem_shared>>
        tpu.wait_indirect_dma semaphore(%run_scoped3A : memref<!tpu.dma_semaphore, #tpu.memory_space<semaphore_mem>>) src(%arg18 : memref<125x128xf32, #tpu.memory_space<vmem>>) dst(%dma_wait3A_80 : memref<10240x128xf32, #tpu.memory_space<vmem_shared>>)
        tpu.yield
      }) : () -> ()
    }
    %scan3A_23 = arith.constant 20 : i32
    %barrier3A_24 = arith.constant 0 : index
    tpu.barrier barrier_id(%barrier3A_24)
    %eq3A_25 = arith.constant 0 : i32
    %eq3A_26 = arith.cmpi eq, %arg0, %eq3A_25 : i32
    %convert_element_type3A_27 = arith.extui %eq3A_26 : i1 to i32
    %cond3A_28 = arith.constant 0 : i32
    %cond3A_29 = arith.cmpi ne, %convert_element_type3A_27, %cond3A_28 : i32
    scf.if %cond3A_29 {
      "tpu.region"() ({
        %run_scoped3A = tpu.sem_alloc : memref<!tpu.dma_semaphore, #tpu.memory_space<semaphore_mem>>
        %dma_start3A_35 = arith.constant 0 : i32
        %dma_start3A_36 = tpu.memref_slice %arg13[%mul3A_2, %dma_start3A_35] : memref<10240x128xf32, #tpu.memory_space<hbm>> -> memref<640x128xf32, #tpu.memory_space<hbm>>
        %dma_start3A_37 = arith.constant 0 : i32
        %dma_start3A_38 = tpu.memref_slice %arg19[%mul3A_2, %dma_start3A_37] : memref<10240x128xf32, #tpu.memory_space<vmem_shared>> -> memref<640x128xf32, #tpu.memory_space<vmem_shared>>
        tpu.enqueue_dma source(%dma_start3A_38 : memref<640x128xf32, #tpu.memory_space<vmem_shared>>) target(%dma_start3A_36 : memref<640x128xf32, #tpu.memory_space<hbm>>) target_semaphore(%run_scoped3A : memref<!tpu.dma_semaphore, #tpu.memory_space<semaphore_mem>>)
        %dma_wait3A_39 = arith.constant 0 : i32
        %dma_wait3A_40 = tpu.memref_slice %arg13[%mul3A_2, %dma_wait3A_39] : memref<10240x128xf32, #tpu.memory_space<hbm>> -> memref<640x128xf32, #tpu.memory_space<hbm>>
        %dma_wait3A_41 = arith.constant 0 : i32
        %dma_wait3A_42 = tpu.memref_slice %arg19[%mul3A_2, %dma_wait3A_41] : memref<10240x128xf32, #tpu.memory_space<vmem_shared>> -> memref<640x128xf32, #tpu.memory_space<vmem_shared>>
        tpu.wait_dma2 semaphore(%run_scoped3A : memref<!tpu.dma_semaphore, #tpu.memory_space<semaphore_mem>>) src(%dma_wait3A_42 : memref<640x128xf32, #tpu.memory_space<vmem_shared>>) dst(%dma_wait3A_40 : memref<640x128xf32, #tpu.memory_space<hbm>>)
        tpu.yield
      }) : () -> ()
    } else {
    }
    %eq3A_30 = arith.constant 1 : i32
    %eq3A_31 = arith.cmpi eq, %arg0, %eq3A_30 : i32
    %convert_element_type3A_32 = arith.extui %eq3A_31 : i1 to i32
    %cond3A_33 = arith.constant 0 : i32
    %cond3A_34 = arith.cmpi ne, %convert_element_type3A_32, %cond3A_33 : i32
    scf.if %cond3A_34 {
      "tpu.region"() ({
        %run_scoped3A = tpu.sem_alloc : memref<!tpu.dma_semaphore, #tpu.memory_space<semaphore_mem>>
        %dma_start3A_35 = arith.constant 0 : i32
        %dma_start3A_36 = tpu.memref_slice %arg14[%mul3A_2, %dma_start3A_35] : memref<10240x128xf32, #tpu.memory_space<hbm>> -> memref<640x128xf32, #tpu.memory_space<hbm>>
        %dma_start3A_37 = arith.constant 0 : i32
        %dma_start3A_38 = tpu.memref_slice %arg19[%mul3A_2, %dma_start3A_37] : memref<10240x128xf32, #tpu.memory_space<vmem_shared>> -> memref<640x128xf32, #tpu.memory_space<vmem_shared>>
        tpu.enqueue_dma source(%dma_start3A_38 : memref<640x128xf32, #tpu.memory_space<vmem_shared>>) target(%dma_start3A_36 : memref<640x128xf32, #tpu.memory_space<hbm>>) target_semaphore(%run_scoped3A : memref<!tpu.dma_semaphore, #tpu.memory_space<semaphore_mem>>)
        %dma_wait3A_39 = arith.constant 0 : i32
        %dma_wait3A_40 = tpu.memref_slice %arg14[%mul3A_2, %dma_wait3A_39] : memref<10240x128xf32, #tpu.memory_space<hbm>> -> memref<640x128xf32, #tpu.memory_space<hbm>>
        %dma_wait3A_41 = arith.constant 0 : i32
        %dma_wait3A_42 = tpu.memref_slice %arg19[%mul3A_2, %dma_wait3A_41] : memref<10240x128xf32, #tpu.memory_space<vmem_shared>> -> memref<640x128xf32, #tpu.memory_space<vmem_shared>>
        tpu.wait_dma2 semaphore(%run_scoped3A : memref<!tpu.dma_semaphore, #tpu.memory_space<semaphore_mem>>) src(%dma_wait3A_42 : memref<640x128xf32, #tpu.memory_space<vmem_shared>>) dst(%dma_wait3A_40 : memref<640x128xf32, #tpu.memory_space<hbm>>)
        tpu.yield
      }) : () -> ()
    } else {
    }
    return
  }
}

module attributes {stable_mosaic.version = 14 : i64} {
  func.func @_tc0_body(%arg0: i32, %arg1: memref<2000x128xf32, #tpu.memory_space<vmem>>, %arg2: memref<2000x128xf32, #tpu.memory_space<vmem>>, %arg3: memref<2000x128xf32, #tpu.memory_space<vmem>>, %arg4: memref<2000x128xf32, #tpu.memory_space<vmem>>, %arg5: memref<2000x128xf32, #tpu.memory_space<vmem>>, %arg6: memref<2000x128xf32, #tpu.memory_space<vmem>>, %arg7: memref<2000x1xf32, #tpu.memory_space<vmem>>, %arg8: memref<2000x1xf32, #tpu.memory_space<vmem>>, %arg9: memref<2000x1xf32, #tpu.memory_space<vmem>>, %arg10: memref<2000x1xf32, #tpu.memory_space<vmem>>, %arg11: memref<2000x1xf32, #tpu.memory_space<vmem>>, %arg12: memref<2000x1xf32, #tpu.memory_space<vmem>>, %arg13: memref<128x128xf32, #tpu.memory_space<vmem>>, %arg14: memref<128x128xf32, #tpu.memory_space<vmem>>, %arg15: memref<1x128xf32, #tpu.memory_space<vmem>>, %arg16: memref<128x128xf32, #tpu.memory_space<vmem>>, %arg17: memref<128x128xf32, #tpu.memory_space<vmem>>, %arg18: memref<1x128xf32, #tpu.memory_space<vmem>>, %arg19: memref<128x128xf32, #tpu.memory_space<vmem>>, %arg20: memref<128x128xf32, #tpu.memory_space<vmem>>, %arg21: memref<1x128xf32, #tpu.memory_space<vmem>>, %arg22: memref<2000x128xf32, #tpu.memory_space<vmem>>, %arg23: memref<2000x128xf32, #tpu.memory_space<vmem>>) attributes {dimension_semantics = [#tpu.dimension_semantics<arbitrary>], iteration_bounds = array<i64: 5>, scalar_prefetch = 0 : i64, scratch_operands = 0 : i64, tpu.core_type = #tpu.core_type<tc>, window_params = [{transform_indices = @transform_0, window_bounds = array<i64: 2000, 128>}, {transform_indices = @transform_1, window_bounds = array<i64: 2000, 128>}, {transform_indices = @transform_2, window_bounds = array<i64: 2000, 128>}, {transform_indices = @transform_3, window_bounds = array<i64: 2000, 128>}, {transform_indices = @transform_4, window_bounds = array<i64: 2000, 128>}, {transform_indices = @transform_5, window_bounds = array<i64: 2000, 128>}, {transform_indices = @transform_6, window_bounds = array<i64: 2000, 1>}, {transform_indices = @transform_7, window_bounds = array<i64: 2000, 1>}, {transform_indices = @transform_8, window_bounds = array<i64: 2000, 1>}, {transform_indices = @transform_9, window_bounds = array<i64: 2000, 1>}, {transform_indices = @transform_10, window_bounds = array<i64: 2000, 1>}, {transform_indices = @transform_11, window_bounds = array<i64: 2000, 1>}, {pipeline_mode = #tpu.pipeline_mode<synchronous>, transform_indices = @transform_12, window_bounds = array<i64: 128, 128>}, {pipeline_mode = #tpu.pipeline_mode<synchronous>, transform_indices = @transform_13, window_bounds = array<i64: 128, 128>}, {pipeline_mode = #tpu.pipeline_mode<synchronous>, transform_indices = @transform_14, window_bounds = array<i64: 1, 128>}, {pipeline_mode = #tpu.pipeline_mode<synchronous>, transform_indices = @transform_15, window_bounds = array<i64: 128, 128>}, {pipeline_mode = #tpu.pipeline_mode<synchronous>, transform_indices = @transform_16, window_bounds = array<i64: 128, 128>}, {pipeline_mode = #tpu.pipeline_mode<synchronous>, transform_indices = @transform_17, window_bounds = array<i64: 1, 128>}, {pipeline_mode = #tpu.pipeline_mode<synchronous>, transform_indices = @transform_18, window_bounds = array<i64: 128, 128>}, {pipeline_mode = #tpu.pipeline_mode<synchronous>, transform_indices = @transform_19, window_bounds = array<i64: 128, 128>}, {pipeline_mode = #tpu.pipeline_mode<synchronous>, transform_indices = @transform_20, window_bounds = array<i64: 1, 128>}, {transform_indices = @transform_21, window_bounds = array<i64: 2000, 128>}, {transform_indices = @transform_22, window_bounds = array<i64: 2000, 128>}]} {
    %get3A = arith.constant 0 : index
    %get3A_0 = arith.constant 0 : index
    %get3A_1 = vector.load %arg3[%get3A, %get3A_0] : memref<2000x128xf32, #tpu.memory_space<vmem>>, vector<2000x128xf32>
    %get3A_2 = arith.constant 0 : index
    %get3A_3 = arith.constant 0 : index
    %get3A_4 = vector.load %arg7[%get3A_2, %get3A_3] : memref<2000x1xf32, #tpu.memory_space<vmem>>, vector<2000x1xf32>
    %get3A_5 = arith.constant 0 : index
    %get3A_6 = arith.constant 0 : index
    %get3A_7 = vector.load %arg8[%get3A_5, %get3A_6] : memref<2000x1xf32, #tpu.memory_space<vmem>>, vector<2000x1xf32>
    %add3A = arith.addf %get3A_4, %get3A_7 : vector<2000x1xf32>
    %max3A = arith.constant 1.000000e+00 : f32
    %max3A_8 = vector.broadcast %max3A : f32 to vector<2000x1xf32>
    %max3A_9 = arith.maximumf %add3A, %max3A_8 : vector<2000x1xf32>
    %div3A = vector.broadcast %max3A_9 : vector<2000x1xf32> to vector<2000x128xf32>
    %div3A_10 = arith.divf %get3A_1, %div3A : vector<2000x128xf32>
    %get3A_11 = arith.constant 0 : index
    %get3A_12 = arith.constant 0 : index
    %get3A_13 = vector.load %arg4[%get3A_11, %get3A_12] : memref<2000x128xf32, #tpu.memory_space<vmem>>, vector<2000x128xf32>
    %get3A_14 = arith.constant 0 : index
    %get3A_15 = arith.constant 0 : index
    %get3A_16 = vector.load %arg9[%get3A_14, %get3A_15] : memref<2000x1xf32, #tpu.memory_space<vmem>>, vector<2000x1xf32>
    %get3A_17 = arith.constant 0 : index
    %get3A_18 = arith.constant 0 : index
    %get3A_19 = vector.load %arg10[%get3A_17, %get3A_18] : memref<2000x1xf32, #tpu.memory_space<vmem>>, vector<2000x1xf32>
    %add3A_20 = arith.addf %get3A_16, %get3A_19 : vector<2000x1xf32>
    %max3A_21 = arith.constant 1.000000e+00 : f32
    %max3A_22 = vector.broadcast %max3A_21 : f32 to vector<2000x1xf32>
    %max3A_23 = arith.maximumf %add3A_20, %max3A_22 : vector<2000x1xf32>
    %div3A_24 = vector.broadcast %max3A_23 : vector<2000x1xf32> to vector<2000x128xf32>
    %div3A_25 = arith.divf %get3A_13, %div3A_24 : vector<2000x128xf32>
    %get3A_26 = arith.constant 0 : index
    %get3A_27 = arith.constant 0 : index
    %get3A_28 = vector.load %arg5[%get3A_26, %get3A_27] : memref<2000x128xf32, #tpu.memory_space<vmem>>, vector<2000x128xf32>
    %get3A_29 = arith.constant 0 : index
    %get3A_30 = arith.constant 0 : index
    %get3A_31 = vector.load %arg6[%get3A_29, %get3A_30] : memref<2000x128xf32, #tpu.memory_space<vmem>>, vector<2000x128xf32>
    %add3A_32 = arith.addf %get3A_28, %get3A_31 : vector<2000x128xf32>
    %get3A_33 = arith.constant 0 : index
    %get3A_34 = arith.constant 0 : index
    %get3A_35 = vector.load %arg11[%get3A_33, %get3A_34] : memref<2000x1xf32, #tpu.memory_space<vmem>>, vector<2000x1xf32>
    %get3A_36 = arith.constant 0 : index
    %get3A_37 = arith.constant 0 : index
    %get3A_38 = vector.load %arg12[%get3A_36, %get3A_37] : memref<2000x1xf32, #tpu.memory_space<vmem>>, vector<2000x1xf32>
    %add3A_39 = arith.addf %get3A_35, %get3A_38 : vector<2000x1xf32>
    %max3A_40 = arith.constant 1.000000e+00 : f32
    %max3A_41 = vector.broadcast %max3A_40 : f32 to vector<2000x1xf32>
    %max3A_42 = arith.maximumf %add3A_39, %max3A_41 : vector<2000x1xf32>
    %div3A_43 = vector.broadcast %max3A_42 : vector<2000x1xf32> to vector<2000x128xf32>
    %div3A_44 = arith.divf %add3A_32, %div3A_43 : vector<2000x128xf32>
    %get3A_45 = arith.constant 0 : index
    %get3A_46 = arith.constant 0 : index
    %get3A_47 = vector.load %arg2[%get3A_45, %get3A_46] : memref<2000x128xf32, #tpu.memory_space<vmem>>, vector<2000x128xf32>
    %get3A_48 = arith.constant 0 : index
    %get3A_49 = arith.constant 0 : index
    %get3A_50 = vector.load %arg13[%get3A_48, %get3A_49] : memref<128x128xf32, #tpu.memory_space<vmem>>, vector<128x128xf32>
    %dot_general3A = arith.constant dense<0.000000e+00> : vector<2000x128xf32>
    %dot_general3A_51 = tpu.matmul %div3A_10, %get3A_50, %dot_general3A {dimension_numbers = #tpu.dot_dimension_numbers<[1], [0], [0], [1], [0, 0, 1, 1], [], []>, transpose_lhs_hint = false} : vector<2000x128xf32>, vector<128x128xf32>, vector<2000x128xf32> -> vector<2000x128xf32>
    %get3A_52 = arith.constant 0 : index
    %get3A_53 = arith.constant 0 : index
    %get3A_54 = vector.load %arg15[%get3A_52, %get3A_53] : memref<1x128xf32, #tpu.memory_space<vmem>>, vector<1x128xf32>
    %add3A_55 = vector.broadcast %get3A_54 : vector<1x128xf32> to vector<2000x128xf32>
    %add3A_56 = arith.addf %dot_general3A_51, %add3A_55 : vector<2000x128xf32>
    %get3A_57 = arith.constant 0 : index
    %get3A_58 = arith.constant 0 : index
    %get3A_59 = vector.load %arg14[%get3A_57, %get3A_58] : memref<128x128xf32, #tpu.memory_space<vmem>>, vector<128x128xf32>
    %dot_general3A_60 = arith.constant dense<0.000000e+00> : vector<2000x128xf32>
    %dot_general3A_61 = tpu.matmul %get3A_47, %get3A_59, %dot_general3A_60 {dimension_numbers = #tpu.dot_dimension_numbers<[1], [0], [0], [1], [0, 0, 1, 1], [], []>, transpose_lhs_hint = false} : vector<2000x128xf32>, vector<128x128xf32>, vector<2000x128xf32> -> vector<2000x128xf32>
    %add3A_62 = arith.addf %add3A_56, %dot_general3A_61 : vector<2000x128xf32>
    %get3A_63 = arith.constant 0 : index
    %get3A_64 = arith.constant 0 : index
    %get3A_65 = vector.load %arg16[%get3A_63, %get3A_64] : memref<128x128xf32, #tpu.memory_space<vmem>>, vector<128x128xf32>
    %dot_general3A_66 = arith.constant dense<0.000000e+00> : vector<2000x128xf32>
    %dot_general3A_67 = tpu.matmul %div3A_25, %get3A_65, %dot_general3A_66 {dimension_numbers = #tpu.dot_dimension_numbers<[1], [0], [0], [1], [0, 0, 1, 1], [], []>, transpose_lhs_hint = false} : vector<2000x128xf32>, vector<128x128xf32>, vector<2000x128xf32> -> vector<2000x128xf32>
    %add3A_68 = arith.addf %add3A_62, %dot_general3A_67 : vector<2000x128xf32>
    %get3A_69 = arith.constant 0 : index
    %get3A_70 = arith.constant 0 : index
    %get3A_71 = vector.load %arg18[%get3A_69, %get3A_70] : memref<1x128xf32, #tpu.memory_space<vmem>>, vector<1x128xf32>
    %add3A_72 = vector.broadcast %get3A_71 : vector<1x128xf32> to vector<2000x128xf32>
    %add3A_73 = arith.addf %add3A_68, %add3A_72 : vector<2000x128xf32>
    %get3A_74 = arith.constant 0 : index
    %get3A_75 = arith.constant 0 : index
    %get3A_76 = vector.load %arg17[%get3A_74, %get3A_75] : memref<128x128xf32, #tpu.memory_space<vmem>>, vector<128x128xf32>
    %dot_general3A_77 = arith.constant dense<0.000000e+00> : vector<2000x128xf32>
    %dot_general3A_78 = tpu.matmul %get3A_47, %get3A_76, %dot_general3A_77 {dimension_numbers = #tpu.dot_dimension_numbers<[1], [0], [0], [1], [0, 0, 1, 1], [], []>, transpose_lhs_hint = false} : vector<2000x128xf32>, vector<128x128xf32>, vector<2000x128xf32> -> vector<2000x128xf32>
    %add3A_79 = arith.addf %add3A_73, %dot_general3A_78 : vector<2000x128xf32>
    %get3A_80 = arith.constant 0 : index
    %get3A_81 = arith.constant 0 : index
    %get3A_82 = vector.load %arg19[%get3A_80, %get3A_81] : memref<128x128xf32, #tpu.memory_space<vmem>>, vector<128x128xf32>
    %dot_general3A_83 = arith.constant dense<0.000000e+00> : vector<2000x128xf32>
    %dot_general3A_84 = tpu.matmul %div3A_44, %get3A_82, %dot_general3A_83 {dimension_numbers = #tpu.dot_dimension_numbers<[1], [0], [0], [1], [0, 0, 1, 1], [], []>, transpose_lhs_hint = false} : vector<2000x128xf32>, vector<128x128xf32>, vector<2000x128xf32> -> vector<2000x128xf32>
    %get3A_85 = arith.constant 0 : index
    %get3A_86 = arith.constant 0 : index
    %get3A_87 = vector.load %arg21[%get3A_85, %get3A_86] : memref<1x128xf32, #tpu.memory_space<vmem>>, vector<1x128xf32>
    %add3A_88 = vector.broadcast %get3A_87 : vector<1x128xf32> to vector<2000x128xf32>
    %add3A_89 = arith.addf %dot_general3A_84, %add3A_88 : vector<2000x128xf32>
    %get3A_90 = arith.constant 0 : index
    %get3A_91 = arith.constant 0 : index
    %get3A_92 = vector.load %arg1[%get3A_90, %get3A_91] : memref<2000x128xf32, #tpu.memory_space<vmem>>, vector<2000x128xf32>
    %get3A_93 = arith.constant 0 : index
    %get3A_94 = arith.constant 0 : index
    %get3A_95 = vector.load %arg20[%get3A_93, %get3A_94] : memref<128x128xf32, #tpu.memory_space<vmem>>, vector<128x128xf32>
    %dot_general3A_96 = arith.constant dense<0.000000e+00> : vector<2000x128xf32>
    %dot_general3A_97 = tpu.matmul %get3A_92, %get3A_95, %dot_general3A_96 {dimension_numbers = #tpu.dot_dimension_numbers<[1], [0], [0], [1], [0, 0, 1, 1], [], []>, transpose_lhs_hint = false} : vector<2000x128xf32>, vector<128x128xf32>, vector<2000x128xf32> -> vector<2000x128xf32>
    %add3A_98 = arith.addf %add3A_89, %dot_general3A_97 : vector<2000x128xf32>
    %ge3A = arith.constant 0.000000e+00 : f32
    %ge3A_99 = vector.broadcast %ge3A : f32 to vector<2000x128xf32>
    %ge3A_100 = arith.cmpf oge, %add3A_79, %ge3A_99 : vector<2000x128xf32>
    %mul3A = arith.constant 0.00999999977 : f32
    %mul3A_101 = vector.broadcast %mul3A : f32 to vector<2000x128xf32>
    %mul3A_102 = arith.mulf %mul3A_101, %add3A_79 : vector<2000x128xf32>
    %select_n3A = arith.select %ge3A_100, %add3A_79, %mul3A_102 : vector<2000x128xi1>, vector<2000x128xf32>
    %swap3A = arith.constant 0 : index
    %swap3A_103 = arith.constant 0 : index
    %swap3A_104 = vector.load %arg23[%swap3A, %swap3A_103] : memref<2000x128xf32, #tpu.memory_space<vmem>>, vector<2000x128xf32>
    tpu.vector_store %arg23[%swap3A, %swap3A_103], %select_n3A {strides = array<i32>} : memref<2000x128xf32, #tpu.memory_space<vmem>>, vector<2000x128xf32>,
    %ge3A_105 = arith.constant 0.000000e+00 : f32
    %ge3A_106 = vector.broadcast %ge3A_105 : f32 to vector<2000x128xf32>
    %ge3A_107 = arith.cmpf oge, %add3A_98, %ge3A_106 : vector<2000x128xf32>
    %mul3A_108 = arith.constant 0.00999999977 : f32
    %mul3A_109 = vector.broadcast %mul3A_108 : f32 to vector<2000x128xf32>
    %mul3A_110 = arith.mulf %mul3A_109, %add3A_98 : vector<2000x128xf32>
    %select_n3A_111 = arith.select %ge3A_107, %add3A_98, %mul3A_110 : vector<2000x128xi1>, vector<2000x128xf32>
    %swap3A_112 = arith.constant 0 : index
    %swap3A_113 = arith.constant 0 : index
    %swap3A_114 = vector.load %arg22[%swap3A_112, %swap3A_113] : memref<2000x128xf32, #tpu.memory_space<vmem>>, vector<2000x128xf32>
    tpu.vector_store %arg22[%swap3A_112, %swap3A_113], %select_n3A_111 {strides = array<i32>} : memref<2000x128xf32, #tpu.memory_space<vmem>>, vector<2000x128xf32>,
    return
  }
  func.func @transform_0(%arg0: i32) -> (i32, i32) {
    %c0_i32 = arith.constant 0 : i32
    %c0_i32_0 = arith.constant 0 : i32
    return %arg0, %c0_i32 : i32, i32
  }
  func.func @transform_1(%arg0: i32) -> (i32, i32) {
    %c0_i32 = arith.constant 0 : i32
    %c0_i32_0 = arith.constant 0 : i32
    return %arg0, %c0_i32 : i32, i32
  }
  func.func @transform_2(%arg0: i32) -> (i32, i32) {
    %c0_i32 = arith.constant 0 : i32
    %c0_i32_0 = arith.constant 0 : i32
    return %arg0, %c0_i32 : i32, i32
  }
  func.func @transform_3(%arg0: i32) -> (i32, i32) {
    %c0_i32 = arith.constant 0 : i32
    %c0_i32_0 = arith.constant 0 : i32
    return %arg0, %c0_i32 : i32, i32
  }
  func.func @transform_4(%arg0: i32) -> (i32, i32) {
    %c0_i32 = arith.constant 0 : i32
    %c0_i32_0 = arith.constant 0 : i32
    return %arg0, %c0_i32 : i32, i32
  }
  func.func @transform_5(%arg0: i32) -> (i32, i32) {
    %c0_i32 = arith.constant 0 : i32
    %c0_i32_0 = arith.constant 0 : i32
    return %arg0, %c0_i32 : i32, i32
  }
  func.func @transform_6(%arg0: i32) -> (i32, i32) {
    %c0_i32 = arith.constant 0 : i32
    %c0_i32_0 = arith.constant 0 : i32
    return %arg0, %c0_i32 : i32, i32
  }
  func.func @transform_7(%arg0: i32) -> (i32, i32) {
    %c0_i32 = arith.constant 0 : i32
    %c0_i32_0 = arith.constant 0 : i32
    return %arg0, %c0_i32 : i32, i32
  }
  func.func @transform_8(%arg0: i32) -> (i32, i32) {
    %c0_i32 = arith.constant 0 : i32
    %c0_i32_0 = arith.constant 0 : i32
    return %arg0, %c0_i32 : i32, i32
  }
  func.func @transform_9(%arg0: i32) -> (i32, i32) {
    %c0_i32 = arith.constant 0 : i32
    %c0_i32_0 = arith.constant 0 : i32
    return %arg0, %c0_i32 : i32, i32
  }
  func.func @transform_10(%arg0: i32) -> (i32, i32) {
    %c0_i32 = arith.constant 0 : i32
    %c0_i32_0 = arith.constant 0 : i32
    return %arg0, %c0_i32 : i32, i32
  }
  func.func @transform_11(%arg0: i32) -> (i32, i32) {
    %c0_i32 = arith.constant 0 : i32
    %c0_i32_0 = arith.constant 0 : i32
    return %arg0, %c0_i32 : i32, i32
  }
  func.func @transform_12(%arg0: i32) -> (i32, i32) {
    %c0_i32 = arith.constant 0 : i32
    %c0_i32_0 = arith.constant 0 : i32
    %c0_i32_1 = arith.constant 0 : i32
    return %c0_i32, %c0_i32_0 : i32, i32
  }
  func.func @transform_13(%arg0: i32) -> (i32, i32) {
    %c0_i32 = arith.constant 0 : i32
    %c0_i32_0 = arith.constant 0 : i32
    %c0_i32_1 = arith.constant 0 : i32
    return %c0_i32, %c0_i32_0 : i32, i32
  }
  func.func @transform_14(%arg0: i32) -> (i32, i32) {
    %c0_i32 = arith.constant 0 : i32
    %c0_i32_0 = arith.constant 0 : i32
    %c0_i32_1 = arith.constant 0 : i32
    return %c0_i32, %c0_i32_0 : i32, i32
  }
  func.func @transform_15(%arg0: i32) -> (i32, i32) {
    %c0_i32 = arith.constant 0 : i32
    %c0_i32_0 = arith.constant 0 : i32
    %c0_i32_1 = arith.constant 0 : i32
    return %c0_i32, %c0_i32_0 : i32, i32
  }
  func.func @transform_16(%arg0: i32) -> (i32, i32) {
    %c0_i32 = arith.constant 0 : i32
    %c0_i32_0 = arith.constant 0 : i32
    %c0_i32_1 = arith.constant 0 : i32
    return %c0_i32, %c0_i32_0 : i32, i32
  }
  func.func @transform_17(%arg0: i32) -> (i32, i32) {
    %c0_i32 = arith.constant 0 : i32
    %c0_i32_0 = arith.constant 0 : i32
    %c0_i32_1 = arith.constant 0 : i32
    return %c0_i32, %c0_i32_0 : i32, i32
  }
  func.func @transform_18(%arg0: i32) -> (i32, i32) {
    %c0_i32 = arith.constant 0 : i32
    %c0_i32_0 = arith.constant 0 : i32
    %c0_i32_1 = arith.constant 0 : i32
    return %c0_i32, %c0_i32_0 : i32, i32
  }
  func.func @transform_19(%arg0: i32) -> (i32, i32) {
    %c0_i32 = arith.constant 0 : i32
    %c0_i32_0 = arith.constant 0 : i32
    %c0_i32_1 = arith.constant 0 : i32
    return %c0_i32, %c0_i32_0 : i32, i32
  }
  func.func @transform_20(%arg0: i32) -> (i32, i32) {
    %c0_i32 = arith.constant 0 : i32
    %c0_i32_0 = arith.constant 0 : i32
    %c0_i32_1 = arith.constant 0 : i32
    return %c0_i32, %c0_i32_0 : i32, i32
  }
  func.func @transform_21(%arg0: i32) -> (i32, i32) {
    %c0_i32 = arith.constant 0 : i32
    %c0_i32_0 = arith.constant 0 : i32
    return %arg0, %c0_i32 : i32, i32
  }
  func.func @transform_22(%arg0: i32) -> (i32, i32) {
    %c0_i32 = arith.constant 0 : i32
    %c0_i32_0 = arith.constant 0 : i32
    return %arg0, %c0_i32 : i32, i32
  }
}

module attributes {stable_mosaic.version = 14 : i64} {
  func.func @_tc1_body(%arg0: i32, %arg1: memref<2000x128xf32, #tpu.memory_space<vmem>>, %arg2: memref<2000x128xf32, #tpu.memory_space<vmem>>, %arg3: memref<2000x128xf32, #tpu.memory_space<vmem>>, %arg4: memref<2000x1xf32, #tpu.memory_space<vmem>>, %arg5: memref<2000x1xf32, #tpu.memory_space<vmem>>, %arg6: memref<2000x1xf32, #tpu.memory_space<vmem>>, %arg7: memref<2000x1xf32, #tpu.memory_space<vmem>>, %arg8: memref<128x128xf32, #tpu.memory_space<vmem>>, %arg9: memref<128x128xf32, #tpu.memory_space<vmem>>, %arg10: memref<1x128xf32, #tpu.memory_space<vmem>>, %arg11: memref<128x128xf32, #tpu.memory_space<vmem>>, %arg12: memref<128x128xf32, #tpu.memory_space<vmem>>, %arg13: memref<1x128xf32, #tpu.memory_space<vmem>>, %arg14: memref<128x64xf32, #tpu.memory_space<vmem>>, %arg15: memref<1x64xf32, #tpu.memory_space<vmem>>, %arg16: memref<2000x64xf32, #tpu.memory_space<vmem>>) attributes {dimension_semantics = [#tpu.dimension_semantics<arbitrary>], iteration_bounds = array<i64: 5>, scalar_prefetch = 0 : i64, scratch_operands = 0 : i64, tpu.core_type = #tpu.core_type<tc>, window_params = [{transform_indices = @transform_0, window_bounds = array<i64: 2000, 128>}, {transform_indices = @transform_1, window_bounds = array<i64: 2000, 128>}, {transform_indices = @transform_2, window_bounds = array<i64: 2000, 128>}, {transform_indices = @transform_3, window_bounds = array<i64: 2000, 1>}, {transform_indices = @transform_4, window_bounds = array<i64: 2000, 1>}, {transform_indices = @transform_5, window_bounds = array<i64: 2000, 1>}, {transform_indices = @transform_6, window_bounds = array<i64: 2000, 1>}, {pipeline_mode = #tpu.pipeline_mode<synchronous>, transform_indices = @transform_7, window_bounds = array<i64: 128, 128>}, {pipeline_mode = #tpu.pipeline_mode<synchronous>, transform_indices = @transform_8, window_bounds = array<i64: 128, 128>}, {pipeline_mode = #tpu.pipeline_mode<synchronous>, transform_indices = @transform_9, window_bounds = array<i64: 1, 128>}, {pipeline_mode = #tpu.pipeline_mode<synchronous>, transform_indices = @transform_10, window_bounds = array<i64: 128, 128>}, {pipeline_mode = #tpu.pipeline_mode<synchronous>, transform_indices = @transform_11, window_bounds = array<i64: 128, 128>}, {pipeline_mode = #tpu.pipeline_mode<synchronous>, transform_indices = @transform_12, window_bounds = array<i64: 1, 128>}, {pipeline_mode = #tpu.pipeline_mode<synchronous>, transform_indices = @transform_13, window_bounds = array<i64: 128, 64>}, {pipeline_mode = #tpu.pipeline_mode<synchronous>, transform_indices = @transform_14, window_bounds = array<i64: 1, 64>}, {transform_indices = @transform_15, window_bounds = array<i64: 2000, 64>}]} {
    %get3A = arith.constant 0 : index
    %get3A_0 = arith.constant 0 : index
    %get3A_1 = vector.load %arg2[%get3A, %get3A_0] : memref<2000x128xf32, #tpu.memory_space<vmem>>, vector<2000x128xf32>
    %get3A_2 = arith.constant 0 : index
    %get3A_3 = arith.constant 0 : index
    %get3A_4 = vector.load %arg4[%get3A_2, %get3A_3] : memref<2000x1xf32, #tpu.memory_space<vmem>>, vector<2000x1xf32>
    %get3A_5 = arith.constant 0 : index
    %get3A_6 = arith.constant 0 : index
    %get3A_7 = vector.load %arg5[%get3A_5, %get3A_6] : memref<2000x1xf32, #tpu.memory_space<vmem>>, vector<2000x1xf32>
    %add3A = arith.addf %get3A_4, %get3A_7 : vector<2000x1xf32>
    %max3A = arith.constant 1.000000e+00 : f32
    %max3A_8 = vector.broadcast %max3A : f32 to vector<2000x1xf32>
    %max3A_9 = arith.maximumf %add3A, %max3A_8 : vector<2000x1xf32>
    %div3A = vector.broadcast %max3A_9 : vector<2000x1xf32> to vector<2000x128xf32>
    %div3A_10 = arith.divf %get3A_1, %div3A : vector<2000x128xf32>
    %get3A_11 = arith.constant 0 : index
    %get3A_12 = arith.constant 0 : index
    %get3A_13 = vector.load %arg3[%get3A_11, %get3A_12] : memref<2000x128xf32, #tpu.memory_space<vmem>>, vector<2000x128xf32>
    %get3A_14 = arith.constant 0 : index
    %get3A_15 = arith.constant 0 : index
    %get3A_16 = vector.load %arg6[%get3A_14, %get3A_15] : memref<2000x1xf32, #tpu.memory_space<vmem>>, vector<2000x1xf32>
    %get3A_17 = arith.constant 0 : index
    %get3A_18 = arith.constant 0 : index
    %get3A_19 = vector.load %arg7[%get3A_17, %get3A_18] : memref<2000x1xf32, #tpu.memory_space<vmem>>, vector<2000x1xf32>
    %add3A_20 = arith.addf %get3A_16, %get3A_19 : vector<2000x1xf32>
    %max3A_21 = arith.constant 1.000000e+00 : f32
    %max3A_22 = vector.broadcast %max3A_21 : f32 to vector<2000x1xf32>
    %max3A_23 = arith.maximumf %add3A_20, %max3A_22 : vector<2000x1xf32>
    %div3A_24 = vector.broadcast %max3A_23 : vector<2000x1xf32> to vector<2000x128xf32>
    %div3A_25 = arith.divf %get3A_13, %div3A_24 : vector<2000x128xf32>
    %get3A_26 = arith.constant 0 : index
    %get3A_27 = arith.constant 0 : index
    %get3A_28 = vector.load %arg1[%get3A_26, %get3A_27] : memref<2000x128xf32, #tpu.memory_space<vmem>>, vector<2000x128xf32>
    %get3A_29 = arith.constant 0 : index
    %get3A_30 = arith.constant 0 : index
    %get3A_31 = vector.load %arg8[%get3A_29, %get3A_30] : memref<128x128xf32, #tpu.memory_space<vmem>>, vector<128x128xf32>
    %dot_general3A = arith.constant dense<0.000000e+00> : vector<2000x128xf32>
    %dot_general3A_32 = tpu.matmul %div3A_10, %get3A_31, %dot_general3A {dimension_numbers = #tpu.dot_dimension_numbers<[1], [0], [0], [1], [0, 0, 1, 1], [], []>, transpose_lhs_hint = false} : vector<2000x128xf32>, vector<128x128xf32>, vector<2000x128xf32> -> vector<2000x128xf32>
    %get3A_33 = arith.constant 0 : index
    %get3A_34 = arith.constant 0 : index
    %get3A_35 = vector.load %arg10[%get3A_33, %get3A_34] : memref<1x128xf32, #tpu.memory_space<vmem>>, vector<1x128xf32>
    %add3A_36 = vector.broadcast %get3A_35 : vector<1x128xf32> to vector<2000x128xf32>
    %add3A_37 = arith.addf %dot_general3A_32, %add3A_36 : vector<2000x128xf32>
    %get3A_38 = arith.constant 0 : index
    %get3A_39 = arith.constant 0 : index
    %get3A_40 = vector.load %arg9[%get3A_38, %get3A_39] : memref<128x128xf32, #tpu.memory_space<vmem>>, vector<128x128xf32>
    %dot_general3A_41 = arith.constant dense<0.000000e+00> : vector<2000x128xf32>
    %dot_general3A_42 = tpu.matmul %get3A_28, %get3A_40, %dot_general3A_41 {dimension_numbers = #tpu.dot_dimension_numbers<[1], [0], [0], [1], [0, 0, 1, 1], [], []>, transpose_lhs_hint = false} : vector<2000x128xf32>, vector<128x128xf32>, vector<2000x128xf32> -> vector<2000x128xf32>
    %add3A_43 = arith.addf %add3A_37, %dot_general3A_42 : vector<2000x128xf32>
    %get3A_44 = arith.constant 0 : index
    %get3A_45 = arith.constant 0 : index
    %get3A_46 = vector.load %arg11[%get3A_44, %get3A_45] : memref<128x128xf32, #tpu.memory_space<vmem>>, vector<128x128xf32>
    %dot_general3A_47 = arith.constant dense<0.000000e+00> : vector<2000x128xf32>
    %dot_general3A_48 = tpu.matmul %div3A_25, %get3A_46, %dot_general3A_47 {dimension_numbers = #tpu.dot_dimension_numbers<[1], [0], [0], [1], [0, 0, 1, 1], [], []>, transpose_lhs_hint = false} : vector<2000x128xf32>, vector<128x128xf32>, vector<2000x128xf32> -> vector<2000x128xf32>
    %add3A_49 = arith.addf %add3A_43, %dot_general3A_48 : vector<2000x128xf32>
    %get3A_50 = arith.constant 0 : index
    %get3A_51 = arith.constant 0 : index
    %get3A_52 = vector.load %arg13[%get3A_50, %get3A_51] : memref<1x128xf32, #tpu.memory_space<vmem>>, vector<1x128xf32>
    %add3A_53 = vector.broadcast %get3A_52 : vector<1x128xf32> to vector<2000x128xf32>
    %add3A_54 = arith.addf %add3A_49, %add3A_53 : vector<2000x128xf32>
    %get3A_55 = arith.constant 0 : index
    %get3A_56 = arith.constant 0 : index
    %get3A_57 = vector.load %arg12[%get3A_55, %get3A_56] : memref<128x128xf32, #tpu.memory_space<vmem>>, vector<128x128xf32>
    %dot_general3A_58 = arith.constant dense<0.000000e+00> : vector<2000x128xf32>
    %dot_general3A_59 = tpu.matmul %get3A_28, %get3A_57, %dot_general3A_58 {dimension_numbers = #tpu.dot_dimension_numbers<[1], [0], [0], [1], [0, 0, 1, 1], [], []>, transpose_lhs_hint = false} : vector<2000x128xf32>, vector<128x128xf32>, vector<2000x128xf32> -> vector<2000x128xf32>
    %add3A_60 = arith.addf %add3A_54, %dot_general3A_59 : vector<2000x128xf32>
    %ge3A = arith.constant 0.000000e+00 : f32
    %ge3A_61 = vector.broadcast %ge3A : f32 to vector<2000x128xf32>
    %ge3A_62 = arith.cmpf oge, %add3A_60, %ge3A_61 : vector<2000x128xf32>
    %mul3A = arith.constant 0.00999999977 : f32
    %mul3A_63 = vector.broadcast %mul3A : f32 to vector<2000x128xf32>
    %mul3A_64 = arith.mulf %mul3A_63, %add3A_60 : vector<2000x128xf32>
    %select_n3A = arith.select %ge3A_62, %add3A_60, %mul3A_64 : vector<2000x128xi1>, vector<2000x128xf32>
    %get3A_65 = arith.constant 0 : index
    %get3A_66 = arith.constant 0 : index
    %get3A_67 = vector.load %arg14[%get3A_65, %get3A_66] : memref<128x64xf32, #tpu.memory_space<vmem>>, vector<128x64xf32>
    %dot_general3A_68 = arith.constant dense<0.000000e+00> : vector<2000x64xf32>
    %dot_general3A_69 = tpu.matmul %select_n3A, %get3A_67, %dot_general3A_68 {dimension_numbers = #tpu.dot_dimension_numbers<[1], [0], [0], [1], [0, 0, 1, 1], [], []>, transpose_lhs_hint = false} : vector<2000x128xf32>, vector<128x64xf32>, vector<2000x64xf32> -> vector<2000x64xf32>
    %get3A_70 = arith.constant 0 : index
    %get3A_71 = arith.constant 0 : index
    %get3A_72 = vector.load %arg15[%get3A_70, %get3A_71] : memref<1x64xf32, #tpu.memory_space<vmem>>, vector<1x64xf32>
    %add3A_73 = vector.broadcast %get3A_72 : vector<1x64xf32> to vector<2000x64xf32>
    %add3A_74 = arith.addf %dot_general3A_69, %add3A_73 : vector<2000x64xf32>
    %swap3A = arith.constant 0 : index
    %swap3A_75 = arith.constant 0 : index
    %swap3A_76 = vector.load %arg16[%swap3A, %swap3A_75] : memref<2000x64xf32, #tpu.memory_space<vmem>>, vector<2000x64xf32>
    tpu.vector_store %arg16[%swap3A, %swap3A_75], %add3A_74 {strides = array<i32>} : memref<2000x64xf32, #tpu.memory_space<vmem>>, vector<2000x64xf32>,
    return
  }
  func.func @transform_0(%arg0: i32) -> (i32, i32) {
    %c0_i32 = arith.constant 0 : i32
    %c0_i32_0 = arith.constant 0 : i32
    return %arg0, %c0_i32 : i32, i32
  }
  func.func @transform_1(%arg0: i32) -> (i32, i32) {
    %c0_i32 = arith.constant 0 : i32
    %c0_i32_0 = arith.constant 0 : i32
    return %arg0, %c0_i32 : i32, i32
  }
  func.func @transform_2(%arg0: i32) -> (i32, i32) {
    %c0_i32 = arith.constant 0 : i32
    %c0_i32_0 = arith.constant 0 : i32
    return %arg0, %c0_i32 : i32, i32
  }
  func.func @transform_3(%arg0: i32) -> (i32, i32) {
    %c0_i32 = arith.constant 0 : i32
    %c0_i32_0 = arith.constant 0 : i32
    return %arg0, %c0_i32 : i32, i32
  }
  func.func @transform_4(%arg0: i32) -> (i32, i32) {
    %c0_i32 = arith.constant 0 : i32
    %c0_i32_0 = arith.constant 0 : i32
    return %arg0, %c0_i32 : i32, i32
  }
  func.func @transform_5(%arg0: i32) -> (i32, i32) {
    %c0_i32 = arith.constant 0 : i32
    %c0_i32_0 = arith.constant 0 : i32
    return %arg0, %c0_i32 : i32, i32
  }
  func.func @transform_6(%arg0: i32) -> (i32, i32) {
    %c0_i32 = arith.constant 0 : i32
    %c0_i32_0 = arith.constant 0 : i32
    return %arg0, %c0_i32 : i32, i32
  }
  func.func @transform_7(%arg0: i32) -> (i32, i32) {
    %c0_i32 = arith.constant 0 : i32
    %c0_i32_0 = arith.constant 0 : i32
    %c0_i32_1 = arith.constant 0 : i32
    return %c0_i32, %c0_i32_0 : i32, i32
  }
  func.func @transform_8(%arg0: i32) -> (i32, i32) {
    %c0_i32 = arith.constant 0 : i32
    %c0_i32_0 = arith.constant 0 : i32
    %c0_i32_1 = arith.constant 0 : i32
    return %c0_i32, %c0_i32_0 : i32, i32
  }
  func.func @transform_9(%arg0: i32) -> (i32, i32) {
    %c0_i32 = arith.constant 0 : i32
    %c0_i32_0 = arith.constant 0 : i32
    %c0_i32_1 = arith.constant 0 : i32
    return %c0_i32, %c0_i32_0 : i32, i32
  }
  func.func @transform_10(%arg0: i32) -> (i32, i32) {
    %c0_i32 = arith.constant 0 : i32
    %c0_i32_0 = arith.constant 0 : i32
    %c0_i32_1 = arith.constant 0 : i32
    return %c0_i32, %c0_i32_0 : i32, i32
  }
  func.func @transform_11(%arg0: i32) -> (i32, i32) {
    %c0_i32 = arith.constant 0 : i32
    %c0_i32_0 = arith.constant 0 : i32
    %c0_i32_1 = arith.constant 0 : i32
    return %c0_i32, %c0_i32_0 : i32, i32
  }
  func.func @transform_12(%arg0: i32) -> (i32, i32) {
    %c0_i32 = arith.constant 0 : i32
    %c0_i32_0 = arith.constant 0 : i32
    %c0_i32_1 = arith.constant 0 : i32
    return %c0_i32, %c0_i32_0 : i32, i32
  }
  func.func @transform_13(%arg0: i32) -> (i32, i32) {
    %c0_i32 = arith.constant 0 : i32
    %c0_i32_0 = arith.constant 0 : i32
    %c0_i32_1 = arith.constant 0 : i32
    return %c0_i32, %c0_i32_0 : i32, i32
  }
  func.func @transform_14(%arg0: i32) -> (i32, i32) {
    %c0_i32 = arith.constant 0 : i32
    %c0_i32_0 = arith.constant 0 : i32
    %c0_i32_1 = arith.constant 0 : i32
    return %c0_i32, %c0_i32_0 : i32, i32
  }
  func.func @transform_15(%arg0: i32) -> (i32, i32) {
    %c0_i32 = arith.constant 0 : i32
    %c0_i32_0 = arith.constant 0 : i32
    return %arg0, %c0_i32 : i32, i32
  }
}

</mosaic_0001>

<sc_bundles>
// kernel: kernel.10.cloned.1.call-start
scs
__scs_entry_jumppad:
0x0: {  	(pc) =	sbr.rel $0x88, $3  }
0x1: {  	(tag) =	ssettag $0x0;
	lr =	simm.s32 $0x1  }
0x2: {  	[smem:$0x3F8B] =	sst lr;
	_ =	strace $0xD0000000  }
0x3: {  	_ = 	snop  }
0x4: {  	_ = 	snop  }
0x5: {  	_ = 	snop  }
0x6: {  	_ = 	snop  }
0x7: {  	_ = 	snop  }
__scs_overlays_trampoline_lowered:
0x8: {  	[smem:$0x3F9A] =	sst s0  }
0x9: {  	[smem:$0x3F9B] =	sst s1  }
0xa: {  	[smem:$0x3F9C] =	sst s2  }
0xb: {  	[smem:$0x3F9D] =	sst s3  }
0xc: {  	[smem:$0x3F9E] =	sst s4  }
0xd: {  	[smem:$0x3F9F] =	sst s5  }
0xe: {  	[smem:$0x3FA0] =	sst s6  }
0xf: {  	[smem:$0x3FA1] =	sst s7  }
0x10: {  	[smem:$0x3FA2] =	sst s8  }
0x11: {  	[smem:$0x3FA3] =	sst s9;
	s0 =	simm.s32 @!p0 $0x0  }
0x12: {  	s1 =	sld [smem:$0x3F89];
	s0 =	simm.s32 @p0 $0x1  }
0x13: {  	[smem:$0x3FA4] =	sst s0;
	s0 =	simm.s32 @!p1 $0x0  }
0x14: {  	s2 =	sld [smem:$0x3F88];
	s0 =	simm.s32 @p1 $0x1  }
0x15: {  	[smem:$0x3FA5] =	sst s0;
	s0 =	simm.s32 @!p2 $0x0  }
0x16: {  	s3 =	sld [smem:$0x3FDB];
	s0 =	simm.s32 @p2 $0x1  }
0x17: {  	s4 =	simm.s32 $0x1BF5;
	[smem:$0x3FA7] =	sst s0  }
0x18: {  	s0 =	sld [smem:$0x3F8A];
	_ =	swait.ge [sflag:s4], $0x0  }
0x19: {  	s7 =	sld [smem:$0x3F8B]  }
0x1a: {  	s8 =	sadd.s32 $0xFFFFE003, lr  }
0x1b: {  	s9 =	sadd.s32 $0xFFFFFEF7, lr;
	s5 =	simm.s32 $0xFFFFFFFF;
	p2 =	slt.u32 s8, $0xFFFFF086  }
0x1c: {  	p1 =	slt.u32 s9, $0xF7A;
	s5 =	simm.s32 @!p2 $0x0  }
0x1d: {  	s5 =	simm.s32 @p1 $0x1;
	p0 =	seq.s32 s7, s2  }
0x1e: {  	s7 =	smul.u32 @!p0 $0xF7A, s2;
	p2 =	seq.s32 @!p0 s5, $0x0  }
0x1f: {  	s9 =	smul.u32 $0xF7A, s1;
	s8 =	simm.s32 @!p0 $0x1BF5;
	p2 =	por !p2, p0  }
0x20: {  	[sflag:s8] =	ssyncset.s32 @!p0 $0xFFFFF086;
	s6 =	sadd.s32 @!p0 s3, s7;
	s7 =	simm.s32 @!p0 $0x108  }
0x21: {  	s3 =	sadd.s32 s3, s9;
	s6 =	sadd.s32 @!p0 $0x88, s6;
	s7 =	simm.s32 @p2 $0x1082  }
0x22: {  	[simem:s7], [sflag:s8] =	dma.local @!p0 [hbm:s6], $0xF7A  }
0x23: {  	s9 =	sor.u32 $0xD0000000, s2;
	s6 =	simm.s32 $0x108;
	_ =	swait.ge @!p0 [sflag:s8], $0x0  }
0x24: {  	s3 =	sadd.s32 $0x88, s3;
	s6 =	simm.s32 @!p1 $0x1082;
	[sflag:s4] =	ssyncset.s32 $0xFFFFF086  }
0x25: {  	[simem:s6], [sflag:s4] =	dma.local [hbm:s3], $0xF7A  }
0x26: {  	[smem:$0x3F8B] =	sst s1;
	(tag) =	ssettag s2;
	_ =	strace s9  }
0x27: {  	s1 =	sld [smem:$0x3F9B]  }
0x28: {  	s2 =	sld [smem:$0x3F9C]  }
0x29: {  	s4 =	sld [smem:$0x3F9E]  }
0x2a: {  	p0 =	seq.s32 s5, $0x0;
	s5 =	sld [smem:$0x3F9F]  }
0x2b: {  	s6 =	sld [smem:$0x3FA0]  }
0x2c: {  	s7 =	sld [smem:$0x3FA1]  }
0x2d: {  	s3 =	simm.s32 $0x108;
	s8 =	sld [smem:$0x3FA2]  }
0x2e: {  	s3 =	simm.s32 @!p0 $0x1082;
	s9 =	sld [smem:$0x3FA3]  }
0x2f: {  	lr =	sadd.s32 s0, s3;
	s0 =	sld [smem:$0x3F9A]  }
0x30: {  	s3 =	sld [smem:$0x3F9D]  }
0x31: {  	[smem:$0x3FA6] =	sst s10  }
0x32: {  	s10 =	sld [smem:$0x3FA4];
	_ =	sdelay $0x3  }
0x33: {  	p0 =	seq.s32 s10, $0x1;
	s10 =	sld [smem:$0x3FA6];
	_ =	sdelay $0x3  }
0x34: {  	[smem:$0x3FA6] =	sst s10  }
0x35: {  	s10 =	sld [smem:$0x3FA5];
	_ =	sdelay $0x3  }
0x36: {  	p1 =	seq.s32 s10, $0x1;
	s10 =	sld [smem:$0x3FA6];
	_ =	sdelay $0x3  }
0x37: {  	[smem:$0x3FA6] =	sst s10  }
0x38: {  	s10 =	sld [smem:$0x3FA7]  }
0x39: {  	_ = 	snop;
	(pc) =	sbr.ind lr, $3  }
0x3a: {  	_ = 	snop  }
0x3b: {  	_ = 	snop  }
0x3c: {  	p2 =	seq.s32 s10, $0x1;
	s10 =	sld [smem:$0x3FA6]  }
0x3d: {  	_ =	shalt  }
0x3e: {  	_ =	shalt  }
0x3f: {  	_ =	shalt  }
0x40: {  	_ =	shalt  }
0x41: {  	_ =	shalt  }
0x42: {  	_ =	shalt  }
0x43: {  	_ =	shalt  }
0x44: {  	_ =	shalt  }
0x45: {  	_ =	shalt  }
0x46: {  	_ =	shalt  }
0x47: {  	_ =	shalt  }
0x48: {  	_ =	shalt  }
0x49: {  	_ =	shalt  }
0x4a: {  	_ =	shalt  }
0x4b: {  	_ =	shalt  }
0x4c: {  	_ =	shalt  }
0x4d: {  	_ =	shalt  }
0x4e: {  	_ =	shalt  }
0x4f: {  	_ =	shalt  }
0x50: {  	_ =	shalt  }
0x51: {  	_ =	shalt  }
0x52: {  	_ =	shalt  }
0x53: {  	_ =	shalt  }
0x54: {  	_ =	shalt  }
0x55: {  	_ =	shalt  }
0x56: {  	_ =	shalt  }
0x57: {  	_ =	shalt  }
0x58: {  	_ =	shalt  }
0x59: {  	_ =	shalt  }
0x5a: {  	_ =	shalt  }
0x5b: {  	_ =	shalt  }
0x5c: {  	_ =	shalt  }
0x5d: {  	_ =	shalt  }
0x5e: {  	_ =	shalt  }
0x5f: {  	_ =	shalt  }
0x60: {  	_ =	shalt  }
0x61: {  	_ =	shalt  }
0x62: {  	_ =	shalt  }
0x63: {  	_ =	shalt  }
0x64: {  	_ =	shalt  }
0x65: {  	_ =	shalt  }
0x66: {  	_ =	shalt  }
0x67: {  	_ =	shalt  }
0x68: {  	_ =	shalt  }
0x69: {  	_ =	shalt  }
0x6a: {  	_ =	shalt  }
0x6b: {  	_ =	shalt  }
0x6c: {  	_ =	shalt  }
0x6d: {  	_ =	shalt  }
0x6e: {  	_ =	shalt  }
0x6f: {  	_ =	shalt  }
0x70: {  	_ =	shalt  }
0x71: {  	_ =	shalt  }
0x72: {  	_ =	shalt  }
0x73: {  	_ =	shalt  }
0x74: {  	_ =	shalt  }
0x75: {  	_ =	shalt  }
0x76: {  	_ =	shalt  }
0x77: {  	_ =	shalt  }
0x78: {  	_ =	shalt  }
0x79: {  	_ =	shalt  }
0x7a: {  	_ =	shalt  }
0x7b: {  	_ =	shalt  }
0x7c: {  	_ =	shalt  }
0x7d: {  	_ =	shalt  }
0x7e: {  	_ =	shalt  }
0x7f: {  	_ =	shalt  }
0x80: {  	_ =	shalt  }
0x81: {  	_ =	shalt  }
0x82: {  	_ =	shalt  }
0x83: {  	_ =	shalt  }
0x84: {  	_ =	shalt  }
0x85: {  	_ =	shalt  }
0x86: {  	_ =	shalt  }
0x87: {  	_ =	shalt  }
.Lfunc_end0:
.L_simem_size_0:
called_computation.1_lowered:
.L_overlay_start_0:
0x88: {  	s2 =	sld [smem:$0x3FD9]  }
0x89: {  	s3 =	sld [smem:$0x3FFE];
	_ =	sdelay $0x1  }
0x8a: {  	s1 =	srdreg.scid  }
0x8b: {  	s0 =	sand.u32 $0x1, s1  }
0x8c: {  	s16 =	sshll.u32 s0, $0xA;
	s2 =	sadd.s32 s3, s2  }
0x8d: {  	s2 =	sadd.s32 s2, s16  }
0x8e: {  	[smem:$0x3FB2] =	sst s2  }
0x8f: {  	_ = 	snop  }
0x90: {  	(tm) =	ssettm $0x1  }
0x91: {  	s17 =	sld [smem:$0x3FFB];
	_ =	sdelay $0x3  }
0x92: {  	_ =	strace s17  }
0x93: {  	s2 =	sld [smem:$0x3FFC];
	_ =	sdelay $0x3  }
0x94: {  	_ =	strace s2  }
0x95: {  	s2 =	sld [smem:$0x3FFD];
	_ =	sdelay $0x3  }
0x96: {  	_ =	strace s2  }
0x97: {  	_ =	strace $0x8FFFFFFF  }
0x98: {  	s18 =	sld [smem:$0x3FDB];
	_ =	sdelay $0x1  }
0x99: {  	s19 =	simm.s32 $_scs_section_size  }
0x9a: {  	s4 =	simm.s32 $_size__tile_overlayer_lowered;
	s5 =	simm.s32 $_tile_overlayer_lowered  }
0x9b: {  	s22 =	simm.s32 $0x1BFF;
	s21 =	sshll.u32 s5, $0x1;
	s2 =	sadd.s32 s19, s18  }
0x9c: {  	s6 =	simm.s32 $0x0;
	s20 =	sshll.u32 s4, $0x1;
	s4 =	sadd.s32 s21, s2  }
0x9d: {  	[timem:s6], [sflag:s22] =	dma.local [hbm:s4], s20  }
0x9e: {  	_ =	swait.ge [sflag:s22], s20  }
0x9f: {  	s3 =	ssub.s32 $0x0, s20;
	[sflag:s22] =	ssyncset.done $0x0  }
0xa0: {  	[sflag:s22] =	ssyncadd.s32 s3;
	_ =	sdelay $0x1  }
0xa1: {  	s23 =	simm.s32 $0x1B8B  }
0xa2: {  	_ =	swait.ge [sflag:s23], $0x1  }
0xa3: {  	[sflag:s23] =	ssyncset.done $0x0  }
0xa4: {  	s25 =	simm.s32 $0x1B8E;
	s24 =	sld [smem:$0x3FFE];
	[sflag:s23] =	ssyncadd.s32 $0xFFFFFFFF  }
0xa5: {  	s26 =	simm.s32 $execute0_lowered;
	[smem:$0x3FD2] =	sst s25  }
0xa6: {  	s4 =	sshll.u32 s26, $0x1;
	_ =	strace $0x80000046;
	[dreg:$0x1] =	wrdreg $0xFFFFFFFF  }
0xa7: {  	s28 =	simm.s32 $_size_execute0_lowered;
	s2 =	sadd.s32 s2, s4;
	[dreg:$0x0] =	wrdreg $0x0  }
0xa8: {  	s4 =	sshll.u32 s28, $0x1;
	[dreg:$0x2] =	wrdreg s2  }
0xa9: {  	[dreg:$0x3] =	wrdreg s4  }
0xaa: {  	[dreg:$0x4] =	wrdreg $0xC0  }
0xab: {  	_ =	task [dreg:s6], $0x5FFFF  }
0xac: {  	[dreg:$0x1] =	wrdreg $0xFFFFFFFF  }
0xad: {  	[dreg:$0x0] =	wrdreg $0x60  }
0xae: {  	[dreg:$0x2] =	wrdreg s24  }
0xaf: {  	[dreg:$0x3] =	wrdreg $0x3C800  }
0xb0: {  	[dreg:$0x4] =	wrdreg $0xA  }
0xb1: {  	_ =	task.clear_ibuf [dreg:s6], $0x5FFFF;
	_ =	strace $0x90000046  }
0xb2: {  	s29 =	simm.s32 $0xA;
	_ =	strace $0x80000048  }
0xb3: {  	_ =	swait.ge [sflag:s29], $0x1  }
0xb4: {  	[sflag:s29] =	ssyncadd.s32 $0xFFFFFFFF  }
0xb5: {  	_ =	strace $0x90000048  }
0xb6: {  	_ =	sfence  }
0xb7: {  	s30 =	sld [smem:$0x0];
	_ =	sdelay $0x2  }
0xb8: {  	s31 =	sshll.u32 s1, $0xD;
	s1 =	sshrl.u32 s1, $0x2  }
0xb9: {  	s3 =	sand.u32 $0x4000, s31;
	s1 =	sadd.s32 s1, s30  }
0xba: {  	s0 =	sor.u32 s3, s0;
	s1 =	sshll.u32 s1, $0x11  }
0xbb: {  	s0 =	sor.u32 s1, s0  }
0xbc: {  	s0 =	sadd.s32 $0x8F2B, s0  }
0xbd: {  	[sflag:s0] =	ssyncadd.remote.s32 $0x1  }
0xbe: {  	_ =	sfence.sel $0xFFFF  }
0xbf: {  	[dreg:$0x0] =	wrdreg $0xFFFFFFFF;
	(pc) =	sbr.abs _section_cstart, $3  }
0xc0: {  	[dreg:$0x1] =	wrdreg $0xFFFFFFFF  }
0xc1: {  	_ =	task.clear_ibuf [dreg:s6], $0x2FFFF;
	_ =	strace $0x9FFFFFFF  }
0xc2: {  	(tm) =	ssettm $0x7FFFFFFF  }
0xc3: {  	_ =	shalt  }
tec
execute0_lowered:
.L_overlay_start_1:
0x0: {  	(tag) =	ssettag $0x1  }
0x1: {  	s0 =	srdreg.scid  }
0x2: {  	s4 =	rddreg [dreg:$0x0];
	s11 =	stileid.u32  }
0x3: {  	s1 =	rddreg [dreg:$0x1];
	s2 =	simm.s32 $0x0;
	s12 =	simm.s32 $0x1400  }
0x4: {  	s14 =	simm.s32 $0x50;
	s15 =	simm.s32 $0x3C00;
	s16 =	simm.s32 $0x0  }
0x5: {  	s3 =	sand.u32 $0x1, s0;
	[smem:$0x7FF] =	sst s2;
	p0 =	sne.s32 s11, $0x0  }
0x6: {  	s0 =	sshll.u32 s3, $0x4;
	s6 =	smul.u32 $0x500, s3;
	s30 =	ssub.s32 $0x2, s3  }
0x7: {  	s3 =	sadd.s32 $0x13A00, s4;
	s13 =	sshrl.u32 @!p0 s1, $0x3;
	s5 =	sor.u32 s11, s0  }
0x8: {  	s0 =	rddreg [dreg:$0x2];
	_ =	strace $0x80000047;
	s31 =	sshrl.u32 s30, $0x1  }
0x9: {  	s5 =	smul.u32 $0x280, s5;
	s9 =	sadd.s32 s6, s4;
	s10 =	ssub.s32 s30, s31  }
0xa: {  	v0 =	vlaneseq.u32;
	s11 =	simm.s32 $0x1;
	s7 =	sadd.s32 $0x16200, s9;
	s10 =	smax.u32 s10, $0x1  }
0xb: {  	v5 =	vimm.f32 $1.000000000e+00;
	v1 =	vor.u32 $0x10, v0;
	s8 =	sadd.s32 s5, s4;
	s5 =	sadd.s32 $0x17600, s9;
	s9 =	sadd.s32 $0x16C00, s9  }
0xc: {  	v2 =	vor.u32 $0x20, v0;
	v3 =	vor.u32 $0x30, v0;
	v4 =	vor.u32 $0x40, v0;
	s4 =	sadd.s32 $0x4A00, s8;
	s6 =	sadd.s32 $0x9A00, s8;
	s8 =	sadd.s32 $0xEA00, s8  }
.LBB2_1:
0xd: {  	[tilespmem:$0x3C00] =	vst v0  }
0xe: {  	[tilespmem:$0x3C10] =	vst v1  }
0xf: {  	[tilespmem:$0x3C20] =	vst v2  }
0x10: {  	[tilespmem:$0x3C30] =	vst v3  }
0x11: {  	[tilespmem:$0x3C40] =	vst v4  }
0x12: {  	[tilespmem:s2], [sflag:$0x1] =	stream.linear.gather [hbm4b:s4+s2], $0x1400, $0x38;
	[tilespmem:$0x3F00] =	vst v63  }
0x13: {  	_ =	swait.ge [sflag:s11], $0x1400  }
0x14: {  	[sflag:s11] =	ssyncset.done $0x0  }
0x15: {  	[sflag:s11] =	ssyncadd.s32 $0xFFFFEC00  }
0x16: {  	[tilespmem:s12], [sflag:$0x1] =	stream.linear.gather [hbm4b:s3+s2], $0x2800, $0x38;
	[tilespmem:$0x3F00] =	vst v63  }
0x17: {  	_ =	swait.ge [sflag:s11], $0x2800  }
0x18: {  	[sflag:s11] =	ssyncset.done $0x0  }
0x19: {  	s17 =	simm.s32 @!p0 $0x1C01;
	[sflag:s11] =	ssyncadd.s32 $0xFFFFD800  }
0x1a: {  	[spmem:s13], [sflag:s17] =	dma.local @!p0 [hbm:s3], $0x500  }
0x1b: {  	s17 =	simm.s32 @!p0 $0x1  }
0x1c: {  	_ =	swait.ge @!p0 [sflag:s17], $0x500  }
0x1d: {  	[sflag:s17] =	ssyncset.done @!p0 $0x0  }
0x1e: {  	[sflag:s17] =	ssyncadd.s32 @!p0 $0xFFFFFB00  }
0x1f: {  	s17 =	simm.s32 $0x0;
	[bflag:$0x0] =	sbarrier.arrive $0xFFFF  }
.LBB2_2:
0x20: {  	s18 =	sshra.s32 s17, $0x2  }
0x21: {  	v6 =	vld [tilespmem:s18+$0x0];
	_ =	sdelay $0x7  }
0x22: {  	[tilespmem:v6+s12+$0x0] =	vst.idx.add.f32.msk $0xffff, v5  }
0x23: {  	v6 =	vld [tilespmem:s18+$0x10];
	_ =	sdelay $0x7  }
0x24: {  	[tilespmem:v6+s12+$0x0] =	vst.idx.add.f32.msk $0xffff, v5  }
0x25: {  	v6 =	vld [tilespmem:s18+$0x20];
	_ =	sdelay $0x7  }
0x26: {  	[tilespmem:v6+s12+$0x0] =	vst.idx.add.f32.msk $0xffff, v5  }
0x27: {  	v6 =	vld [tilespmem:s18+$0x30];
	_ =	sdelay $0x7  }
0x28: {  	[tilespmem:v6+s12+$0x0] =	vst.idx.add.f32.msk $0xffff, v5  }
0x29: {  	v6 =	vld [tilespmem:s18+$0x40];
	_ =	sdelay $0x7  }
0x2a: {  	[tilespmem:v6+s12+$0x0] =	vst.idx.add.f32.msk $0xffff, v5  }
0x2b: {  	v6 =	vld [tilespmem:s18+$0x50];
	_ =	sdelay $0x7  }
0x2c: {  	[tilespmem:v6+s12+$0x0] =	vst.idx.add.f32.msk $0xffff, v5  }
0x2d: {  	v6 =	vld [tilespmem:s18+$0x60];
	_ =	sdelay $0x7  }
0x2e: {  	[tilespmem:v6+s12+$0x0] =	vst.idx.add.f32.msk $0xffff, v5  }
0x2f: {  	v6 =	vld [tilespmem:s18+$0x70];
	_ =	sdelay $0x2  }
0x30: {  	p1 =	sne.s32 s17, $0x4E00  }
.Ltmp0:
0x31: {  	_ = 	snop;
	(pc) =	sbr.rel @p1 .LBB2_2-.Ltmp0, $2  }
0x32: {  	_ =	sdelay $0x2  }
0x33: {  	s17 =	sadd.s32 $0x200, s17;
	[tilespmem:v6+s12+$0x0] =	vst.idx.add.f32.msk $0xffff, v5  }
0x34: {  	[spmem:s1] =	stream.indirect.scatter.add.f32 [tilespmem:s12], [sflag:$0x1], $0x80, s15, s14, $0xb8;
	[tilespmem:$0x3F00] =	vst v63  }
0x35: {  	_ =	swait.ge [sflag:s11], $0x2800  }
0x36: {  	[sflag:s11] =	ssyncset.done $0x0  }
0x37: {  	[sflag:s11] =	ssyncadd.s32 $0xFFFFD800  }
0x38: {  	s17 =	simm.s32 @!p0 $0x1C01;
	s18 =	simm.s32 @!p0 $0x1;
	[bflag:$0x0] =	sbarrier.arrive $0xFFFF  }
0x39: {  	[hbm:s5], [sflag:s17] =	dma.local @!p0 [spmem:s13], $0x500  }
0x3a: {  	_ =	swait.ge @!p0 [sflag:s18], $0x500  }
0x3b: {  	[sflag:s18] =	ssyncset.done @!p0 $0x0  }
0x3c: {  	[sflag:s18] =	ssyncadd.s32 @!p0 $0xFFFFFB00  }
0x3d: {  	[bflag:$0x0] =	sbarrier.arrive $0xFFFF  }
0x3e: {  	[tilespmem:s2], [sflag:$0x1] =	stream.linear.gather [hbm4b:s6+s2], $0x1400, $0x38;
	[tilespmem:$0x3F00] =	vst v63  }
0x3f: {  	_ =	swait.ge [sflag:s11], $0x1400  }
0x40: {  	[sflag:s11] =	ssyncset.done $0x0  }
0x41: {  	[sflag:s11] =	ssyncadd.s32 $0xFFFFEC00  }
0x42: {  	[tilespmem:s12], [sflag:$0x1] =	stream.linear.gather [hbm4b:s3+s2], $0x2800, $0x38;
	[tilespmem:$0x3F00] =	vst v63  }
0x43: {  	_ =	swait.ge [sflag:s11], $0x2800  }
0x44: {  	[sflag:s11] =	ssyncset.done $0x0  }
0x45: {  	[sflag:s11] =	ssyncadd.s32 $0xFFFFD800  }
0x46: {  	[spmem:s13], [sflag:s17] =	dma.local @!p0 [hbm:s3], $0x500  }
0x47: {  	_ =	swait.ge @!p0 [sflag:s18], $0x500  }
0x48: {  	[sflag:s18] =	ssyncset.done @!p0 $0x0  }
0x49: {  	[sflag:s18] =	ssyncadd.s32 @!p0 $0xFFFFFB00  }
0x4a: {  	s17 =	simm.s32 $0x0;
	[bflag:$0x0] =	sbarrier.arrive $0xFFFF  }
.LBB2_4:
0x4b: {  	s18 =	sshra.s32 s17, $0x2  }
0x4c: {  	v6 =	vld [tilespmem:s18+$0x0];
	_ =	sdelay $0x7  }
0x4d: {  	[tilespmem:v6+s12+$0x0] =	vst.idx.add.f32.msk $0xffff, v5  }
0x4e: {  	v6 =	vld [tilespmem:s18+$0x10];
	_ =	sdelay $0x7  }
0x4f: {  	[tilespmem:v6+s12+$0x0] =	vst.idx.add.f32.msk $0xffff, v5  }
0x50: {  	v6 =	vld [tilespmem:s18+$0x20];
	_ =	sdelay $0x7  }
0x51: {  	[tilespmem:v6+s12+$0x0] =	vst.idx.add.f32.msk $0xffff, v5  }
0x52: {  	v6 =	vld [tilespmem:s18+$0x30];
	_ =	sdelay $0x7  }
0x53: {  	[tilespmem:v6+s12+$0x0] =	vst.idx.add.f32.msk $0xffff, v5  }
0x54: {  	v6 =	vld [tilespmem:s18+$0x40];
	_ =	sdelay $0x7  }
0x55: {  	[tilespmem:v6+s12+$0x0] =	vst.idx.add.f32.msk $0xffff, v5  }
0x56: {  	v6 =	vld [tilespmem:s18+$0x50];
	_ =	sdelay $0x7  }
0x57: {  	[tilespmem:v6+s12+$0x0] =	vst.idx.add.f32.msk $0xffff, v5  }
0x58: {  	v6 =	vld [tilespmem:s18+$0x60];
	_ =	sdelay $0x7  }
0x59: {  	[tilespmem:v6+s12+$0x0] =	vst.idx.add.f32.msk $0xffff, v5  }
0x5a: {  	v6 =	vld [tilespmem:s18+$0x70];
	_ =	sdelay $0x2  }
0x5b: {  	p1 =	sne.s32 s17, $0x4E00  }
.Ltmp1:
0x5c: {  	_ = 	snop;
	(pc) =	sbr.rel @p1 .LBB2_4-.Ltmp1, $2  }
0x5d: {  	_ =	sdelay $0x2  }
0x5e: {  	s17 =	sadd.s32 $0x200, s17;
	[tilespmem:v6+s12+$0x0] =	vst.idx.add.f32.msk $0xffff, v5  }
0x5f: {  	[spmem:s1] =	stream.indirect.scatter.add.f32 [tilespmem:s12], [sflag:$0x1], $0x80, s15, s14, $0xb8;
	[tilespmem:$0x3F00] =	vst v63  }
0x60: {  	_ =	swait.ge [sflag:s11], $0x2800  }
0x61: {  	[sflag:s11] =	ssyncset.done $0x0  }
0x62: {  	[sflag:s11] =	ssyncadd.s32 $0xFFFFD800  }
0x63: {  	s17 =	simm.s32 @!p0 $0x1C01;
	s18 =	simm.s32 @!p0 $0x1;
	[bflag:$0x0] =	sbarrier.arrive $0xFFFF  }
0x64: {  	[hbm:s7], [sflag:s17] =	dma.local @!p0 [spmem:s13], $0x500  }
0x65: {  	_ =	swait.ge @!p0 [sflag:s18], $0x500  }
0x66: {  	[sflag:s18] =	ssyncset.done @!p0 $0x0  }
0x67: {  	[sflag:s18] =	ssyncadd.s32 @!p0 $0xFFFFFB00  }
0x68: {  	[bflag:$0x0] =	sbarrier.arrive $0xFFFF  }
0x69: {  	[tilespmem:s2], [sflag:$0x1] =	stream.linear.gather [hbm4b:s8+s2], $0x1400, $0x38;
	[tilespmem:$0x3F00] =	vst v63  }
0x6a: {  	_ =	swait.ge [sflag:s11], $0x1400  }
0x6b: {  	[sflag:s11] =	ssyncset.done $0x0  }
0x6c: {  	[sflag:s11] =	ssyncadd.s32 $0xFFFFEC00  }
0x6d: {  	[tilespmem:s12], [sflag:$0x1] =	stream.linear.gather [hbm4b:s3+s2], $0x2800, $0x38;
	[tilespmem:$0x3F00] =	vst v63  }
0x6e: {  	_ =	swait.ge [sflag:s11], $0x2800  }
0x6f: {  	[sflag:s11] =	ssyncset.done $0x0  }
0x70: {  	[sflag:s11] =	ssyncadd.s32 $0xFFFFD800  }
0x71: {  	[spmem:s13], [sflag:s17] =	dma.local @!p0 [hbm:s3], $0x500  }
0x72: {  	_ =	swait.ge @!p0 [sflag:s18], $0x500  }
0x73: {  	[sflag:s18] =	ssyncset.done @!p0 $0x0  }
0x74: {  	[sflag:s18] =	ssyncadd.s32 @!p0 $0xFFFFFB00  }
0x75: {  	s17 =	simm.s32 $0x0;
	[bflag:$0x0] =	sbarrier.arrive $0xFFFF  }
.LBB2_6:
0x76: {  	s18 =	sshra.s32 s17, $0x2  }
0x77: {  	v6 =	vld [tilespmem:s18+$0x0];
	_ =	sdelay $0x7  }
0x78: {  	[tilespmem:v6+s12+$0x0] =	vst.idx.add.f32.msk $0xffff, v5  }
0x79: {  	v6 =	vld [tilespmem:s18+$0x10];
	_ =	sdelay $0x7  }
0x7a: {  	[tilespmem:v6+s12+$0x0] =	vst.idx.add.f32.msk $0xffff, v5  }
0x7b: {  	v6 =	vld [tilespmem:s18+$0x20];
	_ =	sdelay $0x7  }
0x7c: {  	[tilespmem:v6+s12+$0x0] =	vst.idx.add.f32.msk $0xffff, v5  }
0x7d: {  	v6 =	vld [tilespmem:s18+$0x30];
	_ =	sdelay $0x7  }
0x7e: {  	[tilespmem:v6+s12+$0x0] =	vst.idx.add.f32.msk $0xffff, v5  }
0x7f: {  	v6 =	vld [tilespmem:s18+$0x40];
	_ =	sdelay $0x7  }
0x80: {  	[tilespmem:v6+s12+$0x0] =	vst.idx.add.f32.msk $0xffff, v5  }
0x81: {  	v6 =	vld [tilespmem:s18+$0x50];
	_ =	sdelay $0x7  }
0x82: {  	[tilespmem:v6+s12+$0x0] =	vst.idx.add.f32.msk $0xffff, v5  }
0x83: {  	v6 =	vld [tilespmem:s18+$0x60];
	_ =	sdelay $0x7  }
0x84: {  	[tilespmem:v6+s12+$0x0] =	vst.idx.add.f32.msk $0xffff, v5  }
0x85: {  	v6 =	vld [tilespmem:s18+$0x70];
	_ =	sdelay $0x2  }
0x86: {  	p1 =	sne.s32 s17, $0x4E00  }
.Ltmp2:
0x87: {  	_ = 	snop;
	(pc) =	sbr.rel @p1 .LBB2_6-.Ltmp2, $2  }
0x88: {  	_ =	sdelay $0x2  }
0x89: {  	s17 =	sadd.s32 $0x200, s17;
	[tilespmem:v6+s12+$0x0] =	vst.idx.add.f32.msk $0xffff, v5  }
0x8a: {  	[spmem:s1] =	stream.indirect.scatter.add.f32 [tilespmem:s12], [sflag:$0x1], $0x80, s15, s14, $0xb8;
	[tilespmem:$0x3F00] =	vst v63  }
0x8b: {  	_ =	swait.ge [sflag:s11], $0x2800  }
0x8c: {  	[sflag:s11] =	ssyncset.done $0x0  }
0x8d: {  	[sflag:s11] =	ssyncadd.s32 $0xFFFFD800  }
0x8e: {  	s17 =	simm.s32 @!p0 $0x1C01;
	s16 =	sadd.s32 $0x1, s16;
	[bflag:$0x0] =	sbarrier.arrive $0xFFFF  }
0x8f: {  	[hbm:s9], [sflag:s17] =	dma.local @!p0 [spmem:s13], $0x500  }
0x90: {  	p1 =	sne.s32 s16, s10;
	s17 =	simm.s32 @!p0 $0x1  }
.Ltmp3:
0x91: {  	_ =	swait.ge @!p0 [sflag:s17], $0x500;
	(pc) =	sbr.rel @p1 .LBB2_1-.Ltmp3, $3  }
0x92: {  	[sflag:s17] =	ssyncset.done @!p0 $0x0  }
0x93: {  	[sflag:s17] =	ssyncadd.s32 @!p0 $0xFFFFFB00  }
0x94: {  	[bflag:$0x0] =	sbarrier.arrive $0xFFFF;
	_ =	sdelay $0x1  }
0x95: {  	_ =	sfence.sel $0x180000  }
0x96: {  	[bflag:$0x0] =	sbarrier.arrive $0xFFFF  }
0x97: {  	_ =	strace $0x90000047  }
0x98: {  	s0 =	sadd.s32 @!p0 $0x100000, s0;
	[bflag:$0x2] =	sbarrier.arrive $0xFFFF  }
0x99: {  	[sflag:s0] =	ssyncadd.tile.s32 @!p0 $0x1;
	_ =	shalt  }
.Lfunc_end2:
_tile_overlayer_lowered:
.L_overlay_start_2:
0x9a: {  	(tag) =	ssettag $0x2  }
0x9b: {  	s0 =	rddreg [dreg:$0x0];
	s2 =	stileid.u32  }
0x9c: {  	s1 =	rddreg [dreg:$0x1];
	p0 =	sne.s32 s2, $0x0  }
0x9d: {  	s3 =	rddreg [dreg:$0x2];
	[bflag:$0x3] =	sbarrier.arrive $0xFFFF;
	s2 =	simm.s32 @!p0 $0x1C01  }
0x9e: {  	[timem:s3], [sflag:s2] =	dma.local @!p0 [hbm:s0], s1  }
0x9f: {  	s0 =	simm.s32 @!p0 $0x1  }
0xa0: {  	_ =	swait.ge @!p0 [sflag:s0], s1  }
0xa1: {  	s1 =	ssub.s32 @!p0 $0x0, s1;
	[sflag:s0] =	ssyncset.done @!p0 $0x0  }
0xa2: {  	[sflag:s0] =	ssyncadd.s32 @!p0 s1  }
0xa3: {  	[bflag:$0x3] =	sbarrier.arrive $0xFFFF  }
0xa4: {  	_ =	shalt  }

// kernel: kernel.13.cloned.1.call-start
scs
__scs_entry_jumppad:
0x0: {  	(pc) =	sbr.rel $0x88, $3  }
0x1: {  	(tag) =	ssettag $0x0;
	lr =	simm.s32 $0x1  }
0x2: {  	[smem:$0x3F8B] =	sst lr;
	_ =	strace $0xD0000000  }
0x3: {  	_ = 	snop  }
0x4: {  	_ = 	snop  }
0x5: {  	_ = 	snop  }
0x6: {  	_ = 	snop  }
0x7: {  	_ = 	snop  }
__scs_overlays_trampoline_lowered:
0x8: {  	[smem:$0x3F9A] =	sst s0  }
0x9: {  	[smem:$0x3F9B] =	sst s1  }
0xa: {  	[smem:$0x3F9C] =	sst s2  }
0xb: {  	[smem:$0x3F9D] =	sst s3  }
0xc: {  	[smem:$0x3F9E] =	sst s4  }
0xd: {  	[smem:$0x3F9F] =	sst s5  }
0xe: {  	[smem:$0x3FA0] =	sst s6  }
0xf: {  	[smem:$0x3FA1] =	sst s7  }
0x10: {  	[smem:$0x3FA2] =	sst s8  }
0x11: {  	[smem:$0x3FA3] =	sst s9;
	s0 =	simm.s32 @!p0 $0x0  }
0x12: {  	s1 =	sld [smem:$0x3F89];
	s0 =	simm.s32 @p0 $0x1  }
0x13: {  	[smem:$0x3FA4] =	sst s0;
	s0 =	simm.s32 @!p1 $0x0  }
0x14: {  	s2 =	sld [smem:$0x3F88];
	s0 =	simm.s32 @p1 $0x1  }
0x15: {  	[smem:$0x3FA5] =	sst s0;
	s0 =	simm.s32 @!p2 $0x0  }
0x16: {  	s3 =	sld [smem:$0x3FDB];
	s0 =	simm.s32 @p2 $0x1  }
0x17: {  	s4 =	simm.s32 $0x1BF5;
	[smem:$0x3FA7] =	sst s0  }
0x18: {  	s0 =	sld [smem:$0x3F8A];
	_ =	swait.ge [sflag:s4], $0x0  }
0x19: {  	s7 =	sld [smem:$0x3F8B]  }
0x1a: {  	s8 =	sadd.s32 $0xFFFFE003, lr  }
0x1b: {  	s9 =	sadd.s32 $0xFFFFFEF7, lr;
	s5 =	simm.s32 $0xFFFFFFFF;
	p2 =	slt.u32 s8, $0xFFFFF086  }
0x1c: {  	p1 =	slt.u32 s9, $0xF7A;
	s5 =	simm.s32 @!p2 $0x0  }
0x1d: {  	s5 =	simm.s32 @p1 $0x1;
	p0 =	seq.s32 s7, s2  }
0x1e: {  	s7 =	smul.u32 @!p0 $0xF7A, s2;
	p2 =	seq.s32 @!p0 s5, $0x0  }
0x1f: {  	s9 =	smul.u32 $0xF7A, s1;
	s8 =	simm.s32 @!p0 $0x1BF5;
	p2 =	por !p2, p0  }
0x20: {  	[sflag:s8] =	ssyncset.s32 @!p0 $0xFFFFF086;
	s6 =	sadd.s32 @!p0 s3, s7;
	s7 =	simm.s32 @!p0 $0x108  }
0x21: {  	s3 =	sadd.s32 s3, s9;
	s6 =	sadd.s32 @!p0 $0x88, s6;
	s7 =	simm.s32 @p2 $0x1082  }
0x22: {  	[simem:s7], [sflag:s8] =	dma.local @!p0 [hbm:s6], $0xF7A  }
0x23: {  	s9 =	sor.u32 $0xD0000000, s2;
	s6 =	simm.s32 $0x108;
	_ =	swait.ge @!p0 [sflag:s8], $0x0  }
0x24: {  	s3 =	sadd.s32 $0x88, s3;
	s6 =	simm.s32 @!p1 $0x1082;
	[sflag:s4] =	ssyncset.s32 $0xFFFFF086  }
0x25: {  	[simem:s6], [sflag:s4] =	dma.local [hbm:s3], $0xF7A  }
0x26: {  	[smem:$0x3F8B] =	sst s1;
	(tag) =	ssettag s2;
	_ =	strace s9  }
0x27: {  	s1 =	sld [smem:$0x3F9B]  }
0x28: {  	s2 =	sld [smem:$0x3F9C]  }
0x29: {  	s4 =	sld [smem:$0x3F9E]  }
0x2a: {  	p0 =	seq.s32 s5, $0x0;
	s5 =	sld [smem:$0x3F9F]  }
0x2b: {  	s6 =	sld [smem:$0x3FA0]  }
0x2c: {  	s7 =	sld [smem:$0x3FA1]  }
0x2d: {  	s3 =	simm.s32 $0x108;
	s8 =	sld [smem:$0x3FA2]  }
0x2e: {  	s3 =	simm.s32 @!p0 $0x1082;
	s9 =	sld [smem:$0x3FA3]  }
0x2f: {  	lr =	sadd.s32 s0, s3;
	s0 =	sld [smem:$0x3F9A]  }
0x30: {  	s3 =	sld [smem:$0x3F9D]  }
0x31: {  	[smem:$0x3FA6] =	sst s10  }
0x32: {  	s10 =	sld [smem:$0x3FA4];
	_ =	sdelay $0x3  }
0x33: {  	p0 =	seq.s32 s10, $0x1;
	s10 =	sld [smem:$0x3FA6];
	_ =	sdelay $0x3  }
0x34: {  	[smem:$0x3FA6] =	sst s10  }
0x35: {  	s10 =	sld [smem:$0x3FA5];
	_ =	sdelay $0x3  }
0x36: {  	p1 =	seq.s32 s10, $0x1;
	s10 =	sld [smem:$0x3FA6];
	_ =	sdelay $0x3  }
0x37: {  	[smem:$0x3FA6] =	sst s10  }
0x38: {  	s10 =	sld [smem:$0x3FA7]  }
0x39: {  	_ = 	snop;
	(pc) =	sbr.ind lr, $3  }
0x3a: {  	_ = 	snop  }
0x3b: {  	_ = 	snop  }
0x3c: {  	p2 =	seq.s32 s10, $0x1;
	s10 =	sld [smem:$0x3FA6]  }
0x3d: {  	_ =	shalt  }
0x3e: {  	_ =	shalt  }
0x3f: {  	_ =	shalt  }
0x40: {  	_ =	shalt  }
0x41: {  	_ =	shalt  }
0x42: {  	_ =	shalt  }
0x43: {  	_ =	shalt  }
0x44: {  	_ =	shalt  }
0x45: {  	_ =	shalt  }
0x46: {  	_ =	shalt  }
0x47: {  	_ =	shalt  }
0x48: {  	_ =	shalt  }
0x49: {  	_ =	shalt  }
0x4a: {  	_ =	shalt  }
0x4b: {  	_ =	shalt  }
0x4c: {  	_ =	shalt  }
0x4d: {  	_ =	shalt  }
0x4e: {  	_ =	shalt  }
0x4f: {  	_ =	shalt  }
0x50: {  	_ =	shalt  }
0x51: {  	_ =	shalt  }
0x52: {  	_ =	shalt  }
0x53: {  	_ =	shalt  }
0x54: {  	_ =	shalt  }
0x55: {  	_ =	shalt  }
0x56: {  	_ =	shalt  }
0x57: {  	_ =	shalt  }
0x58: {  	_ =	shalt  }
0x59: {  	_ =	shalt  }
0x5a: {  	_ =	shalt  }
0x5b: {  	_ =	shalt  }
0x5c: {  	_ =	shalt  }
0x5d: {  	_ =	shalt  }
0x5e: {  	_ =	shalt  }
0x5f: {  	_ =	shalt  }
0x60: {  	_ =	shalt  }
0x61: {  	_ =	shalt  }
0x62: {  	_ =	shalt  }
0x63: {  	_ =	shalt  }
0x64: {  	_ =	shalt  }
0x65: {  	_ =	shalt  }
0x66: {  	_ =	shalt  }
0x67: {  	_ =	shalt  }
0x68: {  	_ =	shalt  }
0x69: {  	_ =	shalt  }
0x6a: {  	_ =	shalt  }
0x6b: {  	_ =	shalt  }
0x6c: {  	_ =	shalt  }
0x6d: {  	_ =	shalt  }
0x6e: {  	_ =	shalt  }
0x6f: {  	_ =	shalt  }
0x70: {  	_ =	shalt  }
0x71: {  	_ =	shalt  }
0x72: {  	_ =	shalt  }
0x73: {  	_ =	shalt  }
0x74: {  	_ =	shalt  }
0x75: {  	_ =	shalt  }
0x76: {  	_ =	shalt  }
0x77: {  	_ =	shalt  }
0x78: {  	_ =	shalt  }
0x79: {  	_ =	shalt  }
0x7a: {  	_ =	shalt  }
0x7b: {  	_ =	shalt  }
0x7c: {  	_ =	shalt  }
0x7d: {  	_ =	shalt  }
0x7e: {  	_ =	shalt  }
0x7f: {  	_ =	shalt  }
0x80: {  	_ =	shalt  }
0x81: {  	_ =	shalt  }
0x82: {  	_ =	shalt  }
0x83: {  	_ =	shalt  }
0x84: {  	_ =	shalt  }
0x85: {  	_ =	shalt  }
0x86: {  	_ =	shalt  }
0x87: {  	_ =	shalt  }
.Lfunc_end0:
.L_simem_size_0:
called_computation.2_lowered:
.L_overlay_start_0:
0x88: {  	s2 =	sld [smem:$0x3FD9]  }
0x89: {  	s3 =	sld [smem:$0x3FFE];
	_ =	sdelay $0x1  }
0x8a: {  	s1 =	srdreg.scid  }
0x8b: {  	s0 =	sand.u32 $0x1, s1  }
0x8c: {  	s17 =	sshll.u32 s0, $0xA;
	s2 =	sadd.s32 s3, s2  }
0x8d: {  	s2 =	sadd.s32 s2, s17  }
0x8e: {  	[smem:$0x3FB2] =	sst s2  }
0x8f: {  	_ = 	snop  }
0x90: {  	s2 =	sld [smem:$0x3FD0];
	(tm) =	ssettm $0x1  }
0x91: {  	s18 =	sld [smem:$0x3FFB];
	_ =	sdelay $0x3  }
0x92: {  	_ =	strace s18  }
0x93: {  	s3 =	sld [smem:$0x3FFC];
	_ =	sdelay $0x3  }
0x94: {  	_ =	strace s3  }
0x95: {  	s3 =	sld [smem:$0x3FFD];
	_ =	sdelay $0x3  }
0x96: {  	_ =	strace s3  }
0x97: {  	_ =	strace $0x8FFFFFFF  }
0x98: {  	s19 =	sld [smem:$0x3FDB];
	_ =	sdelay $0x1  }
0x99: {  	s4 =	simm.s32 $_scs_section_size  }
0x9a: {  	s5 =	simm.s32 $_size__tile_overlayer_lowered;
	s6 =	simm.s32 $_tile_overlayer_lowered  }
0x9b: {  	s22 =	simm.s32 $0x1BFF;
	s21 =	sshll.u32 s6, $0x1;
	s3 =	sadd.s32 s4, s19  }
0x9c: {  	s7 =	simm.s32 $0x0;
	s20 =	sshll.u32 s5, $0x1;
	s5 =	sadd.s32 s21, s3  }
0x9d: {  	[timem:s7], [sflag:s22] =	dma.local [hbm:s5], s20  }
0x9e: {  	_ =	swait.ge [sflag:s22], s20  }
0x9f: {  	s4 =	ssub.s32 $0x0, s20;
	[sflag:s22] =	ssyncset.done $0x0  }
0xa0: {  	[sflag:s22] =	ssyncadd.s32 s4;
	_ =	sdelay $0x1  }
0xa1: {  	s23 =	simm.s32 $0x1B8B  }
0xa2: {  	_ =	swait.ge [sflag:s23], $0x1  }
0xa3: {  	[sflag:s23] =	ssyncset.done $0x0  }
0xa4: {  	s25 =	simm.s32 $0x1B8E;
	s24 =	sld [smem:$0x3FFE];
	[sflag:s23] =	ssyncadd.s32 $0xFFFFFFFF  }
0xa5: {  	s26 =	simm.s32 $execute0_lowered;
	[smem:$0x3FD2] =	sst s25  }
0xa6: {  	s5 =	sshll.u32 s26, $0x1;
	_ =	strace $0x8000004C;
	[dreg:$0x1] =	wrdreg $0xFFFFFFFF  }
0xa7: {  	s28 =	simm.s32 $_size_execute0_lowered;
	s3 =	sadd.s32 s3, s5;
	[dreg:$0x0] =	wrdreg $0x0  }
0xa8: {  	s5 =	sshll.u32 s28, $0x1;
	[dreg:$0x2] =	wrdreg s3  }
0xa9: {  	[dreg:$0x3] =	wrdreg s5  }
0xaa: {  	[dreg:$0x4] =	wrdreg $0xC0  }
0xab: {  	_ =	task [dreg:s7], $0x5FFFF  }
0xac: {  	[dreg:$0x1] =	wrdreg $0xFFFFFFFF  }
0xad: {  	[dreg:$0x0] =	wrdreg $0x60  }
0xae: {  	[dreg:$0x2] =	wrdreg s24  }
0xaf: {  	[dreg:$0x3] =	wrdreg s2  }
0xb0: {  	[dreg:$0x4] =	wrdreg $0xA8000  }
0xb1: {  	[dreg:$0x5] =	wrdreg $0x9  }
0xb2: {  	_ =	task.clear_ibuf [dreg:s7], $0x6FFFF;
	_ =	strace $0x9000004C  }
0xb3: {  	s29 =	simm.s32 $0x9;
	_ =	strace $0x8000004E  }
0xb4: {  	_ =	swait.ge [sflag:s29], $0x1  }
0xb5: {  	[sflag:s29] =	ssyncadd.s32 $0xFFFFFFFF  }
0xb6: {  	_ =	strace $0x9000004E  }
0xb7: {  	_ =	sfence  }
0xb8: {  	s30 =	sld [smem:$0x0];
	_ =	sdelay $0x2  }
0xb9: {  	s31 =	sshll.u32 s1, $0xD;
	s1 =	sshrl.u32 s1, $0x2  }
0xba: {  	s3 =	sand.u32 $0x4000, s31;
	s1 =	sadd.s32 s1, s30  }
0xbb: {  	s0 =	sor.u32 s3, s0;
	s1 =	sshll.u32 s1, $0x11  }
0xbc: {  	s0 =	sor.u32 s1, s0  }
0xbd: {  	s0 =	sadd.s32 $0x8F2B, s0  }
0xbe: {  	[sflag:s0] =	ssyncadd.remote.s32 $0x1  }
0xbf: {  	_ =	sfence.sel $0xFFFF  }
0xc0: {  	[dreg:$0x0] =	wrdreg $0xFFFFFFFF;
	(pc) =	sbr.abs _section_cstart, $3  }
0xc1: {  	[dreg:$0x1] =	wrdreg $0xFFFFFFFF  }
0xc2: {  	_ =	task.clear_ibuf [dreg:s7], $0x2FFFF;
	_ =	strace $0x9FFFFFFF  }
0xc3: {  	(tm) =	ssettm $0x7FFFFFFF  }
tec
execute0_lowered:
.L_overlay_start_1:
0x0: {  	(tag) =	ssettag $0x1  }
0x1: {  	s0 =	rddreg [dreg:$0x0]  }
0x2: {  	s5 =	rddreg [dreg:$0x1]  }
0x3: {  	s1 =	rddreg [dreg:$0x2]  }
0x4: {  	s2 =	simm.s32 $0x0;
	s7 =	srdreg.scid;
	s8 =	stileid.u32  }
0x5: {  	s22 =	simm.s32 $0x3;
	s28 =	simm.s32 $0x1;
	s29 =	simm.s32 $0x6800  }
0x6: {  	s30 =	simm.s32 $0x1380;
	s31 =	simm.s32 $0x2700;
	s3 =	sadd.s32 $0x146600, s0  }
0x7: {  	[smem:$0x7FF] =	sst s2;
	s4 =	sadd.s32 $0x11F400, s0;
	s12 =	sadd.s32 $0x18000, s0  }
0x8: {  	s16 =	sadd.s32 $0x27000, s0;
	s17 =	sadd.s32 $0x1D000, s0;
	s11 =	smul.u32 $0x50000, s8  }
0x9: {  	s6 =	sadd.s32 $0x13A00, s0;
	s9 =	sand.u32 $0x1, s7;
	s13 =	smul.u32 $0x1400, s8  }
0xa: {  	s23 =	sadd.s32 $0x2C000, s0;
	s0 =	sadd.s32 $0x54000, s0;
	s15 =	smul.u32 $0x280, s8  }
0xb: {  	s19 =	sshll.u32 s8, $0x6;
	_ =	strace $0x8000004D;
	[dreg:$0x4] =	wrdreg s23  }
0xc: {  	s10 =	ssub.s32 $0x2, s9;
	[dreg:$0x5] =	wrdreg s0;
	p0 =	seq.s32 s9, $0x1  }
0xd: {  	s20 =	sor.u32 $0x1C02, s19;
	s23 =	simm.s32 $0x1400;
	s24 =	sshrl.u32 s10, $0x1  }
0xe: {  	s25 =	sshrl.u32 s11, $0x2;
	s26 =	sshrl.u32 s13, $0x3;
	s9 =	sadd.s32 s5, s15  }
0xf: {  	s13 =	smul.u32 $0x2800, s8;
	s14 =	sadd.s32 s16, s15;
	s0 =	ssub.s32 s10, s24  }
.Ltmp0:
0x10: {  	s21 =	sadd.s32 s25, s1;
	s10 =	sadd.s32 s12, s15;
	(pc) =	sbr.rel .LBB2_1-.Ltmp0, $4  }
0x11: {  	s18 =	sadd.s32 $0x2800, s26;
	s15 =	sadd.s32 s17, s15;
	s24 =	simm.s32 $0x7D  }
0x12: {  	s25 =	simm.s32 $0x2800;
	s26 =	simm.s32 $0x2;
	s11 =	sadd.s32 s5, s18  }
0x13: {  	s12 =	sadd.s32 s12, s18;
	s16 =	sadd.s32 s16, s18;
	s17 =	sadd.s32 s17, s18  }
0x14: {  	s18 =	smax.u32 s0, $0x1;
	s21 =	sshrl.u32 s21, $0x3;
	s0 =	simm.s32 $0x2780  }
.LBB2_11:
0x15: {  	[sflag:s22] =	ssyncadd.s32 $0xFFFFC180  }
0x16: {  	_ =	swait.ge [sflag:s28], $0x3E80  }
0x17: {  	[sflag:s28] =	ssyncset.done $0x0  }
0x18: {  	s5 =	rddreg [dreg:$0x5];
	[sflag:s28] =	ssyncadd.s32 $0xFFFFC180  }
0x19: {  	[tilespmem:s29], [sflag:$0x1] =	stream.indirect.gather [hbm4b:s4+s24], $0x80, s30, s24, $0xb8;
	[tilespmem:$0x1E800] =	vst v63  }
.LBB2_12:
0x1a: {  	[spmem:s1] =	stream.indirect.scatter.add.f32 [tilespmem:s25], [sflag:$0x3], $0x80, s31, s24, $0xb8;
	[tilespmem:$0x1E800] =	vst v63  }
0x1b: {  	_ =	swait.ge [sflag:s22], $0x3E80  }
0x1c: {  	[sflag:s22] =	ssyncset.done $0x0  }
0x1d: {  	[sflag:s22] =	ssyncadd.s32 $0xFFFFC180  }
0x1e: {  	_ =	swait.ge [sflag:s28], $0x3E80  }
0x1f: {  	[sflag:s28] =	ssyncset.done $0x0  }
0x20: {  	[sflag:s28] =	ssyncadd.s32 $0xFFFFC180  }
0x21: {  	[spmem:s1] =	stream.indirect.scatter.add.f32 [tilespmem:s29], [sflag:$0x3], $0x80, s0, s24, $0xb8;
	[tilespmem:$0x1E800] =	vst v63  }
0x22: {  	_ =	swait.ge [sflag:s22], $0x3E80  }
0x23: {  	s2 =	sadd.s32 $0x1, s2;
	[sflag:s22] =	ssyncset.done $0x0  }
0x24: {  	s5 =	sadd.s32 s5, s13;
	p1 =	sne.s32 s2, s18;
	[sflag:s22] =	ssyncadd.s32 $0xFFFFC180  }
.Ltmp1:
0x25: {  	s7 =	sor.u32 $0x1C03, s19;
	[bflag:$0x0] =	sbarrier.arrive $0xFFFF;
	(pc) =	sbr.rel @!p1 .LBB2_13-.Ltmp1, $4  }
0x26: {  	[hbm:s5], [sflag:s7] =	dma.local [spmem:s21], $0x2800  }
0x27: {  	_ =	swait.ge [sflag:s22], $0x2800  }
0x28: {  	[sflag:s22] =	ssyncset.done $0x0  }
0x29: {  	[sflag:s22] =	ssyncadd.s32 $0xFFFFD800  }
.LBB2_1:
.Ltmp2:
0x2a: {  	(pc) =	sbr.rel @!p0 .LBB2_2-.Ltmp2, $3  }
0x2b: {  	_ =	sdelay $0x1  }
0x2c: {  	[spmem:s21], [sflag:s20] =	dma.local [hbm:s6], $0x2800  }
0x2d: {  	s5 =	simm.s32 $0x0  }
0x2e: {  	[tilespmem:s5], [sflag:$0x3] =	stream.linear.gather [hbm4b:s14+s5], $0x1400, $0x38;
	[tilespmem:$0x1E800] =	vst v63  }
0x2f: {  	_ =	swait.ge [sflag:s22], $0x1400  }
0x30: {  	[sflag:s22] =	ssyncset.done $0x0  }
0x31: {  	[sflag:s22] =	ssyncadd.s32 $0xFFFFEC00  }
0x32: {  	[tilespmem:s23], [sflag:$0x3] =	stream.linear.gather [hbm4b:s15+s5], $0x1400, $0x38;
	[tilespmem:$0x1E800] =	vst v63  }
0x33: {  	_ =	swait.ge [sflag:s22], $0x1400  }
0x34: {  	[sflag:s22] =	ssyncset.done $0x0  }
0x35: {  	[sflag:s22] =	ssyncadd.s32 $0xFFFFEC00  }
0x36: {  	[tilespmem:s25], [sflag:$0x1] =	stream.indirect.gather [hbm4b:s4+s24], $0x80, s5, s24, $0xb8;
	[tilespmem:$0x1E800] =	vst v63  }
0x37: {  	_ =	swait.ge [sflag:s26], $0x2800  }
0x38: {  	[sflag:s26] =	ssyncset.done $0x0  }
0x39: {  	[sflag:s26] =	ssyncadd.s32 $0xFFFFD800  }
0x3a: {  	[bflag:$0x0] =	sbarrier.arrive $0xFFFF  }
0x3b: {  	_ =	swait.ge [sflag:s28], $0x3E80  }
0x3c: {  	[sflag:s28] =	ssyncset.done $0x0  }
0x3d: {  	s7 =	simm.s32 $0x80;
	[sflag:s28] =	ssyncadd.s32 $0xFFFFC180  }
0x3e: {  	[tilespmem:s29], [sflag:$0x1] =	stream.indirect.gather [hbm4b:s4+s24], $0x80, s7, s24, $0xb8;
	[tilespmem:$0x1E800] =	vst v63  }
0x3f: {  	s8 =	simm.s32 $0x1400  }
0x40: {  	[spmem:s1] =	stream.indirect.scatter.add.f32 [tilespmem:s25], [sflag:$0x3], $0x80, s8, s24, $0xb8;
	[tilespmem:$0x1E800] =	vst v63  }
0x41: {  	_ =	swait.ge [sflag:s22], $0x3E80  }
0x42: {  	[sflag:s22] =	ssyncset.done $0x0  }
0x43: {  	[sflag:s22] =	ssyncadd.s32 $0xFFFFC180  }
0x44: {  	_ =	swait.ge [sflag:s28], $0x3E80  }
0x45: {  	[sflag:s28] =	ssyncset.done $0x0  }
0x46: {  	s7 =	simm.s32 $0x100;
	[sflag:s28] =	ssyncadd.s32 $0xFFFFC180  }
0x47: {  	[tilespmem:s25], [sflag:$0x1] =	stream.indirect.gather [hbm4b:s4+s24], $0x80, s7, s24, $0xb8;
	[tilespmem:$0x1E800] =	vst v63  }
0x48: {  	s8 =	simm.s32 $0x1480  }
0x49: {  	[spmem:s1] =	stream.indirect.scatter.add.f32 [tilespmem:s29], [sflag:$0x3], $0x80, s8, s24, $0xb8;
	[tilespmem:$0x1E800] =	vst v63  }
0x4a: {  	_ =	swait.ge [sflag:s22], $0x3E80  }
0x4b: {  	s5 =	simm.s32 $0x400;
	[sflag:s22] =	ssyncset.done $0x0  }
.LBB2_8:
0x4c: {  	p1 =	sne.s32 s5, $0x4800  }
0x4d: {  	[sflag:s22] =	ssyncadd.s32 $0xFFFFC180;
	s7 =	smov.u32 s5;
	s5 =	sadd.s32 $0x400, s5  }
0x4e: {  	_ = 	snop  }
0x4f: {  	_ =	swait.ge [sflag:s28], $0x3E80  }
0x50: {  	s7 =	sshra.s32 s7, $0x2;
	[sflag:s28] =	ssyncset.done $0x0  }
0x51: {  	s8 =	sadd.s32 $0x80, s7;
	[sflag:s28] =	ssyncadd.s32 $0xFFFFC180  }
0x52: {  	[tilespmem:s29], [sflag:$0x1] =	stream.indirect.gather [hbm4b:s4+s24], $0x80, s8, s24, $0xb8;
	[tilespmem:$0x1E800] =	vst v63  }
0x53: {  	s8 =	sadd.s32 $0x1400, s7  }
0x54: {  	[spmem:s1] =	stream.indirect.scatter.add.f32 [tilespmem:s25], [sflag:$0x3], $0x80, s8, s24, $0xb8;
	[tilespmem:$0x1E800] =	vst v63  }
0x55: {  	_ =	swait.ge [sflag:s22], $0x3E80  }
0x56: {  	[sflag:s22] =	ssyncset.done $0x0  }
0x57: {  	[sflag:s22] =	ssyncadd.s32 $0xFFFFC180  }
0x58: {  	_ =	swait.ge [sflag:s28], $0x3E80  }
0x59: {  	[sflag:s28] =	ssyncset.done $0x0  }
0x5a: {  	s8 =	sadd.s32 $0x100, s7;
	[sflag:s28] =	ssyncadd.s32 $0xFFFFC180  }
0x5b: {  	[tilespmem:s25], [sflag:$0x1] =	stream.indirect.gather [hbm4b:s4+s24], $0x80, s8, s24, $0xb8;
	[tilespmem:$0x1E800] =	vst v63  }
.Ltmp3:
0x5c: {  	_ = 	snop;
	(pc) =	sbr.rel @p1 .LBB2_8-.Ltmp3, $4  }
0x5d: {  	s7 =	sadd.s32 $0x1480, s7  }
0x5e: {  	[spmem:s1] =	stream.indirect.scatter.add.f32 [tilespmem:s29], [sflag:$0x3], $0x80, s7, s24, $0xb8;
	[tilespmem:$0x1E800] =	vst v63  }
0x5f: {  	_ =	swait.ge [sflag:s22], $0x3E80  }
0x60: {  	[sflag:s22] =	ssyncset.done $0x0  }
0x61: {  	[sflag:s22] =	ssyncadd.s32 $0xFFFFC180  }
0x62: {  	_ =	swait.ge [sflag:s28], $0x3E80  }
0x63: {  	[sflag:s28] =	ssyncset.done $0x0  }
0x64: {  	[sflag:s28] =	ssyncadd.s32 $0xFFFFC180  }
0x65: {  	[tilespmem:s29], [sflag:$0x1] =	stream.indirect.gather [hbm4b:s4+s24], $0x80, s30, s24, $0xb8;
	[tilespmem:$0x1E800] =	vst v63  }
0x66: {  	_ = 	snop  }
0x67: {  	[spmem:s1] =	stream.indirect.scatter.add.f32 [tilespmem:s25], [sflag:$0x3], $0x80, s31, s24, $0xb8;
	[tilespmem:$0x1E800] =	vst v63  }
0x68: {  	_ =	swait.ge [sflag:s22], $0x3E80  }
0x69: {  	[sflag:s22] =	ssyncset.done $0x0  }
0x6a: {  	[sflag:s22] =	ssyncadd.s32 $0xFFFFC180  }
0x6b: {  	_ =	swait.ge [sflag:s28], $0x3E80  }
0x6c: {  	[sflag:s28] =	ssyncset.done $0x0  }
0x6d: {  	[sflag:s28] =	ssyncadd.s32 $0xFFFFC180  }
0x6e: {  	[spmem:s1] =	stream.indirect.scatter.add.f32 [tilespmem:s29], [sflag:$0x3], $0x80, s0, s24, $0xb8;
	[tilespmem:$0x1E800] =	vst v63  }
0x6f: {  	_ =	swait.ge [sflag:s22], $0x3E80  }
0x70: {  	[sflag:s22] =	ssyncset.done $0x0  }
0x71: {  	s5 =	simm.s32 $0x0;
	[sflag:s22] =	ssyncadd.s32 $0xFFFFC180  }
0x72: {  	[tilespmem:s5], [sflag:$0x3] =	stream.linear.gather [hbm4b:s16+s5], $0x1400, $0x38;
	[tilespmem:$0x1E800] =	vst v63  }
0x73: {  	_ =	swait.ge [sflag:s22], $0x1400  }
0x74: {  	[sflag:s22] =	ssyncset.done $0x0  }
0x75: {  	[sflag:s22] =	ssyncadd.s32 $0xFFFFEC00  }
0x76: {  	[tilespmem:s23], [sflag:$0x3] =	stream.linear.gather [hbm4b:s17+s5], $0x1400, $0x38;
	[tilespmem:$0x1E800] =	vst v63  }
0x77: {  	_ =	swait.ge [sflag:s22], $0x1400  }
0x78: {  	[sflag:s22] =	ssyncset.done $0x0  }
0x79: {  	[sflag:s22] =	ssyncadd.s32 $0xFFFFEC00  }
0x7a: {  	[tilespmem:s25], [sflag:$0x1] =	stream.indirect.gather [hbm4b:s4+s24], $0x80, s5, s24, $0xb8;
	[tilespmem:$0x1E800] =	vst v63  }
0x7b: {  	_ =	swait.ge [sflag:s28], $0x3E80  }
0x7c: {  	[sflag:s28] =	ssyncset.done $0x0  }
0x7d: {  	s7 =	simm.s32 $0x80;
	[sflag:s28] =	ssyncadd.s32 $0xFFFFC180  }
0x7e: {  	[tilespmem:s29], [sflag:$0x1] =	stream.indirect.gather [hbm4b:s4+s24], $0x80, s7, s24, $0xb8;
	[tilespmem:$0x1E800] =	vst v63  }
0x7f: {  	s8 =	simm.s32 $0x1400  }
0x80: {  	[spmem:s1] =	stream.indirect.scatter.add.f32 [tilespmem:s25], [sflag:$0x3], $0x80, s8, s24, $0xb8;
	[tilespmem:$0x1E800] =	vst v63  }
0x81: {  	_ =	swait.ge [sflag:s22], $0x3E80  }
0x82: {  	[sflag:s22] =	ssyncset.done $0x0  }
0x83: {  	[sflag:s22] =	ssyncadd.s32 $0xFFFFC180  }
0x84: {  	_ =	swait.ge [sflag:s28], $0x3E80  }
0x85: {  	[sflag:s28] =	ssyncset.done $0x0  }
0x86: {  	s7 =	simm.s32 $0x100;
	[sflag:s28] =	ssyncadd.s32 $0xFFFFC180  }
0x87: {  	[tilespmem:s25], [sflag:$0x1] =	stream.indirect.gather [hbm4b:s4+s24], $0x80, s7, s24, $0xb8;
	[tilespmem:$0x1E800] =	vst v63  }
0x88: {  	s8 =	simm.s32 $0x1480  }
0x89: {  	[spmem:s1] =	stream.indirect.scatter.add.f32 [tilespmem:s29], [sflag:$0x3], $0x80, s8, s24, $0xb8;
	[tilespmem:$0x1E800] =	vst v63  }
0x8a: {  	_ =	swait.ge [sflag:s22], $0x3E80  }
0x8b: {  	s5 =	simm.s32 $0x400;
	[sflag:s22] =	ssyncset.done $0x0  }
.LBB2_10:
0x8c: {  	p1 =	sne.s32 s5, $0x4800  }
0x8d: {  	[sflag:s22] =	ssyncadd.s32 $0xFFFFC180;
	s7 =	smov.u32 s5;
	s5 =	sadd.s32 $0x400, s5  }
0x8e: {  	_ = 	snop  }
0x8f: {  	_ =	swait.ge [sflag:s28], $0x3E80  }
0x90: {  	s7 =	sshra.s32 s7, $0x2;
	[sflag:s28] =	ssyncset.done $0x0  }
0x91: {  	s8 =	sadd.s32 $0x80, s7;
	[sflag:s28] =	ssyncadd.s32 $0xFFFFC180  }
0x92: {  	[tilespmem:s29], [sflag:$0x1] =	stream.indirect.gather [hbm4b:s4+s24], $0x80, s8, s24, $0xb8;
	[tilespmem:$0x1E800] =	vst v63  }
0x93: {  	s8 =	sadd.s32 $0x1400, s7  }
0x94: {  	[spmem:s1] =	stream.indirect.scatter.add.f32 [tilespmem:s25], [sflag:$0x3], $0x80, s8, s24, $0xb8;
	[tilespmem:$0x1E800] =	vst v63  }
0x95: {  	_ =	swait.ge [sflag:s22], $0x3E80  }
0x96: {  	[sflag:s22] =	ssyncset.done $0x0  }
0x97: {  	[sflag:s22] =	ssyncadd.s32 $0xFFFFC180  }
0x98: {  	_ =	swait.ge [sflag:s28], $0x3E80  }
0x99: {  	[sflag:s28] =	ssyncset.done $0x0  }
0x9a: {  	s8 =	sadd.s32 $0x100, s7;
	[sflag:s28] =	ssyncadd.s32 $0xFFFFC180  }
0x9b: {  	[tilespmem:s25], [sflag:$0x1] =	stream.indirect.gather [hbm4b:s4+s24], $0x80, s8, s24, $0xb8;
	[tilespmem:$0x1E800] =	vst v63  }
.Ltmp4:
0x9c: {  	_ = 	snop;
	(pc) =	sbr.rel @p1 .LBB2_10-.Ltmp4, $4  }
0x9d: {  	s7 =	sadd.s32 $0x1480, s7  }
0x9e: {  	[spmem:s1] =	stream.indirect.scatter.add.f32 [tilespmem:s29], [sflag:$0x3], $0x80, s7, s24, $0xb8;
	[tilespmem:$0x1E800] =	vst v63  }
0x9f: {  	_ =	swait.ge [sflag:s22], $0x3E80  }
0xa0: {  	[sflag:s22] =	ssyncset.done $0x0  }
.Ltmp5:
0xa1: {  	_ = 	snop;
	(pc) =	sbr.rel .LBB2_11-.Ltmp5, $1  }
0xa2: {  	_ =	sdelay $0x3  }
.LBB2_2:
0xa3: {  	[tilespmem:s5], [sflag:$0x3] =	stream.linear.gather [hbm4b:s9+s5], $0x1400, $0x38;
	[tilespmem:$0x1E800] =	vst v63  }
0xa4: {  	_ =	swait.ge [sflag:s22], $0x1400  }
0xa5: {  	[sflag:s22] =	ssyncset.done $0x0  }
0xa6: {  	[sflag:s22] =	ssyncadd.s32 $0xFFFFEC00  }
0xa7: {  	[tilespmem:s23], [sflag:$0x3] =	stream.linear.gather [hbm4b:s10+s5], $0x1400, $0x38;
	[tilespmem:$0x1E800] =	vst v63  }
0xa8: {  	_ =	swait.ge [sflag:s22], $0x1400  }
0xa9: {  	[sflag:s22] =	ssyncset.done $0x0  }
0xaa: {  	[sflag:s22] =	ssyncadd.s32 $0xFFFFEC00  }
0xab: {  	[tilespmem:s25], [sflag:$0x1] =	stream.indirect.gather [hbm4b:s3+s24], $0x80, s5, s24, $0xb8;
	[tilespmem:$0x1E800] =	vst v63  }
0xac: {  	_ =	swait.ge [sflag:s26], $0x2800  }
0xad: {  	[sflag:s26] =	ssyncset.done $0x0  }
0xae: {  	[sflag:s26] =	ssyncadd.s32 $0xFFFFD800  }
0xaf: {  	[bflag:$0x0] =	sbarrier.arrive $0xFFFF  }
0xb0: {  	_ =	swait.ge [sflag:s28], $0x3E80  }
0xb1: {  	[sflag:s28] =	ssyncset.done $0x0  }
0xb2: {  	s7 =	simm.s32 $0x80;
	[sflag:s28] =	ssyncadd.s32 $0xFFFFC180  }
0xb3: {  	[tilespmem:s29], [sflag:$0x1] =	stream.indirect.gather [hbm4b:s3+s24], $0x80, s7, s24, $0xb8;
	[tilespmem:$0x1E800] =	vst v63  }
0xb4: {  	s8 =	simm.s32 $0x1400  }
0xb5: {  	[spmem:s1] =	stream.indirect.scatter.add.f32 [tilespmem:s25], [sflag:$0x3], $0x80, s8, s24, $0xb8;
	[tilespmem:$0x1E800] =	vst v63  }
0xb6: {  	_ =	swait.ge [sflag:s22], $0x3E80  }
0xb7: {  	[sflag:s22] =	ssyncset.done $0x0  }
0xb8: {  	[sflag:s22] =	ssyncadd.s32 $0xFFFFC180  }
0xb9: {  	_ =	swait.ge [sflag:s28], $0x3E80  }
0xba: {  	[sflag:s28] =	ssyncset.done $0x0  }
0xbb: {  	s7 =	simm.s32 $0x100;
	[sflag:s28] =	ssyncadd.s32 $0xFFFFC180  }
0xbc: {  	[tilespmem:s25], [sflag:$0x1] =	stream.indirect.gather [hbm4b:s3+s24], $0x80, s7, s24, $0xb8;
	[tilespmem:$0x1E800] =	vst v63  }
0xbd: {  	s8 =	simm.s32 $0x1480  }
0xbe: {  	[spmem:s1] =	stream.indirect.scatter.add.f32 [tilespmem:s29], [sflag:$0x3], $0x80, s8, s24, $0xb8;
	[tilespmem:$0x1E800] =	vst v63  }
0xbf: {  	_ =	swait.ge [sflag:s22], $0x3E80  }
0xc0: {  	s5 =	simm.s32 $0x400;
	[sflag:s22] =	ssyncset.done $0x0  }
.LBB2_3:
0xc1: {  	p1 =	sne.s32 s5, $0x4800  }
0xc2: {  	[sflag:s22] =	ssyncadd.s32 $0xFFFFC180;
	s7 =	smov.u32 s5;
	s5 =	sadd.s32 $0x400, s5  }
0xc3: {  	_ = 	snop  }
0xc4: {  	_ =	swait.ge [sflag:s28], $0x3E80  }
0xc5: {  	s7 =	sshra.s32 s7, $0x2;
	[sflag:s28] =	ssyncset.done $0x0  }
0xc6: {  	s8 =	sadd.s32 $0x80, s7;
	[sflag:s28] =	ssyncadd.s32 $0xFFFFC180  }
0xc7: {  	[tilespmem:s29], [sflag:$0x1] =	stream.indirect.gather [hbm4b:s3+s24], $0x80, s8, s24, $0xb8;
	[tilespmem:$0x1E800] =	vst v63  }
0xc8: {  	s8 =	sadd.s32 $0x1400, s7  }
0xc9: {  	[spmem:s1] =	stream.indirect.scatter.add.f32 [tilespmem:s25], [sflag:$0x3], $0x80, s8, s24, $0xb8;
	[tilespmem:$0x1E800] =	vst v63  }
0xca: {  	_ =	swait.ge [sflag:s22], $0x3E80  }
0xcb: {  	[sflag:s22] =	ssyncset.done $0x0  }
0xcc: {  	[sflag:s22] =	ssyncadd.s32 $0xFFFFC180  }
0xcd: {  	_ =	swait.ge [sflag:s28], $0x3E80  }
0xce: {  	[sflag:s28] =	ssyncset.done $0x0  }
0xcf: {  	s8 =	sadd.s32 $0x100, s7;
	[sflag:s28] =	ssyncadd.s32 $0xFFFFC180  }
0xd0: {  	[tilespmem:s25], [sflag:$0x1] =	stream.indirect.gather [hbm4b:s3+s24], $0x80, s8, s24, $0xb8;
	[tilespmem:$0x1E800] =	vst v63  }
.Ltmp6:
0xd1: {  	_ = 	snop;
	(pc) =	sbr.rel @p1 .LBB2_3-.Ltmp6, $4  }
0xd2: {  	s7 =	sadd.s32 $0x1480, s7  }
0xd3: {  	[spmem:s1] =	stream.indirect.scatter.add.f32 [tilespmem:s29], [sflag:$0x3], $0x80, s7, s24, $0xb8;
	[tilespmem:$0x1E800] =	vst v63  }
0xd4: {  	_ =	swait.ge [sflag:s22], $0x3E80  }
0xd5: {  	[sflag:s22] =	ssyncset.done $0x0  }
0xd6: {  	[sflag:s22] =	ssyncadd.s32 $0xFFFFC180  }
0xd7: {  	_ =	swait.ge [sflag:s28], $0x3E80  }
0xd8: {  	[sflag:s28] =	ssyncset.done $0x0  }
0xd9: {  	[sflag:s28] =	ssyncadd.s32 $0xFFFFC180  }
0xda: {  	[tilespmem:s29], [sflag:$0x1] =	stream.indirect.gather [hbm4b:s3+s24], $0x80, s30, s24, $0xb8;
	[tilespmem:$0x1E800] =	vst v63  }
0xdb: {  	_ = 	snop  }
0xdc: {  	[spmem:s1] =	stream.indirect.scatter.add.f32 [tilespmem:s25], [sflag:$0x3], $0x80, s31, s24, $0xb8;
	[tilespmem:$0x1E800] =	vst v63  }
0xdd: {  	_ =	swait.ge [sflag:s22], $0x3E80  }
0xde: {  	[sflag:s22] =	ssyncset.done $0x0  }
0xdf: {  	[sflag:s22] =	ssyncadd.s32 $0xFFFFC180  }
0xe0: {  	_ =	swait.ge [sflag:s28], $0x3E80  }
0xe1: {  	[sflag:s28] =	ssyncset.done $0x0  }
0xe2: {  	[sflag:s28] =	ssyncadd.s32 $0xFFFFC180  }
0xe3: {  	[spmem:s1] =	stream.indirect.scatter.add.f32 [tilespmem:s29], [sflag:$0x3], $0x80, s0, s24, $0xb8;
	[tilespmem:$0x1E800] =	vst v63  }
0xe4: {  	_ =	swait.ge [sflag:s22], $0x3E80  }
0xe5: {  	[sflag:s22] =	ssyncset.done $0x0  }
0xe6: {  	s5 =	simm.s32 $0x0;
	[sflag:s22] =	ssyncadd.s32 $0xFFFFC180  }
0xe7: {  	[tilespmem:s5], [sflag:$0x3] =	stream.linear.gather [hbm4b:s11+s5], $0x1400, $0x38;
	[tilespmem:$0x1E800] =	vst v63  }
0xe8: {  	_ =	swait.ge [sflag:s22], $0x1400  }
0xe9: {  	[sflag:s22] =	ssyncset.done $0x0  }
0xea: {  	[sflag:s22] =	ssyncadd.s32 $0xFFFFEC00  }
0xeb: {  	[tilespmem:s23], [sflag:$0x3] =	stream.linear.gather [hbm4b:s12+s5], $0x1400, $0x38;
	[tilespmem:$0x1E800] =	vst v63  }
0xec: {  	_ =	swait.ge [sflag:s22], $0x1400  }
0xed: {  	[sflag:s22] =	ssyncset.done $0x0  }
0xee: {  	[sflag:s22] =	ssyncadd.s32 $0xFFFFEC00  }
0xef: {  	[tilespmem:s25], [sflag:$0x1] =	stream.indirect.gather [hbm4b:s3+s24], $0x80, s5, s24, $0xb8;
	[tilespmem:$0x1E800] =	vst v63  }
0xf0: {  	_ =	swait.ge [sflag:s28], $0x3E80  }
0xf1: {  	[sflag:s28] =	ssyncset.done $0x0  }
0xf2: {  	s7 =	simm.s32 $0x80;
	[sflag:s28] =	ssyncadd.s32 $0xFFFFC180  }
0xf3: {  	[tilespmem:s29], [sflag:$0x1] =	stream.indirect.gather [hbm4b:s3+s24], $0x80, s7, s24, $0xb8;
	[tilespmem:$0x1E800] =	vst v63  }
0xf4: {  	s8 =	simm.s32 $0x1400  }
0xf5: {  	[spmem:s1] =	stream.indirect.scatter.add.f32 [tilespmem:s25], [sflag:$0x3], $0x80, s8, s24, $0xb8;
	[tilespmem:$0x1E800] =	vst v63  }
0xf6: {  	_ =	swait.ge [sflag:s22], $0x3E80  }
0xf7: {  	[sflag:s22] =	ssyncset.done $0x0  }
0xf8: {  	[sflag:s22] =	ssyncadd.s32 $0xFFFFC180  }
0xf9: {  	_ =	swait.ge [sflag:s28], $0x3E80  }
0xfa: {  	[sflag:s28] =	ssyncset.done $0x0  }
0xfb: {  	s7 =	simm.s32 $0x100;
	[sflag:s28] =	ssyncadd.s32 $0xFFFFC180  }
0xfc: {  	[tilespmem:s25], [sflag:$0x1] =	stream.indirect.gather [hbm4b:s3+s24], $0x80, s7, s24, $0xb8;
	[tilespmem:$0x1E800] =	vst v63  }
0xfd: {  	s8 =	simm.s32 $0x1480  }
0xfe: {  	[spmem:s1] =	stream.indirect.scatter.add.f32 [tilespmem:s29], [sflag:$0x3], $0x80, s8, s24, $0xb8;
	[tilespmem:$0x1E800] =	vst v63  }
0xff: {  	_ =	swait.ge [sflag:s22], $0x3E80  }
0x100: {  	s5 =	simm.s32 $0x400;
	[sflag:s22] =	ssyncset.done $0x0  }
.LBB2_5:
0x101: {  	p1 =	sne.s32 s5, $0x4800  }
0x102: {  	[sflag:s22] =	ssyncadd.s32 $0xFFFFC180;
	s7 =	smov.u32 s5;
	s5 =	sadd.s32 $0x400, s5  }
0x103: {  	_ = 	snop  }
0x104: {  	_ =	swait.ge [sflag:s28], $0x3E80  }
0x105: {  	s7 =	sshra.s32 s7, $0x2;
	[sflag:s28] =	ssyncset.done $0x0  }
0x106: {  	s8 =	sadd.s32 $0x80, s7;
	[sflag:s28] =	ssyncadd.s32 $0xFFFFC180  }
0x107: {  	[tilespmem:s29], [sflag:$0x1] =	stream.indirect.gather [hbm4b:s3+s24], $0x80, s8, s24, $0xb8;
	[tilespmem:$0x1E800] =	vst v63  }
0x108: {  	s8 =	sadd.s32 $0x1400, s7  }
0x109: {  	[spmem:s1] =	stream.indirect.scatter.add.f32 [tilespmem:s25], [sflag:$0x3], $0x80, s8, s24, $0xb8;
	[tilespmem:$0x1E800] =	vst v63  }
0x10a: {  	_ =	swait.ge [sflag:s22], $0x3E80  }
0x10b: {  	[sflag:s22] =	ssyncset.done $0x0  }
0x10c: {  	[sflag:s22] =	ssyncadd.s32 $0xFFFFC180  }
0x10d: {  	_ =	swait.ge [sflag:s28], $0x3E80  }
0x10e: {  	[sflag:s28] =	ssyncset.done $0x0  }
0x10f: {  	s8 =	sadd.s32 $0x100, s7;
	[sflag:s28] =	ssyncadd.s32 $0xFFFFC180  }
0x110: {  	[tilespmem:s25], [sflag:$0x1] =	stream.indirect.gather [hbm4b:s3+s24], $0x80, s8, s24, $0xb8;
	[tilespmem:$0x1E800] =	vst v63  }
.Ltmp7:
0x111: {  	_ = 	snop;
	(pc) =	sbr.rel @p1 .LBB2_5-.Ltmp7, $4  }
0x112: {  	s7 =	sadd.s32 $0x1480, s7  }
0x113: {  	[spmem:s1] =	stream.indirect.scatter.add.f32 [tilespmem:s29], [sflag:$0x3], $0x80, s7, s24, $0xb8;
	[tilespmem:$0x1E800] =	vst v63  }
0x114: {  	_ =	swait.ge [sflag:s22], $0x3E80  }
0x115: {  	[sflag:s22] =	ssyncset.done $0x0  }
.Ltmp8:
0x116: {  	[sflag:s22] =	ssyncadd.s32 $0xFFFFC180;
	(pc) =	sbr.rel .LBB2_12-.Ltmp8, $4  }
0x117: {  	_ =	swait.ge [sflag:s28], $0x3E80  }
0x118: {  	[sflag:s28] =	ssyncset.done $0x0  }
0x119: {  	s5 =	rddreg [dreg:$0x4];
	[sflag:s28] =	ssyncadd.s32 $0xFFFFC180  }
0x11a: {  	[tilespmem:s29], [sflag:$0x1] =	stream.indirect.gather [hbm4b:s3+s24], $0x80, s30, s24, $0xb8;
	[tilespmem:$0x1E800] =	vst v63  }
.LBB2_13:
0x11b: {  	_ =	sfence.sel $0x180000  }
0x11c: {  	[bflag:$0x0] =	sbarrier.arrive $0xFFFF  }
0x11d: {  	_ =	strace $0x9000004D  }
0x11e: {  	s0 =	stileid.u32;
	[bflag:$0x2] =	sbarrier.arrive $0xFFFF  }
0x11f: {  	p0 =	sne.s32 s0, $0x0;
	s0 =	rddreg [dreg:$0x3]  }
0x120: {  	s0 =	sadd.s32 @!p0 $0x100000, s0  }
0x121: {  	[sflag:s0] =	ssyncadd.tile.s32 @!p0 $0x1;
	_ =	shalt  }
.Lfunc_end2:
_tile_overlayer_lowered:
.L_overlay_start_2:
0x122: {  	(tag) =	ssettag $0x2  }
0x123: {  	s0 =	rddreg [dreg:$0x0];
	s2 =	stileid.u32  }
0x124: {  	s1 =	rddreg [dreg:$0x1];
	p0 =	sne.s32 s2, $0x0  }
0x125: {  	s3 =	rddreg [dreg:$0x2];
	[bflag:$0x3] =	sbarrier.arrive $0xFFFF;
	s2 =	simm.s32 @!p0 $0x1C03  }
0x126: {  	[timem:s3], [sflag:s2] =	dma.local @!p0 [hbm:s0], s1  }
0x127: {  	s0 =	simm.s32 @!p0 $0x3  }
0x128: {  	_ =	swait.ge @!p0 [sflag:s0], s1  }
0x129: {  	s1 =	ssub.s32 @!p0 $0x0, s1;
	[sflag:s0] =	ssyncset.done @!p0 $0x0  }
0x12a: {  	[sflag:s0] =	ssyncadd.s32 @!p0 s1  }
0x12b: {  	[bflag:$0x3] =	sbarrier.arrive $0xFFFF  }
0x12c: {  	_ =	shalt  }

// kernel: kernel.7.cloned.1.call-start
scs
__scs_entry_jumppad:
0x0: {  	(pc) =	sbr.rel $0x88, $3  }
0x1: {  	(tag) =	ssettag $0x0;
	lr =	simm.s32 $0x1  }
0x2: {  	[smem:$0x3F8B] =	sst lr;
	_ =	strace $0xD0000000  }
0x3: {  	_ = 	snop  }
0x4: {  	_ = 	snop  }
0x5: {  	_ = 	snop  }
0x6: {  	_ = 	snop  }
0x7: {  	_ = 	snop  }
__scs_overlays_trampoline_lowered:
0x8: {  	[smem:$0x3F9A] =	sst s0  }
0x9: {  	[smem:$0x3F9B] =	sst s1  }
0xa: {  	[smem:$0x3F9C] =	sst s2  }
0xb: {  	[smem:$0x3F9D] =	sst s3  }
0xc: {  	[smem:$0x3F9E] =	sst s4  }
0xd: {  	[smem:$0x3F9F] =	sst s5  }
0xe: {  	[smem:$0x3FA0] =	sst s6  }
0xf: {  	[smem:$0x3FA1] =	sst s7  }
0x10: {  	[smem:$0x3FA2] =	sst s8  }
0x11: {  	[smem:$0x3FA3] =	sst s9;
	s0 =	simm.s32 @!p0 $0x0  }
0x12: {  	s1 =	sld [smem:$0x3F89];
	s0 =	simm.s32 @p0 $0x1  }
0x13: {  	[smem:$0x3FA4] =	sst s0;
	s0 =	simm.s32 @!p1 $0x0  }
0x14: {  	s2 =	sld [smem:$0x3F88];
	s0 =	simm.s32 @p1 $0x1  }
0x15: {  	[smem:$0x3FA5] =	sst s0;
	s0 =	simm.s32 @!p2 $0x0  }
0x16: {  	s3 =	sld [smem:$0x3FDB];
	s0 =	simm.s32 @p2 $0x1  }
0x17: {  	s4 =	simm.s32 $0x1BF5;
	[smem:$0x3FA7] =	sst s0  }
0x18: {  	s0 =	sld [smem:$0x3F8A];
	_ =	swait.ge [sflag:s4], $0x0  }
0x19: {  	s7 =	sld [smem:$0x3F8B]  }
0x1a: {  	s8 =	sadd.s32 $0xFFFFE003, lr  }
0x1b: {  	s9 =	sadd.s32 $0xFFFFFEF7, lr;
	s5 =	simm.s32 $0xFFFFFFFF;
	p2 =	slt.u32 s8, $0xFFFFF086  }
0x1c: {  	p1 =	slt.u32 s9, $0xF7A;
	s5 =	simm.s32 @!p2 $0x0  }
0x1d: {  	s5 =	simm.s32 @p1 $0x1;
	p0 =	seq.s32 s7, s2  }
0x1e: {  	s7 =	smul.u32 @!p0 $0xF7A, s2;
	p2 =	seq.s32 @!p0 s5, $0x0  }
0x1f: {  	s9 =	smul.u32 $0xF7A, s1;
	s8 =	simm.s32 @!p0 $0x1BF5;
	p2 =	por !p2, p0  }
0x20: {  	[sflag:s8] =	ssyncset.s32 @!p0 $0xFFFFF086;
	s6 =	sadd.s32 @!p0 s3, s7;
	s7 =	simm.s32 @!p0 $0x108  }
0x21: {  	s3 =	sadd.s32 s3, s9;
	s6 =	sadd.s32 @!p0 $0x88, s6;
	s7 =	simm.s32 @p2 $0x1082  }
0x22: {  	[simem:s7], [sflag:s8] =	dma.local @!p0 [hbm:s6], $0xF7A  }
0x23: {  	s9 =	sor.u32 $0xD0000000, s2;
	s6 =	simm.s32 $0x108;
	_ =	swait.ge @!p0 [sflag:s8], $0x0  }
0x24: {  	s3 =	sadd.s32 $0x88, s3;
	s6 =	simm.s32 @!p1 $0x1082;
	[sflag:s4] =	ssyncset.s32 $0xFFFFF086  }
0x25: {  	[simem:s6], [sflag:s4] =	dma.local [hbm:s3], $0xF7A  }
0x26: {  	[smem:$0x3F8B] =	sst s1;
	(tag) =	ssettag s2;
	_ =	strace s9  }
0x27: {  	s1 =	sld [smem:$0x3F9B]  }
0x28: {  	s2 =	sld [smem:$0x3F9C]  }
0x29: {  	s4 =	sld [smem:$0x3F9E]  }
0x2a: {  	p0 =	seq.s32 s5, $0x0;
	s5 =	sld [smem:$0x3F9F]  }
0x2b: {  	s6 =	sld [smem:$0x3FA0]  }
0x2c: {  	s7 =	sld [smem:$0x3FA1]  }
0x2d: {  	s3 =	simm.s32 $0x108;
	s8 =	sld [smem:$0x3FA2]  }
0x2e: {  	s3 =	simm.s32 @!p0 $0x1082;
	s9 =	sld [smem:$0x3FA3]  }
0x2f: {  	lr =	sadd.s32 s0, s3;
	s0 =	sld [smem:$0x3F9A]  }
0x30: {  	s3 =	sld [smem:$0x3F9D]  }
0x31: {  	[smem:$0x3FA6] =	sst s10  }
0x32: {  	s10 =	sld [smem:$0x3FA4];
	_ =	sdelay $0x3  }
0x33: {  	p0 =	seq.s32 s10, $0x1;
	s10 =	sld [smem:$0x3FA6];
	_ =	sdelay $0x3  }
0x34: {  	[smem:$0x3FA6] =	sst s10  }
0x35: {  	s10 =	sld [smem:$0x3FA5];
	_ =	sdelay $0x3  }
0x36: {  	p1 =	seq.s32 s10, $0x1;
	s10 =	sld [smem:$0x3FA6];
	_ =	sdelay $0x3  }
0x37: {  	[smem:$0x3FA6] =	sst s10  }
0x38: {  	s10 =	sld [smem:$0x3FA7]  }
0x39: {  	_ = 	snop;
	(pc) =	sbr.ind lr, $3  }
0x3a: {  	_ = 	snop  }
0x3b: {  	_ = 	snop  }
0x3c: {  	p2 =	seq.s32 s10, $0x1;
	s10 =	sld [smem:$0x3FA6]  }
0x3d: {  	_ =	shalt  }
0x3e: {  	_ =	shalt  }
0x3f: {  	_ =	shalt  }
0x40: {  	_ =	shalt  }
0x41: {  	_ =	shalt  }
0x42: {  	_ =	shalt  }
0x43: {  	_ =	shalt  }
0x44: {  	_ =	shalt  }
0x45: {  	_ =	shalt  }
0x46: {  	_ =	shalt  }
0x47: {  	_ =	shalt  }
0x48: {  	_ =	shalt  }
0x49: {  	_ =	shalt  }
0x4a: {  	_ =	shalt  }
0x4b: {  	_ =	shalt  }
0x4c: {  	_ =	shalt  }
0x4d: {  	_ =	shalt  }
0x4e: {  	_ =	shalt  }
0x4f: {  	_ =	shalt  }
0x50: {  	_ =	shalt  }
0x51: {  	_ =	shalt  }
0x52: {  	_ =	shalt  }
0x53: {  	_ =	shalt  }
0x54: {  	_ =	shalt  }
0x55: {  	_ =	shalt  }
0x56: {  	_ =	shalt  }
0x57: {  	_ =	shalt  }
0x58: {  	_ =	shalt  }
0x59: {  	_ =	shalt  }
0x5a: {  	_ =	shalt  }
0x5b: {  	_ =	shalt  }
0x5c: {  	_ =	shalt  }
0x5d: {  	_ =	shalt  }
0x5e: {  	_ =	shalt  }
0x5f: {  	_ =	shalt  }
0x60: {  	_ =	shalt  }
0x61: {  	_ =	shalt  }
0x62: {  	_ =	shalt  }
0x63: {  	_ =	shalt  }
0x64: {  	_ =	shalt  }
0x65: {  	_ =	shalt  }
0x66: {  	_ =	shalt  }
0x67: {  	_ =	shalt  }
0x68: {  	_ =	shalt  }
0x69: {  	_ =	shalt  }
0x6a: {  	_ =	shalt  }
0x6b: {  	_ =	shalt  }
0x6c: {  	_ =	shalt  }
0x6d: {  	_ =	shalt  }
0x6e: {  	_ =	shalt  }
0x6f: {  	_ =	shalt  }
0x70: {  	_ =	shalt  }
0x71: {  	_ =	shalt  }
0x72: {  	_ =	shalt  }
0x73: {  	_ =	shalt  }
0x74: {  	_ =	shalt  }
0x75: {  	_ =	shalt  }
0x76: {  	_ =	shalt  }
0x77: {  	_ =	shalt  }
0x78: {  	_ =	shalt  }
0x79: {  	_ =	shalt  }
0x7a: {  	_ =	shalt  }
0x7b: {  	_ =	shalt  }
0x7c: {  	_ =	shalt  }
0x7d: {  	_ =	shalt  }
0x7e: {  	_ =	shalt  }
0x7f: {  	_ =	shalt  }
0x80: {  	_ =	shalt  }
0x81: {  	_ =	shalt  }
0x82: {  	_ =	shalt  }
0x83: {  	_ =	shalt  }
0x84: {  	_ =	shalt  }
0x85: {  	_ =	shalt  }
0x86: {  	_ =	shalt  }
0x87: {  	_ =	shalt  }
.Lfunc_end0:
.L_simem_size_0:
called_computation_lowered:
.L_overlay_start_0:
0x88: {  	s2 =	sld [smem:$0x3FD9]  }
0x89: {  	s3 =	sld [smem:$0x3FFE];
	_ =	sdelay $0x1  }
0x8a: {  	s1 =	srdreg.scid  }
0x8b: {  	s0 =	sand.u32 $0x1, s1  }
0x8c: {  	s17 =	sshll.u32 s0, $0xA;
	s2 =	sadd.s32 s3, s2  }
0x8d: {  	s2 =	sadd.s32 s2, s17  }
0x8e: {  	[smem:$0x3FB2] =	sst s2  }
0x8f: {  	_ = 	snop  }
0x90: {  	s18 =	sld [smem:$0x3FC9]  }
0x91: {  	s4 =	sld [smem:$0x3FC8]  }
0x92: {  	s5 =	sld [smem:$0x3FD0];
	(tm) =	ssettm $0x1  }
0x93: {  	s19 =	sld [smem:$0x3FFB];
	_ =	sdelay $0x3  }
0x94: {  	_ =	strace s19  }
0x95: {  	s2 =	sld [smem:$0x3FFC];
	_ =	sdelay $0x3  }
0x96: {  	_ =	strace s2  }
0x97: {  	s2 =	sld [smem:$0x3FFD];
	_ =	sdelay $0x3  }
0x98: {  	_ =	strace s2  }
0x99: {  	_ =	strace $0x8FFFFFFF  }
0x9a: {  	s20 =	sld [smem:$0x3FDB];
	_ =	sdelay $0x1  }
0x9b: {  	s6 =	simm.s32 $_scs_section_size  }
0x9c: {  	s7 =	simm.s32 $_size__tile_overlayer_lowered;
	s8 =	simm.s32 $_tile_overlayer_lowered  }
0x9d: {  	s9 =	simm.s32 $0x1BFF;
	s21 =	sshll.u32 s8, $0x1;
	s6 =	sadd.s32 s6, s20  }
0x9e: {  	s22 =	simm.s32 $0x0;
	s7 =	sshll.u32 s7, $0x1;
	s8 =	sadd.s32 s21, s6  }
0x9f: {  	[timem:s22], [sflag:s9] =	dma.local [hbm:s8], s7  }
0xa0: {  	_ =	swait.ge [sflag:s9], s7  }
0xa1: {  	s7 =	ssub.s32 $0x0, s7;
	[sflag:s9] =	ssyncset.done $0x0  }
0xa2: {  	[sflag:s9] =	ssyncadd.s32 s7;
	_ =	sdelay $0x1  }
0xa3: {  	s23 =	simm.s32 $0x1B8B  }
0xa4: {  	_ =	swait.ge [sflag:s23], $0x1  }
0xa5: {  	[sflag:s23] =	ssyncset.done $0x0  }
0xa6: {  	[sflag:s23] =	ssyncadd.s32 $0xFFFFFFFF  }
0xa7: {  	s7 =	sld [smem:$0x0]  }
0xa8: {  	s8 =	sand.u32 $0xFFFFFFFE, s1  }
0xa9: {  	p0 =	sne.s32 s1, s8  }
0xaa: {  	s8 =	sshll.u32 @p0 s8, $0xE  }
0xab: {  	s8 =	sadd.s32 @p0 $0x11B8D, s8;
	s9 =	sshll.u32 @p0 s7, $0x11  }
0xac: {  	s8 =	sor.u32 @p0 s9, s8  }
0xad: {  	[sflag:s8] =	ssyncadd.remote.s32 @p0 $0x1;
	_ =	sdelay $0x1  }
0xae: {  	s8 =	simm.s32 @p0 $0x1B8D  }
0xaf: {  	_ =	swait.eq @p0 [sflag:s8], $0x1  }
0xb0: {  	[sflag:s8] =	ssyncadd.s32 @p0 $0xFFFFFFFF  }
0xb1: {  	s9 =	sshll.u32 @!p0 s1, $0xE  }
0xb2: {  	s9 =	sor.u32 @!p0 $0x4000, s9;
	s8 =	simm.s32 @!p0 $0x1B8D  }
0xb3: {  	s7 =	sshll.u32 @!p0 s7, $0x11;
	s9 =	sadd.s32 @!p0 $0x11B8D, s9;
	_ =	swait.eq @!p0 [sflag:s8], $0x1  }
0xb4: {  	s7 =	sor.u32 @!p0 s7, s9;
	[sflag:s8] =	ssyncadd.s32 @!p0 $0xFFFFFFFF  }
0xb5: {  	s25 =	simm.s32 $0x1B8E;
	s24 =	sld [smem:$0x3FFE];
	[sflag:s7] =	ssyncadd.remote.s32 @!p0 $0x1  }
0xb6: {  	s26 =	simm.s32 $execute0_lowered;
	[smem:$0x3FD2] =	sst s25  }
0xb7: {  	s8 =	sshll.u32 s26, $0x1;
	_ =	strace $0x80000049;
	[dreg:$0x1] =	wrdreg $0xFFFFFFFF  }
0xb8: {  	s28 =	simm.s32 $_size_execute0_lowered;
	s6 =	sadd.s32 s6, s8;
	[dreg:$0x0] =	wrdreg $0x0  }
0xb9: {  	s8 =	sshll.u32 s28, $0x1;
	[dreg:$0x2] =	wrdreg s6  }
0xba: {  	[dreg:$0x3] =	wrdreg s8  }
0xbb: {  	[dreg:$0x4] =	wrdreg $0xC0  }
0xbc: {  	_ =	task [dreg:s22], $0x5FFFF  }
0xbd: {  	[dreg:$0x1] =	wrdreg $0xFFFFFFFF  }
0xbe: {  	[dreg:$0x0] =	wrdreg $0x60  }
0xbf: {  	[dreg:$0x2] =	wrdreg s18  }
0xc0: {  	[dreg:$0x3] =	wrdreg s4  }
0xc1: {  	[dreg:$0x4] =	wrdreg s5  }
0xc2: {  	[dreg:$0x5] =	wrdreg s24  }
0xc3: {  	[dreg:$0x6] =	wrdreg $0xA8000  }
0xc4: {  	[dreg:$0x7] =	wrdreg $0x9  }
0xc5: {  	_ =	task.clear_ibuf [dreg:s22], $0x8FFFF;
	_ =	strace $0x90000049  }
0xc6: {  	s29 =	simm.s32 $0x9;
	_ =	strace $0x8000004B  }
0xc7: {  	_ =	swait.ge [sflag:s29], $0x1  }
0xc8: {  	[sflag:s29] =	ssyncadd.s32 $0xFFFFFFFF  }
0xc9: {  	_ =	strace $0x9000004B  }
0xca: {  	_ =	sfence  }
0xcb: {  	s30 =	sld [smem:$0x0];
	_ =	sdelay $0x2  }
0xcc: {  	s31 =	sshll.u32 s1, $0xD;
	s1 =	sshrl.u32 s1, $0x2  }
0xcd: {  	s4 =	sand.u32 $0x4000, s31;
	s1 =	sadd.s32 s1, s30  }
0xce: {  	s0 =	sor.u32 s4, s0;
	s1 =	sshll.u32 s1, $0x11  }
0xcf: {  	s0 =	sor.u32 s1, s0  }
0xd0: {  	s0 =	sadd.s32 $0x8F2B, s0  }
0xd1: {  	[sflag:s0] =	ssyncadd.remote.s32 $0x1  }
0xd2: {  	_ =	sfence.sel $0xFFFF  }
0xd3: {  	[dreg:$0x0] =	wrdreg $0xFFFFFFFF;
	(pc) =	sbr.abs _section_cstart, $3  }
0xd4: {  	[dreg:$0x1] =	wrdreg $0xFFFFFFFF  }
0xd5: {  	_ =	task.clear_ibuf [dreg:s22], $0x2FFFF;
	_ =	strace $0x9FFFFFFF  }
0xd6: {  	(tm) =	ssettm $0x7FFFFFFF  }
0xd7: {  	_ =	shalt  }
tec
execute0_lowered:
.L_overlay_start_1:
0x0: {  	(tag) =	ssettag $0x1  }
0x1: {  	s0 =	rddreg [dreg:$0x0]  }
0x2: {  	s1 =	rddreg [dreg:$0x1]  }
0x3: {  	s2 =	rddreg [dreg:$0x2]  }
0x4: {  	s3 =	srdreg.scid;
	s7 =	rddreg [dreg:$0x3]  }
0x5: {  	s4 =	rddreg [dreg:$0x4];
	s21 =	stileid.u32;
	s5 =	simm.s32 $0x0  }
0x6: {  	s28 =	simm.s32 $0x7D;
	s29 =	simm.s32 $0x2800;
	s30 =	simm.s32 $0x2  }
0x7: {  	s31 =	simm.s32 $0x1;
	s3 =	sand.u32 $0x1, s3;
	[smem:$0x7FF] =	sst s5  }
0x8: {  	s8 =	sadd.s32 $0x18000, s7;
	s10 =	sadd.s32 $0x27000, s7;
	s13 =	smul.u32 $0x50000, s21  }
0x9: {  	s11 =	sadd.s32 $0x1D000, s7;
	s9 =	sadd.s32 $0x31000, s7;
	s15 =	smul.u32 $0x1400, s21  }
0xa: {  	s14 =	sadd.s32 $0x59000, s7;
	s16 =	smul.u32 $0x280, s21;
	s6 =	sshll.u32 s3, $0x4  }
0xb: {  	_ =	strace $0x8000004A;
	[dreg:$0x6] =	wrdreg s9;
	s17 =	ssub.s32 $0x2, s3  }
0xc: {  	[dreg:$0x7] =	wrdreg s14;
	p0 =	seq.s32 s3, $0x0;
	s14 =	smul.u32 $0x2800, s21  }
0xd: {  	s6 =	sor.u32 s21, s6;
	s18 =	sshrl.u32 s17, $0x1;
	s19 =	sshrl.u32 s13, $0x2  }
0xe: {  	s20 =	sshrl.u32 s15, $0x3;
	s23 =	sadd.s32 s10, s16;
	s24 =	sadd.s32 s11, s16  }
0xf: {  	s26 =	sadd.s32 s2, s16;
	s16 =	sadd.s32 s8, s16;
	s21 =	sshll.u32 s21, $0x6  }
0x10: {  	s6 =	smul.u32 $0x280, s6;
	s22 =	ssub.s32 s17, s18;
	[dreg:$0x8] =	wrdreg s23  }
0x11: {  	s9 =	sadd.s32 s19, s4;
	[dreg:$0x9] =	wrdreg s24;
	s18 =	sadd.s32 $0x2800, s20  }
0x12: {  	[dreg:$0xc] =	wrdreg s26;
	s23 =	sor.u32 $0x1C02, s21;
	s26 =	simm.s32 $0x1400  }
0x13: {  	s10 =	sadd.s32 s10, s18;
	s25 =	sadd.s32 s11, s18;
	s17 =	sadd.s32 s2, s18  }
0x14: {  	s18 =	sadd.s32 s8, s18;
	s2 =	simm.s32 $0x81000;
	s22 =	smax.u32 s22, $0x1  }
0x15: {  	s8 =	simm.s32 $0x2780;
	s12 =	sadd.s32 s6, s7;
	[dreg:$0xa] =	wrdreg s10  }
0x16: {  	s6 =	sadd.s32 $0x13A00, s7;
	[dreg:$0xb] =	wrdreg s25;
	s2 =	simm.s32 @!p0 $0xA9000  }
0x17: {  	p0 =	sne.s32 s3, $0x0;
	s25 =	simm.s32 $0x3;
	s3 =	simm.s32 $0x1380  }
0x18: {  	s19 =	sadd.s32 $0x2C000, s12;
	s20 =	sadd.s32 $0x22000, s12;
	s2 =	sadd.s32 s2, s7  }
0x19: {  	s7 =	simm.s32 $0x2700;
	s24 =	sadd.s32 s2, s14;
	s2 =	simm.s32 $0x6800  }
.LBB2_1:
.Ltmp0:
0x1a: {  	(pc) =	sbr.rel @p0 .LBB2_7-.Ltmp0, $3  }
0x1b: {  	_ =	sdelay $0x1  }
0x1c: {  	s10 =	sshrl.u32 s9, $0x3;
	s11 =	simm.s32 $0x0  }
0x1d: {  	[spmem:s10], [sflag:s23] =	dma.local [hbm:s6], $0x2800  }
0x1e: {  	s12 =	rddreg [dreg:$0xc]  }
0x1f: {  	[tilespmem:s11], [sflag:$0x3] =	stream.linear.gather [hbm4b:s12+s11], $0x1400, $0x38;
	[tilespmem:$0x1E800] =	vst v63  }
0x20: {  	_ =	swait.ge [sflag:s25], $0x1400  }
0x21: {  	[sflag:s25] =	ssyncset.done $0x0  }
0x22: {  	[sflag:s25] =	ssyncadd.s32 $0xFFFFEC00  }
0x23: {  	[tilespmem:s26], [sflag:$0x3] =	stream.linear.gather [hbm4b:s16+s11], $0x1400, $0x38;
	[tilespmem:$0x1E800] =	vst v63  }
0x24: {  	_ =	swait.ge [sflag:s25], $0x1400  }
0x25: {  	[sflag:s25] =	ssyncset.done $0x0  }
0x26: {  	[sflag:s25] =	ssyncadd.s32 $0xFFFFEC00  }
0x27: {  	[tilespmem:s29], [sflag:$0x1] =	stream.indirect.gather [hbm4b:s0+s28], $0x80, s11, s28, $0xb8;
	[tilespmem:$0x1E800] =	vst v63  }
0x28: {  	_ =	swait.ge [sflag:s30], $0x2800  }
0x29: {  	[sflag:s30] =	ssyncset.done $0x0  }
0x2a: {  	[sflag:s30] =	ssyncadd.s32 $0xFFFFD800  }
0x2b: {  	[bflag:$0x0] =	sbarrier.arrive $0xFFFF  }
0x2c: {  	_ =	swait.ge [sflag:s31], $0x3E80  }
0x2d: {  	[sflag:s31] =	ssyncset.done $0x0  }
0x2e: {  	s15 =	simm.s32 $0x80;
	[sflag:s31] =	ssyncadd.s32 $0xFFFFC180  }
0x2f: {  	[tilespmem:s2], [sflag:$0x1] =	stream.indirect.gather [hbm4b:s0+s28], $0x80, s15, s28, $0xb8;
	[tilespmem:$0x1E800] =	vst v63  }
0x30: {  	s12 =	simm.s32 $0x1400  }
0x31: {  	[spmem:s4] =	stream.indirect.scatter.add.f32 [tilespmem:s29], [sflag:$0x3], $0x80, s12, s28, $0xb8;
	[tilespmem:$0x1E800] =	vst v63  }
0x32: {  	_ =	swait.ge [sflag:s25], $0x3E80  }
0x33: {  	[sflag:s25] =	ssyncset.done $0x0  }
0x34: {  	[sflag:s25] =	ssyncadd.s32 $0xFFFFC180  }
0x35: {  	_ =	swait.ge [sflag:s31], $0x3E80  }
0x36: {  	[sflag:s31] =	ssyncset.done $0x0  }
0x37: {  	s13 =	simm.s32 $0x100;
	[sflag:s31] =	ssyncadd.s32 $0xFFFFC180  }
0x38: {  	[tilespmem:s29], [sflag:$0x1] =	stream.indirect.gather [hbm4b:s0+s28], $0x80, s13, s28, $0xb8;
	[tilespmem:$0x1E800] =	vst v63  }
0x39: {  	s15 =	simm.s32 $0x1480  }
0x3a: {  	[spmem:s4] =	stream.indirect.scatter.add.f32 [tilespmem:s2], [sflag:$0x3], $0x80, s15, s28, $0xb8;
	[tilespmem:$0x1E800] =	vst v63  }
0x3b: {  	_ =	swait.ge [sflag:s25], $0x3E80  }
0x3c: {  	s11 =	simm.s32 $0x400;
	[sflag:s25] =	ssyncset.done $0x0  }
.LBB2_3:
0x3d: {  	p1 =	sne.s32 s11, $0x4800  }
0x3e: {  	[sflag:s25] =	ssyncadd.s32 $0xFFFFC180;
	s12 =	smov.u32 s11;
	s11 =	sadd.s32 $0x400, s11  }
0x3f: {  	_ = 	snop  }
0x40: {  	_ =	swait.ge [sflag:s31], $0x3E80  }
0x41: {  	s12 =	sshra.s32 s12, $0x2;
	[sflag:s31] =	ssyncset.done $0x0  }
0x42: {  	s13 =	sadd.s32 $0x80, s12;
	[sflag:s31] =	ssyncadd.s32 $0xFFFFC180  }
0x43: {  	[tilespmem:s2], [sflag:$0x1] =	stream.indirect.gather [hbm4b:s0+s28], $0x80, s13, s28, $0xb8;
	[tilespmem:$0x1E800] =	vst v63  }
0x44: {  	s13 =	sadd.s32 $0x1400, s12  }
0x45: {  	[spmem:s4] =	stream.indirect.scatter.add.f32 [tilespmem:s29], [sflag:$0x3], $0x80, s13, s28, $0xb8;
	[tilespmem:$0x1E800] =	vst v63  }
0x46: {  	_ =	swait.ge [sflag:s25], $0x3E80  }
0x47: {  	[sflag:s25] =	ssyncset.done $0x0  }
0x48: {  	[sflag:s25] =	ssyncadd.s32 $0xFFFFC180  }
0x49: {  	_ =	swait.ge [sflag:s31], $0x3E80  }
0x4a: {  	[sflag:s31] =	ssyncset.done $0x0  }
0x4b: {  	s13 =	sadd.s32 $0x100, s12;
	[sflag:s31] =	ssyncadd.s32 $0xFFFFC180  }
0x4c: {  	[tilespmem:s29], [sflag:$0x1] =	stream.indirect.gather [hbm4b:s0+s28], $0x80, s13, s28, $0xb8;
	[tilespmem:$0x1E800] =	vst v63  }
.Ltmp1:
0x4d: {  	_ = 	snop;
	(pc) =	sbr.rel @p1 .LBB2_3-.Ltmp1, $4  }
0x4e: {  	s12 =	sadd.s32 $0x1480, s12  }
0x4f: {  	[spmem:s4] =	stream.indirect.scatter.add.f32 [tilespmem:s2], [sflag:$0x3], $0x80, s12, s28, $0xb8;
	[tilespmem:$0x1E800] =	vst v63  }
0x50: {  	_ =	swait.ge [sflag:s25], $0x3E80  }
0x51: {  	[sflag:s25] =	ssyncset.done $0x0  }
0x52: {  	[sflag:s25] =	ssyncadd.s32 $0xFFFFC180  }
0x53: {  	_ =	swait.ge [sflag:s31], $0x3E80  }
0x54: {  	[sflag:s31] =	ssyncset.done $0x0  }
0x55: {  	[sflag:s31] =	ssyncadd.s32 $0xFFFFC180  }
0x56: {  	[tilespmem:s2], [sflag:$0x1] =	stream.indirect.gather [hbm4b:s0+s28], $0x80, s3, s28, $0xb8;
	[tilespmem:$0x1E800] =	vst v63  }
0x57: {  	_ = 	snop  }
0x58: {  	[spmem:s4] =	stream.indirect.scatter.add.f32 [tilespmem:s29], [sflag:$0x3], $0x80, s7, s28, $0xb8;
	[tilespmem:$0x1E800] =	vst v63  }
0x59: {  	_ =	swait.ge [sflag:s25], $0x3E80  }
0x5a: {  	[sflag:s25] =	ssyncset.done $0x0  }
0x5b: {  	[sflag:s25] =	ssyncadd.s32 $0xFFFFC180  }
0x5c: {  	_ =	swait.ge [sflag:s31], $0x3E80  }
0x5d: {  	[sflag:s31] =	ssyncset.done $0x0  }
0x5e: {  	[sflag:s31] =	ssyncadd.s32 $0xFFFFC180  }
0x5f: {  	[spmem:s4] =	stream.indirect.scatter.add.f32 [tilespmem:s2], [sflag:$0x3], $0x80, s8, s28, $0xb8;
	[tilespmem:$0x1E800] =	vst v63  }
0x60: {  	_ =	swait.ge [sflag:s25], $0x3E80  }
0x61: {  	[sflag:s25] =	ssyncset.done $0x0  }
0x62: {  	s11 =	simm.s32 $0x0;
	[sflag:s25] =	ssyncadd.s32 $0xFFFFC180  }
0x63: {  	[tilespmem:s11], [sflag:$0x3] =	stream.linear.gather [hbm4b:s17+s11], $0x1400, $0x38;
	[tilespmem:$0x1E800] =	vst v63  }
0x64: {  	_ =	swait.ge [sflag:s25], $0x1400  }
0x65: {  	[sflag:s25] =	ssyncset.done $0x0  }
0x66: {  	[sflag:s25] =	ssyncadd.s32 $0xFFFFEC00  }
0x67: {  	[tilespmem:s26], [sflag:$0x3] =	stream.linear.gather [hbm4b:s18+s11], $0x1400, $0x38;
	[tilespmem:$0x1E800] =	vst v63  }
0x68: {  	_ =	swait.ge [sflag:s25], $0x1400  }
0x69: {  	[sflag:s25] =	ssyncset.done $0x0  }
0x6a: {  	[sflag:s25] =	ssyncadd.s32 $0xFFFFEC00  }
0x6b: {  	[tilespmem:s29], [sflag:$0x1] =	stream.indirect.gather [hbm4b:s0+s28], $0x80, s11, s28, $0xb8;
	[tilespmem:$0x1E800] =	vst v63  }
0x6c: {  	_ =	swait.ge [sflag:s31], $0x3E80  }
0x6d: {  	[sflag:s31] =	ssyncset.done $0x0  }
0x6e: {  	s15 =	simm.s32 $0x80;
	[sflag:s31] =	ssyncadd.s32 $0xFFFFC180  }
0x6f: {  	[tilespmem:s2], [sflag:$0x1] =	stream.indirect.gather [hbm4b:s0+s28], $0x80, s15, s28, $0xb8;
	[tilespmem:$0x1E800] =	vst v63  }
0x70: {  	s12 =	simm.s32 $0x1400  }
0x71: {  	[spmem:s4] =	stream.indirect.scatter.add.f32 [tilespmem:s29], [sflag:$0x3], $0x80, s12, s28, $0xb8;
	[tilespmem:$0x1E800] =	vst v63  }
0x72: {  	_ =	swait.ge [sflag:s25], $0x3E80  }
0x73: {  	[sflag:s25] =	ssyncset.done $0x0  }
0x74: {  	[sflag:s25] =	ssyncadd.s32 $0xFFFFC180  }
0x75: {  	_ =	swait.ge [sflag:s31], $0x3E80  }
0x76: {  	[sflag:s31] =	ssyncset.done $0x0  }
0x77: {  	s13 =	simm.s32 $0x100;
	[sflag:s31] =	ssyncadd.s32 $0xFFFFC180  }
0x78: {  	[tilespmem:s29], [sflag:$0x1] =	stream.indirect.gather [hbm4b:s0+s28], $0x80, s13, s28, $0xb8;
	[tilespmem:$0x1E800] =	vst v63  }
0x79: {  	s15 =	simm.s32 $0x1480  }
0x7a: {  	[spmem:s4] =	stream.indirect.scatter.add.f32 [tilespmem:s2], [sflag:$0x3], $0x80, s15, s28, $0xb8;
	[tilespmem:$0x1E800] =	vst v63  }
0x7b: {  	_ =	swait.ge [sflag:s25], $0x3E80  }
0x7c: {  	s11 =	simm.s32 $0x400;
	[sflag:s25] =	ssyncset.done $0x0  }
.LBB2_5:
0x7d: {  	p1 =	sne.s32 s11, $0x4800  }
0x7e: {  	[sflag:s25] =	ssyncadd.s32 $0xFFFFC180;
	s12 =	smov.u32 s11;
	s11 =	sadd.s32 $0x400, s11  }
0x7f: {  	_ = 	snop  }
0x80: {  	_ =	swait.ge [sflag:s31], $0x3E80  }
0x81: {  	s12 =	sshra.s32 s12, $0x2;
	[sflag:s31] =	ssyncset.done $0x0  }
0x82: {  	s13 =	sadd.s32 $0x80, s12;
	[sflag:s31] =	ssyncadd.s32 $0xFFFFC180  }
0x83: {  	[tilespmem:s2], [sflag:$0x1] =	stream.indirect.gather [hbm4b:s0+s28], $0x80, s13, s28, $0xb8;
	[tilespmem:$0x1E800] =	vst v63  }
0x84: {  	s13 =	sadd.s32 $0x1400, s12  }
0x85: {  	[spmem:s4] =	stream.indirect.scatter.add.f32 [tilespmem:s29], [sflag:$0x3], $0x80, s13, s28, $0xb8;
	[tilespmem:$0x1E800] =	vst v63  }
0x86: {  	_ =	swait.ge [sflag:s25], $0x3E80  }
0x87: {  	[sflag:s25] =	ssyncset.done $0x0  }
0x88: {  	[sflag:s25] =	ssyncadd.s32 $0xFFFFC180  }
0x89: {  	_ =	swait.ge [sflag:s31], $0x3E80  }
0x8a: {  	[sflag:s31] =	ssyncset.done $0x0  }
0x8b: {  	s13 =	sadd.s32 $0x100, s12;
	[sflag:s31] =	ssyncadd.s32 $0xFFFFC180  }
0x8c: {  	[tilespmem:s29], [sflag:$0x1] =	stream.indirect.gather [hbm4b:s0+s28], $0x80, s13, s28, $0xb8;
	[tilespmem:$0x1E800] =	vst v63  }
.Ltmp2:
0x8d: {  	_ = 	snop;
	(pc) =	sbr.rel @p1 .LBB2_5-.Ltmp2, $4  }
0x8e: {  	s12 =	sadd.s32 $0x1480, s12  }
0x8f: {  	[spmem:s4] =	stream.indirect.scatter.add.f32 [tilespmem:s2], [sflag:$0x3], $0x80, s12, s28, $0xb8;
	[tilespmem:$0x1E800] =	vst v63  }
0x90: {  	_ =	swait.ge [sflag:s25], $0x3E80  }
0x91: {  	[sflag:s25] =	ssyncset.done $0x0  }
.Ltmp3:
0x92: {  	[sflag:s25] =	ssyncadd.s32 $0xFFFFC180;
	(pc) =	sbr.rel .LBB2_12-.Ltmp3, $4  }
0x93: {  	_ =	swait.ge [sflag:s31], $0x3E80  }
0x94: {  	[sflag:s31] =	ssyncset.done $0x0  }
0x95: {  	s11 =	rddreg [dreg:$0x6];
	[sflag:s31] =	ssyncadd.s32 $0xFFFFC180  }
0x96: {  	[tilespmem:s2], [sflag:$0x1] =	stream.indirect.gather [hbm4b:s0+s28], $0x80, s3, s28, $0xb8;
	[tilespmem:$0x1E800] =	vst v63  }
.LBB2_7:
0x97: {  	s12 =	rddreg [dreg:$0x8]  }
0x98: {  	[tilespmem:s11], [sflag:$0x3] =	stream.linear.gather [hbm4b:s12+s11], $0x1400, $0x38;
	[tilespmem:$0x1E800] =	vst v63  }
0x99: {  	_ =	swait.ge [sflag:s25], $0x1400  }
0x9a: {  	[sflag:s25] =	ssyncset.done $0x0  }
0x9b: {  	s13 =	rddreg [dreg:$0x9];
	[sflag:s25] =	ssyncadd.s32 $0xFFFFEC00  }
0x9c: {  	[tilespmem:s26], [sflag:$0x3] =	stream.linear.gather [hbm4b:s13+s11], $0x1400, $0x38;
	[tilespmem:$0x1E800] =	vst v63  }
0x9d: {  	_ =	swait.ge [sflag:s25], $0x1400  }
0x9e: {  	[sflag:s25] =	ssyncset.done $0x0  }
0x9f: {  	[sflag:s25] =	ssyncadd.s32 $0xFFFFEC00  }
0xa0: {  	[tilespmem:s29], [sflag:$0x1] =	stream.indirect.gather [hbm4b:s1+s28], $0x80, s11, s28, $0xb8;
	[tilespmem:$0x1E800] =	vst v63  }
0xa1: {  	_ =	swait.ge [sflag:s30], $0x2800  }
0xa2: {  	[sflag:s30] =	ssyncset.done $0x0  }
0xa3: {  	[sflag:s30] =	ssyncadd.s32 $0xFFFFD800  }
0xa4: {  	[bflag:$0x0] =	sbarrier.arrive $0xFFFF  }
0xa5: {  	_ =	swait.ge [sflag:s31], $0x3E80  }
0xa6: {  	[sflag:s31] =	ssyncset.done $0x0  }
0xa7: {  	s15 =	simm.s32 $0x80;
	[sflag:s31] =	ssyncadd.s32 $0xFFFFC180  }
0xa8: {  	[tilespmem:s2], [sflag:$0x1] =	stream.indirect.gather [hbm4b:s1+s28], $0x80, s15, s28, $0xb8;
	[tilespmem:$0x1E800] =	vst v63  }
0xa9: {  	s12 =	simm.s32 $0x1400  }
0xaa: {  	[spmem:s4] =	stream.indirect.scatter.add.f32 [tilespmem:s29], [sflag:$0x3], $0x80, s12, s28, $0xb8;
	[tilespmem:$0x1E800] =	vst v63  }
0xab: {  	_ =	swait.ge [sflag:s25], $0x3E80  }
0xac: {  	[sflag:s25] =	ssyncset.done $0x0  }
0xad: {  	[sflag:s25] =	ssyncadd.s32 $0xFFFFC180  }
0xae: {  	_ =	swait.ge [sflag:s31], $0x3E80  }
0xaf: {  	[sflag:s31] =	ssyncset.done $0x0  }
0xb0: {  	s13 =	simm.s32 $0x100;
	[sflag:s31] =	ssyncadd.s32 $0xFFFFC180  }
0xb1: {  	[tilespmem:s29], [sflag:$0x1] =	stream.indirect.gather [hbm4b:s1+s28], $0x80, s13, s28, $0xb8;
	[tilespmem:$0x1E800] =	vst v63  }
0xb2: {  	s15 =	simm.s32 $0x1480  }
0xb3: {  	[spmem:s4] =	stream.indirect.scatter.add.f32 [tilespmem:s2], [sflag:$0x3], $0x80, s15, s28, $0xb8;
	[tilespmem:$0x1E800] =	vst v63  }
0xb4: {  	_ =	swait.ge [sflag:s25], $0x3E80  }
0xb5: {  	s11 =	simm.s32 $0x400;
	[sflag:s25] =	ssyncset.done $0x0  }
.LBB2_8:
0xb6: {  	p1 =	sne.s32 s11, $0x4800  }
0xb7: {  	[sflag:s25] =	ssyncadd.s32 $0xFFFFC180;
	s12 =	smov.u32 s11;
	s11 =	sadd.s32 $0x400, s11  }
0xb8: {  	_ = 	snop  }
0xb9: {  	_ =	swait.ge [sflag:s31], $0x3E80  }
0xba: {  	s12 =	sshra.s32 s12, $0x2;
	[sflag:s31] =	ssyncset.done $0x0  }
0xbb: {  	s13 =	sadd.s32 $0x80, s12;
	[sflag:s31] =	ssyncadd.s32 $0xFFFFC180  }
0xbc: {  	[tilespmem:s2], [sflag:$0x1] =	stream.indirect.gather [hbm4b:s1+s28], $0x80, s13, s28, $0xb8;
	[tilespmem:$0x1E800] =	vst v63  }
0xbd: {  	s13 =	sadd.s32 $0x1400, s12  }
0xbe: {  	[spmem:s4] =	stream.indirect.scatter.add.f32 [tilespmem:s29], [sflag:$0x3], $0x80, s13, s28, $0xb8;
	[tilespmem:$0x1E800] =	vst v63  }
0xbf: {  	_ =	swait.ge [sflag:s25], $0x3E80  }
0xc0: {  	[sflag:s25] =	ssyncset.done $0x0  }
0xc1: {  	[sflag:s25] =	ssyncadd.s32 $0xFFFFC180  }
0xc2: {  	_ =	swait.ge [sflag:s31], $0x3E80  }
0xc3: {  	[sflag:s31] =	ssyncset.done $0x0  }
0xc4: {  	s13 =	sadd.s32 $0x100, s12;
	[sflag:s31] =	ssyncadd.s32 $0xFFFFC180  }
0xc5: {  	[tilespmem:s29], [sflag:$0x1] =	stream.indirect.gather [hbm4b:s1+s28], $0x80, s13, s28, $0xb8;
	[tilespmem:$0x1E800] =	vst v63  }
.Ltmp4:
0xc6: {  	_ = 	snop;
	(pc) =	sbr.rel @p1 .LBB2_8-.Ltmp4, $4  }
0xc7: {  	s12 =	sadd.s32 $0x1480, s12  }
0xc8: {  	[spmem:s4] =	stream.indirect.scatter.add.f32 [tilespmem:s2], [sflag:$0x3], $0x80, s12, s28, $0xb8;
	[tilespmem:$0x1E800] =	vst v63  }
0xc9: {  	_ =	swait.ge [sflag:s25], $0x3E80  }
0xca: {  	[sflag:s25] =	ssyncset.done $0x0  }
0xcb: {  	[sflag:s25] =	ssyncadd.s32 $0xFFFFC180  }
0xcc: {  	_ =	swait.ge [sflag:s31], $0x3E80  }
0xcd: {  	[sflag:s31] =	ssyncset.done $0x0  }
0xce: {  	[sflag:s31] =	ssyncadd.s32 $0xFFFFC180  }
0xcf: {  	[tilespmem:s2], [sflag:$0x1] =	stream.indirect.gather [hbm4b:s1+s28], $0x80, s3, s28, $0xb8;
	[tilespmem:$0x1E800] =	vst v63  }
0xd0: {  	_ = 	snop  }
0xd1: {  	[spmem:s4] =	stream.indirect.scatter.add.f32 [tilespmem:s29], [sflag:$0x3], $0x80, s7, s28, $0xb8;
	[tilespmem:$0x1E800] =	vst v63  }
0xd2: {  	_ =	swait.ge [sflag:s25], $0x3E80  }
0xd3: {  	[sflag:s25] =	ssyncset.done $0x0  }
0xd4: {  	[sflag:s25] =	ssyncadd.s32 $0xFFFFC180  }
0xd5: {  	_ =	swait.ge [sflag:s31], $0x3E80  }
0xd6: {  	[sflag:s31] =	ssyncset.done $0x0  }
0xd7: {  	[sflag:s31] =	ssyncadd.s32 $0xFFFFC180  }
0xd8: {  	[spmem:s4] =	stream.indirect.scatter.add.f32 [tilespmem:s2], [sflag:$0x3], $0x80, s8, s28, $0xb8;
	[tilespmem:$0x1E800] =	vst v63  }
0xd9: {  	_ =	swait.ge [sflag:s25], $0x3E80  }
0xda: {  	[sflag:s25] =	ssyncset.done $0x0  }
0xdb: {  	s11 =	simm.s32 $0x0;
	s12 =	rddreg [dreg:$0xa];
	[sflag:s25] =	ssyncadd.s32 $0xFFFFC180  }
0xdc: {  	[tilespmem:s11], [sflag:$0x3] =	stream.linear.gather [hbm4b:s12+s11], $0x1400, $0x38;
	[tilespmem:$0x1E800] =	vst v63  }
0xdd: {  	_ =	swait.ge [sflag:s25], $0x1400  }
0xde: {  	[sflag:s25] =	ssyncset.done $0x0  }
0xdf: {  	s13 =	rddreg [dreg:$0xb];
	[sflag:s25] =	ssyncadd.s32 $0xFFFFEC00  }
0xe0: {  	[tilespmem:s26], [sflag:$0x3] =	stream.linear.gather [hbm4b:s13+s11], $0x1400, $0x38;
	[tilespmem:$0x1E800] =	vst v63  }
0xe1: {  	_ =	swait.ge [sflag:s25], $0x1400  }
0xe2: {  	[sflag:s25] =	ssyncset.done $0x0  }
0xe3: {  	[sflag:s25] =	ssyncadd.s32 $0xFFFFEC00  }
0xe4: {  	[tilespmem:s29], [sflag:$0x1] =	stream.indirect.gather [hbm4b:s1+s28], $0x80, s11, s28, $0xb8;
	[tilespmem:$0x1E800] =	vst v63  }
0xe5: {  	_ =	swait.ge [sflag:s31], $0x3E80  }
0xe6: {  	[sflag:s31] =	ssyncset.done $0x0  }
0xe7: {  	s15 =	simm.s32 $0x80;
	[sflag:s31] =	ssyncadd.s32 $0xFFFFC180  }
0xe8: {  	[tilespmem:s2], [sflag:$0x1] =	stream.indirect.gather [hbm4b:s1+s28], $0x80, s15, s28, $0xb8;
	[tilespmem:$0x1E800] =	vst v63  }
0xe9: {  	s12 =	simm.s32 $0x1400  }
0xea: {  	[spmem:s4] =	stream.indirect.scatter.add.f32 [tilespmem:s29], [sflag:$0x3], $0x80, s12, s28, $0xb8;
	[tilespmem:$0x1E800] =	vst v63  }
0xeb: {  	_ =	swait.ge [sflag:s25], $0x3E80  }
0xec: {  	[sflag:s25] =	ssyncset.done $0x0  }
0xed: {  	[sflag:s25] =	ssyncadd.s32 $0xFFFFC180  }
0xee: {  	_ =	swait.ge [sflag:s31], $0x3E80  }
0xef: {  	[sflag:s31] =	ssyncset.done $0x0  }
0xf0: {  	s13 =	simm.s32 $0x100;
	[sflag:s31] =	ssyncadd.s32 $0xFFFFC180  }
0xf1: {  	[tilespmem:s29], [sflag:$0x1] =	stream.indirect.gather [hbm4b:s1+s28], $0x80, s13, s28, $0xb8;
	[tilespmem:$0x1E800] =	vst v63  }
0xf2: {  	s15 =	simm.s32 $0x1480  }
0xf3: {  	[spmem:s4] =	stream.indirect.scatter.add.f32 [tilespmem:s2], [sflag:$0x3], $0x80, s15, s28, $0xb8;
	[tilespmem:$0x1E800] =	vst v63  }
0xf4: {  	_ =	swait.ge [sflag:s25], $0x3E80  }
0xf5: {  	s11 =	simm.s32 $0x400;
	[sflag:s25] =	ssyncset.done $0x0  }
.LBB2_10:
0xf6: {  	p1 =	sne.s32 s11, $0x4800  }
0xf7: {  	[sflag:s25] =	ssyncadd.s32 $0xFFFFC180;
	s12 =	smov.u32 s11;
	s11 =	sadd.s32 $0x400, s11  }
0xf8: {  	_ = 	snop  }
0xf9: {  	_ =	swait.ge [sflag:s31], $0x3E80  }
0xfa: {  	s12 =	sshra.s32 s12, $0x2;
	[sflag:s31] =	ssyncset.done $0x0  }
0xfb: {  	s13 =	sadd.s32 $0x80, s12;
	[sflag:s31] =	ssyncadd.s32 $0xFFFFC180  }
0xfc: {  	[tilespmem:s2], [sflag:$0x1] =	stream.indirect.gather [hbm4b:s1+s28], $0x80, s13, s28, $0xb8;
	[tilespmem:$0x1E800] =	vst v63  }
0xfd: {  	s13 =	sadd.s32 $0x1400, s12  }
0xfe: {  	[spmem:s4] =	stream.indirect.scatter.add.f32 [tilespmem:s29], [sflag:$0x3], $0x80, s13, s28, $0xb8;
	[tilespmem:$0x1E800] =	vst v63  }
0xff: {  	_ =	swait.ge [sflag:s25], $0x3E80  }
0x100: {  	[sflag:s25] =	ssyncset.done $0x0  }
0x101: {  	[sflag:s25] =	ssyncadd.s32 $0xFFFFC180  }
0x102: {  	_ =	swait.ge [sflag:s31], $0x3E80  }
0x103: {  	[sflag:s31] =	ssyncset.done $0x0  }
0x104: {  	s13 =	sadd.s32 $0x100, s12;
	[sflag:s31] =	ssyncadd.s32 $0xFFFFC180  }
0x105: {  	[tilespmem:s29], [sflag:$0x1] =	stream.indirect.gather [hbm4b:s1+s28], $0x80, s13, s28, $0xb8;
	[tilespmem:$0x1E800] =	vst v63  }
.Ltmp5:
0x106: {  	_ = 	snop;
	(pc) =	sbr.rel @p1 .LBB2_10-.Ltmp5, $4  }
0x107: {  	s12 =	sadd.s32 $0x1480, s12  }
0x108: {  	[spmem:s4] =	stream.indirect.scatter.add.f32 [tilespmem:s2], [sflag:$0x3], $0x80, s12, s28, $0xb8;
	[tilespmem:$0x1E800] =	vst v63  }
0x109: {  	_ =	swait.ge [sflag:s25], $0x3E80  }
0x10a: {  	[sflag:s25] =	ssyncset.done $0x0  }
0x10b: {  	[sflag:s25] =	ssyncadd.s32 $0xFFFFC180  }
0x10c: {  	_ =	swait.ge [sflag:s31], $0x3E80  }
0x10d: {  	[sflag:s31] =	ssyncset.done $0x0  }
0x10e: {  	s11 =	rddreg [dreg:$0x7];
	[sflag:s31] =	ssyncadd.s32 $0xFFFFC180  }
0x10f: {  	[tilespmem:s2], [sflag:$0x1] =	stream.indirect.gather [hbm4b:s1+s28], $0x80, s3, s28, $0xb8;
	[tilespmem:$0x1E800] =	vst v63  }
.LBB2_12:
0x110: {  	[spmem:s4] =	stream.indirect.scatter.add.f32 [tilespmem:s29], [sflag:$0x3], $0x80, s7, s28, $0xb8;
	[tilespmem:$0x1E800] =	vst v63  }
0x111: {  	_ =	swait.ge [sflag:s25], $0x3E80  }
0x112: {  	[sflag:s25] =	ssyncset.done $0x0  }
0x113: {  	[sflag:s25] =	ssyncadd.s32 $0xFFFFC180  }
0x114: {  	_ =	swait.ge [sflag:s31], $0x3E80  }
0x115: {  	[sflag:s31] =	ssyncset.done $0x0  }
0x116: {  	[sflag:s31] =	ssyncadd.s32 $0xFFFFC180  }
0x117: {  	[spmem:s4] =	stream.indirect.scatter.add.f32 [tilespmem:s2], [sflag:$0x3], $0x80, s8, s28, $0xb8;
	[tilespmem:$0x1E800] =	vst v63  }
0x118: {  	_ =	swait.ge [sflag:s25], $0x3E80  }
0x119: {  	[sflag:s25] =	ssyncset.done $0x0  }
0x11a: {  	[sflag:s25] =	ssyncadd.s32 $0xFFFFC180  }
0x11b: {  	s12 =	sadd.s32 s11, s14;
	s11 =	sor.u32 $0x1C03, s21;
	[bflag:$0x0] =	sbarrier.arrive $0xFFFF  }
0x11c: {  	[hbm:s12], [sflag:s11] =	dma.local [spmem:s10], $0x2800  }
0x11d: {  	_ =	swait.ge [sflag:s25], $0x2800  }
0x11e: {  	[sflag:s25] =	ssyncset.done $0x0  }
0x11f: {  	s15 =	simm.s32 $0x0;
	[sflag:s25] =	ssyncadd.s32 $0xFFFFD800  }
0x120: {  	[spmem:s10], [sflag:s23] =	dma.local [hbm:s6], $0x2800  }
0x121: {  	[tilespmem:s15], [sflag:$0x3] =	stream.linear.gather [hbm4b:s19+s15], $0x1400, $0x38;
	[tilespmem:$0x1E800] =	vst v63  }
0x122: {  	_ =	swait.ge [sflag:s25], $0x1400  }
0x123: {  	[sflag:s25] =	ssyncset.done $0x0  }
0x124: {  	[sflag:s25] =	ssyncadd.s32 $0xFFFFEC00  }
0x125: {  	[tilespmem:s26], [sflag:$0x3] =	stream.linear.gather [hbm4b:s20+s15], $0x1400, $0x38;
	[tilespmem:$0x1E800] =	vst v63  }
0x126: {  	_ =	swait.ge [sflag:s25], $0x1400  }
0x127: {  	[sflag:s25] =	ssyncset.done $0x0  }
0x128: {  	[sflag:s25] =	ssyncadd.s32 $0xFFFFEC00  }
0x129: {  	[tilespmem:s29], [sflag:$0x1] =	stream.indirect.gather [hbm4b:s1+s28], $0x80, s15, s28, $0xb8;
	[tilespmem:$0x1E800] =	vst v63  }
0x12a: {  	_ =	swait.ge [sflag:s30], $0x2800  }
0x12b: {  	[sflag:s30] =	ssyncset.done $0x0  }
0x12c: {  	[sflag:s30] =	ssyncadd.s32 $0xFFFFD800  }
0x12d: {  	[bflag:$0x0] =	sbarrier.arrive $0xFFFF  }
0x12e: {  	_ =	swait.ge [sflag:s31], $0x3E80  }
0x12f: {  	[sflag:s31] =	ssyncset.done $0x0  }
0x130: {  	s13 =	simm.s32 $0x80;
	[sflag:s31] =	ssyncadd.s32 $0xFFFFC180  }
0x131: {  	[tilespmem:s2], [sflag:$0x1] =	stream.indirect.gather [hbm4b:s1+s28], $0x80, s13, s28, $0xb8;
	[tilespmem:$0x1E800] =	vst v63  }
0x132: {  	s15 =	simm.s32 $0x1400  }
0x133: {  	[spmem:s4] =	stream.indirect.scatter.add.f32 [tilespmem:s29], [sflag:$0x3], $0x80, s15, s28, $0xb8;
	[tilespmem:$0x1E800] =	vst v63  }
0x134: {  	_ =	swait.ge [sflag:s25], $0x3E80  }
0x135: {  	[sflag:s25] =	ssyncset.done $0x0  }
0x136: {  	[sflag:s25] =	ssyncadd.s32 $0xFFFFC180  }
0x137: {  	_ =	swait.ge [sflag:s31], $0x3E80  }
0x138: {  	[sflag:s31] =	ssyncset.done $0x0  }
0x139: {  	s13 =	simm.s32 $0x100;
	[sflag:s31] =	ssyncadd.s32 $0xFFFFC180  }
0x13a: {  	[tilespmem:s29], [sflag:$0x1] =	stream.indirect.gather [hbm4b:s1+s28], $0x80, s13, s28, $0xb8;
	[tilespmem:$0x1E800] =	vst v63  }
0x13b: {  	s15 =	simm.s32 $0x1480  }
0x13c: {  	[spmem:s4] =	stream.indirect.scatter.add.f32 [tilespmem:s2], [sflag:$0x3], $0x80, s15, s28, $0xb8;
	[tilespmem:$0x1E800] =	vst v63  }
0x13d: {  	_ =	swait.ge [sflag:s25], $0x3E80  }
0x13e: {  	s12 =	simm.s32 $0x400;
	[sflag:s25] =	ssyncset.done $0x0  }
.LBB2_13:
0x13f: {  	p1 =	sne.s32 s12, $0x4800  }
0x140: {  	[sflag:s25] =	ssyncadd.s32 $0xFFFFC180;
	s13 =	smov.u32 s12;
	s12 =	sadd.s32 $0x400, s12  }
0x141: {  	_ = 	snop  }
0x142: {  	_ =	swait.ge [sflag:s31], $0x3E80  }
0x143: {  	s13 =	sshra.s32 s13, $0x2;
	[sflag:s31] =	ssyncset.done $0x0  }
0x144: {  	s15 =	sadd.s32 $0x80, s13;
	[sflag:s31] =	ssyncadd.s32 $0xFFFFC180  }
0x145: {  	[tilespmem:s2], [sflag:$0x1] =	stream.indirect.gather [hbm4b:s1+s28], $0x80, s15, s28, $0xb8;
	[tilespmem:$0x1E800] =	vst v63  }
0x146: {  	s15 =	sadd.s32 $0x1400, s13  }
0x147: {  	[spmem:s4] =	stream.indirect.scatter.add.f32 [tilespmem:s29], [sflag:$0x3], $0x80, s15, s28, $0xb8;
	[tilespmem:$0x1E800] =	vst v63  }
0x148: {  	_ =	swait.ge [sflag:s25], $0x3E80  }
0x149: {  	[sflag:s25] =	ssyncset.done $0x0  }
0x14a: {  	[sflag:s25] =	ssyncadd.s32 $0xFFFFC180  }
0x14b: {  	_ =	swait.ge [sflag:s31], $0x3E80  }
0x14c: {  	[sflag:s31] =	ssyncset.done $0x0  }
0x14d: {  	s15 =	sadd.s32 $0x100, s13;
	[sflag:s31] =	ssyncadd.s32 $0xFFFFC180  }
0x14e: {  	[tilespmem:s29], [sflag:$0x1] =	stream.indirect.gather [hbm4b:s1+s28], $0x80, s15, s28, $0xb8;
	[tilespmem:$0x1E800] =	vst v63  }
.Ltmp6:
0x14f: {  	_ = 	snop;
	(pc) =	sbr.rel @p1 .LBB2_13-.Ltmp6, $4  }
0x150: {  	s13 =	sadd.s32 $0x1480, s13  }
0x151: {  	[spmem:s4] =	stream.indirect.scatter.add.f32 [tilespmem:s2], [sflag:$0x3], $0x80, s13, s28, $0xb8;
	[tilespmem:$0x1E800] =	vst v63  }
0x152: {  	_ =	swait.ge [sflag:s25], $0x3E80  }
0x153: {  	[sflag:s25] =	ssyncset.done $0x0  }
0x154: {  	[sflag:s25] =	ssyncadd.s32 $0xFFFFC180  }
0x155: {  	_ =	swait.ge [sflag:s31], $0x3E80  }
0x156: {  	[sflag:s31] =	ssyncset.done $0x0  }
0x157: {  	[sflag:s31] =	ssyncadd.s32 $0xFFFFC180  }
0x158: {  	[tilespmem:s2], [sflag:$0x1] =	stream.indirect.gather [hbm4b:s1+s28], $0x80, s3, s28, $0xb8;
	[tilespmem:$0x1E800] =	vst v63  }
0x159: {  	_ = 	snop  }
0x15a: {  	[spmem:s4] =	stream.indirect.scatter.add.f32 [tilespmem:s29], [sflag:$0x3], $0x80, s7, s28, $0xb8;
	[tilespmem:$0x1E800] =	vst v63  }
0x15b: {  	_ =	swait.ge [sflag:s25], $0x3E80  }
0x15c: {  	[sflag:s25] =	ssyncset.done $0x0  }
0x15d: {  	[sflag:s25] =	ssyncadd.s32 $0xFFFFC180  }
0x15e: {  	_ =	swait.ge [sflag:s31], $0x3E80  }
0x15f: {  	[sflag:s31] =	ssyncset.done $0x0  }
0x160: {  	[sflag:s31] =	ssyncadd.s32 $0xFFFFC180  }
0x161: {  	[spmem:s4] =	stream.indirect.scatter.add.f32 [tilespmem:s2], [sflag:$0x3], $0x80, s8, s28, $0xb8;
	[tilespmem:$0x1E800] =	vst v63  }
0x162: {  	_ =	swait.ge [sflag:s25], $0x3E80  }
0x163: {  	s5 =	sadd.s32 $0x1, s5;
	[sflag:s25] =	ssyncset.done $0x0  }
0x164: {  	p1 =	sne.s32 s5, s22;
	[sflag:s25] =	ssyncadd.s32 $0xFFFFC180  }
.Ltmp7:
0x165: {  	[bflag:$0x0] =	sbarrier.arrive $0xFFFF;
	(pc) =	sbr.rel @p1 .LBB2_1-.Ltmp7, $4  }
0x166: {  	[hbm:s24], [sflag:s11] =	dma.local [spmem:s10], $0x2800  }
0x167: {  	_ =	swait.ge [sflag:s25], $0x2800  }
0x168: {  	[sflag:s25] =	ssyncset.done $0x0  }
0x169: {  	[sflag:s25] =	ssyncadd.s32 $0xFFFFD800  }
0x16a: {  	_ =	sfence.sel $0x180000  }
0x16b: {  	[bflag:$0x0] =	sbarrier.arrive $0xFFFF  }
0x16c: {  	_ =	strace $0x9000004A  }
0x16d: {  	s0 =	stileid.u32;
	[bflag:$0x2] =	sbarrier.arrive $0xFFFF  }
0x16e: {  	p0 =	sne.s32 s0, $0x0;
	s0 =	rddreg [dreg:$0x5]  }
0x16f: {  	s0 =	sadd.s32 @!p0 $0x100000, s0  }
0x170: {  	[sflag:s0] =	ssyncadd.tile.s32 @!p0 $0x1;
	_ =	shalt  }
.Lfunc_end2:
_tile_overlayer_lowered:
.L_overlay_start_2:
0x171: {  	(tag) =	ssettag $0x2  }
0x172: {  	s0 =	rddreg [dreg:$0x0];
	s2 =	stileid.u32  }
0x173: {  	s1 =	rddreg [dreg:$0x1];
	p0 =	sne.s32 s2, $0x0  }
0x174: {  	s3 =	rddreg [dreg:$0x2];
	[bflag:$0x3] =	sbarrier.arrive $0xFFFF;
	s2 =	simm.s32 @!p0 $0x1C03  }
0x175: {  	[timem:s3], [sflag:s2] =	dma.local @!p0 [hbm:s0], s1  }
0x176: {  	s0 =	simm.s32 @!p0 $0x3  }
0x177: {  	_ =	swait.ge @!p0 [sflag:s0], s1  }
0x178: {  	s1 =	ssub.s32 @!p0 $0x0, s1;
	[sflag:s0] =	ssyncset.done @!p0 $0x0  }
0x179: {  	[sflag:s0] =	ssyncadd.s32 @!p0 s1  }
0x17a: {  	[bflag:$0x3] =	sbarrier.arrive $0xFFFF  }
0x17b: {  	_ =	shalt  }

</sc_bundles>
